<compile_context>
chip_gen: v7x
topology: tpu7x:2x2x1
jax: 0.10.2.dev20260603
libtpu: 0.0.44.dev20260713+nightly
codegen_flags: <defaults>
</compile_context>

<pallas_src>
import functools

import numpy as np
import jax
import jax.numpy as jnp
from jax import lax
from jax.experimental import pallas as pl
from jax.experimental.pallas import tpu as pltpu
from jax.experimental.pallas import tpu_sc as plsc

_VOCAB = 100000
_D = 128
_B = 1024
_S = 200

_NC = 2
_NS = 16
_NW = _NC * _NS
_NROWS = _B * _S
_PER_W = _NROWS // _NW
_CHUNK = 128
_NCHUNK = _PER_W // _CHUNK
_LANES = 16
_GROUPS = _CHUNK // _LANES


def _pos_encoding_2x() -> jax.Array:
    positions = np.arange(_S)
    dimensions = np.arange(_D)
    denominator = np.power(10000.0, 2 * dimensions / _D)
    angles = positions.reshape(-1, 1) / denominator.reshape(1, -1)
    pe = np.zeros(angles.shape)
    pe[:, 0::2] = np.sin(angles[:, 0::2])
    pe[:, 1::2] = np.cos(angles[:, 1::2])
    pe2 = np.concatenate([pe, pe], axis=0)
    return jnp.asarray(pe2, dtype=jnp.float32)


def _emb_body(x_hbm, table_hbm, pe_hbm, out_hbm,
              idx_v, pe_v, rows_a, rows_b, gsem_a, gsem_b, osem_a, osem_b):
    wid = lax.axis_index("s") * _NC + lax.axis_index("c")

    pltpu.sync_copy(x_hbm.at[pl.ds(wid * _PER_W, _PER_W)], idx_v)
    pltpu.sync_copy(pe_hbm, pe_v)

    bufs = (rows_a, rows_b)
    gsems = (gsem_a, gsem_b)
    osems = (osem_a, osem_b)

    def start_gather(b, buf, sem):
        idx_c = idx_v.at[pl.ds(b * _CHUNK, _CHUNK)]
        pltpu.async_copy(table_hbm.at[idx_c], buf, sem)

    def drain(sem, buf):
        pltpu.make_async_copy(out_hbm.at[wid, 0], buf, sem).wait()

    def compute(b, buf):
        phase = (b * _CHUNK) % _S

        def group_body(g, _):
            rbase = g * _LANES
            for i in range(_LANES):
                r = rbase + i
                rvec = jnp.full((_LANES,), b * _CHUNK + r, dtype=jnp.int32)
                idx_row = plsc.load_gather(idx_v, [rvec])
                keep = idx_row != 0
                pe_row = phase + r
                for j in range(_GROUPS):
                    col = pl.ds(j * _LANES, _LANES)
                    emb = jnp.where(keep, buf[r, col], 0.0)
                    buf[r, col] = emb + pe_v[pe_row, col]
            return ()

        lax.fori_loop(0, _GROUPS, group_body, (), unroll=False)

    start_gather(0, rows_a, gsem_a)

    def pair_body(p, _):
        for par in range(2):
            b = 2 * p + par
            buf, gs, osm = bufs[par], gsems[par], osems[par]
            nbuf, ngs, nosm = bufs[1 - par], gsems[1 - par], osems[1 - par]

            @pl.when(b + 1 < _NCHUNK)
            def _():
                @pl.when(b >= 1)
                def _():
                    drain(nosm, nbuf)
                start_gather(b + 1, nbuf, ngs)

            drain(gs, buf)
            compute(b, buf)
            pltpu.async_copy(buf, out_hbm.at[wid, b], osm)
        return ()

    lax.fori_loop(0, _NCHUNK // 2, pair_body, (), unroll=False)
    drain(osem_a, rows_a)
    drain(osem_b, rows_b)


@jax.jit
def _embedding_lookup(x32, table, pe2):
    mesh = plsc.VectorSubcoreMesh(core_axis_name="c", subcore_axis_name="s")
    run = pl.kernel(
        _emb_body,
        out_type=jax.ShapeDtypeStruct((_NW, _NCHUNK, _CHUNK, _D), jnp.float32),
        mesh=mesh,
        scratch_types=[
            pltpu.VMEM((_PER_W,), jnp.int32),
            pltpu.VMEM((2 * _S, _D), jnp.float32),
            pltpu.VMEM((_CHUNK, _D), jnp.float32),
            pltpu.VMEM((_CHUNK, _D), jnp.float32),
            pltpu.SemaphoreType.DMA,
            pltpu.SemaphoreType.DMA,
            pltpu.SemaphoreType.DMA,
            pltpu.SemaphoreType.DMA,
        ],
        compiler_params=pltpu.CompilerParams(needs_layout_passes=False),
    )
    return run(x32, table, pe2)


def kernel(x, table):
    x32 = x.astype(jnp.int32).reshape(_NROWS)
    out = _embedding_lookup(x32, table, _pos_encoding_2x())
    return out.reshape(_B, _S, _D)

# --- scband reference (transcript-rebuilt; emitter-appended) ---
"""Pipeline reference for scband-embedding-layer-171798691891 (READ-ONLY COPY).

The authoritative reference and input builder live on the scoring server;
editing this copy changes nothing except your own understanding.
"""

import jax, jax.numpy as jnp
import numpy as np

VOCAB = 100000
D_MODEL = 128
BATCH = 1024
SEQ = 200


def positional_encoding(seq_len, d_model):
    positions = np.arange(seq_len)
    dimensions = np.arange(d_model)
    denominator = np.power(10000.0, 2 * dimensions / d_model)
    input_angles = positions.reshape(-1, 1) / denominator.reshape(1, -1)
    pe = np.zeros(shape=input_angles.shape)
    pe[:, 0::2] = np.sin(input_angles[:, 0::2])
    pe[:, 1::2] = np.cos(input_angles[:, 1::2])
    return jnp.asarray(pe, dtype=jnp.float32)


def setup_inputs(seed: int = 0) -> dict:
    key = jax.random.key(seed)
    k1, k2 = jax.random.split(key)
    x = jax.random.randint(k1, (BATCH, SEQ), 0, VOCAB)
    table = jax.random.normal(k2, (VOCAB, D_MODEL), dtype=jnp.float32)
    return {"x": x, "table": table}


def reference(x, table):
    # nn.Embedding with padding_idx=0: row 0 is zero
    table_eff = table.at[0].set(0.0)
    emb = jnp.take(table_eff, x, axis=0)  # [B, S, D]
    pe = positional_encoding(emb.shape[1], emb.shape[2])  # [S, D]
    return emb + pe[None, :, :]

if __name__ == "__main__":
    import jax
    _d = setup_inputs()
    print(jax.jit(kernel)(*tuple(_d.values())))

</pallas_src>

<mosaic_0001>
#map = affine_map<(d0, d1) -> (0)>
#map1 = affine_map<(d0, d1) -> (0, 0)>
#map2 = affine_map<(d0, d1) -> (0, 0, 0, 0)>
module attributes {stable_mosaic.version = 14 : i64} {
  func.func @_emb_body(%arg0: i32, %arg1: i32, %arg2: memref<204800xi32, #tpu.memory_space<hbm>>, %arg3: memref<100000x128xf32, #tpu.memory_space<hbm>>, %arg4: memref<400x128xf32, #tpu.memory_space<hbm>>, %arg5: memref<32x50x128x128xf32, #tpu.memory_space<hbm>>, %arg6: memref<6400xi32, #tpu.memory_space<vmem>>, %arg7: memref<400x128xf32, #tpu.memory_space<vmem>>, %arg8: memref<128x128xf32, #tpu.memory_space<vmem>>, %arg9: memref<128x128xf32, #tpu.memory_space<vmem>>, %arg10: memref<!tpu.dma_semaphore, #tpu.memory_space<semaphore_mem>>, %arg11: memref<!tpu.dma_semaphore, #tpu.memory_space<semaphore_mem>>, %arg12: memref<!tpu.dma_semaphore, #tpu.memory_space<semaphore_mem>>, %arg13: memref<!tpu.dma_semaphore, #tpu.memory_space<semaphore_mem>>) attributes {dimension_semantics = [#tpu.dimension_semantics<core_parallel>, #tpu.dimension_semantics<subcore_parallel>], iteration_bounds = array<i64: 2, 16>, scalar_prefetch = 0 : i64, scratch_operands = 8 : i64, tpu.core_type = #tpu.core_type<sc_vector_subcore>, window_params = [{transform_indices = #map}, {transform_indices = #map1}, {transform_indices = #map1}, {transform_indices = #map2}]} {
    %mul3A = arith.constant 2 : i32
    %mul3A_0 = arith.muli %arg1, %mul3A : i32
    %add3A = arith.addi %mul3A_0, %arg0 : i32
    %mul3A_1 = arith.constant 6400 : i32
    %mul3A_2 = arith.muli %add3A, %mul3A_1 : i32
    "tpu.region"() ({
      %run_scoped3A = tpu.sem_alloc : memref<!tpu.dma_semaphore, #tpu.memory_space<semaphore_mem>>
      %dma_start3A_28 = tpu.memref_slice %arg2[%mul3A_2] : memref<204800xi32, #tpu.memory_space<hbm>> -> memref<6400xi32, #tpu.memory_space<hbm>>
      %dma_start3A_29 = tpu.memref_slice %arg2[%mul3A_2] : memref<204800xi32, #tpu.memory_space<hbm>> -> memref<6400xi32, #tpu.memory_space<hbm>>
      tpu.enqueue_dma source(%dma_start3A_29 : memref<6400xi32, #tpu.memory_space<hbm>>) target(%arg6 : memref<6400xi32, #tpu.memory_space<vmem>>) target_semaphore(%run_scoped3A : memref<!tpu.dma_semaphore, #tpu.memory_space<semaphore_mem>>)
      %dma_wait3A_30 = tpu.memref_slice %arg2[%mul3A_2] : memref<204800xi32, #tpu.memory_space<hbm>> -> memref<6400xi32, #tpu.memory_space<hbm>>
      %dma_wait3A_31 = tpu.memref_slice %arg2[%mul3A_2] : memref<204800xi32, #tpu.memory_space<hbm>> -> memref<6400xi32, #tpu.memory_space<hbm>>
      tpu.wait_dma2 semaphore(%run_scoped3A : memref<!tpu.dma_semaphore, #tpu.memory_space<semaphore_mem>>) src(%dma_wait3A_31 : memref<6400xi32, #tpu.memory_space<hbm>>) dst(%arg6 : memref<6400xi32, #tpu.memory_space<vmem>>)
      tpu.yield
    }) : () -> ()
    "tpu.region"() ({
      %run_scoped3A = tpu.sem_alloc : memref<!tpu.dma_semaphore, #tpu.memory_space<semaphore_mem>>
      tpu.enqueue_dma source(%arg4 : memref<400x128xf32, #tpu.memory_space<hbm>>) target(%arg7 : memref<400x128xf32, #tpu.memory_space<vmem>>) target_semaphore(%run_scoped3A : memref<!tpu.dma_semaphore, #tpu.memory_space<semaphore_mem>>)
      tpu.wait_dma2 semaphore(%run_scoped3A : memref<!tpu.dma_semaphore, #tpu.memory_space<semaphore_mem>>) src(%arg4 : memref<400x128xf32, #tpu.memory_space<hbm>>) dst(%arg7 : memref<400x128xf32, #tpu.memory_space<vmem>>)
      tpu.yield
    }) : () -> ()
    %dma_start3A = arith.constant 0 : i32
    %dma_start3A_3 = tpu.memref_slice %arg6[%dma_start3A] : memref<6400xi32, #tpu.memory_space<vmem>> -> memref<128xi32, #tpu.memory_space<vmem>>
    %dma_start3A_4 = arith.constant 0 : i32
    %dma_start3A_5 = arith.constant 0 : i32
    %dma_start3A_6 = tpu.memref_slice %arg3[%dma_start3A_4, %dma_start3A_5] : memref<100000x128xf32, #tpu.memory_space<hbm>> -> memref<100000x128xf32, #tpu.memory_space<hbm>>
    tpu.enqueue_indirect_dma source(%dma_start3A_6 : memref<100000x128xf32, #tpu.memory_space<hbm>>) target(%arg8 : memref<128x128xf32, #tpu.memory_space<vmem>>) offsets(%dma_start3A_3 : memref<128xi32, #tpu.memory_space<vmem>>) semaphore(%arg10 : memref<!tpu.dma_semaphore, #tpu.memory_space<semaphore_mem>>)
    %scan3A = arith.constant 0 : i32
    %scan3A_7 = arith.constant 25 : i32
    %scan3A_8 = arith.addi %scan3A, %scan3A_7 : i32
    %scan3A_9 = arith.constant 1 : i32
    scf.for %scan3A_28 = %scan3A to %scan3A_8 step %scan3A_9  : i32 {
      %mul3A_29 = arith.constant 2 : i32
      %mul3A_30 = arith.muli %mul3A_29, %scan3A_28 : i32
      %add3A_31 = arith.constant 0 : i32
      %add3A_32 = arith.addi %mul3A_30, %add3A_31 : i32
      %add3A_33 = arith.constant 1 : i32
      %add3A_34 = arith.addi %add3A_32, %add3A_33 : i32
      %lt3A = arith.constant 50 : i32
      %lt3A_35 = arith.cmpi slt, %add3A_34, %lt3A : i32
      %convert_element_type3A = arith.extui %lt3A_35 : i1 to i32
      %cond3A = arith.constant 0 : i32
      %cond3A_36 = arith.cmpi ne, %convert_element_type3A, %cond3A : i32
      scf.if %cond3A_36 {
        %ge3A = arith.constant 1 : i32
        %ge3A_122 = arith.cmpi sge, %add3A_32, %ge3A : i32
        %convert_element_type3A_123 = arith.extui %ge3A_122 : i1 to i32
        %cond3A_124 = arith.constant 0 : i32
        %cond3A_125 = arith.cmpi ne, %convert_element_type3A_123, %cond3A_124 : i32
        scf.if %cond3A_125 {
          %dma_wait3A_134 = arith.constant 0 : i32
          %dma_wait3A_135 = arith.constant 0 : i32
          %dma_wait3A_136 = arith.constant 0 : i32
          %dma_wait3A_137 = tpu.memref_slice %arg5[%add3A, %dma_wait3A_134, %dma_wait3A_135, %dma_wait3A_136] : memref<32x50x128x128xf32, #tpu.memory_space<hbm>> -> memref<1x1x128x128xf32, #tpu.memory_space<hbm>>
          %dma_wait3A_138 = tpu.memref_squeeze %dma_wait3A_137 : memref<1x1x128x128xf32, #tpu.memory_space<hbm>> -> memref<128x128xf32, #tpu.memory_space<hbm>>
          %dma_wait3A_139 = arith.constant 0 : i32
          %dma_wait3A_140 = arith.constant 0 : i32
          %dma_wait3A_141 = tpu.memref_slice %arg5[%add3A, %dma_wait3A_134, %dma_wait3A_139, %dma_wait3A_140] : memref<32x50x128x128xf32, #tpu.memory_space<hbm>> -> memref<1x1x128x128xf32, #tpu.memory_space<hbm>>
          %dma_wait3A_142 = tpu.memref_squeeze %dma_wait3A_141 : memref<1x1x128x128xf32, #tpu.memory_space<hbm>> -> memref<128x128xf32, #tpu.memory_space<hbm>>
          tpu.wait_dma2 semaphore(%arg13 : memref<!tpu.dma_semaphore, #tpu.memory_space<semaphore_mem>>) src(%dma_wait3A_142 : memref<128x128xf32, #tpu.memory_space<hbm>>) dst(%arg9 : memref<128x128xf32, #tpu.memory_space<vmem>>)
        } else {
        }
        %add3A_126 = arith.constant 1 : i32
        %add3A_127 = arith.addi %add3A_32, %add3A_126 : i32
        %mul3A_128 = arith.constant 128 : i32
        %mul3A_129 = arith.muli %add3A_127, %mul3A_128 : i32
        %dma_start3A_130 = tpu.memref_slice %arg6[%mul3A_129] : memref<6400xi32, #tpu.memory_space<vmem>> -> memref<128xi32, #tpu.memory_space<vmem>>
        %dma_start3A_131 = arith.constant 0 : i32
        %dma_start3A_132 = arith.constant 0 : i32
        %dma_start3A_133 = tpu.memref_slice %arg3[%dma_start3A_131, %dma_start3A_132] : memref<100000x128xf32, #tpu.memory_space<hbm>> -> memref<100000x128xf32, #tpu.memory_space<hbm>>
        tpu.enqueue_indirect_dma source(%dma_start3A_133 : memref<100000x128xf32, #tpu.memory_space<hbm>>) target(%arg9 : memref<128x128xf32, #tpu.memory_space<vmem>>) offsets(%dma_start3A_130 : memref<128xi32, #tpu.memory_space<vmem>>) semaphore(%arg11 : memref<!tpu.dma_semaphore, #tpu.memory_space<semaphore_mem>>)
      } else {
      }
      %dma_wait3A_37 = arith.constant 0 : i32
      %dma_wait3A_38 = arith.constant 0 : i32
      %dma_wait3A_39 = arith.constant 0 : i32
      %dma_wait3A_40 = tpu.memref_slice %arg5[%add3A, %dma_wait3A_37, %dma_wait3A_38, %dma_wait3A_39] : memref<32x50x128x128xf32, #tpu.memory_space<hbm>> -> memref<1x1x128x128xf32, #tpu.memory_space<hbm>>
      %dma_wait3A_41 = tpu.memref_squeeze %dma_wait3A_40 : memref<1x1x128x128xf32, #tpu.memory_space<hbm>> -> memref<128x128xf32, #tpu.memory_space<hbm>>
      %dma_wait3A_42 = arith.constant 0 : i32
      %dma_wait3A_43 = arith.constant 0 : i32
      %dma_wait3A_44 = tpu.memref_slice %arg5[%add3A, %dma_wait3A_37, %dma_wait3A_42, %dma_wait3A_43] : memref<32x50x128x128xf32, #tpu.memory_space<hbm>> -> memref<1x1x128x128xf32, #tpu.memory_space<hbm>>
      %dma_wait3A_45 = tpu.memref_squeeze %dma_wait3A_44 : memref<1x1x128x128xf32, #tpu.memory_space<hbm>> -> memref<128x128xf32, #tpu.memory_space<hbm>>
      tpu.wait_dma2 semaphore(%arg10 : memref<!tpu.dma_semaphore, #tpu.memory_space<semaphore_mem>>) src(%dma_wait3A_45 : memref<128x128xf32, #tpu.memory_space<hbm>>) dst(%arg8 : memref<128x128xf32, #tpu.memory_space<vmem>>)
      %mul3A_46 = arith.constant 128 : i32
      %mul3A_47 = arith.muli %add3A_32, %mul3A_46 : i32
      %jit3A = arith.constant 200 : i32
      %eq3A = arith.constant 0 : i32
      %eq3A_48 = arith.cmpi eq, %jit3A, %eq3A : i32
      %jit3A_49 = arith.constant 1 : i32
      %select_n3A = arith.select %eq3A_48, %jit3A_49, %jit3A : i32
      %rem3A = arith.remsi %mul3A_47, %select_n3A : i32
      %ne3A = arith.constant 0 : i32
      %ne3A_50 = arith.cmpi ne, %rem3A, %ne3A : i32
      %lt3A_51 = arith.constant 0 : i32
      %lt3A_52 = arith.cmpi slt, %rem3A, %lt3A_51 : i32
      %lt3A_53 = arith.constant 0 : i32
      %lt3A_54 = arith.cmpi slt, %select_n3A, %lt3A_53 : i32
      %ne3A_55 = arith.xori %lt3A_52, %lt3A_54 : i1
      %and3A = arith.andi %ne3A_55, %ne3A_50 : i1
      %add3A_56 = arith.addi %rem3A, %select_n3A : i32
      %select_n3A_57 = arith.select %and3A, %add3A_56, %rem3A : i32
      %scan3A_58 = arith.constant 0 : i32
      %scan3A_59 = arith.constant 8 : i32
      %scan3A_60 = arith.addi %scan3A_58, %scan3A_59 : i32
      %scan3A_61 = arith.constant 1 : i32
      scf.for %scan3A_122 = %scan3A_58 to %scan3A_60 step %scan3A_61  : i32 {
        %mul3A_123 = arith.constant 16 : i32
        %mul3A_124 = arith.muli %scan3A_122, %mul3A_123 : i32
        %add3A_125 = arith.constant 0 : i32
        %add3A_126 = arith.addi %mul3A_124, %add3A_125 : i32
        %mul3A_127 = arith.constant 128 : i32
        %mul3A_128 = arith.muli %add3A_32, %mul3A_127 : i32
        %add3A_129 = arith.addi %mul3A_128, %add3A_126 : i32
        %broadcast_in_dim3A = vector.broadcast %add3A_129 : i32 to vector<16xi32>
        %gather3A = tpu.vector_load_idx %arg6[%broadcast_in_dim3A] : memref<6400xi32, #tpu.memory_space<vmem>>[vector<16xi32>], vector<16xi32>,
        %ne3A_130 = arith.constant 0 : i32
        %ne3A_131 = vector.broadcast %ne3A_130 : i32 to vector<16xi32>
        %ne3A_132 = arith.cmpi ne, %gather3A, %ne3A_131 : vector<16xi32>
        %add3A_133 = arith.addi %select_n3A_57, %add3A_126 : i32
        %get3A = arith.index_cast %add3A_126 : i32 to index
        %get3A_134 = arith.constant 0 : index
        %get3A_135 = tpu.vector_load %arg8[%get3A, %get3A_134] {strides = array<i32>} : memref<128x128xf32, #tpu.memory_space<vmem>>, vector<16xf32>,
        %jit3A_136 = arith.constant 0.000000e+00 : f32
        %broadcast_in_dim3A_137 = vector.broadcast %jit3A_136 : f32 to vector<16xf32>
        %select_n3A_138 = arith.select %ne3A_132, %get3A_135, %broadcast_in_dim3A_137 : vector<16xi1>, vector<16xf32>
        %get3A_139 = arith.index_cast %add3A_133 : i32 to index
        %get3A_140 = arith.constant 0 : index
        %get3A_141 = tpu.vector_load %arg7[%get3A_139, %get3A_140] {strides = array<i32>} : memref<400x128xf32, #tpu.memory_space<vmem>>, vector<16xf32>,
        %add3A_142 = arith.addf %select_n3A_138, %get3A_141 : vector<16xf32>
        %swap3A = arith.index_cast %add3A_126 : i32 to index
        %swap3A_143 = arith.constant 0 : index
        %swap3A_144 = tpu.vector_load %arg8[%swap3A, %swap3A_143] {strides = array<i32>} : memref<128x128xf32, #tpu.memory_space<vmem>>, vector<16xf32>,
        tpu.vector_store %arg8[%swap3A, %swap3A_143], %add3A_142 {strides = array<i32>} : memref<128x128xf32, #tpu.memory_space<vmem>>, vector<16xf32>,
        %get3A_145 = arith.index_cast %add3A_126 : i32 to index
        %get3A_146 = arith.constant 16 : index
        %get3A_147 = tpu.vector_load %arg8[%get3A_145, %get3A_146] {strides = array<i32>} : memref<128x128xf32, #tpu.memory_space<vmem>>, vector<16xf32>,
        %jit3A_148 = arith.constant 0.000000e+00 : f32
        %broadcast_in_dim3A_149 = vector.broadcast %jit3A_148 : f32 to vector<16xf32>
        %select_n3A_150 = arith.select %ne3A_132, %get3A_147, %broadcast_in_dim3A_149 : vector<16xi1>, vector<16xf32>
        %get3A_151 = arith.index_cast %add3A_133 : i32 to index
        %get3A_152 = arith.constant 16 : index
        %get3A_153 = tpu.vector_load %arg7[%get3A_151, %get3A_152] {strides = array<i32>} : memref<400x128xf32, #tpu.memory_space<vmem>>, vector<16xf32>,
        %add3A_154 = arith.addf %select_n3A_150, %get3A_153 : vector<16xf32>
        %swap3A_155 = arith.index_cast %add3A_126 : i32 to index
        %swap3A_156 = arith.constant 16 : index
        %swap3A_157 = tpu.vector_load %arg8[%swap3A_155, %swap3A_156] {strides = array<i32>} : memref<128x128xf32, #tpu.memory_space<vmem>>, vector<16xf32>,
        tpu.vector_store %arg8[%swap3A_155, %swap3A_156], %add3A_154 {strides = array<i32>} : memref<128x128xf32, #tpu.memory_space<vmem>>, vector<16xf32>,
        %get3A_158 = arith.index_cast %add3A_126 : i32 to index
        %get3A_159 = arith.constant 32 : index
        %get3A_160 = tpu.vector_load %arg8[%get3A_158, %get3A_159] {strides = array<i32>} : memref<128x128xf32, #tpu.memory_space<vmem>>, vector<16xf32>,
        %jit3A_161 = arith.constant 0.000000e+00 : f32
        %broadcast_in_dim3A_162 = vector.broadcast %jit3A_161 : f32 to vector<16xf32>
        %select_n3A_163 = arith.select %ne3A_132, %get3A_160, %broadcast_in_dim3A_162 : vector<16xi1>, vector<16xf32>
        %get3A_164 = arith.index_cast %add3A_133 : i32 to index
        %get3A_165 = arith.constant 32 : index
        %get3A_166 = tpu.vector_load %arg7[%get3A_164, %get3A_165] {strides = array<i32>} : memref<400x128xf32, #tpu.memory_space<vmem>>, vector<16xf32>,
        %add3A_167 = arith.addf %select_n3A_163, %get3A_166 : vector<16xf32>
        %swap3A_168 = arith.index_cast %add3A_126 : i32 to index
        %swap3A_169 = arith.constant 32 : index
        %swap3A_170 = tpu.vector_load %arg8[%swap3A_168, %swap3A_169] {strides = array<i32>} : memref<128x128xf32, #tpu.memory_space<vmem>>, vector<16xf32>,
        tpu.vector_store %arg8[%swap3A_168, %swap3A_169], %add3A_167 {strides = array<i32>} : memref<128x128xf32, #tpu.memory_space<vmem>>, vector<16xf32>,
        %get3A_171 = arith.index_cast %add3A_126 : i32 to index
        %get3A_172 = arith.constant 48 : index
        %get3A_173 = tpu.vector_load %arg8[%get3A_171, %get3A_172] {strides = array<i32>} : memref<128x128xf32, #tpu.memory_space<vmem>>, vector<16xf32>,
        %jit3A_174 = arith.constant 0.000000e+00 : f32
        %broadcast_in_dim3A_175 = vector.broadcast %jit3A_174 : f32 to vector<16xf32>
        %select_n3A_176 = arith.select %ne3A_132, %get3A_173, %broadcast_in_dim3A_175 : vector<16xi1>, vector<16xf32>
        %get3A_177 = arith.index_cast %add3A_133 : i32 to index
        %get3A_178 = arith.constant 48 : index
        %get3A_179 = tpu.vector_load %arg7[%get3A_177, %get3A_178] {strides = array<i32>} : memref<400x128xf32, #tpu.memory_space<vmem>>, vector<16xf32>,
        %add3A_180 = arith.addf %select_n3A_176, %get3A_179 : vector<16xf32>
        %swap3A_181 = arith.index_cast %add3A_126 : i32 to index
        %swap3A_182 = arith.constant 48 : index
        %swap3A_183 = tpu.vector_load %arg8[%swap3A_181, %swap3A_182] {strides = array<i32>} : memref<128x128xf32, #tpu.memory_space<vmem>>, vector<16xf32>,
        tpu.vector_store %arg8[%swap3A_181, %swap3A_182], %add3A_180 {strides = array<i32>} : memref<128x128xf32, #tpu.memory_space<vmem>>, vector<16xf32>,
        %get3A_184 = arith.index_cast %add3A_126 : i32 to index
        %get3A_185 = arith.constant 64 : index
        %get3A_186 = tpu.vector_load %arg8[%get3A_184, %get3A_185] {strides = array<i32>} : memref<128x128xf32, #tpu.memory_space<vmem>>, vector<16xf32>,
        %jit3A_187 = arith.constant 0.000000e+00 : f32
        %broadcast_in_dim3A_188 = vector.broadcast %jit3A_187 : f32 to vector<16xf32>
        %select_n3A_189 = arith.select %ne3A_132, %get3A_186, %broadcast_in_dim3A_188 : vector<16xi1>, vector<16xf32>
        %get3A_190 = arith.index_cast %add3A_133 : i32 to index
        %get3A_191 = arith.constant 64 : index
        %get3A_192 = tpu.vector_load %arg7[%get3A_190, %get3A_191] {strides = array<i32>} : memref<400x128xf32, #tpu.memory_space<vmem>>, vector<16xf32>,
        %add3A_193 = arith.addf %select_n3A_189, %get3A_192 : vector<16xf32>
        %swap3A_194 = arith.index_cast %add3A_126 : i32 to index
        %swap3A_195 = arith.constant 64 : index
        %swap3A_196 = tpu.vector_load %arg8[%swap3A_194, %swap3A_195] {strides = array<i32>} : memref<128x128xf32, #tpu.memory_space<vmem>>, vector<16xf32>,
        tpu.vector_store %arg8[%swap3A_194, %swap3A_195], %add3A_193 {strides = array<i32>} : memref<128x128xf32, #tpu.memory_space<vmem>>, vector<16xf32>,
        %get3A_197 = arith.index_cast %add3A_126 : i32 to index
        %get3A_198 = arith.constant 80 : index
        %get3A_199 = tpu.vector_load %arg8[%get3A_197, %get3A_198] {strides = array<i32>} : memref<128x128xf32, #tpu.memory_space<vmem>>, vector<16xf32>,
        %jit3A_200 = arith.constant 0.000000e+00 : f32
        %broadcast_in_dim3A_201 = vector.broadcast %jit3A_200 : f32 to vector<16xf32>
        %select_n3A_202 = arith.select %ne3A_132, %get3A_199, %broadcast_in_dim3A_201 : vector<16xi1>, vector<16xf32>
        %get3A_203 = arith.index_cast %add3A_133 : i32 to index
        %get3A_204 = arith.constant 80 : index
        %get3A_205 = tpu.vector_load %arg7[%get3A_203, %get3A_204] {strides = array<i32>} : memref<400x128xf32, #tpu.memory_space<vmem>>, vector<16xf32>,
        %add3A_206 = arith.addf %select_n3A_202, %get3A_205 : vector<16xf32>
        %swap3A_207 = arith.index_cast %add3A_126 : i32 to index
        %swap3A_208 = arith.constant 80 : index
        %swap3A_209 = tpu.vector_load %arg8[%swap3A_207, %swap3A_208] {strides = array<i32>} : memref<128x128xf32, #tpu.memory_space<vmem>>, vector<16xf32>,
        tpu.vector_store %arg8[%swap3A_207, %swap3A_208], %add3A_206 {strides = array<i32>} : memref<128x128xf32, #tpu.memory_space<vmem>>, vector<16xf32>,
        %get3A_210 = arith.index_cast %add3A_126 : i32 to index
        %get3A_211 = arith.constant 96 : index
        %get3A_212 = tpu.vector_load %arg8[%get3A_210, %get3A_211] {strides = array<i32>} : memref<128x128xf32, #tpu.memory_space<vmem>>, vector<16xf32>,
        %jit3A_213 = arith.constant 0.000000e+00 : f32
        %broadcast_in_dim3A_214 = vector.broadcast %jit3A_213 : f32 to vector<16xf32>
        %select_n3A_215 = arith.select %ne3A_132, %get3A_212, %broadcast_in_dim3A_214 : vector<16xi1>, vector<16xf32>
        %get3A_216 = arith.index_cast %add3A_133 : i32 to index
        %get3A_217 = arith.constant 96 : index
        %get3A_218 = tpu.vector_load %arg7[%get3A_216, %get3A_217] {strides = array<i32>} : memref<400x128xf32, #tpu.memory_space<vmem>>, vector<16xf32>,
        %add3A_219 = arith.addf %select_n3A_215, %get3A_218 : vector<16xf32>
        %swap3A_220 = arith.index_cast %add3A_126 : i32 to index
        %swap3A_221 = arith.constant 96 : index
        %swap3A_222 = tpu.vector_load %arg8[%swap3A_220, %swap3A_221] {strides = array<i32>} : memref<128x128xf32, #tpu.memory_space<vmem>>, vector<16xf32>,
        tpu.vector_store %arg8[%swap3A_220, %swap3A_221], %add3A_219 {strides = array<i32>} : memref<128x128xf32, #tpu.memory_space<vmem>>, vector<16xf32>,
        %get3A_223 = arith.index_cast %add3A_126 : i32 to index
        %get3A_224 = arith.constant 112 : index
        %get3A_225 = tpu.vector_load %arg8[%get3A_223, %get3A_224] {strides = array<i32>} : memref<128x128xf32, #tpu.memory_space<vmem>>, vector<16xf32>,
        %jit3A_226 = arith.constant 0.000000e+00 : f32
        %broadcast_in_dim3A_227 = vector.broadcast %jit3A_226 : f32 to vector<16xf32>
        %select_n3A_228 = arith.select %ne3A_132, %get3A_225, %broadcast_in_dim3A_227 : vector<16xi1>, vector<16xf32>
        %get3A_229 = arith.index_cast %add3A_133 : i32 to index
        %get3A_230 = arith.constant 112 : index
        %get3A_231 = tpu.vector_load %arg7[%get3A_229, %get3A_230] {strides = array<i32>} : memref<400x128xf32, #tpu.memory_space<vmem>>, vector<16xf32>,
        %add3A_232 = arith.addf %select_n3A_228, %get3A_231 : vector<16xf32>
        %swap3A_233 = arith.index_cast %add3A_126 : i32 to index
        %swap3A_234 = arith.constant 112 : index
        %swap3A_235 = tpu.vector_load %arg8[%swap3A_233, %swap3A_234] {strides = array<i32>} : memref<128x128xf32, #tpu.memory_space<vmem>>, vector<16xf32>,
        tpu.vector_store %arg8[%swap3A_233, %swap3A_234], %add3A_232 {strides = array<i32>} : memref<128x128xf32, #tpu.memory_space<vmem>>, vector<16xf32>,
        %add3A_236 = arith.constant 1 : i32
        %add3A_237 = arith.addi %mul3A_124, %add3A_236 : i32
        %mul3A_238 = arith.constant 128 : i32
        %mul3A_239 = arith.muli %add3A_32, %mul3A_238 : i32
        %add3A_240 = arith.addi %mul3A_239, %add3A_237 : i32
        %broadcast_in_dim3A_241 = vector.broadcast %add3A_240 : i32 to vector<16xi32>
        %gather3A_242 = tpu.vector_load_idx %arg6[%broadcast_in_dim3A_241] : memref<6400xi32, #tpu.memory_space<vmem>>[vector<16xi32>], vector<16xi32>,
        %ne3A_243 = arith.constant 0 : i32
        %ne3A_244 = vector.broadcast %ne3A_243 : i32 to vector<16xi32>
        %ne3A_245 = arith.cmpi ne, %gather3A_242, %ne3A_244 : vector<16xi32>
        %add3A_246 = arith.addi %select_n3A_57, %add3A_237 : i32
        %get3A_247 = arith.index_cast %add3A_237 : i32 to index
        %get3A_248 = arith.constant 0 : index
        %get3A_249 = tpu.vector_load %arg8[%get3A_247, %get3A_248] {strides = array<i32>} : memref<128x128xf32, #tpu.memory_space<vmem>>, vector<16xf32>,
        %jit3A_250 = arith.constant 0.000000e+00 : f32
        %broadcast_in_dim3A_251 = vector.broadcast %jit3A_250 : f32 to vector<16xf32>
        %select_n3A_252 = arith.select %ne3A_245, %get3A_249, %broadcast_in_dim3A_251 : vector<16xi1>, vector<16xf32>
        %get3A_253 = arith.index_cast %add3A_246 : i32 to index
        %get3A_254 = arith.constant 0 : index
        %get3A_255 = tpu.vector_load %arg7[%get3A_253, %get3A_254] {strides = array<i32>} : memref<400x128xf32, #tpu.memory_space<vmem>>, vector<16xf32>,
        %add3A_256 = arith.addf %select_n3A_252, %get3A_255 : vector<16xf32>
        %swap3A_257 = arith.index_cast %add3A_237 : i32 to index
        %swap3A_258 = arith.constant 0 : index
        %swap3A_259 = tpu.vector_load %arg8[%swap3A_257, %swap3A_258] {strides = array<i32>} : memref<128x128xf32, #tpu.memory_space<vmem>>, vector<16xf32>,
        tpu.vector_store %arg8[%swap3A_257, %swap3A_258], %add3A_256 {strides = array<i32>} : memref<128x128xf32, #tpu.memory_space<vmem>>, vector<16xf32>,
        %get3A_260 = arith.index_cast %add3A_237 : i32 to index
        %get3A_261 = arith.constant 16 : index
        %get3A_262 = tpu.vector_load %arg8[%get3A_260, %get3A_261] {strides = array<i32>} : memref<128x128xf32, #tpu.memory_space<vmem>>, vector<16xf32>,
        %jit3A_263 = arith.constant 0.000000e+00 : f32
        %broadcast_in_dim3A_264 = vector.broadcast %jit3A_263 : f32 to vector<16xf32>
        %select_n3A_265 = arith.select %ne3A_245, %get3A_262, %broadcast_in_dim3A_264 : vector<16xi1>, vector<16xf32>
        %get3A_266 = arith.index_cast %add3A_246 : i32 to index
        %get3A_267 = arith.constant 16 : index
        %get3A_268 = tpu.vector_load %arg7[%get3A_266, %get3A_267] {strides = array<i32>} : memref<400x128xf32, #tpu.memory_space<vmem>>, vector<16xf32>,
        %add3A_269 = arith.addf %select_n3A_265, %get3A_268 : vector<16xf32>
        %swap3A_270 = arith.index_cast %add3A_237 : i32 to index
        %swap3A_271 = arith.constant 16 : index
        %swap3A_272 = tpu.vector_load %arg8[%swap3A_270, %swap3A_271] {strides = array<i32>} : memref<128x128xf32, #tpu.memory_space<vmem>>, vector<16xf32>,
        tpu.vector_store %arg8[%swap3A_270, %swap3A_271], %add3A_269 {strides = array<i32>} : memref<128x128xf32, #tpu.memory_space<vmem>>, vector<16xf32>,
        %get3A_273 = arith.index_cast %add3A_237 : i32 to index
        %get3A_274 = arith.constant 32 : index
        %get3A_275 = tpu.vector_load %arg8[%get3A_273, %get3A_274] {strides = array<i32>} : memref<128x128xf32, #tpu.memory_space<vmem>>, vector<16xf32>,
        %jit3A_276 = arith.constant 0.000000e+00 : f32
        %broadcast_in_dim3A_277 = vector.broadcast %jit3A_276 : f32 to vector<16xf32>
        %select_n3A_278 = arith.select %ne3A_245, %get3A_275, %broadcast_in_dim3A_277 : vector<16xi1>, vector<16xf32>
        %get3A_279 = arith.index_cast %add3A_246 : i32 to index
        %get3A_280 = arith.constant 32 : index
        %get3A_281 = tpu.vector_load %arg7[%get3A_279, %get3A_280] {strides = array<i32>} : memref<400x128xf32, #tpu.memory_space<vmem>>, vector<16xf32>,
        %add3A_282 = arith.addf %select_n3A_278, %get3A_281 : vector<16xf32>
        %swap3A_283 = arith.index_cast %add3A_237 : i32 to index
        %swap3A_284 = arith.constant 32 : index
        %swap3A_285 = tpu.vector_load %arg8[%swap3A_283, %swap3A_284] {strides = array<i32>} : memref<128x128xf32, #tpu.memory_space<vmem>>, vector<16xf32>,
        tpu.vector_store %arg8[%swap3A_283, %swap3A_284], %add3A_282 {strides = array<i32>} : memref<128x128xf32, #tpu.memory_space<vmem>>, vector<16xf32>,
        %get3A_286 = arith.index_cast %add3A_237 : i32 to index
        %get3A_287 = arith.constant 48 : index
        %get3A_288 = tpu.vector_load %arg8[%get3A_286, %get3A_287] {strides = array<i32>} : memref<128x128xf32, #tpu.memory_space<vmem>>, vector<16xf32>,
        %jit3A_289 = arith.constant 0.000000e+00 : f32
        %broadcast_in_dim3A_290 = vector.broadcast %jit3A_289 : f32 to vector<16xf32>
        %select_n3A_291 = arith.select %ne3A_245, %get3A_288, %broadcast_in_dim3A_290 : vector<16xi1>, vector<16xf32>
        %get3A_292 = arith.index_cast %add3A_246 : i32 to index
        %get3A_293 = arith.constant 48 : index
        %get3A_294 = tpu.vector_load %arg7[%get3A_292, %get3A_293] {strides = array<i32>} : memref<400x128xf32, #tpu.memory_space<vmem>>, vector<16xf32>,
        %add3A_295 = arith.addf %select_n3A_291, %get3A_294 : vector<16xf32>
        %swap3A_296 = arith.index_cast %add3A_237 : i32 to index
        %swap3A_297 = arith.constant 48 : index
        %swap3A_298 = tpu.vector_load %arg8[%swap3A_296, %swap3A_297] {strides = array<i32>} : memref<128x128xf32, #tpu.memory_space<vmem>>, vector<16xf32>,
        tpu.vector_store %arg8[%swap3A_296, %swap3A_297], %add3A_295 {strides = array<i32>} : memref<128x128xf32, #tpu.memory_space<vmem>>, vector<16xf32>,
        %get3A_299 = arith.index_cast %add3A_237 : i32 to index
        %get3A_300 = arith.constant 64 : index
        %get3A_301 = tpu.vector_load %arg8[%get3A_299, %get3A_300] {strides = array<i32>} : memref<128x128xf32, #tpu.memory_space<vmem>>, vector<16xf32>,
        %jit3A_302 = arith.constant 0.000000e+00 : f32
        %broadcast_in_dim3A_303 = vector.broadcast %jit3A_302 : f32 to vector<16xf32>
        %select_n3A_304 = arith.select %ne3A_245, %get3A_301, %broadcast_in_dim3A_303 : vector<16xi1>, vector<16xf32>
        %get3A_305 = arith.index_cast %add3A_246 : i32 to index
        %get3A_306 = arith.constant 64 : index
        %get3A_307 = tpu.vector_load %arg7[%get3A_305, %get3A_306] {strides = array<i32>} : memref<400x128xf32, #tpu.memory_space<vmem>>, vector<16xf32>,
        %add3A_308 = arith.addf %select_n3A_304, %get3A_307 : vector<16xf32>
        %swap3A_309 = arith.index_cast %add3A_237 : i32 to index
        %swap3A_310 = arith.constant 64 : index
        %swap3A_311 = tpu.vector_load %arg8[%swap3A_309, %swap3A_310] {strides = array<i32>} : memref<128x128xf32, #tpu.memory_space<vmem>>, vector<16xf32>,
        tpu.vector_store %arg8[%swap3A_309, %swap3A_310], %add3A_308 {strides = array<i32>} : memref<128x128xf32, #tpu.memory_space<vmem>>, vector<16xf32>,
        %get3A_312 = arith.index_cast %add3A_237 : i32 to index
        %get3A_313 = arith.constant 80 : index
        %get3A_314 = tpu.vector_load %arg8[%get3A_312, %get3A_313] {strides = array<i32>} : memref<128x128xf32, #tpu.memory_space<vmem>>, vector<16xf32>,
        %jit3A_315 = arith.constant 0.000000e+00 : f32
        %broadcast_in_dim3A_316 = vector.broadcast %jit3A_315 : f32 to vector<16xf32>
        %select_n3A_317 = arith.select %ne3A_245, %get3A_314, %broadcast_in_dim3A_316 : vector<16xi1>, vector<16xf32>
        %get3A_318 = arith.index_cast %add3A_246 : i32 to index
        %get3A_319 = arith.constant 80 : index
        %get3A_320 = tpu.vector_load %arg7[%get3A_318, %get3A_319] {strides = array<i32>} : memref<400x128xf32, #tpu.memory_space<vmem>>, vector<16xf32>,
        %add3A_321 = arith.addf %select_n3A_317, %get3A_320 : vector<16xf32>
        %swap3A_322 = arith.index_cast %add3A_237 : i32 to index
        %swap3A_323 = arith.constant 80 : index
        %swap3A_324 = tpu.vector_load %arg8[%swap3A_322, %swap3A_323] {strides = array<i32>} : memref<128x128xf32, #tpu.memory_space<vmem>>, vector<16xf32>,
        tpu.vector_store %arg8[%swap3A_322, %swap3A_323], %add3A_321 {strides = array<i32>} : memref<128x128xf32, #tpu.memory_space<vmem>>, vector<16xf32>,
        %get3A_325 = arith.index_cast %add3A_237 : i32 to index
        %get3A_326 = arith.constant 96 : index
        %get3A_327 = tpu.vector_load %arg8[%get3A_325, %get3A_326] {strides = array<i32>} : memref<128x128xf32, #tpu.memory_space<vmem>>, vector<16xf32>,
        %jit3A_328 = arith.constant 0.000000e+00 : f32
        %broadcast_in_dim3A_329 = vector.broadcast %jit3A_328 : f32 to vector<16xf32>
        %select_n3A_330 = arith.select %ne3A_245, %get3A_327, %broadcast_in_dim3A_329 : vector<16xi1>, vector<16xf32>
        %get3A_331 = arith.index_cast %add3A_246 : i32 to index
        %get3A_332 = arith.constant 96 : index
        %get3A_333 = tpu.vector_load %arg7[%get3A_331, %get3A_332] {strides = array<i32>} : memref<400x128xf32, #tpu.memory_space<vmem>>, vector<16xf32>,
        %add3A_334 = arith.addf %select_n3A_330, %get3A_333 : vector<16xf32>
        %swap3A_335 = arith.index_cast %add3A_237 : i32 to index
        %swap3A_336 = arith.constant 96 : index
        %swap3A_337 = tpu.vector_load %arg8[%swap3A_335, %swap3A_336] {strides = array<i32>} : memref<128x128xf32, #tpu.memory_space<vmem>>, vector<16xf32>,
        tpu.vector_store %arg8[%swap3A_335, %swap3A_336], %add3A_334 {strides = array<i32>} : memref<128x128xf32, #tpu.memory_space<vmem>>, vector<16xf32>,
        %get3A_338 = arith.index_cast %add3A_237 : i32 to index
        %get3A_339 = arith.constant 112 : index
        %get3A_340 = tpu.vector_load %arg8[%get3A_338, %get3A_339] {strides = array<i32>} : memref<128x128xf32, #tpu.memory_space<vmem>>, vector<16xf32>,
        %jit3A_341 = arith.constant 0.000000e+00 : f32
        %broadcast_in_dim3A_342 = vector.broadcast %jit3A_341 : f32 to vector<16xf32>
        %select_n3A_343 = arith.select %ne3A_245, %get3A_340, %broadcast_in_dim3A_342 : vector<16xi1>, vector<16xf32>
        %get3A_344 = arith.index_cast %add3A_246 : i32 to index
        %get3A_345 = arith.constant 112 : index
        %get3A_346 = tpu.vector_load %arg7[%get3A_344, %get3A_345] {strides = array<i32>} : memref<400x128xf32, #tpu.memory_space<vmem>>, vector<16xf32>,
        %add3A_347 = arith.addf %select_n3A_343, %get3A_346 : vector<16xf32>
        %swap3A_348 = arith.index_cast %add3A_237 : i32 to index
        %swap3A_349 = arith.constant 112 : index
        %swap3A_350 = tpu.vector_load %arg8[%swap3A_348, %swap3A_349] {strides = array<i32>} : memref<128x128xf32, #tpu.memory_space<vmem>>, vector<16xf32>,
        tpu.vector_store %arg8[%swap3A_348, %swap3A_349], %add3A_347 {strides = array<i32>} : memref<128x128xf32, #tpu.memory_space<vmem>>, vector<16xf32>,
        %add3A_351 = arith.constant 2 : i32
        %add3A_352 = arith.addi %mul3A_124, %add3A_351 : i32
        %mul3A_353 = arith.constant 128 : i32
        %mul3A_354 = arith.muli %add3A_32, %mul3A_353 : i32
        %add3A_355 = arith.addi %mul3A_354, %add3A_352 : i32
        %broadcast_in_dim3A_356 = vector.broadcast %add3A_355 : i32 to vector<16xi32>
        %gather3A_357 = tpu.vector_load_idx %arg6[%broadcast_in_dim3A_356] : memref<6400xi32, #tpu.memory_space<vmem>>[vector<16xi32>], vector<16xi32>,
        %ne3A_358 = arith.constant 0 : i32
        %ne3A_359 = vector.broadcast %ne3A_358 : i32 to vector<16xi32>
        %ne3A_360 = arith.cmpi ne, %gather3A_357, %ne3A_359 : vector<16xi32>
        %add3A_361 = arith.addi %select_n3A_57, %add3A_352 : i32
        %get3A_362 = arith.index_cast %add3A_352 : i32 to index
        %get3A_363 = arith.constant 0 : index
        %get3A_364 = tpu.vector_load %arg8[%get3A_362, %get3A_363] {strides = array<i32>} : memref<128x128xf32, #tpu.memory_space<vmem>>, vector<16xf32>,
        %jit3A_365 = arith.constant 0.000000e+00 : f32
        %broadcast_in_dim3A_366 = vector.broadcast %jit3A_365 : f32 to vector<16xf32>
        %select_n3A_367 = arith.select %ne3A_360, %get3A_364, %broadcast_in_dim3A_366 : vector<16xi1>, vector<16xf32>
        %get3A_368 = arith.index_cast %add3A_361 : i32 to index
        %get3A_369 = arith.constant 0 : index
        %get3A_370 = tpu.vector_load %arg7[%get3A_368, %get3A_369] {strides = array<i32>} : memref<400x128xf32, #tpu.memory_space<vmem>>, vector<16xf32>,
        %add3A_371 = arith.addf %select_n3A_367, %get3A_370 : vector<16xf32>
        %swap3A_372 = arith.index_cast %add3A_352 : i32 to index
        %swap3A_373 = arith.constant 0 : index
        %swap3A_374 = tpu.vector_load %arg8[%swap3A_372, %swap3A_373] {strides = array<i32>} : memref<128x128xf32, #tpu.memory_space<vmem>>, vector<16xf32>,
        tpu.vector_store %arg8[%swap3A_372, %swap3A_373], %add3A_371 {strides = array<i32>} : memref<128x128xf32, #tpu.memory_space<vmem>>, vector<16xf32>,
        %get3A_375 = arith.index_cast %add3A_352 : i32 to index
        %get3A_376 = arith.constant 16 : index
        %get3A_377 = tpu.vector_load %arg8[%get3A_375, %get3A_376] {strides = array<i32>} : memref<128x128xf32, #tpu.memory_space<vmem>>, vector<16xf32>,
        %jit3A_378 = arith.constant 0.000000e+00 : f32
        %broadcast_in_dim3A_379 = vector.broadcast %jit3A_378 : f32 to vector<16xf32>
        %select_n3A_380 = arith.select %ne3A_360, %get3A_377, %broadcast_in_dim3A_379 : vector<16xi1>, vector<16xf32>
        %get3A_381 = arith.index_cast %add3A_361 : i32 to index
        %get3A_382 = arith.constant 16 : index
        %get3A_383 = tpu.vector_load %arg7[%get3A_381, %get3A_382] {strides = array<i32>} : memref<400x128xf32, #tpu.memory_space<vmem>>, vector<16xf32>,
        %add3A_384 = arith.addf %select_n3A_380, %get3A_383 : vector<16xf32>
        %swap3A_385 = arith.index_cast %add3A_352 : i32 to index
        %swap3A_386 = arith.constant 16 : index
        %swap3A_387 = tpu.vector_load %arg8[%swap3A_385, %swap3A_386] {strides = array<i32>} : memref<128x128xf32, #tpu.memory_space<vmem>>, vector<16xf32>,
        tpu.vector_store %arg8[%swap3A_385, %swap3A_386], %add3A_384 {strides = array<i32>} : memref<128x128xf32, #tpu.memory_space<vmem>>, vector<16xf32>,
        %get3A_388 = arith.index_cast %add3A_352 : i32 to index
        %get3A_389 = arith.constant 32 : index
        %get3A_390 = tpu.vector_load %arg8[%get3A_388, %get3A_389] {strides = array<i32>} : memref<128x128xf32, #tpu.memory_space<vmem>>, vector<16xf32>,
        %jit3A_391 = arith.constant 0.000000e+00 : f32
        %broadcast_in_dim3A_392 = vector.broadcast %jit3A_391 : f32 to vector<16xf32>
        %select_n3A_393 = arith.select %ne3A_360, %get3A_390, %broadcast_in_dim3A_392 : vector<16xi1>, vector<16xf32>
        %get3A_394 = arith.index_cast %add3A_361 : i32 to index
        %get3A_395 = arith.constant 32 : index
        %get3A_396 = tpu.vector_load %arg7[%get3A_394, %get3A_395] {strides = array<i32>} : memref<400x128xf32, #tpu.memory_space<vmem>>, vector<16xf32>,
        %add3A_397 = arith.addf %select_n3A_393, %get3A_396 : vector<16xf32>
        %swap3A_398 = arith.index_cast %add3A_352 : i32 to index
        %swap3A_399 = arith.constant 32 : index
        %swap3A_400 = tpu.vector_load %arg8[%swap3A_398, %swap3A_399] {strides = array<i32>} : memref<128x128xf32, #tpu.memory_space<vmem>>, vector<16xf32>,
        tpu.vector_store %arg8[%swap3A_398, %swap3A_399], %add3A_397 {strides = array<i32>} : memref<128x128xf32, #tpu.memory_space<vmem>>, vector<16xf32>,
        %get3A_401 = arith.index_cast %add3A_352 : i32 to index
        %get3A_402 = arith.constant 48 : index
        %get3A_403 = tpu.vector_load %arg8[%get3A_401, %get3A_402] {strides = array<i32>} : memref<128x128xf32, #tpu.memory_space<vmem>>, vector<16xf32>,
        %jit3A_404 = arith.constant 0.000000e+00 : f32
        %broadcast_in_dim3A_405 = vector.broadcast %jit3A_404 : f32 to vector<16xf32>
        %select_n3A_406 = arith.select %ne3A_360, %get3A_403, %broadcast_in_dim3A_405 : vector<16xi1>, vector<16xf32>
        %get3A_407 = arith.index_cast %add3A_361 : i32 to index
        %get3A_408 = arith.constant 48 : index
        %get3A_409 = tpu.vector_load %arg7[%get3A_407, %get3A_408] {strides = array<i32>} : memref<400x128xf32, #tpu.memory_space<vmem>>, vector<16xf32>,
        %add3A_410 = arith.addf %select_n3A_406, %get3A_409 : vector<16xf32>
        %swap3A_411 = arith.index_cast %add3A_352 : i32 to index
        %swap3A_412 = arith.constant 48 : index
        %swap3A_413 = tpu.vector_load %arg8[%swap3A_411, %swap3A_412] {strides = array<i32>} : memref<128x128xf32, #tpu.memory_space<vmem>>, vector<16xf32>,
        tpu.vector_store %arg8[%swap3A_411, %swap3A_412], %add3A_410 {strides = array<i32>} : memref<128x128xf32, #tpu.memory_space<vmem>>, vector<16xf32>,
        %get3A_414 = arith.index_cast %add3A_352 : i32 to index
        %get3A_415 = arith.constant 64 : index
        %get3A_416 = tpu.vector_load %arg8[%get3A_414, %get3A_415] {strides = array<i32>} : memref<128x128xf32, #tpu.memory_space<vmem>>, vector<16xf32>,
        %jit3A_417 = arith.constant 0.000000e+00 : f32
        %broadcast_in_dim3A_418 = vector.broadcast %jit3A_417 : f32 to vector<16xf32>
        %select_n3A_419 = arith.select %ne3A_360, %get3A_416, %broadcast_in_dim3A_418 : vector<16xi1>, vector<16xf32>
        %get3A_420 = arith.index_cast %add3A_361 : i32 to index
        %get3A_421 = arith.constant 64 : index
        %get3A_422 = tpu.vector_load %arg7[%get3A_420, %get3A_421] {strides = array<i32>} : memref<400x128xf32, #tpu.memory_space<vmem>>, vector<16xf32>,
        %add3A_423 = arith.addf %select_n3A_419, %get3A_422 : vector<16xf32>
        %swap3A_424 = arith.index_cast %add3A_352 : i32 to index
        %swap3A_425 = arith.constant 64 : index
        %swap3A_426 = tpu.vector_load %arg8[%swap3A_424, %swap3A_425] {strides = array<i32>} : memref<128x128xf32, #tpu.memory_space<vmem>>, vector<16xf32>,
        tpu.vector_store %arg8[%swap3A_424, %swap3A_425], %add3A_423 {strides = array<i32>} : memref<128x128xf32, #tpu.memory_space<vmem>>, vector<16xf32>,
        %get3A_427 = arith.index_cast %add3A_352 : i32 to index
        %get3A_428 = arith.constant 80 : index
        %get3A_429 = tpu.vector_load %arg8[%get3A_427, %get3A_428] {strides = array<i32>} : memref<128x128xf32, #tpu.memory_space<vmem>>, vector<16xf32>,
        %jit3A_430 = arith.constant 0.000000e+00 : f32
        %broadcast_in_dim3A_431 = vector.broadcast %jit3A_430 : f32 to vector<16xf32>
        %select_n3A_432 = arith.select %ne3A_360, %get3A_429, %broadcast_in_dim3A_431 : vector<16xi1>, vector<16xf32>
        %get3A_433 = arith.index_cast %add3A_361 : i32 to index
        %get3A_434 = arith.constant 80 : index
        %get3A_435 = tpu.vector_load %arg7[%get3A_433, %get3A_434] {strides = array<i32>} : memref<400x128xf32, #tpu.memory_space<vmem>>, vector<16xf32>,
        %add3A_436 = arith.addf %select_n3A_432, %get3A_435 : vector<16xf32>
        %swap3A_437 = arith.index_cast %add3A_352 : i32 to index
        %swap3A_438 = arith.constant 80 : index
        %swap3A_439 = tpu.vector_load %arg8[%swap3A_437, %swap3A_438] {strides = array<i32>} : memref<128x128xf32, #tpu.memory_space<vmem>>, vector<16xf32>,
        tpu.vector_store %arg8[%swap3A_437, %swap3A_438], %add3A_436 {strides = array<i32>} : memref<128x128xf32, #tpu.memory_space<vmem>>, vector<16xf32>,
        %get3A_440 = arith.index_cast %add3A_352 : i32 to index
        %get3A_441 = arith.constant 96 : index
        %get3A_442 = tpu.vector_load %arg8[%get3A_440, %get3A_441] {strides = array<i32>} : memref<128x128xf32, #tpu.memory_space<vmem>>, vector<16xf32>,
        %jit3A_443 = arith.constant 0.000000e+00 : f32
        %broadcast_in_dim3A_444 = vector.broadcast %jit3A_443 : f32 to vector<16xf32>
        %select_n3A_445 = arith.select %ne3A_360, %get3A_442, %broadcast_in_dim3A_444 : vector<16xi1>, vector<16xf32>
        %get3A_446 = arith.index_cast %add3A_361 : i32 to index
        %get3A_447 = arith.constant 96 : index
        %get3A_448 = tpu.vector_load %arg7[%get3A_446, %get3A_447] {strides = array<i32>} : memref<400x128xf32, #tpu.memory_space<vmem>>, vector<16xf32>,
        %add3A_449 = arith.addf %select_n3A_445, %get3A_448 : vector<16xf32>
        %swap3A_450 = arith.index_cast %add3A_352 : i32 to index
        %swap3A_451 = arith.constant 96 : index
        %swap3A_452 = tpu.vector_load %arg8[%swap3A_450, %swap3A_451] {strides = array<i32>} : memref<128x128xf32, #tpu.memory_space<vmem>>, vector<16xf32>,
        tpu.vector_store %arg8[%swap3A_450, %swap3A_451], %add3A_449 {strides = array<i32>} : memref<128x128xf32, #tpu.memory_space<vmem>>, vector<16xf32>,
        %get3A_453 = arith.index_cast %add3A_352 : i32 to index
        %get3A_454 = arith.constant 112 : index
        %get3A_455 = tpu.vector_load %arg8[%get3A_453, %get3A_454] {strides = array<i32>} : memref<128x128xf32, #tpu.memory_space<vmem>>, vector<16xf32>,
        %jit3A_456 = arith.constant 0.000000e+00 : f32
        %broadcast_in_dim3A_457 = vector.broadcast %jit3A_456 : f32 to vector<16xf32>
        %select_n3A_458 = arith.select %ne3A_360, %get3A_455, %broadcast_in_dim3A_457 : vector<16xi1>, vector<16xf32>
        %get3A_459 = arith.index_cast %add3A_361 : i32 to index
        %get3A_460 = arith.constant 112 : index
        %get3A_461 = tpu.vector_load %arg7[%get3A_459, %get3A_460] {strides = array<i32>} : memref<400x128xf32, #tpu.memory_space<vmem>>, vector<16xf32>,
        %add3A_462 = arith.addf %select_n3A_458, %get3A_461 : vector<16xf32>
        %swap3A_463 = arith.index_cast %add3A_352 : i32 to index
        %swap3A_464 = arith.constant 112 : index
        %swap3A_465 = tpu.vector_load %arg8[%swap3A_463, %swap3A_464] {strides = array<i32>} : memref<128x128xf32, #tpu.memory_space<vmem>>, vector<16xf32>,
        tpu.vector_store %arg8[%swap3A_463, %swap3A_464], %add3A_462 {strides = array<i32>} : memref<128x128xf32, #tpu.memory_space<vmem>>, vector<16xf32>,
        %add3A_466 = arith.constant 3 : i32
        %add3A_467 = arith.addi %mul3A_124, %add3A_466 : i32
        %mul3A_468 = arith.constant 128 : i32
        %mul3A_469 = arith.muli %add3A_32, %mul3A_468 : i32
        %add3A_470 = arith.addi %mul3A_469, %add3A_467 : i32
        %broadcast_in_dim3A_471 = vector.broadcast %add3A_470 : i32 to vector<16xi32>
        %gather3A_472 = tpu.vector_load_idx %arg6[%broadcast_in_dim3A_471] : memref<6400xi32, #tpu.memory_space<vmem>>[vector<16xi32>], vector<16xi32>,
        %ne3A_473 = arith.constant 0 : i32
        %ne3A_474 = vector.broadcast %ne3A_473 : i32 to vector<16xi32>
        %ne3A_475 = arith.cmpi ne, %gather3A_472, %ne3A_474 : vector<16xi32>
        %add3A_476 = arith.addi %select_n3A_57, %add3A_467 : i32
        %get3A_477 = arith.index_cast %add3A_467 : i32 to index
        %get3A_478 = arith.constant 0 : index
        %get3A_479 = tpu.vector_load %arg8[%get3A_477, %get3A_478] {strides = array<i32>} : memref<128x128xf32, #tpu.memory_space<vmem>>, vector<16xf32>,
        %jit3A_480 = arith.constant 0.000000e+00 : f32
        %broadcast_in_dim3A_481 = vector.broadcast %jit3A_480 : f32 to vector<16xf32>
        %select_n3A_482 = arith.select %ne3A_475, %get3A_479, %broadcast_in_dim3A_481 : vector<16xi1>, vector<16xf32>
        %get3A_483 = arith.index_cast %add3A_476 : i32 to index
        %get3A_484 = arith.constant 0 : index
        %get3A_485 = tpu.vector_load %arg7[%get3A_483, %get3A_484] {strides = array<i32>} : memref<400x128xf32, #tpu.memory_space<vmem>>, vector<16xf32>,
        %add3A_486 = arith.addf %select_n3A_482, %get3A_485 : vector<16xf32>
        %swap3A_487 = arith.index_cast %add3A_467 : i32 to index
        %swap3A_488 = arith.constant 0 : index
        %swap3A_489 = tpu.vector_load %arg8[%swap3A_487, %swap3A_488] {strides = array<i32>} : memref<128x128xf32, #tpu.memory_space<vmem>>, vector<16xf32>,
        tpu.vector_store %arg8[%swap3A_487, %swap3A_488], %add3A_486 {strides = array<i32>} : memref<128x128xf32, #tpu.memory_space<vmem>>, vector<16xf32>,
        %get3A_490 = arith.index_cast %add3A_467 : i32 to index
        %get3A_491 = arith.constant 16 : index
        %get3A_492 = tpu.vector_load %arg8[%get3A_490, %get3A_491] {strides = array<i32>} : memref<128x128xf32, #tpu.memory_space<vmem>>, vector<16xf32>,
        %jit3A_493 = arith.constant 0.000000e+00 : f32
        %broadcast_in_dim3A_494 = vector.broadcast %jit3A_493 : f32 to vector<16xf32>
        %select_n3A_495 = arith.select %ne3A_475, %get3A_492, %broadcast_in_dim3A_494 : vector<16xi1>, vector<16xf32>
        %get3A_496 = arith.index_cast %add3A_476 : i32 to index
        %get3A_497 = arith.constant 16 : index
        %get3A_498 = tpu.vector_load %arg7[%get3A_496, %get3A_497] {strides = array<i32>} : memref<400x128xf32, #tpu.memory_space<vmem>>, vector<16xf32>,
        %add3A_499 = arith.addf %select_n3A_495, %get3A_498 : vector<16xf32>
        %swap3A_500 = arith.index_cast %add3A_467 : i32 to index
        %swap3A_501 = arith.constant 16 : index
        %swap3A_502 = tpu.vector_load %arg8[%swap3A_500, %swap3A_501] {strides = array<i32>} : memref<128x128xf32, #tpu.memory_space<vmem>>, vector<16xf32>,
        tpu.vector_store %arg8[%swap3A_500, %swap3A_501], %add3A_499 {strides = array<i32>} : memref<128x128xf32, #tpu.memory_space<vmem>>, vector<16xf32>,
        %get3A_503 = arith.index_cast %add3A_467 : i32 to index
        %get3A_504 = arith.constant 32 : index
        %get3A_505 = tpu.vector_load %arg8[%get3A_503, %get3A_504] {strides = array<i32>} : memref<128x128xf32, #tpu.memory_space<vmem>>, vector<16xf32>,
        %jit3A_506 = arith.constant 0.000000e+00 : f32
        %broadcast_in_dim3A_507 = vector.broadcast %jit3A_506 : f32 to vector<16xf32>
        %select_n3A_508 = arith.select %ne3A_475, %get3A_505, %broadcast_in_dim3A_507 : vector<16xi1>, vector<16xf32>
        %get3A_509 = arith.index_cast %add3A_476 : i32 to index
        %get3A_510 = arith.constant 32 : index
        %get3A_511 = tpu.vector_load %arg7[%get3A_509, %get3A_510] {strides = array<i32>} : memref<400x128xf32, #tpu.memory_space<vmem>>, vector<16xf32>,
        %add3A_512 = arith.addf %select_n3A_508, %get3A_511 : vector<16xf32>
        %swap3A_513 = arith.index_cast %add3A_467 : i32 to index
        %swap3A_514 = arith.constant 32 : index
        %swap3A_515 = tpu.vector_load %arg8[%swap3A_513, %swap3A_514] {strides = array<i32>} : memref<128x128xf32, #tpu.memory_space<vmem>>, vector<16xf32>,
        tpu.vector_store %arg8[%swap3A_513, %swap3A_514], %add3A_512 {strides = array<i32>} : memref<128x128xf32, #tpu.memory_space<vmem>>, vector<16xf32>,
        %get3A_516 = arith.index_cast %add3A_467 : i32 to index
        %get3A_517 = arith.constant 48 : index
        %get3A_518 = tpu.vector_load %arg8[%get3A_516, %get3A_517] {strides = array<i32>} : memref<128x128xf32, #tpu.memory_space<vmem>>, vector<16xf32>,
        %jit3A_519 = arith.constant 0.000000e+00 : f32
        %broadcast_in_dim3A_520 = vector.broadcast %jit3A_519 : f32 to vector<16xf32>
        %select_n3A_521 = arith.select %ne3A_475, %get3A_518, %broadcast_in_dim3A_520 : vector<16xi1>, vector<16xf32>
        %get3A_522 = arith.index_cast %add3A_476 : i32 to index
        %get3A_523 = arith.constant 48 : index
        %get3A_524 = tpu.vector_load %arg7[%get3A_522, %get3A_523] {strides = array<i32>} : memref<400x128xf32, #tpu.memory_space<vmem>>, vector<16xf32>,
        %add3A_525 = arith.addf %select_n3A_521, %get3A_524 : vector<16xf32>
        %swap3A_526 = arith.index_cast %add3A_467 : i32 to index
        %swap3A_527 = arith.constant 48 : index
        %swap3A_528 = tpu.vector_load %arg8[%swap3A_526, %swap3A_527] {strides = array<i32>} : memref<128x128xf32, #tpu.memory_space<vmem>>, vector<16xf32>,
        tpu.vector_store %arg8[%swap3A_526, %swap3A_527], %add3A_525 {strides = array<i32>} : memref<128x128xf32, #tpu.memory_space<vmem>>, vector<16xf32>,
        %get3A_529 = arith.index_cast %add3A_467 : i32 to index
        %get3A_530 = arith.constant 64 : index
        %get3A_531 = tpu.vector_load %arg8[%get3A_529, %get3A_530] {strides = array<i32>} : memref<128x128xf32, #tpu.memory_space<vmem>>, vector<16xf32>,
        %jit3A_532 = arith.constant 0.000000e+00 : f32
        %broadcast_in_dim3A_533 = vector.broadcast %jit3A_532 : f32 to vector<16xf32>
        %select_n3A_534 = arith.select %ne3A_475, %get3A_531, %broadcast_in_dim3A_533 : vector<16xi1>, vector<16xf32>
        %get3A_535 = arith.index_cast %add3A_476 : i32 to index
        %get3A_536 = arith.constant 64 : index
        %get3A_537 = tpu.vector_load %arg7[%get3A_535, %get3A_536] {strides = array<i32>} : memref<400x128xf32, #tpu.memory_space<vmem>>, vector<16xf32>,
        %add3A_538 = arith.addf %select_n3A_534, %get3A_537 : vector<16xf32>
        %swap3A_539 = arith.index_cast %add3A_467 : i32 to index
        %swap3A_540 = arith.constant 64 : index
        %swap3A_541 = tpu.vector_load %arg8[%swap3A_539, %swap3A_540] {strides = array<i32>} : memref<128x128xf32, #tpu.memory_space<vmem>>, vector<16xf32>,
        tpu.vector_store %arg8[%swap3A_539, %swap3A_540], %add3A_538 {strides = array<i32>} : memref<128x128xf32, #tpu.memory_space<vmem>>, vector<16xf32>,
        %get3A_542 = arith.index_cast %add3A_467 : i32 to index
        %get3A_543 = arith.constant 80 : index
        %get3A_544 = tpu.vector_load %arg8[%get3A_542, %get3A_543] {strides = array<i32>} : memref<128x128xf32, #tpu.memory_space<vmem>>, vector<16xf32>,
        %jit3A_545 = arith.constant 0.000000e+00 : f32
        %broadcast_in_dim3A_546 = vector.broadcast %jit3A_545 : f32 to vector<16xf32>
        %select_n3A_547 = arith.select %ne3A_475, %get3A_544, %broadcast_in_dim3A_546 : vector<16xi1>, vector<16xf32>
        %get3A_548 = arith.index_cast %add3A_476 : i32 to index
        %get3A_549 = arith.constant 80 : index
        %get3A_550 = tpu.vector_load %arg7[%get3A_548, %get3A_549] {strides = array<i32>} : memref<400x128xf32, #tpu.memory_space<vmem>>, vector<16xf32>,
        %add3A_551 = arith.addf %select_n3A_547, %get3A_550 : vector<16xf32>
        %swap3A_552 = arith.index_cast %add3A_467 : i32 to index
        %swap3A_553 = arith.constant 80 : index
        %swap3A_554 = tpu.vector_load %arg8[%swap3A_552, %swap3A_553] {strides = array<i32>} : memref<128x128xf32, #tpu.memory_space<vmem>>, vector<16xf32>,
        tpu.vector_store %arg8[%swap3A_552, %swap3A_553], %add3A_551 {strides = array<i32>} : memref<128x128xf32, #tpu.memory_space<vmem>>, vector<16xf32>,
        %get3A_555 = arith.index_cast %add3A_467 : i32 to index
        %get3A_556 = arith.constant 96 : index
        %get3A_557 = tpu.vector_load %arg8[%get3A_555, %get3A_556] {strides = array<i32>} : memref<128x128xf32, #tpu.memory_space<vmem>>, vector<16xf32>,
        %jit3A_558 = arith.constant 0.000000e+00 : f32
        %broadcast_in_dim3A_559 = vector.broadcast %jit3A_558 : f32 to vector<16xf32>
        %select_n3A_560 = arith.select %ne3A_475, %get3A_557, %broadcast_in_dim3A_559 : vector<16xi1>, vector<16xf32>
        %get3A_561 = arith.index_cast %add3A_476 : i32 to index
        %get3A_562 = arith.constant 96 : index
        %get3A_563 = tpu.vector_load %arg7[%get3A_561, %get3A_562] {strides = array<i32>} : memref<400x128xf32, #tpu.memory_space<vmem>>, vector<16xf32>,
        %add3A_564 = arith.addf %select_n3A_560, %get3A_563 : vector<16xf32>
        %swap3A_565 = arith.index_cast %add3A_467 : i32 to index
        %swap3A_566 = arith.constant 96 : index
        %swap3A_567 = tpu.vector_load %arg8[%swap3A_565, %swap3A_566] {strides = array<i32>} : memref<128x128xf32, #tpu.memory_space<vmem>>, vector<16xf32>,
        tpu.vector_store %arg8[%swap3A_565, %swap3A_566], %add3A_564 {strides = array<i32>} : memref<128x128xf32, #tpu.memory_space<vmem>>, vector<16xf32>,
        %get3A_568 = arith.index_cast %add3A_467 : i32 to index
        %get3A_569 = arith.constant 112 : index
        %get3A_570 = tpu.vector_load %arg8[%get3A_568, %get3A_569] {strides = array<i32>} : memref<128x128xf32, #tpu.memory_space<vmem>>, vector<16xf32>,
        %jit3A_571 = arith.constant 0.000000e+00 : f32
        %broadcast_in_dim3A_572 = vector.broadcast %jit3A_571 : f32 to vector<16xf32>
        %select_n3A_573 = arith.select %ne3A_475, %get3A_570, %broadcast_in_dim3A_572 : vector<16xi1>, vector<16xf32>
        %get3A_574 = arith.index_cast %add3A_476 : i32 to index
        %get3A_575 = arith.constant 112 : index
        %get3A_576 = tpu.vector_load %arg7[%get3A_574, %get3A_575] {strides = array<i32>} : memref<400x128xf32, #tpu.memory_space<vmem>>, vector<16xf32>,
        %add3A_577 = arith.addf %select_n3A_573, %get3A_576 : vector<16xf32>
        %swap3A_578 = arith.index_cast %add3A_467 : i32 to index
        %swap3A_579 = arith.constant 112 : index
        %swap3A_580 = tpu.vector_load %arg8[%swap3A_578, %swap3A_579] {strides = array<i32>} : memref<128x128xf32, #tpu.memory_space<vmem>>, vector<16xf32>,
        tpu.vector_store %arg8[%swap3A_578, %swap3A_579], %add3A_577 {strides = array<i32>} : memref<128x128xf32, #tpu.memory_space<vmem>>, vector<16xf32>,
        %add3A_581 = arith.constant 4 : i32
        %add3A_582 = arith.addi %mul3A_124, %add3A_581 : i32
        %mul3A_583 = arith.constant 128 : i32
        %mul3A_584 = arith.muli %add3A_32, %mul3A_583 : i32
        %add3A_585 = arith.addi %mul3A_584, %add3A_582 : i32
        %broadcast_in_dim3A_586 = vector.broadcast %add3A_585 : i32 to vector<16xi32>
        %gather3A_587 = tpu.vector_load_idx %arg6[%broadcast_in_dim3A_586] : memref<6400xi32, #tpu.memory_space<vmem>>[vector<16xi32>], vector<16xi32>,
        %ne3A_588 = arith.constant 0 : i32
        %ne3A_589 = vector.broadcast %ne3A_588 : i32 to vector<16xi32>
        %ne3A_590 = arith.cmpi ne, %gather3A_587, %ne3A_589 : vector<16xi32>
        %add3A_591 = arith.addi %select_n3A_57, %add3A_582 : i32
        %get3A_592 = arith.index_cast %add3A_582 : i32 to index
        %get3A_593 = arith.constant 0 : index
        %get3A_594 = tpu.vector_load %arg8[%get3A_592, %get3A_593] {strides = array<i32>} : memref<128x128xf32, #tpu.memory_space<vmem>>, vector<16xf32>,
        %jit3A_595 = arith.constant 0.000000e+00 : f32
        %broadcast_in_dim3A_596 = vector.broadcast %jit3A_595 : f32 to vector<16xf32>
        %select_n3A_597 = arith.select %ne3A_590, %get3A_594, %broadcast_in_dim3A_596 : vector<16xi1>, vector<16xf32>
        %get3A_598 = arith.index_cast %add3A_591 : i32 to index
        %get3A_599 = arith.constant 0 : index
        %get3A_600 = tpu.vector_load %arg7[%get3A_598, %get3A_599] {strides = array<i32>} : memref<400x128xf32, #tpu.memory_space<vmem>>, vector<16xf32>,
        %add3A_601 = arith.addf %select_n3A_597, %get3A_600 : vector<16xf32>
        %swap3A_602 = arith.index_cast %add3A_582 : i32 to index
        %swap3A_603 = arith.constant 0 : index
        %swap3A_604 = tpu.vector_load %arg8[%swap3A_602, %swap3A_603] {strides = array<i32>} : memref<128x128xf32, #tpu.memory_space<vmem>>, vector<16xf32>,
        tpu.vector_store %arg8[%swap3A_602, %swap3A_603], %add3A_601 {strides = array<i32>} : memref<128x128xf32, #tpu.memory_space<vmem>>, vector<16xf32>,
        %get3A_605 = arith.index_cast %add3A_582 : i32 to index
        %get3A_606 = arith.constant 16 : index
        %get3A_607 = tpu.vector_load %arg8[%get3A_605, %get3A_606] {strides = array<i32>} : memref<128x128xf32, #tpu.memory_space<vmem>>, vector<16xf32>,
        %jit3A_608 = arith.constant 0.000000e+00 : f32
        %broadcast_in_dim3A_609 = vector.broadcast %jit3A_608 : f32 to vector<16xf32>
        %select_n3A_610 = arith.select %ne3A_590, %get3A_607, %broadcast_in_dim3A_609 : vector<16xi1>, vector<16xf32>
        %get3A_611 = arith.index_cast %add3A_591 : i32 to index
        %get3A_612 = arith.constant 16 : index
        %get3A_613 = tpu.vector_load %arg7[%get3A_611, %get3A_612] {strides = array<i32>} : memref<400x128xf32, #tpu.memory_space<vmem>>, vector<16xf32>,
        %add3A_614 = arith.addf %select_n3A_610, %get3A_613 : vector<16xf32>
        %swap3A_615 = arith.index_cast %add3A_582 : i32 to index
        %swap3A_616 = arith.constant 16 : index
        %swap3A_617 = tpu.vector_load %arg8[%swap3A_615, %swap3A_616] {strides = array<i32>} : memref<128x128xf32, #tpu.memory_space<vmem>>, vector<16xf32>,
        tpu.vector_store %arg8[%swap3A_615, %swap3A_616], %add3A_614 {strides = array<i32>} : memref<128x128xf32, #tpu.memory_space<vmem>>, vector<16xf32>,
        %get3A_618 = arith.index_cast %add3A_582 : i32 to index
        %get3A_619 = arith.constant 32 : index
        %get3A_620 = tpu.vector_load %arg8[%get3A_618, %get3A_619] {strides = array<i32>} : memref<128x128xf32, #tpu.memory_space<vmem>>, vector<16xf32>,
        %jit3A_621 = arith.constant 0.000000e+00 : f32
        %broadcast_in_dim3A_622 = vector.broadcast %jit3A_621 : f32 to vector<16xf32>
        %select_n3A_623 = arith.select %ne3A_590, %get3A_620, %broadcast_in_dim3A_622 : vector<16xi1>, vector<16xf32>
        %get3A_624 = arith.index_cast %add3A_591 : i32 to index
        %get3A_625 = arith.constant 32 : index
        %get3A_626 = tpu.vector_load %arg7[%get3A_624, %get3A_625] {strides = array<i32>} : memref<400x128xf32, #tpu.memory_space<vmem>>, vector<16xf32>,
        %add3A_627 = arith.addf %select_n3A_623, %get3A_626 : vector<16xf32>
        %swap3A_628 = arith.index_cast %add3A_582 : i32 to index
        %swap3A_629 = arith.constant 32 : index
        %swap3A_630 = tpu.vector_load %arg8[%swap3A_628, %swap3A_629] {strides = array<i32>} : memref<128x128xf32, #tpu.memory_space<vmem>>, vector<16xf32>,
        tpu.vector_store %arg8[%swap3A_628, %swap3A_629], %add3A_627 {strides = array<i32>} : memref<128x128xf32, #tpu.memory_space<vmem>>, vector<16xf32>,
        %get3A_631 = arith.index_cast %add3A_582 : i32 to index
        %get3A_632 = arith.constant 48 : index
        %get3A_633 = tpu.vector_load %arg8[%get3A_631, %get3A_632] {strides = array<i32>} : memref<128x128xf32, #tpu.memory_space<vmem>>, vector<16xf32>,
        %jit3A_634 = arith.constant 0.000000e+00 : f32
        %broadcast_in_dim3A_635 = vector.broadcast %jit3A_634 : f32 to vector<16xf32>
        %select_n3A_636 = arith.select %ne3A_590, %get3A_633, %broadcast_in_dim3A_635 : vector<16xi1>, vector<16xf32>
        %get3A_637 = arith.index_cast %add3A_591 : i32 to index
        %get3A_638 = arith.constant 48 : index
        %get3A_639 = tpu.vector_load %arg7[%get3A_637, %get3A_638] {strides = array<i32>} : memref<400x128xf32, #tpu.memory_space<vmem>>, vector<16xf32>,
        %add3A_640 = arith.addf %select_n3A_636, %get3A_639 : vector<16xf32>
        %swap3A_641 = arith.index_cast %add3A_582 : i32 to index
        %swap3A_642 = arith.constant 48 : index
        %swap3A_643 = tpu.vector_load %arg8[%swap3A_641, %swap3A_642] {strides = array<i32>} : memref<128x128xf32, #tpu.memory_space<vmem>>, vector<16xf32>,
        tpu.vector_store %arg8[%swap3A_641, %swap3A_642], %add3A_640 {strides = array<i32>} : memref<128x128xf32, #tpu.memory_space<vmem>>, vector<16xf32>,
        %get3A_644 = arith.index_cast %add3A_582 : i32 to index
        %get3A_645 = arith.constant 64 : index
        %get3A_646 = tpu.vector_load %arg8[%get3A_644, %get3A_645] {strides = array<i32>} : memref<128x128xf32, #tpu.memory_space<vmem>>, vector<16xf32>,
        %jit3A_647 = arith.constant 0.000000e+00 : f32
        %broadcast_in_dim3A_648 = vector.broadcast %jit3A_647 : f32 to vector<16xf32>
        %select_n3A_649 = arith.select %ne3A_590, %get3A_646, %broadcast_in_dim3A_648 : vector<16xi1>, vector<16xf32>
        %get3A_650 = arith.index_cast %add3A_591 : i32 to index
        %get3A_651 = arith.constant 64 : index
        %get3A_652 = tpu.vector_load %arg7[%get3A_650, %get3A_651] {strides = array<i32>} : memref<400x128xf32, #tpu.memory_space<vmem>>, vector<16xf32>,
        %add3A_653 = arith.addf %select_n3A_649, %get3A_652 : vector<16xf32>
        %swap3A_654 = arith.index_cast %add3A_582 : i32 to index
        %swap3A_655 = arith.constant 64 : index
        %swap3A_656 = tpu.vector_load %arg8[%swap3A_654, %swap3A_655] {strides = array<i32>} : memref<128x128xf32, #tpu.memory_space<vmem>>, vector<16xf32>,
        tpu.vector_store %arg8[%swap3A_654, %swap3A_655], %add3A_653 {strides = array<i32>} : memref<128x128xf32, #tpu.memory_space<vmem>>, vector<16xf32>,
        %get3A_657 = arith.index_cast %add3A_582 : i32 to index
        %get3A_658 = arith.constant 80 : index
        %get3A_659 = tpu.vector_load %arg8[%get3A_657, %get3A_658] {strides = array<i32>} : memref<128x128xf32, #tpu.memory_space<vmem>>, vector<16xf32>,
        %jit3A_660 = arith.constant 0.000000e+00 : f32
        %broadcast_in_dim3A_661 = vector.broadcast %jit3A_660 : f32 to vector<16xf32>
        %select_n3A_662 = arith.select %ne3A_590, %get3A_659, %broadcast_in_dim3A_661 : vector<16xi1>, vector<16xf32>
        %get3A_663 = arith.index_cast %add3A_591 : i32 to index
        %get3A_664 = arith.constant 80 : index
        %get3A_665 = tpu.vector_load %arg7[%get3A_663, %get3A_664] {strides = array<i32>} : memref<400x128xf32, #tpu.memory_space<vmem>>, vector<16xf32>,
        %add3A_666 = arith.addf %select_n3A_662, %get3A_665 : vector<16xf32>
        %swap3A_667 = arith.index_cast %add3A_582 : i32 to index
        %swap3A_668 = arith.constant 80 : index
        %swap3A_669 = tpu.vector_load %arg8[%swap3A_667, %swap3A_668] {strides = array<i32>} : memref<128x128xf32, #tpu.memory_space<vmem>>, vector<16xf32>,
        tpu.vector_store %arg8[%swap3A_667, %swap3A_668], %add3A_666 {strides = array<i32>} : memref<128x128xf32, #tpu.memory_space<vmem>>, vector<16xf32>,
        %get3A_670 = arith.index_cast %add3A_582 : i32 to index
        %get3A_671 = arith.constant 96 : index
        %get3A_672 = tpu.vector_load %arg8[%get3A_670, %get3A_671] {strides = array<i32>} : memref<128x128xf32, #tpu.memory_space<vmem>>, vector<16xf32>,
        %jit3A_673 = arith.constant 0.000000e+00 : f32
        %broadcast_in_dim3A_674 = vector.broadcast %jit3A_673 : f32 to vector<16xf32>
        %select_n3A_675 = arith.select %ne3A_590, %get3A_672, %broadcast_in_dim3A_674 : vector<16xi1>, vector<16xf32>
        %get3A_676 = arith.index_cast %add3A_591 : i32 to index
        %get3A_677 = arith.constant 96 : index
        %get3A_678 = tpu.vector_load %arg7[%get3A_676, %get3A_677] {strides = array<i32>} : memref<400x128xf32, #tpu.memory_space<vmem>>, vector<16xf32>,
        %add3A_679 = arith.addf %select_n3A_675, %get3A_678 : vector<16xf32>
        %swap3A_680 = arith.index_cast %add3A_582 : i32 to index
        %swap3A_681 = arith.constant 96 : index
        %swap3A_682 = tpu.vector_load %arg8[%swap3A_680, %swap3A_681] {strides = array<i32>} : memref<128x128xf32, #tpu.memory_space<vmem>>, vector<16xf32>,
        tpu.vector_store %arg8[%swap3A_680, %swap3A_681], %add3A_679 {strides = array<i32>} : memref<128x128xf32, #tpu.memory_space<vmem>>, vector<16xf32>,
        %get3A_683 = arith.index_cast %add3A_582 : i32 to index
        %get3A_684 = arith.constant 112 : index
        %get3A_685 = tpu.vector_load %arg8[%get3A_683, %get3A_684] {strides = array<i32>} : memref<128x128xf32, #tpu.memory_space<vmem>>, vector<16xf32>,
        %jit3A_686 = arith.constant 0.000000e+00 : f32
        %broadcast_in_dim3A_687 = vector.broadcast %jit3A_686 : f32 to vector<16xf32>
        %select_n3A_688 = arith.select %ne3A_590, %get3A_685, %broadcast_in_dim3A_687 : vector<16xi1>, vector<16xf32>
        %get3A_689 = arith.index_cast %add3A_591 : i32 to index
        %get3A_690 = arith.constant 112 : index
        %get3A_691 = tpu.vector_load %arg7[%get3A_689, %get3A_690] {strides = array<i32>} : memref<400x128xf32, #tpu.memory_space<vmem>>, vector<16xf32>,
        %add3A_692 = arith.addf %select_n3A_688, %get3A_691 : vector<16xf32>
        %swap3A_693 = arith.index_cast %add3A_582 : i32 to index
        %swap3A_694 = arith.constant 112 : index
        %swap3A_695 = tpu.vector_load %arg8[%swap3A_693, %swap3A_694] {strides = array<i32>} : memref<128x128xf32, #tpu.memory_space<vmem>>, vector<16xf32>,
        tpu.vector_store %arg8[%swap3A_693, %swap3A_694], %add3A_692 {strides = array<i32>} : memref<128x128xf32, #tpu.memory_space<vmem>>, vector<16xf32>,
        %add3A_696 = arith.constant 5 : i32
        %add3A_697 = arith.addi %mul3A_124, %add3A_696 : i32
        %mul3A_698 = arith.constant 128 : i32
        %mul3A_699 = arith.muli %add3A_32, %mul3A_698 : i32
        %add3A_700 = arith.addi %mul3A_699, %add3A_697 : i32
        %broadcast_in_dim3A_701 = vector.broadcast %add3A_700 : i32 to vector<16xi32>
        %gather3A_702 = tpu.vector_load_idx %arg6[%broadcast_in_dim3A_701] : memref<6400xi32, #tpu.memory_space<vmem>>[vector<16xi32>], vector<16xi32>,
        %ne3A_703 = arith.constant 0 : i32
        %ne3A_704 = vector.broadcast %ne3A_703 : i32 to vector<16xi32>
        %ne3A_705 = arith.cmpi ne, %gather3A_702, %ne3A_704 : vector<16xi32>
        %add3A_706 = arith.addi %select_n3A_57, %add3A_697 : i32
        %get3A_707 = arith.index_cast %add3A_697 : i32 to index
        %get3A_708 = arith.constant 0 : index
        %get3A_709 = tpu.vector_load %arg8[%get3A_707, %get3A_708] {strides = array<i32>} : memref<128x128xf32, #tpu.memory_space<vmem>>, vector<16xf32>,
        %jit3A_710 = arith.constant 0.000000e+00 : f32
        %broadcast_in_dim3A_711 = vector.broadcast %jit3A_710 : f32 to vector<16xf32>
        %select_n3A_712 = arith.select %ne3A_705, %get3A_709, %broadcast_in_dim3A_711 : vector<16xi1>, vector<16xf32>
        %get3A_713 = arith.index_cast %add3A_706 : i32 to index
        %get3A_714 = arith.constant 0 : index
        %get3A_715 = tpu.vector_load %arg7[%get3A_713, %get3A_714] {strides = array<i32>} : memref<400x128xf32, #tpu.memory_space<vmem>>, vector<16xf32>,
        %add3A_716 = arith.addf %select_n3A_712, %get3A_715 : vector<16xf32>
        %swap3A_717 = arith.index_cast %add3A_697 : i32 to index
        %swap3A_718 = arith.constant 0 : index
        %swap3A_719 = tpu.vector_load %arg8[%swap3A_717, %swap3A_718] {strides = array<i32>} : memref<128x128xf32, #tpu.memory_space<vmem>>, vector<16xf32>,
        tpu.vector_store %arg8[%swap3A_717, %swap3A_718], %add3A_716 {strides = array<i32>} : memref<128x128xf32, #tpu.memory_space<vmem>>, vector<16xf32>,
        %get3A_720 = arith.index_cast %add3A_697 : i32 to index
        %get3A_721 = arith.constant 16 : index
        %get3A_722 = tpu.vector_load %arg8[%get3A_720, %get3A_721] {strides = array<i32>} : memref<128x128xf32, #tpu.memory_space<vmem>>, vector<16xf32>,
        %jit3A_723 = arith.constant 0.000000e+00 : f32
        %broadcast_in_dim3A_724 = vector.broadcast %jit3A_723 : f32 to vector<16xf32>
        %select_n3A_725 = arith.select %ne3A_705, %get3A_722, %broadcast_in_dim3A_724 : vector<16xi1>, vector<16xf32>
        %get3A_726 = arith.index_cast %add3A_706 : i32 to index
        %get3A_727 = arith.constant 16 : index
        %get3A_728 = tpu.vector_load %arg7[%get3A_726, %get3A_727] {strides = array<i32>} : memref<400x128xf32, #tpu.memory_space<vmem>>, vector<16xf32>,
        %add3A_729 = arith.addf %select_n3A_725, %get3A_728 : vector<16xf32>
        %swap3A_730 = arith.index_cast %add3A_697 : i32 to index
        %swap3A_731 = arith.constant 16 : index
        %swap3A_732 = tpu.vector_load %arg8[%swap3A_730, %swap3A_731] {strides = array<i32>} : memref<128x128xf32, #tpu.memory_space<vmem>>, vector<16xf32>,
        tpu.vector_store %arg8[%swap3A_730, %swap3A_731], %add3A_729 {strides = array<i32>} : memref<128x128xf32, #tpu.memory_space<vmem>>, vector<16xf32>,
        %get3A_733 = arith.index_cast %add3A_697 : i32 to index
        %get3A_734 = arith.constant 32 : index
        %get3A_735 = tpu.vector_load %arg8[%get3A_733, %get3A_734] {strides = array<i32>} : memref<128x128xf32, #tpu.memory_space<vmem>>, vector<16xf32>,
        %jit3A_736 = arith.constant 0.000000e+00 : f32
        %broadcast_in_dim3A_737 = vector.broadcast %jit3A_736 : f32 to vector<16xf32>
        %select_n3A_738 = arith.select %ne3A_705, %get3A_735, %broadcast_in_dim3A_737 : vector<16xi1>, vector<16xf32>
        %get3A_739 = arith.index_cast %add3A_706 : i32 to index
        %get3A_740 = arith.constant 32 : index
        %get3A_741 = tpu.vector_load %arg7[%get3A_739, %get3A_740] {strides = array<i32>} : memref<400x128xf32, #tpu.memory_space<vmem>>, vector<16xf32>,
        %add3A_742 = arith.addf %select_n3A_738, %get3A_741 : vector<16xf32>
        %swap3A_743 = arith.index_cast %add3A_697 : i32 to index
        %swap3A_744 = arith.constant 32 : index
        %swap3A_745 = tpu.vector_load %arg8[%swap3A_743, %swap3A_744] {strides = array<i32>} : memref<128x128xf32, #tpu.memory_space<vmem>>, vector<16xf32>,
        tpu.vector_store %arg8[%swap3A_743, %swap3A_744], %add3A_742 {strides = array<i32>} : memref<128x128xf32, #tpu.memory_space<vmem>>, vector<16xf32>,
        %get3A_746 = arith.index_cast %add3A_697 : i32 to index
        %get3A_747 = arith.constant 48 : index
        %get3A_748 = tpu.vector_load %arg8[%get3A_746, %get3A_747] {strides = array<i32>} : memref<128x128xf32, #tpu.memory_space<vmem>>, vector<16xf32>,
        %jit3A_749 = arith.constant 0.000000e+00 : f32
        %broadcast_in_dim3A_750 = vector.broadcast %jit3A_749 : f32 to vector<16xf32>
        %select_n3A_751 = arith.select %ne3A_705, %get3A_748, %broadcast_in_dim3A_750 : vector<16xi1>, vector<16xf32>
        %get3A_752 = arith.index_cast %add3A_706 : i32 to index
        %get3A_753 = arith.constant 48 : index
        %get3A_754 = tpu.vector_load %arg7[%get3A_752, %get3A_753] {strides = array<i32>} : memref<400x128xf32, #tpu.memory_space<vmem>>, vector<16xf32>,
        %add3A_755 = arith.addf %select_n3A_751, %get3A_754 : vector<16xf32>
        %swap3A_756 = arith.index_cast %add3A_697 : i32 to index
        %swap3A_757 = arith.constant 48 : index
        %swap3A_758 = tpu.vector_load %arg8[%swap3A_756, %swap3A_757] {strides = array<i32>} : memref<128x128xf32, #tpu.memory_space<vmem>>, vector<16xf32>,
        tpu.vector_store %arg8[%swap3A_756, %swap3A_757], %add3A_755 {strides = array<i32>} : memref<128x128xf32, #tpu.memory_space<vmem>>, vector<16xf32>,
        %get3A_759 = arith.index_cast %add3A_697 : i32 to index
        %get3A_760 = arith.constant 64 : index
        %get3A_761 = tpu.vector_load %arg8[%get3A_759, %get3A_760] {strides = array<i32>} : memref<128x128xf32, #tpu.memory_space<vmem>>, vector<16xf32>,
        %jit3A_762 = arith.constant 0.000000e+00 : f32
        %broadcast_in_dim3A_763 = vector.broadcast %jit3A_762 : f32 to vector<16xf32>
        %select_n3A_764 = arith.select %ne3A_705, %get3A_761, %broadcast_in_dim3A_763 : vector<16xi1>, vector<16xf32>
        %get3A_765 = arith.index_cast %add3A_706 : i32 to index
        %get3A_766 = arith.constant 64 : index
        %get3A_767 = tpu.vector_load %arg7[%get3A_765, %get3A_766] {strides = array<i32>} : memref<400x128xf32, #tpu.memory_space<vmem>>, vector<16xf32>,
        %add3A_768 = arith.addf %select_n3A_764, %get3A_767 : vector<16xf32>
        %swap3A_769 = arith.index_cast %add3A_697 : i32 to index
        %swap3A_770 = arith.constant 64 : index
        %swap3A_771 = tpu.vector_load %arg8[%swap3A_769, %swap3A_770] {strides = array<i32>} : memref<128x128xf32, #tpu.memory_space<vmem>>, vector<16xf32>,
        tpu.vector_store %arg8[%swap3A_769, %swap3A_770], %add3A_768 {strides = array<i32>} : memref<128x128xf32, #tpu.memory_space<vmem>>, vector<16xf32>,
        %get3A_772 = arith.index_cast %add3A_697 : i32 to index
        %get3A_773 = arith.constant 80 : index
        %get3A_774 = tpu.vector_load %arg8[%get3A_772, %get3A_773] {strides = array<i32>} : memref<128x128xf32, #tpu.memory_space<vmem>>, vector<16xf32>,
        %jit3A_775 = arith.constant 0.000000e+00 : f32
        %broadcast_in_dim3A_776 = vector.broadcast %jit3A_775 : f32 to vector<16xf32>
        %select_n3A_777 = arith.select %ne3A_705, %get3A_774, %broadcast_in_dim3A_776 : vector<16xi1>, vector<16xf32>
        %get3A_778 = arith.index_cast %add3A_706 : i32 to index
        %get3A_779 = arith.constant 80 : index
        %get3A_780 = tpu.vector_load %arg7[%get3A_778, %get3A_779] {strides = array<i32>} : memref<400x128xf32, #tpu.memory_space<vmem>>, vector<16xf32>,
        %add3A_781 = arith.addf %select_n3A_777, %get3A_780 : vector<16xf32>
        %swap3A_782 = arith.index_cast %add3A_697 : i32 to index
        %swap3A_783 = arith.constant 80 : index
        %swap3A_784 = tpu.vector_load %arg8[%swap3A_782, %swap3A_783] {strides = array<i32>} : memref<128x128xf32, #tpu.memory_space<vmem>>, vector<16xf32>,
        tpu.vector_store %arg8[%swap3A_782, %swap3A_783], %add3A_781 {strides = array<i32>} : memref<128x128xf32, #tpu.memory_space<vmem>>, vector<16xf32>,
        %get3A_785 = arith.index_cast %add3A_697 : i32 to index
        %get3A_786 = arith.constant 96 : index
        %get3A_787 = tpu.vector_load %arg8[%get3A_785, %get3A_786] {strides = array<i32>} : memref<128x128xf32, #tpu.memory_space<vmem>>, vector<16xf32>,
        %jit3A_788 = arith.constant 0.000000e+00 : f32
        %broadcast_in_dim3A_789 = vector.broadcast %jit3A_788 : f32 to vector<16xf32>
        %select_n3A_790 = arith.select %ne3A_705, %get3A_787, %broadcast_in_dim3A_789 : vector<16xi1>, vector<16xf32>
        %get3A_791 = arith.index_cast %add3A_706 : i32 to index
        %get3A_792 = arith.constant 96 : index
        %get3A_793 = tpu.vector_load %arg7[%get3A_791, %get3A_792] {strides = array<i32>} : memref<400x128xf32, #tpu.memory_space<vmem>>, vector<16xf32>,
        %add3A_794 = arith.addf %select_n3A_790, %get3A_793 : vector<16xf32>
        %swap3A_795 = arith.index_cast %add3A_697 : i32 to index
        %swap3A_796 = arith.constant 96 : index
        %swap3A_797 = tpu.vector_load %arg8[%swap3A_795, %swap3A_796] {strides = array<i32>} : memref<128x128xf32, #tpu.memory_space<vmem>>, vector<16xf32>,
        tpu.vector_store %arg8[%swap3A_795, %swap3A_796], %add3A_794 {strides = array<i32>} : memref<128x128xf32, #tpu.memory_space<vmem>>, vector<16xf32>,
        %get3A_798 = arith.index_cast %add3A_697 : i32 to index
        %get3A_799 = arith.constant 112 : index
        %get3A_800 = tpu.vector_load %arg8[%get3A_798, %get3A_799] {strides = array<i32>} : memref<128x128xf32, #tpu.memory_space<vmem>>, vector<16xf32>,
        %jit3A_801 = arith.constant 0.000000e+00 : f32
        %broadcast_in_dim3A_802 = vector.broadcast %jit3A_801 : f32 to vector<16xf32>
        %select_n3A_803 = arith.select %ne3A_705, %get3A_800, %broadcast_in_dim3A_802 : vector<16xi1>, vector<16xf32>
        %get3A_804 = arith.index_cast %add3A_706 : i32 to index
        %get3A_805 = arith.constant 112 : index
        %get3A_806 = tpu.vector_load %arg7[%get3A_804, %get3A_805] {strides = array<i32>} : memref<400x128xf32, #tpu.memory_space<vmem>>, vector<16xf32>,
        %add3A_807 = arith.addf %select_n3A_803, %get3A_806 : vector<16xf32>
        %swap3A_808 = arith.index_cast %add3A_697 : i32 to index
        %swap3A_809 = arith.constant 112 : index
        %swap3A_810 = tpu.vector_load %arg8[%swap3A_808, %swap3A_809] {strides = array<i32>} : memref<128x128xf32, #tpu.memory_space<vmem>>, vector<16xf32>,
        tpu.vector_store %arg8[%swap3A_808, %swap3A_809], %add3A_807 {strides = array<i32>} : memref<128x128xf32, #tpu.memory_space<vmem>>, vector<16xf32>,
        %add3A_811 = arith.constant 6 : i32
        %add3A_812 = arith.addi %mul3A_124, %add3A_811 : i32
        %mul3A_813 = arith.constant 128 : i32
        %mul3A_814 = arith.muli %add3A_32, %mul3A_813 : i32
        %add3A_815 = arith.addi %mul3A_814, %add3A_812 : i32
        %broadcast_in_dim3A_816 = vector.broadcast %add3A_815 : i32 to vector<16xi32>
        %gather3A_817 = tpu.vector_load_idx %arg6[%broadcast_in_dim3A_816] : memref<6400xi32, #tpu.memory_space<vmem>>[vector<16xi32>], vector<16xi32>,
        %ne3A_818 = arith.constant 0 : i32
        %ne3A_819 = vector.broadcast %ne3A_818 : i32 to vector<16xi32>
        %ne3A_820 = arith.cmpi ne, %gather3A_817, %ne3A_819 : vector<16xi32>
        %add3A_821 = arith.addi %select_n3A_57, %add3A_812 : i32
        %get3A_822 = arith.index_cast %add3A_812 : i32 to index
        %get3A_823 = arith.constant 0 : index
        %get3A_824 = tpu.vector_load %arg8[%get3A_822, %get3A_823] {strides = array<i32>} : memref<128x128xf32, #tpu.memory_space<vmem>>, vector<16xf32>,
        %jit3A_825 = arith.constant 0.000000e+00 : f32
        %broadcast_in_dim3A_826 = vector.broadcast %jit3A_825 : f32 to vector<16xf32>
        %select_n3A_827 = arith.select %ne3A_820, %get3A_824, %broadcast_in_dim3A_826 : vector<16xi1>, vector<16xf32>
        %get3A_828 = arith.index_cast %add3A_821 : i32 to index
        %get3A_829 = arith.constant 0 : index
        %get3A_830 = tpu.vector_load %arg7[%get3A_828, %get3A_829] {strides = array<i32>} : memref<400x128xf32, #tpu.memory_space<vmem>>, vector<16xf32>,
        %add3A_831 = arith.addf %select_n3A_827, %get3A_830 : vector<16xf32>
        %swap3A_832 = arith.index_cast %add3A_812 : i32 to index
        %swap3A_833 = arith.constant 0 : index
        %swap3A_834 = tpu.vector_load %arg8[%swap3A_832, %swap3A_833] {strides = array<i32>} : memref<128x128xf32, #tpu.memory_space<vmem>>, vector<16xf32>,
        tpu.vector_store %arg8[%swap3A_832, %swap3A_833], %add3A_831 {strides = array<i32>} : memref<128x128xf32, #tpu.memory_space<vmem>>, vector<16xf32>,
        %get3A_835 = arith.index_cast %add3A_812 : i32 to index
        %get3A_836 = arith.constant 16 : index
        %get3A_837 = tpu.vector_load %arg8[%get3A_835, %get3A_836] {strides = array<i32>} : memref<128x128xf32, #tpu.memory_space<vmem>>, vector<16xf32>,
        %jit3A_838 = arith.constant 0.000000e+00 : f32
        %broadcast_in_dim3A_839 = vector.broadcast %jit3A_838 : f32 to vector<16xf32>
        %select_n3A_840 = arith.select %ne3A_820, %get3A_837, %broadcast_in_dim3A_839 : vector<16xi1>, vector<16xf32>
        %get3A_841 = arith.index_cast %add3A_821 : i32 to index
        %get3A_842 = arith.constant 16 : index
        %get3A_843 = tpu.vector_load %arg7[%get3A_841, %get3A_842] {strides = array<i32>} : memref<400x128xf32, #tpu.memory_space<vmem>>, vector<16xf32>,
        %add3A_844 = arith.addf %select_n3A_840, %get3A_843 : vector<16xf32>
        %swap3A_845 = arith.index_cast %add3A_812 : i32 to index
        %swap3A_846 = arith.constant 16 : index
        %swap3A_847 = tpu.vector_load %arg8[%swap3A_845, %swap3A_846] {strides = array<i32>} : memref<128x128xf32, #tpu.memory_space<vmem>>, vector<16xf32>,
        tpu.vector_store %arg8[%swap3A_845, %swap3A_846], %add3A_844 {strides = array<i32>} : memref<128x128xf32, #tpu.memory_space<vmem>>, vector<16xf32>,
        %get3A_848 = arith.index_cast %add3A_812 : i32 to index
        %get3A_849 = arith.constant 32 : index
        %get3A_850 = tpu.vector_load %arg8[%get3A_848, %get3A_849] {strides = array<i32>} : memref<128x128xf32, #tpu.memory_space<vmem>>, vector<16xf32>,
        %jit3A_851 = arith.constant 0.000000e+00 : f32
        %broadcast_in_dim3A_852 = vector.broadcast %jit3A_851 : f32 to vector<16xf32>
        %select_n3A_853 = arith.select %ne3A_820, %get3A_850, %broadcast_in_dim3A_852 : vector<16xi1>, vector<16xf32>
        %get3A_854 = arith.index_cast %add3A_821 : i32 to index
        %get3A_855 = arith.constant 32 : index
        %get3A_856 = tpu.vector_load %arg7[%get3A_854, %get3A_855] {strides = array<i32>} : memref<400x128xf32, #tpu.memory_space<vmem>>, vector<16xf32>,
        %add3A_857 = arith.addf %select_n3A_853, %get3A_856 : vector<16xf32>
        %swap3A_858 = arith.index_cast %add3A_812 : i32 to index
        %swap3A_859 = arith.constant 32 : index
        %swap3A_860 = tpu.vector_load %arg8[%swap3A_858, %swap3A_859] {strides = array<i32>} : memref<128x128xf32, #tpu.memory_space<vmem>>, vector<16xf32>,
        tpu.vector_store %arg8[%swap3A_858, %swap3A_859], %add3A_857 {strides = array<i32>} : memref<128x128xf32, #tpu.memory_space<vmem>>, vector<16xf32>,
        %get3A_861 = arith.index_cast %add3A_812 : i32 to index
        %get3A_862 = arith.constant 48 : index
        %get3A_863 = tpu.vector_load %arg8[%get3A_861, %get3A_862] {strides = array<i32>} : memref<128x128xf32, #tpu.memory_space<vmem>>, vector<16xf32>,
        %jit3A_864 = arith.constant 0.000000e+00 : f32
        %broadcast_in_dim3A_865 = vector.broadcast %jit3A_864 : f32 to vector<16xf32>
        %select_n3A_866 = arith.select %ne3A_820, %get3A_863, %broadcast_in_dim3A_865 : vector<16xi1>, vector<16xf32>
        %get3A_867 = arith.index_cast %add3A_821 : i32 to index
        %get3A_868 = arith.constant 48 : index
        %get3A_869 = tpu.vector_load %arg7[%get3A_867, %get3A_868] {strides = array<i32>} : memref<400x128xf32, #tpu.memory_space<vmem>>, vector<16xf32>,
        %add3A_870 = arith.addf %select_n3A_866, %get3A_869 : vector<16xf32>
        %swap3A_871 = arith.index_cast %add3A_812 : i32 to index
        %swap3A_872 = arith.constant 48 : index
        %swap3A_873 = tpu.vector_load %arg8[%swap3A_871, %swap3A_872] {strides = array<i32>} : memref<128x128xf32, #tpu.memory_space<vmem>>, vector<16xf32>,
        tpu.vector_store %arg8[%swap3A_871, %swap3A_872], %add3A_870 {strides = array<i32>} : memref<128x128xf32, #tpu.memory_space<vmem>>, vector<16xf32>,
        %get3A_874 = arith.index_cast %add3A_812 : i32 to index
        %get3A_875 = arith.constant 64 : index
        %get3A_876 = tpu.vector_load %arg8[%get3A_874, %get3A_875] {strides = array<i32>} : memref<128x128xf32, #tpu.memory_space<vmem>>, vector<16xf32>,
        %jit3A_877 = arith.constant 0.000000e+00 : f32
        %broadcast_in_dim3A_878 = vector.broadcast %jit3A_877 : f32 to vector<16xf32>
        %select_n3A_879 = arith.select %ne3A_820, %get3A_876, %broadcast_in_dim3A_878 : vector<16xi1>, vector<16xf32>
        %get3A_880 = arith.index_cast %add3A_821 : i32 to index
        %get3A_881 = arith.constant 64 : index
        %get3A_882 = tpu.vector_load %arg7[%get3A_880, %get3A_881] {strides = array<i32>} : memref<400x128xf32, #tpu.memory_space<vmem>>, vector<16xf32>,
        %add3A_883 = arith.addf %select_n3A_879, %get3A_882 : vector<16xf32>
        %swap3A_884 = arith.index_cast %add3A_812 : i32 to index
        %swap3A_885 = arith.constant 64 : index
        %swap3A_886 = tpu.vector_load %arg8[%swap3A_884, %swap3A_885] {strides = array<i32>} : memref<128x128xf32, #tpu.memory_space<vmem>>, vector<16xf32>,
        tpu.vector_store %arg8[%swap3A_884, %swap3A_885], %add3A_883 {strides = array<i32>} : memref<128x128xf32, #tpu.memory_space<vmem>>, vector<16xf32>,
        %get3A_887 = arith.index_cast %add3A_812 : i32 to index
        %get3A_888 = arith.constant 80 : index
        %get3A_889 = tpu.vector_load %arg8[%get3A_887, %get3A_888] {strides = array<i32>} : memref<128x128xf32, #tpu.memory_space<vmem>>, vector<16xf32>,
        %jit3A_890 = arith.constant 0.000000e+00 : f32
        %broadcast_in_dim3A_891 = vector.broadcast %jit3A_890 : f32 to vector<16xf32>
        %select_n3A_892 = arith.select %ne3A_820, %get3A_889, %broadcast_in_dim3A_891 : vector<16xi1>, vector<16xf32>
        %get3A_893 = arith.index_cast %add3A_821 : i32 to index
        %get3A_894 = arith.constant 80 : index
        %get3A_895 = tpu.vector_load %arg7[%get3A_893, %get3A_894] {strides = array<i32>} : memref<400x128xf32, #tpu.memory_space<vmem>>, vector<16xf32>,
        %add3A_896 = arith.addf %select_n3A_892, %get3A_895 : vector<16xf32>
        %swap3A_897 = arith.index_cast %add3A_812 : i32 to index
        %swap3A_898 = arith.constant 80 : index
        %swap3A_899 = tpu.vector_load %arg8[%swap3A_897, %swap3A_898] {strides = array<i32>} : memref<128x128xf32, #tpu.memory_space<vmem>>, vector<16xf32>,
        tpu.vector_store %arg8[%swap3A_897, %swap3A_898], %add3A_896 {strides = array<i32>} : memref<128x128xf32, #tpu.memory_space<vmem>>, vector<16xf32>,
        %get3A_900 = arith.index_cast %add3A_812 : i32 to index
        %get3A_901 = arith.constant 96 : index
        %get3A_902 = tpu.vector_load %arg8[%get3A_900, %get3A_901] {strides = array<i32>} : memref<128x128xf32, #tpu.memory_space<vmem>>, vector<16xf32>,
        %jit3A_903 = arith.constant 0.000000e+00 : f32
        %broadcast_in_dim3A_904 = vector.broadcast %jit3A_903 : f32 to vector<16xf32>
        %select_n3A_905 = arith.select %ne3A_820, %get3A_902, %broadcast_in_dim3A_904 : vector<16xi1>, vector<16xf32>
        %get3A_906 = arith.index_cast %add3A_821 : i32 to index
        %get3A_907 = arith.constant 96 : index
        %get3A_908 = tpu.vector_load %arg7[%get3A_906, %get3A_907] {strides = array<i32>} : memref<400x128xf32, #tpu.memory_space<vmem>>, vector<16xf32>,
        %add3A_909 = arith.addf %select_n3A_905, %get3A_908 : vector<16xf32>
        %swap3A_910 = arith.index_cast %add3A_812 : i32 to index
        %swap3A_911 = arith.constant 96 : index
        %swap3A_912 = tpu.vector_load %arg8[%swap3A_910, %swap3A_911] {strides = array<i32>} : memref<128x128xf32, #tpu.memory_space<vmem>>, vector<16xf32>,
        tpu.vector_store %arg8[%swap3A_910, %swap3A_911], %add3A_909 {strides = array<i32>} : memref<128x128xf32, #tpu.memory_space<vmem>>, vector<16xf32>,
        %get3A_913 = arith.index_cast %add3A_812 : i32 to index
        %get3A_914 = arith.constant 112 : index
        %get3A_915 = tpu.vector_load %arg8[%get3A_913, %get3A_914] {strides = array<i32>} : memref<128x128xf32, #tpu.memory_space<vmem>>, vector<16xf32>,
        %jit3A_916 = arith.constant 0.000000e+00 : f32
        %broadcast_in_dim3A_917 = vector.broadcast %jit3A_916 : f32 to vector<16xf32>
        %select_n3A_918 = arith.select %ne3A_820, %get3A_915, %broadcast_in_dim3A_917 : vector<16xi1>, vector<16xf32>
        %get3A_919 = arith.index_cast %add3A_821 : i32 to index
        %get3A_920 = arith.constant 112 : index
        %get3A_921 = tpu.vector_load %arg7[%get3A_919, %get3A_920] {strides = array<i32>} : memref<400x128xf32, #tpu.memory_space<vmem>>, vector<16xf32>,
        %add3A_922 = arith.addf %select_n3A_918, %get3A_921 : vector<16xf32>
        %swap3A_923 = arith.index_cast %add3A_812 : i32 to index
        %swap3A_924 = arith.constant 112 : index
        %swap3A_925 = tpu.vector_load %arg8[%swap3A_923, %swap3A_924] {strides = array<i32>} : memref<128x128xf32, #tpu.memory_space<vmem>>, vector<16xf32>,
        tpu.vector_store %arg8[%swap3A_923, %swap3A_924], %add3A_922 {strides = array<i32>} : memref<128x128xf32, #tpu.memory_space<vmem>>, vector<16xf32>,
        %add3A_926 = arith.constant 7 : i32
        %add3A_927 = arith.addi %mul3A_124, %add3A_926 : i32
        %mul3A_928 = arith.constant 128 : i32
        %mul3A_929 = arith.muli %add3A_32, %mul3A_928 : i32
        %add3A_930 = arith.addi %mul3A_929, %add3A_927 : i32
        %broadcast_in_dim3A_931 = vector.broadcast %add3A_930 : i32 to vector<16xi32>
        %gather3A_932 = tpu.vector_load_idx %arg6[%broadcast_in_dim3A_931] : memref<6400xi32, #tpu.memory_space<vmem>>[vector<16xi32>], vector<16xi32>,
        %ne3A_933 = arith.constant 0 : i32
        %ne3A_934 = vector.broadcast %ne3A_933 : i32 to vector<16xi32>
        %ne3A_935 = arith.cmpi ne, %gather3A_932, %ne3A_934 : vector<16xi32>
        %add3A_936 = arith.addi %select_n3A_57, %add3A_927 : i32
        %get3A_937 = arith.index_cast %add3A_927 : i32 to index
        %get3A_938 = arith.constant 0 : index
        %get3A_939 = tpu.vector_load %arg8[%get3A_937, %get3A_938] {strides = array<i32>} : memref<128x128xf32, #tpu.memory_space<vmem>>, vector<16xf32>,
        %jit3A_940 = arith.constant 0.000000e+00 : f32
        %broadcast_in_dim3A_941 = vector.broadcast %jit3A_940 : f32 to vector<16xf32>
        %select_n3A_942 = arith.select %ne3A_935, %get3A_939, %broadcast_in_dim3A_941 : vector<16xi1>, vector<16xf32>
        %get3A_943 = arith.index_cast %add3A_936 : i32 to index
        %get3A_944 = arith.constant 0 : index
        %get3A_945 = tpu.vector_load %arg7[%get3A_943, %get3A_944] {strides = array<i32>} : memref<400x128xf32, #tpu.memory_space<vmem>>, vector<16xf32>,
        %add3A_946 = arith.addf %select_n3A_942, %get3A_945 : vector<16xf32>
        %swap3A_947 = arith.index_cast %add3A_927 : i32 to index
        %swap3A_948 = arith.constant 0 : index
        %swap3A_949 = tpu.vector_load %arg8[%swap3A_947, %swap3A_948] {strides = array<i32>} : memref<128x128xf32, #tpu.memory_space<vmem>>, vector<16xf32>,
        tpu.vector_store %arg8[%swap3A_947, %swap3A_948], %add3A_946 {strides = array<i32>} : memref<128x128xf32, #tpu.memory_space<vmem>>, vector<16xf32>,
        %get3A_950 = arith.index_cast %add3A_927 : i32 to index
        %get3A_951 = arith.constant 16 : index
        %get3A_952 = tpu.vector_load %arg8[%get3A_950, %get3A_951] {strides = array<i32>} : memref<128x128xf32, #tpu.memory_space<vmem>>, vector<16xf32>,
        %jit3A_953 = arith.constant 0.000000e+00 : f32
        %broadcast_in_dim3A_954 = vector.broadcast %jit3A_953 : f32 to vector<16xf32>
        %select_n3A_955 = arith.select %ne3A_935, %get3A_952, %broadcast_in_dim3A_954 : vector<16xi1>, vector<16xf32>
        %get3A_956 = arith.index_cast %add3A_936 : i32 to index
        %get3A_957 = arith.constant 16 : index
        %get3A_958 = tpu.vector_load %arg7[%get3A_956, %get3A_957] {strides = array<i32>} : memref<400x128xf32, #tpu.memory_space<vmem>>, vector<16xf32>,
        %add3A_959 = arith.addf %select_n3A_955, %get3A_958 : vector<16xf32>
        %swap3A_960 = arith.index_cast %add3A_927 : i32 to index
        %swap3A_961 = arith.constant 16 : index
        %swap3A_962 = tpu.vector_load %arg8[%swap3A_960, %swap3A_961] {strides = array<i32>} : memref<128x128xf32, #tpu.memory_space<vmem>>, vector<16xf32>,
        tpu.vector_store %arg8[%swap3A_960, %swap3A_961], %add3A_959 {strides = array<i32>} : memref<128x128xf32, #tpu.memory_space<vmem>>, vector<16xf32>,
        %get3A_963 = arith.index_cast %add3A_927 : i32 to index
        %get3A_964 = arith.constant 32 : index
        %get3A_965 = tpu.vector_load %arg8[%get3A_963, %get3A_964] {strides = array<i32>} : memref<128x128xf32, #tpu.memory_space<vmem>>, vector<16xf32>,
        %jit3A_966 = arith.constant 0.000000e+00 : f32
        %broadcast_in_dim3A_967 = vector.broadcast %jit3A_966 : f32 to vector<16xf32>
        %select_n3A_968 = arith.select %ne3A_935, %get3A_965, %broadcast_in_dim3A_967 : vector<16xi1>, vector<16xf32>
        %get3A_969 = arith.index_cast %add3A_936 : i32 to index
        %get3A_970 = arith.constant 32 : index
        %get3A_971 = tpu.vector_load %arg7[%get3A_969, %get3A_970] {strides = array<i32>} : memref<400x128xf32, #tpu.memory_space<vmem>>, vector<16xf32>,
        %add3A_972 = arith.addf %select_n3A_968, %get3A_971 : vector<16xf32>
        %swap3A_973 = arith.index_cast %add3A_927 : i32 to index
        %swap3A_974 = arith.constant 32 : index
        %swap3A_975 = tpu.vector_load %arg8[%swap3A_973, %swap3A_974] {strides = array<i32>} : memref<128x128xf32, #tpu.memory_space<vmem>>, vector<16xf32>,
        tpu.vector_store %arg8[%swap3A_973, %swap3A_974], %add3A_972 {strides = array<i32>} : memref<128x128xf32, #tpu.memory_space<vmem>>, vector<16xf32>,
        %get3A_976 = arith.index_cast %add3A_927 : i32 to index
        %get3A_977 = arith.constant 48 : index
        %get3A_978 = tpu.vector_load %arg8[%get3A_976, %get3A_977] {strides = array<i32>} : memref<128x128xf32, #tpu.memory_space<vmem>>, vector<16xf32>,
        %jit3A_979 = arith.constant 0.000000e+00 : f32
        %broadcast_in_dim3A_980 = vector.broadcast %jit3A_979 : f32 to vector<16xf32>
        %select_n3A_981 = arith.select %ne3A_935, %get3A_978, %broadcast_in_dim3A_980 : vector<16xi1>, vector<16xf32>
        %get3A_982 = arith.index_cast %add3A_936 : i32 to index
        %get3A_983 = arith.constant 48 : index
        %get3A_984 = tpu.vector_load %arg7[%get3A_982, %get3A_983] {strides = array<i32>} : memref<400x128xf32, #tpu.memory_space<vmem>>, vector<16xf32>,
        %add3A_985 = arith.addf %select_n3A_981, %get3A_984 : vector<16xf32>
        %swap3A_986 = arith.index_cast %add3A_927 : i32 to index
        %swap3A_987 = arith.constant 48 : index
        %swap3A_988 = tpu.vector_load %arg8[%swap3A_986, %swap3A_987] {strides = array<i32>} : memref<128x128xf32, #tpu.memory_space<vmem>>, vector<16xf32>,
        tpu.vector_store %arg8[%swap3A_986, %swap3A_987], %add3A_985 {strides = array<i32>} : memref<128x128xf32, #tpu.memory_space<vmem>>, vector<16xf32>,
        %get3A_989 = arith.index_cast %add3A_927 : i32 to index
        %get3A_990 = arith.constant 64 : index
        %get3A_991 = tpu.vector_load %arg8[%get3A_989, %get3A_990] {strides = array<i32>} : memref<128x128xf32, #tpu.memory_space<vmem>>, vector<16xf32>,
        %jit3A_992 = arith.constant 0.000000e+00 : f32
        %broadcast_in_dim3A_993 = vector.broadcast %jit3A_992 : f32 to vector<16xf32>
        %select_n3A_994 = arith.select %ne3A_935, %get3A_991, %broadcast_in_dim3A_993 : vector<16xi1>, vector<16xf32>
        %get3A_995 = arith.index_cast %add3A_936 : i32 to index
        %get3A_996 = arith.constant 64 : index
        %get3A_997 = tpu.vector_load %arg7[%get3A_995, %get3A_996] {strides = array<i32>} : memref<400x128xf32, #tpu.memory_space<vmem>>, vector<16xf32>,
        %add3A_998 = arith.addf %select_n3A_994, %get3A_997 : vector<16xf32>
        %swap3A_999 = arith.index_cast %add3A_927 : i32 to index
        %swap3A_1000 = arith.constant 64 : index
        %swap3A_1001 = tpu.vector_load %arg8[%swap3A_999, %swap3A_1000] {strides = array<i32>} : memref<128x128xf32, #tpu.memory_space<vmem>>, vector<16xf32>,
        tpu.vector_store %arg8[%swap3A_999, %swap3A_1000], %add3A_998 {strides = array<i32>} : memref<128x128xf32, #tpu.memory_space<vmem>>, vector<16xf32>,
        %get3A_1002 = arith.index_cast %add3A_927 : i32 to index
        %get3A_1003 = arith.constant 80 : index
        %get3A_1004 = tpu.vector_load %arg8[%get3A_1002, %get3A_1003] {strides = array<i32>} : memref<128x128xf32, #tpu.memory_space<vmem>>, vector<16xf32>,
        %jit3A_1005 = arith.constant 0.000000e+00 : f32
        %broadcast_in_dim3A_1006 = vector.broadcast %jit3A_1005 : f32 to vector<16xf32>
        %select_n3A_1007 = arith.select %ne3A_935, %get3A_1004, %broadcast_in_dim3A_1006 : vector<16xi1>, vector<16xf32>
        %get3A_1008 = arith.index_cast %add3A_936 : i32 to index
        %get3A_1009 = arith.constant 80 : index
        %get3A_1010 = tpu.vector_load %arg7[%get3A_1008, %get3A_1009] {strides = array<i32>} : memref<400x128xf32, #tpu.memory_space<vmem>>, vector<16xf32>,
        %add3A_1011 = arith.addf %select_n3A_1007, %get3A_1010 : vector<16xf32>
        %swap3A_1012 = arith.index_cast %add3A_927 : i32 to index
        %swap3A_1013 = arith.constant 80 : index
        %swap3A_1014 = tpu.vector_load %arg8[%swap3A_1012, %swap3A_1013] {strides = array<i32>} : memref<128x128xf32, #tpu.memory_space<vmem>>, vector<16xf32>,
        tpu.vector_store %arg8[%swap3A_1012, %swap3A_1013], %add3A_1011 {strides = array<i32>} : memref<128x128xf32, #tpu.memory_space<vmem>>, vector<16xf32>,
        %get3A_1015 = arith.index_cast %add3A_927 : i32 to index
        %get3A_1016 = arith.constant 96 : index
        %get3A_1017 = tpu.vector_load %arg8[%get3A_1015, %get3A_1016] {strides = array<i32>} : memref<128x128xf32, #tpu.memory_space<vmem>>, vector<16xf32>,
        %jit3A_1018 = arith.constant 0.000000e+00 : f32
        %broadcast_in_dim3A_1019 = vector.broadcast %jit3A_1018 : f32 to vector<16xf32>
        %select_n3A_1020 = arith.select %ne3A_935, %get3A_1017, %broadcast_in_dim3A_1019 : vector<16xi1>, vector<16xf32>
        %get3A_1021 = arith.index_cast %add3A_936 : i32 to index
        %get3A_1022 = arith.constant 96 : index
        %get3A_1023 = tpu.vector_load %arg7[%get3A_1021, %get3A_1022] {strides = array<i32>} : memref<400x128xf32, #tpu.memory_space<vmem>>, vector<16xf32>,
        %add3A_1024 = arith.addf %select_n3A_1020, %get3A_1023 : vector<16xf32>
        %swap3A_1025 = arith.index_cast %add3A_927 : i32 to index
        %swap3A_1026 = arith.constant 96 : index
        %swap3A_1027 = tpu.vector_load %arg8[%swap3A_1025, %swap3A_1026] {strides = array<i32>} : memref<128x128xf32, #tpu.memory_space<vmem>>, vector<16xf32>,
        tpu.vector_store %arg8[%swap3A_1025, %swap3A_1026], %add3A_1024 {strides = array<i32>} : memref<128x128xf32, #tpu.memory_space<vmem>>, vector<16xf32>,
        %get3A_1028 = arith.index_cast %add3A_927 : i32 to index
        %get3A_1029 = arith.constant 112 : index
        %get3A_1030 = tpu.vector_load %arg8[%get3A_1028, %get3A_1029] {strides = array<i32>} : memref<128x128xf32, #tpu.memory_space<vmem>>, vector<16xf32>,
        %jit3A_1031 = arith.constant 0.000000e+00 : f32
        %broadcast_in_dim3A_1032 = vector.broadcast %jit3A_1031 : f32 to vector<16xf32>
        %select_n3A_1033 = arith.select %ne3A_935, %get3A_1030, %broadcast_in_dim3A_1032 : vector<16xi1>, vector<16xf32>
        %get3A_1034 = arith.index_cast %add3A_936 : i32 to index
        %get3A_1035 = arith.constant 112 : index
        %get3A_1036 = tpu.vector_load %arg7[%get3A_1034, %get3A_1035] {strides = array<i32>} : memref<400x128xf32, #tpu.memory_space<vmem>>, vector<16xf32>,
        %add3A_1037 = arith.addf %select_n3A_1033, %get3A_1036 : vector<16xf32>
        %swap3A_1038 = arith.index_cast %add3A_927 : i32 to index
        %swap3A_1039 = arith.constant 112 : index
        %swap3A_1040 = tpu.vector_load %arg8[%swap3A_1038, %swap3A_1039] {strides = array<i32>} : memref<128x128xf32, #tpu.memory_space<vmem>>, vector<16xf32>,
        tpu.vector_store %arg8[%swap3A_1038, %swap3A_1039], %add3A_1037 {strides = array<i32>} : memref<128x128xf32, #tpu.memory_space<vmem>>, vector<16xf32>,
        %add3A_1041 = arith.constant 8 : i32
        %add3A_1042 = arith.addi %mul3A_124, %add3A_1041 : i32
        %mul3A_1043 = arith.constant 128 : i32
        %mul3A_1044 = arith.muli %add3A_32, %mul3A_1043 : i32
        %add3A_1045 = arith.addi %mul3A_1044, %add3A_1042 : i32
        %broadcast_in_dim3A_1046 = vector.broadcast %add3A_1045 : i32 to vector<16xi32>
        %gather3A_1047 = tpu.vector_load_idx %arg6[%broadcast_in_dim3A_1046] : memref<6400xi32, #tpu.memory_space<vmem>>[vector<16xi32>], vector<16xi32>,
        %ne3A_1048 = arith.constant 0 : i32
        %ne3A_1049 = vector.broadcast %ne3A_1048 : i32 to vector<16xi32>
        %ne3A_1050 = arith.cmpi ne, %gather3A_1047, %ne3A_1049 : vector<16xi32>
        %add3A_1051 = arith.addi %select_n3A_57, %add3A_1042 : i32
        %get3A_1052 = arith.index_cast %add3A_1042 : i32 to index
        %get3A_1053 = arith.constant 0 : index
        %get3A_1054 = tpu.vector_load %arg8[%get3A_1052, %get3A_1053] {strides = array<i32>} : memref<128x128xf32, #tpu.memory_space<vmem>>, vector<16xf32>,
        %jit3A_1055 = arith.constant 0.000000e+00 : f32
        %broadcast_in_dim3A_1056 = vector.broadcast %jit3A_1055 : f32 to vector<16xf32>
        %select_n3A_1057 = arith.select %ne3A_1050, %get3A_1054, %broadcast_in_dim3A_1056 : vector<16xi1>, vector<16xf32>
        %get3A_1058 = arith.index_cast %add3A_1051 : i32 to index
        %get3A_1059 = arith.constant 0 : index
        %get3A_1060 = tpu.vector_load %arg7[%get3A_1058, %get3A_1059] {strides = array<i32>} : memref<400x128xf32, #tpu.memory_space<vmem>>, vector<16xf32>,
        %add3A_1061 = arith.addf %select_n3A_1057, %get3A_1060 : vector<16xf32>
        %swap3A_1062 = arith.index_cast %add3A_1042 : i32 to index
        %swap3A_1063 = arith.constant 0 : index
        %swap3A_1064 = tpu.vector_load %arg8[%swap3A_1062, %swap3A_1063] {strides = array<i32>} : memref<128x128xf32, #tpu.memory_space<vmem>>, vector<16xf32>,
        tpu.vector_store %arg8[%swap3A_1062, %swap3A_1063], %add3A_1061 {strides = array<i32>} : memref<128x128xf32, #tpu.memory_space<vmem>>, vector<16xf32>,
        %get3A_1065 = arith.index_cast %add3A_1042 : i32 to index
        %get3A_1066 = arith.constant 16 : index
        %get3A_1067 = tpu.vector_load %arg8[%get3A_1065, %get3A_1066] {strides = array<i32>} : memref<128x128xf32, #tpu.memory_space<vmem>>, vector<16xf32>,
        %jit3A_1068 = arith.constant 0.000000e+00 : f32
        %broadcast_in_dim3A_1069 = vector.broadcast %jit3A_1068 : f32 to vector<16xf32>
        %select_n3A_1070 = arith.select %ne3A_1050, %get3A_1067, %broadcast_in_dim3A_1069 : vector<16xi1>, vector<16xf32>
        %get3A_1071 = arith.index_cast %add3A_1051 : i32 to index
        %get3A_1072 = arith.constant 16 : index
        %get3A_1073 = tpu.vector_load %arg7[%get3A_1071, %get3A_1072] {strides = array<i32>} : memref<400x128xf32, #tpu.memory_space<vmem>>, vector<16xf32>,
        %add3A_1074 = arith.addf %select_n3A_1070, %get3A_1073 : vector<16xf32>
        %swap3A_1075 = arith.index_cast %add3A_1042 : i32 to index
        %swap3A_1076 = arith.constant 16 : index
        %swap3A_1077 = tpu.vector_load %arg8[%swap3A_1075, %swap3A_1076] {strides = array<i32>} : memref<128x128xf32, #tpu.memory_space<vmem>>, vector<16xf32>,
        tpu.vector_store %arg8[%swap3A_1075, %swap3A_1076], %add3A_1074 {strides = array<i32>} : memref<128x128xf32, #tpu.memory_space<vmem>>, vector<16xf32>,
        %get3A_1078 = arith.index_cast %add3A_1042 : i32 to index
        %get3A_1079 = arith.constant 32 : index
        %get3A_1080 = tpu.vector_load %arg8[%get3A_1078, %get3A_1079] {strides = array<i32>} : memref<128x128xf32, #tpu.memory_space<vmem>>, vector<16xf32>,
        %jit3A_1081 = arith.constant 0.000000e+00 : f32
        %broadcast_in_dim3A_1082 = vector.broadcast %jit3A_1081 : f32 to vector<16xf32>
        %select_n3A_1083 = arith.select %ne3A_1050, %get3A_1080, %broadcast_in_dim3A_1082 : vector<16xi1>, vector<16xf32>
        %get3A_1084 = arith.index_cast %add3A_1051 : i32 to index
        %get3A_1085 = arith.constant 32 : index
        %get3A_1086 = tpu.vector_load %arg7[%get3A_1084, %get3A_1085] {strides = array<i32>} : memref<400x128xf32, #tpu.memory_space<vmem>>, vector<16xf32>,
        %add3A_1087 = arith.addf %select_n3A_1083, %get3A_1086 : vector<16xf32>
        %swap3A_1088 = arith.index_cast %add3A_1042 : i32 to index
        %swap3A_1089 = arith.constant 32 : index
        %swap3A_1090 = tpu.vector_load %arg8[%swap3A_1088, %swap3A_1089] {strides = array<i32>} : memref<128x128xf32, #tpu.memory_space<vmem>>, vector<16xf32>,
        tpu.vector_store %arg8[%swap3A_1088, %swap3A_1089], %add3A_1087 {strides = array<i32>} : memref<128x128xf32, #tpu.memory_space<vmem>>, vector<16xf32>,
        %get3A_1091 = arith.index_cast %add3A_1042 : i32 to index
        %get3A_1092 = arith.constant 48 : index
        %get3A_1093 = tpu.vector_load %arg8[%get3A_1091, %get3A_1092] {strides = array<i32>} : memref<128x128xf32, #tpu.memory_space<vmem>>, vector<16xf32>,
        %jit3A_1094 = arith.constant 0.000000e+00 : f32
        %broadcast_in_dim3A_1095 = vector.broadcast %jit3A_1094 : f32 to vector<16xf32>
        %select_n3A_1096 = arith.select %ne3A_1050, %get3A_1093, %broadcast_in_dim3A_1095 : vector<16xi1>, vector<16xf32>
        %get3A_1097 = arith.index_cast %add3A_1051 : i32 to index
        %get3A_1098 = arith.constant 48 : index
        %get3A_1099 = tpu.vector_load %arg7[%get3A_1097, %get3A_1098] {strides = array<i32>} : memref<400x128xf32, #tpu.memory_space<vmem>>, vector<16xf32>,
        %add3A_1100 = arith.addf %select_n3A_1096, %get3A_1099 : vector<16xf32>
        %swap3A_1101 = arith.index_cast %add3A_1042 : i32 to index
        %swap3A_1102 = arith.constant 48 : index
        %swap3A_1103 = tpu.vector_load %arg8[%swap3A_1101, %swap3A_1102] {strides = array<i32>} : memref<128x128xf32, #tpu.memory_space<vmem>>, vector<16xf32>,
        tpu.vector_store %arg8[%swap3A_1101, %swap3A_1102], %add3A_1100 {strides = array<i32>} : memref<128x128xf32, #tpu.memory_space<vmem>>, vector<16xf32>,
        %get3A_1104 = arith.index_cast %add3A_1042 : i32 to index
        %get3A_1105 = arith.constant 64 : index
        %get3A_1106 = tpu.vector_load %arg8[%get3A_1104, %get3A_1105] {strides = array<i32>} : memref<128x128xf32, #tpu.memory_space<vmem>>, vector<16xf32>,
        %jit3A_1107 = arith.constant 0.000000e+00 : f32
        %broadcast_in_dim3A_1108 = vector.broadcast %jit3A_1107 : f32 to vector<16xf32>
        %select_n3A_1109 = arith.select %ne3A_1050, %get3A_1106, %broadcast_in_dim3A_1108 : vector<16xi1>, vector<16xf32>
        %get3A_1110 = arith.index_cast %add3A_1051 : i32 to index
        %get3A_1111 = arith.constant 64 : index
        %get3A_1112 = tpu.vector_load %arg7[%get3A_1110, %get3A_1111] {strides = array<i32>} : memref<400x128xf32, #tpu.memory_space<vmem>>, vector<16xf32>,
        %add3A_1113 = arith.addf %select_n3A_1109, %get3A_1112 : vector<16xf32>
        %swap3A_1114 = arith.index_cast %add3A_1042 : i32 to index
        %swap3A_1115 = arith.constant 64 : index
        %swap3A_1116 = tpu.vector_load %arg8[%swap3A_1114, %swap3A_1115] {strides = array<i32>} : memref<128x128xf32, #tpu.memory_space<vmem>>, vector<16xf32>,
        tpu.vector_store %arg8[%swap3A_1114, %swap3A_1115], %add3A_1113 {strides = array<i32>} : memref<128x128xf32, #tpu.memory_space<vmem>>, vector<16xf32>,
        %get3A_1117 = arith.index_cast %add3A_1042 : i32 to index
        %get3A_1118 = arith.constant 80 : index
        %get3A_1119 = tpu.vector_load %arg8[%get3A_1117, %get3A_1118] {strides = array<i32>} : memref<128x128xf32, #tpu.memory_space<vmem>>, vector<16xf32>,
        %jit3A_1120 = arith.constant 0.000000e+00 : f32
        %broadcast_in_dim3A_1121 = vector.broadcast %jit3A_1120 : f32 to vector<16xf32>
        %select_n3A_1122 = arith.select %ne3A_1050, %get3A_1119, %broadcast_in_dim3A_1121 : vector<16xi1>, vector<16xf32>
        %get3A_1123 = arith.index_cast %add3A_1051 : i32 to index
        %get3A_1124 = arith.constant 80 : index
        %get3A_1125 = tpu.vector_load %arg7[%get3A_1123, %get3A_1124] {strides = array<i32>} : memref<400x128xf32, #tpu.memory_space<vmem>>, vector<16xf32>,
        %add3A_1126 = arith.addf %select_n3A_1122, %get3A_1125 : vector<16xf32>
        %swap3A_1127 = arith.index_cast %add3A_1042 : i32 to index
        %swap3A_1128 = arith.constant 80 : index
        %swap3A_1129 = tpu.vector_load %arg8[%swap3A_1127, %swap3A_1128] {strides = array<i32>} : memref<128x128xf32, #tpu.memory_space<vmem>>, vector<16xf32>,
        tpu.vector_store %arg8[%swap3A_1127, %swap3A_1128], %add3A_1126 {strides = array<i32>} : memref<128x128xf32, #tpu.memory_space<vmem>>, vector<16xf32>,
        %get3A_1130 = arith.index_cast %add3A_1042 : i32 to index
        %get3A_1131 = arith.constant 96 : index
        %get3A_1132 = tpu.vector_load %arg8[%get3A_1130, %get3A_1131] {strides = array<i32>} : memref<128x128xf32, #tpu.memory_space<vmem>>, vector<16xf32>,
        %jit3A_1133 = arith.constant 0.000000e+00 : f32
        %broadcast_in_dim3A_1134 = vector.broadcast %jit3A_1133 : f32 to vector<16xf32>
        %select_n3A_1135 = arith.select %ne3A_1050, %get3A_1132, %broadcast_in_dim3A_1134 : vector<16xi1>, vector<16xf32>
        %get3A_1136 = arith.index_cast %add3A_1051 : i32 to index
        %get3A_1137 = arith.constant 96 : index
        %get3A_1138 = tpu.vector_load %arg7[%get3A_1136, %get3A_1137] {strides = array<i32>} : memref<400x128xf32, #tpu.memory_space<vmem>>, vector<16xf32>,
        %add3A_1139 = arith.addf %select_n3A_1135, %get3A_1138 : vector<16xf32>
        %swap3A_1140 = arith.index_cast %add3A_1042 : i32 to index
        %swap3A_1141 = arith.constant 96 : index
        %swap3A_1142 = tpu.vector_load %arg8[%swap3A_1140, %swap3A_1141] {strides = array<i32>} : memref<128x128xf32, #tpu.memory_space<vmem>>, vector<16xf32>,
        tpu.vector_store %arg8[%swap3A_1140, %swap3A_1141], %add3A_1139 {strides = array<i32>} : memref<128x128xf32, #tpu.memory_space<vmem>>, vector<16xf32>,
        %get3A_1143 = arith.index_cast %add3A_1042 : i32 to index
        %get3A_1144 = arith.constant 112 : index
        %get3A_1145 = tpu.vector_load %arg8[%get3A_1143, %get3A_1144] {strides = array<i32>} : memref<128x128xf32, #tpu.memory_space<vmem>>, vector<16xf32>,
        %jit3A_1146 = arith.constant 0.000000e+00 : f32
        %broadcast_in_dim3A_1147 = vector.broadcast %jit3A_1146 : f32 to vector<16xf32>
        %select_n3A_1148 = arith.select %ne3A_1050, %get3A_1145, %broadcast_in_dim3A_1147 : vector<16xi1>, vector<16xf32>
        %get3A_1149 = arith.index_cast %add3A_1051 : i32 to index
        %get3A_1150 = arith.constant 112 : index
        %get3A_1151 = tpu.vector_load %arg7[%get3A_1149, %get3A_1150] {strides = array<i32>} : memref<400x128xf32, #tpu.memory_space<vmem>>, vector<16xf32>,
        %add3A_1152 = arith.addf %select_n3A_1148, %get3A_1151 : vector<16xf32>
        %swap3A_1153 = arith.index_cast %add3A_1042 : i32 to index
        %swap3A_1154 = arith.constant 112 : index
        %swap3A_1155 = tpu.vector_load %arg8[%swap3A_1153, %swap3A_1154] {strides = array<i32>} : memref<128x128xf32, #tpu.memory_space<vmem>>, vector<16xf32>,
        tpu.vector_store %arg8[%swap3A_1153, %swap3A_1154], %add3A_1152 {strides = array<i32>} : memref<128x128xf32, #tpu.memory_space<vmem>>, vector<16xf32>,
        %add3A_1156 = arith.constant 9 : i32
        %add3A_1157 = arith.addi %mul3A_124, %add3A_1156 : i32
        %mul3A_1158 = arith.constant 128 : i32
        %mul3A_1159 = arith.muli %add3A_32, %mul3A_1158 : i32
        %add3A_1160 = arith.addi %mul3A_1159, %add3A_1157 : i32
        %broadcast_in_dim3A_1161 = vector.broadcast %add3A_1160 : i32 to vector<16xi32>
        %gather3A_1162 = tpu.vector_load_idx %arg6[%broadcast_in_dim3A_1161] : memref<6400xi32, #tpu.memory_space<vmem>>[vector<16xi32>], vector<16xi32>,
        %ne3A_1163 = arith.constant 0 : i32
        %ne3A_1164 = vector.broadcast %ne3A_1163 : i32 to vector<16xi32>
        %ne3A_1165 = arith.cmpi ne, %gather3A_1162, %ne3A_1164 : vector<16xi32>
        %add3A_1166 = arith.addi %select_n3A_57, %add3A_1157 : i32
        %get3A_1167 = arith.index_cast %add3A_1157 : i32 to index
        %get3A_1168 = arith.constant 0 : index
        %get3A_1169 = tpu.vector_load %arg8[%get3A_1167, %get3A_1168] {strides = array<i32>} : memref<128x128xf32, #tpu.memory_space<vmem>>, vector<16xf32>,
        %jit3A_1170 = arith.constant 0.000000e+00 : f32
        %broadcast_in_dim3A_1171 = vector.broadcast %jit3A_1170 : f32 to vector<16xf32>
        %select_n3A_1172 = arith.select %ne3A_1165, %get3A_1169, %broadcast_in_dim3A_1171 : vector<16xi1>, vector<16xf32>
        %get3A_1173 = arith.index_cast %add3A_1166 : i32 to index
        %get3A_1174 = arith.constant 0 : index
        %get3A_1175 = tpu.vector_load %arg7[%get3A_1173, %get3A_1174] {strides = array<i32>} : memref<400x128xf32, #tpu.memory_space<vmem>>, vector<16xf32>,
        %add3A_1176 = arith.addf %select_n3A_1172, %get3A_1175 : vector<16xf32>
        %swap3A_1177 = arith.index_cast %add3A_1157 : i32 to index
        %swap3A_1178 = arith.constant 0 : index
        %swap3A_1179 = tpu.vector_load %arg8[%swap3A_1177, %swap3A_1178] {strides = array<i32>} : memref<128x128xf32, #tpu.memory_space<vmem>>, vector<16xf32>,
        tpu.vector_store %arg8[%swap3A_1177, %swap3A_1178], %add3A_1176 {strides = array<i32>} : memref<128x128xf32, #tpu.memory_space<vmem>>, vector<16xf32>,
        %get3A_1180 = arith.index_cast %add3A_1157 : i32 to index
        %get3A_1181 = arith.constant 16 : index
        %get3A_1182 = tpu.vector_load %arg8[%get3A_1180, %get3A_1181] {strides = array<i32>} : memref<128x128xf32, #tpu.memory_space<vmem>>, vector<16xf32>,
        %jit3A_1183 = arith.constant 0.000000e+00 : f32
        %broadcast_in_dim3A_1184 = vector.broadcast %jit3A_1183 : f32 to vector<16xf32>
        %select_n3A_1185 = arith.select %ne3A_1165, %get3A_1182, %broadcast_in_dim3A_1184 : vector<16xi1>, vector<16xf32>
        %get3A_1186 = arith.index_cast %add3A_1166 : i32 to index
        %get3A_1187 = arith.constant 16 : index
        %get3A_1188 = tpu.vector_load %arg7[%get3A_1186, %get3A_1187] {strides = array<i32>} : memref<400x128xf32, #tpu.memory_space<vmem>>, vector<16xf32>,
        %add3A_1189 = arith.addf %select_n3A_1185, %get3A_1188 : vector<16xf32>
        %swap3A_1190 = arith.index_cast %add3A_1157 : i32 to index
        %swap3A_1191 = arith.constant 16 : index
        %swap3A_1192 = tpu.vector_load %arg8[%swap3A_1190, %swap3A_1191] {strides = array<i32>} : memref<128x128xf32, #tpu.memory_space<vmem>>, vector<16xf32>,
        tpu.vector_store %arg8[%swap3A_1190, %swap3A_1191], %add3A_1189 {strides = array<i32>} : memref<128x128xf32, #tpu.memory_space<vmem>>, vector<16xf32>,
        %get3A_1193 = arith.index_cast %add3A_1157 : i32 to index
        %get3A_1194 = arith.constant 32 : index
        %get3A_1195 = tpu.vector_load %arg8[%get3A_1193, %get3A_1194] {strides = array<i32>} : memref<128x128xf32, #tpu.memory_space<vmem>>, vector<16xf32>,
        %jit3A_1196 = arith.constant 0.000000e+00 : f32
        %broadcast_in_dim3A_1197 = vector.broadcast %jit3A_1196 : f32 to vector<16xf32>
        %select_n3A_1198 = arith.select %ne3A_1165, %get3A_1195, %broadcast_in_dim3A_1197 : vector<16xi1>, vector<16xf32>
        %get3A_1199 = arith.index_cast %add3A_1166 : i32 to index
        %get3A_1200 = arith.constant 32 : index
        %get3A_1201 = tpu.vector_load %arg7[%get3A_1199, %get3A_1200] {strides = array<i32>} : memref<400x128xf32, #tpu.memory_space<vmem>>, vector<16xf32>,
        %add3A_1202 = arith.addf %select_n3A_1198, %get3A_1201 : vector<16xf32>
        %swap3A_1203 = arith.index_cast %add3A_1157 : i32 to index
        %swap3A_1204 = arith.constant 32 : index
        %swap3A_1205 = tpu.vector_load %arg8[%swap3A_1203, %swap3A_1204] {strides = array<i32>} : memref<128x128xf32, #tpu.memory_space<vmem>>, vector<16xf32>,
        tpu.vector_store %arg8[%swap3A_1203, %swap3A_1204], %add3A_1202 {strides = array<i32>} : memref<128x128xf32, #tpu.memory_space<vmem>>, vector<16xf32>,
        %get3A_1206 = arith.index_cast %add3A_1157 : i32 to index
        %get3A_1207 = arith.constant 48 : index
        %get3A_1208 = tpu.vector_load %arg8[%get3A_1206, %get3A_1207] {strides = array<i32>} : memref<128x128xf32, #tpu.memory_space<vmem>>, vector<16xf32>,
        %jit3A_1209 = arith.constant 0.000000e+00 : f32
        %broadcast_in_dim3A_1210 = vector.broadcast %jit3A_1209 : f32 to vector<16xf32>
        %select_n3A_1211 = arith.select %ne3A_1165, %get3A_1208, %broadcast_in_dim3A_1210 : vector<16xi1>, vector<16xf32>
        %get3A_1212 = arith.index_cast %add3A_1166 : i32 to index
        %get3A_1213 = arith.constant 48 : index
        %get3A_1214 = tpu.vector_load %arg7[%get3A_1212, %get3A_1213] {strides = array<i32>} : memref<400x128xf32, #tpu.memory_space<vmem>>, vector<16xf32>,
        %add3A_1215 = arith.addf %select_n3A_1211, %get3A_1214 : vector<16xf32>
        %swap3A_1216 = arith.index_cast %add3A_1157 : i32 to index
        %swap3A_1217 = arith.constant 48 : index
        %swap3A_1218 = tpu.vector_load %arg8[%swap3A_1216, %swap3A_1217] {strides = array<i32>} : memref<128x128xf32, #tpu.memory_space<vmem>>, vector<16xf32>,
        tpu.vector_store %arg8[%swap3A_1216, %swap3A_1217], %add3A_1215 {strides = array<i32>} : memref<128x128xf32, #tpu.memory_space<vmem>>, vector<16xf32>,
        %get3A_1219 = arith.index_cast %add3A_1157 : i32 to index
        %get3A_1220 = arith.constant 64 : index
        %get3A_1221 = tpu.vector_load %arg8[%get3A_1219, %get3A_1220] {strides = array<i32>} : memref<128x128xf32, #tpu.memory_space<vmem>>, vector<16xf32>,
        %jit3A_1222 = arith.constant 0.000000e+00 : f32
        %broadcast_in_dim3A_1223 = vector.broadcast %jit3A_1222 : f32 to vector<16xf32>
        %select_n3A_1224 = arith.select %ne3A_1165, %get3A_1221, %broadcast_in_dim3A_1223 : vector<16xi1>, vector<16xf32>
        %get3A_1225 = arith.index_cast %add3A_1166 : i32 to index
        %get3A_1226 = arith.constant 64 : index
        %get3A_1227 = tpu.vector_load %arg7[%get3A_1225, %get3A_1226] {strides = array<i32>} : memref<400x128xf32, #tpu.memory_space<vmem>>, vector<16xf32>,
        %add3A_1228 = arith.addf %select_n3A_1224, %get3A_1227 : vector<16xf32>
        %swap3A_1229 = arith.index_cast %add3A_1157 : i32 to index
        %swap3A_1230 = arith.constant 64 : index
        %swap3A_1231 = tpu.vector_load %arg8[%swap3A_1229, %swap3A_1230] {strides = array<i32>} : memref<128x128xf32, #tpu.memory_space<vmem>>, vector<16xf32>,
        tpu.vector_store %arg8[%swap3A_1229, %swap3A_1230], %add3A_1228 {strides = array<i32>} : memref<128x128xf32, #tpu.memory_space<vmem>>, vector<16xf32>,
        %get3A_1232 = arith.index_cast %add3A_1157 : i32 to index
        %get3A_1233 = arith.constant 80 : index
        %get3A_1234 = tpu.vector_load %arg8[%get3A_1232, %get3A_1233] {strides = array<i32>} : memref<128x128xf32, #tpu.memory_space<vmem>>, vector<16xf32>,
        %jit3A_1235 = arith.constant 0.000000e+00 : f32
        %broadcast_in_dim3A_1236 = vector.broadcast %jit3A_1235 : f32 to vector<16xf32>
        %select_n3A_1237 = arith.select %ne3A_1165, %get3A_1234, %broadcast_in_dim3A_1236 : vector<16xi1>, vector<16xf32>
        %get3A_1238 = arith.index_cast %add3A_1166 : i32 to index
        %get3A_1239 = arith.constant 80 : index
        %get3A_1240 = tpu.vector_load %arg7[%get3A_1238, %get3A_1239] {strides = array<i32>} : memref<400x128xf32, #tpu.memory_space<vmem>>, vector<16xf32>,
        %add3A_1241 = arith.addf %select_n3A_1237, %get3A_1240 : vector<16xf32>
        %swap3A_1242 = arith.index_cast %add3A_1157 : i32 to index
        %swap3A_1243 = arith.constant 80 : index
        %swap3A_1244 = tpu.vector_load %arg8[%swap3A_1242, %swap3A_1243] {strides = array<i32>} : memref<128x128xf32, #tpu.memory_space<vmem>>, vector<16xf32>,
        tpu.vector_store %arg8[%swap3A_1242, %swap3A_1243], %add3A_1241 {strides = array<i32>} : memref<128x128xf32, #tpu.memory_space<vmem>>, vector<16xf32>,
        %get3A_1245 = arith.index_cast %add3A_1157 : i32 to index
        %get3A_1246 = arith.constant 96 : index
        %get3A_1247 = tpu.vector_load %arg8[%get3A_1245, %get3A_1246] {strides = array<i32>} : memref<128x128xf32, #tpu.memory_space<vmem>>, vector<16xf32>,
        %jit3A_1248 = arith.constant 0.000000e+00 : f32
        %broadcast_in_dim3A_1249 = vector.broadcast %jit3A_1248 : f32 to vector<16xf32>
        %select_n3A_1250 = arith.select %ne3A_1165, %get3A_1247, %broadcast_in_dim3A_1249 : vector<16xi1>, vector<16xf32>
        %get3A_1251 = arith.index_cast %add3A_1166 : i32 to index
        %get3A_1252 = arith.constant 96 : index
        %get3A_1253 = tpu.vector_load %arg7[%get3A_1251, %get3A_1252] {strides = array<i32>} : memref<400x128xf32, #tpu.memory_space<vmem>>, vector<16xf32>,
        %add3A_1254 = arith.addf %select_n3A_1250, %get3A_1253 : vector<16xf32>
        %swap3A_1255 = arith.index_cast %add3A_1157 : i32 to index
        %swap3A_1256 = arith.constant 96 : index
        %swap3A_1257 = tpu.vector_load %arg8[%swap3A_1255, %swap3A_1256] {strides = array<i32>} : memref<128x128xf32, #tpu.memory_space<vmem>>, vector<16xf32>,
        tpu.vector_store %arg8[%swap3A_1255, %swap3A_1256], %add3A_1254 {strides = array<i32>} : memref<128x128xf32, #tpu.memory_space<vmem>>, vector<16xf32>,
        %get3A_1258 = arith.index_cast %add3A_1157 : i32 to index
        %get3A_1259 = arith.constant 112 : index
        %get3A_1260 = tpu.vector_load %arg8[%get3A_1258, %get3A_1259] {strides = array<i32>} : memref<128x128xf32, #tpu.memory_space<vmem>>, vector<16xf32>,
        %jit3A_1261 = arith.constant 0.000000e+00 : f32
        %broadcast_in_dim3A_1262 = vector.broadcast %jit3A_1261 : f32 to vector<16xf32>
        %select_n3A_1263 = arith.select %ne3A_1165, %get3A_1260, %broadcast_in_dim3A_1262 : vector<16xi1>, vector<16xf32>
        %get3A_1264 = arith.index_cast %add3A_1166 : i32 to index
        %get3A_1265 = arith.constant 112 : index
        %get3A_1266 = tpu.vector_load %arg7[%get3A_1264, %get3A_1265] {strides = array<i32>} : memref<400x128xf32, #tpu.memory_space<vmem>>, vector<16xf32>,
        %add3A_1267 = arith.addf %select_n3A_1263, %get3A_1266 : vector<16xf32>
        %swap3A_1268 = arith.index_cast %add3A_1157 : i32 to index
        %swap3A_1269 = arith.constant 112 : index
        %swap3A_1270 = tpu.vector_load %arg8[%swap3A_1268, %swap3A_1269] {strides = array<i32>} : memref<128x128xf32, #tpu.memory_space<vmem>>, vector<16xf32>,
        tpu.vector_store %arg8[%swap3A_1268, %swap3A_1269], %add3A_1267 {strides = array<i32>} : memref<128x128xf32, #tpu.memory_space<vmem>>, vector<16xf32>,
        %add3A_1271 = arith.constant 10 : i32
        %add3A_1272 = arith.addi %mul3A_124, %add3A_1271 : i32
        %mul3A_1273 = arith.constant 128 : i32
        %mul3A_1274 = arith.muli %add3A_32, %mul3A_1273 : i32
        %add3A_1275 = arith.addi %mul3A_1274, %add3A_1272 : i32
        %broadcast_in_dim3A_1276 = vector.broadcast %add3A_1275 : i32 to vector<16xi32>
        %gather3A_1277 = tpu.vector_load_idx %arg6[%broadcast_in_dim3A_1276] : memref<6400xi32, #tpu.memory_space<vmem>>[vector<16xi32>], vector<16xi32>,
        %ne3A_1278 = arith.constant 0 : i32
        %ne3A_1279 = vector.broadcast %ne3A_1278 : i32 to vector<16xi32>
        %ne3A_1280 = arith.cmpi ne, %gather3A_1277, %ne3A_1279 : vector<16xi32>
        %add3A_1281 = arith.addi %select_n3A_57, %add3A_1272 : i32
        %get3A_1282 = arith.index_cast %add3A_1272 : i32 to index
        %get3A_1283 = arith.constant 0 : index
        %get3A_1284 = tpu.vector_load %arg8[%get3A_1282, %get3A_1283] {strides = array<i32>} : memref<128x128xf32, #tpu.memory_space<vmem>>, vector<16xf32>,
        %jit3A_1285 = arith.constant 0.000000e+00 : f32
        %broadcast_in_dim3A_1286 = vector.broadcast %jit3A_1285 : f32 to vector<16xf32>
        %select_n3A_1287 = arith.select %ne3A_1280, %get3A_1284, %broadcast_in_dim3A_1286 : vector<16xi1>, vector<16xf32>
        %get3A_1288 = arith.index_cast %add3A_1281 : i32 to index
        %get3A_1289 = arith.constant 0 : index
        %get3A_1290 = tpu.vector_load %arg7[%get3A_1288, %get3A_1289] {strides = array<i32>} : memref<400x128xf32, #tpu.memory_space<vmem>>, vector<16xf32>,
        %add3A_1291 = arith.addf %select_n3A_1287, %get3A_1290 : vector<16xf32>
        %swap3A_1292 = arith.index_cast %add3A_1272 : i32 to index
        %swap3A_1293 = arith.constant 0 : index
        %swap3A_1294 = tpu.vector_load %arg8[%swap3A_1292, %swap3A_1293] {strides = array<i32>} : memref<128x128xf32, #tpu.memory_space<vmem>>, vector<16xf32>,
        tpu.vector_store %arg8[%swap3A_1292, %swap3A_1293], %add3A_1291 {strides = array<i32>} : memref<128x128xf32, #tpu.memory_space<vmem>>, vector<16xf32>,
        %get3A_1295 = arith.index_cast %add3A_1272 : i32 to index
        %get3A_1296 = arith.constant 16 : index
        %get3A_1297 = tpu.vector_load %arg8[%get3A_1295, %get3A_1296] {strides = array<i32>} : memref<128x128xf32, #tpu.memory_space<vmem>>, vector<16xf32>,
        %jit3A_1298 = arith.constant 0.000000e+00 : f32
        %broadcast_in_dim3A_1299 = vector.broadcast %jit3A_1298 : f32 to vector<16xf32>
        %select_n3A_1300 = arith.select %ne3A_1280, %get3A_1297, %broadcast_in_dim3A_1299 : vector<16xi1>, vector<16xf32>
        %get3A_1301 = arith.index_cast %add3A_1281 : i32 to index
        %get3A_1302 = arith.constant 16 : index
        %get3A_1303 = tpu.vector_load %arg7[%get3A_1301, %get3A_1302] {strides = array<i32>} : memref<400x128xf32, #tpu.memory_space<vmem>>, vector<16xf32>,
        %add3A_1304 = arith.addf %select_n3A_1300, %get3A_1303 : vector<16xf32>
        %swap3A_1305 = arith.index_cast %add3A_1272 : i32 to index
        %swap3A_1306 = arith.constant 16 : index
        %swap3A_1307 = tpu.vector_load %arg8[%swap3A_1305, %swap3A_1306] {strides = array<i32>} : memref<128x128xf32, #tpu.memory_space<vmem>>, vector<16xf32>,
        tpu.vector_store %arg8[%swap3A_1305, %swap3A_1306], %add3A_1304 {strides = array<i32>} : memref<128x128xf32, #tpu.memory_space<vmem>>, vector<16xf32>,
        %get3A_1308 = arith.index_cast %add3A_1272 : i32 to index
        %get3A_1309 = arith.constant 32 : index
        %get3A_1310 = tpu.vector_load %arg8[%get3A_1308, %get3A_1309] {strides = array<i32>} : memref<128x128xf32, #tpu.memory_space<vmem>>, vector<16xf32>,
        %jit3A_1311 = arith.constant 0.000000e+00 : f32
        %broadcast_in_dim3A_1312 = vector.broadcast %jit3A_1311 : f32 to vector<16xf32>
        %select_n3A_1313 = arith.select %ne3A_1280, %get3A_1310, %broadcast_in_dim3A_1312 : vector<16xi1>, vector<16xf32>
        %get3A_1314 = arith.index_cast %add3A_1281 : i32 to index
        %get3A_1315 = arith.constant 32 : index
        %get3A_1316 = tpu.vector_load %arg7[%get3A_1314, %get3A_1315] {strides = array<i32>} : memref<400x128xf32, #tpu.memory_space<vmem>>, vector<16xf32>,
        %add3A_1317 = arith.addf %select_n3A_1313, %get3A_1316 : vector<16xf32>
        %swap3A_1318 = arith.index_cast %add3A_1272 : i32 to index
        %swap3A_1319 = arith.constant 32 : index
        %swap3A_1320 = tpu.vector_load %arg8[%swap3A_1318, %swap3A_1319] {strides = array<i32>} : memref<128x128xf32, #tpu.memory_space<vmem>>, vector<16xf32>,
        tpu.vector_store %arg8[%swap3A_1318, %swap3A_1319], %add3A_1317 {strides = array<i32>} : memref<128x128xf32, #tpu.memory_space<vmem>>, vector<16xf32>,
        %get3A_1321 = arith.index_cast %add3A_1272 : i32 to index
        %get3A_1322 = arith.constant 48 : index
        %get3A_1323 = tpu.vector_load %arg8[%get3A_1321, %get3A_1322] {strides = array<i32>} : memref<128x128xf32, #tpu.memory_space<vmem>>, vector<16xf32>,
        %jit3A_1324 = arith.constant 0.000000e+00 : f32
        %broadcast_in_dim3A_1325 = vector.broadcast %jit3A_1324 : f32 to vector<16xf32>
        %select_n3A_1326 = arith.select %ne3A_1280, %get3A_1323, %broadcast_in_dim3A_1325 : vector<16xi1>, vector<16xf32>
        %get3A_1327 = arith.index_cast %add3A_1281 : i32 to index
        %get3A_1328 = arith.constant 48 : index
        %get3A_1329 = tpu.vector_load %arg7[%get3A_1327, %get3A_1328] {strides = array<i32>} : memref<400x128xf32, #tpu.memory_space<vmem>>, vector<16xf32>,
        %add3A_1330 = arith.addf %select_n3A_1326, %get3A_1329 : vector<16xf32>
        %swap3A_1331 = arith.index_cast %add3A_1272 : i32 to index
        %swap3A_1332 = arith.constant 48 : index
        %swap3A_1333 = tpu.vector_load %arg8[%swap3A_1331, %swap3A_1332] {strides = array<i32>} : memref<128x128xf32, #tpu.memory_space<vmem>>, vector<16xf32>,
        tpu.vector_store %arg8[%swap3A_1331, %swap3A_1332], %add3A_1330 {strides = array<i32>} : memref<128x128xf32, #tpu.memory_space<vmem>>, vector<16xf32>,
        %get3A_1334 = arith.index_cast %add3A_1272 : i32 to index
        %get3A_1335 = arith.constant 64 : index
        %get3A_1336 = tpu.vector_load %arg8[%get3A_1334, %get3A_1335] {strides = array<i32>} : memref<128x128xf32, #tpu.memory_space<vmem>>, vector<16xf32>,
        %jit3A_1337 = arith.constant 0.000000e+00 : f32
        %broadcast_in_dim3A_1338 = vector.broadcast %jit3A_1337 : f32 to vector<16xf32>
        %select_n3A_1339 = arith.select %ne3A_1280, %get3A_1336, %broadcast_in_dim3A_1338 : vector<16xi1>, vector<16xf32>
        %get3A_1340 = arith.index_cast %add3A_1281 : i32 to index
        %get3A_1341 = arith.constant 64 : index
        %get3A_1342 = tpu.vector_load %arg7[%get3A_1340, %get3A_1341] {strides = array<i32>} : memref<400x128xf32, #tpu.memory_space<vmem>>, vector<16xf32>,
        %add3A_1343 = arith.addf %select_n3A_1339, %get3A_1342 : vector<16xf32>
        %swap3A_1344 = arith.index_cast %add3A_1272 : i32 to index
        %swap3A_1345 = arith.constant 64 : index
        %swap3A_1346 = tpu.vector_load %arg8[%swap3A_1344, %swap3A_1345] {strides = array<i32>} : memref<128x128xf32, #tpu.memory_space<vmem>>, vector<16xf32>,
        tpu.vector_store %arg8[%swap3A_1344, %swap3A_1345], %add3A_1343 {strides = array<i32>} : memref<128x128xf32, #tpu.memory_space<vmem>>, vector<16xf32>,
        %get3A_1347 = arith.index_cast %add3A_1272 : i32 to index
        %get3A_1348 = arith.constant 80 : index
        %get3A_1349 = tpu.vector_load %arg8[%get3A_1347, %get3A_1348] {strides = array<i32>} : memref<128x128xf32, #tpu.memory_space<vmem>>, vector<16xf32>,
        %jit3A_1350 = arith.constant 0.000000e+00 : f32
        %broadcast_in_dim3A_1351 = vector.broadcast %jit3A_1350 : f32 to vector<16xf32>
        %select_n3A_1352 = arith.select %ne3A_1280, %get3A_1349, %broadcast_in_dim3A_1351 : vector<16xi1>, vector<16xf32>
        %get3A_1353 = arith.index_cast %add3A_1281 : i32 to index
        %get3A_1354 = arith.constant 80 : index
        %get3A_1355 = tpu.vector_load %arg7[%get3A_1353, %get3A_1354] {strides = array<i32>} : memref<400x128xf32, #tpu.memory_space<vmem>>, vector<16xf32>,
        %add3A_1356 = arith.addf %select_n3A_1352, %get3A_1355 : vector<16xf32>
        %swap3A_1357 = arith.index_cast %add3A_1272 : i32 to index
        %swap3A_1358 = arith.constant 80 : index
        %swap3A_1359 = tpu.vector_load %arg8[%swap3A_1357, %swap3A_1358] {strides = array<i32>} : memref<128x128xf32, #tpu.memory_space<vmem>>, vector<16xf32>,
        tpu.vector_store %arg8[%swap3A_1357, %swap3A_1358], %add3A_1356 {strides = array<i32>} : memref<128x128xf32, #tpu.memory_space<vmem>>, vector<16xf32>,
        %get3A_1360 = arith.index_cast %add3A_1272 : i32 to index
        %get3A_1361 = arith.constant 96 : index
        %get3A_1362 = tpu.vector_load %arg8[%get3A_1360, %get3A_1361] {strides = array<i32>} : memref<128x128xf32, #tpu.memory_space<vmem>>, vector<16xf32>,
        %jit3A_1363 = arith.constant 0.000000e+00 : f32
        %broadcast_in_dim3A_1364 = vector.broadcast %jit3A_1363 : f32 to vector<16xf32>
        %select_n3A_1365 = arith.select %ne3A_1280, %get3A_1362, %broadcast_in_dim3A_1364 : vector<16xi1>, vector<16xf32>
        %get3A_1366 = arith.index_cast %add3A_1281 : i32 to index
        %get3A_1367 = arith.constant 96 : index
        %get3A_1368 = tpu.vector_load %arg7[%get3A_1366, %get3A_1367] {strides = array<i32>} : memref<400x128xf32, #tpu.memory_space<vmem>>, vector<16xf32>,
        %add3A_1369 = arith.addf %select_n3A_1365, %get3A_1368 : vector<16xf32>
        %swap3A_1370 = arith.index_cast %add3A_1272 : i32 to index
        %swap3A_1371 = arith.constant 96 : index
        %swap3A_1372 = tpu.vector_load %arg8[%swap3A_1370, %swap3A_1371] {strides = array<i32>} : memref<128x128xf32, #tpu.memory_space<vmem>>, vector<16xf32>,
        tpu.vector_store %arg8[%swap3A_1370, %swap3A_1371], %add3A_1369 {strides = array<i32>} : memref<128x128xf32, #tpu.memory_space<vmem>>, vector<16xf32>,
        %get3A_1373 = arith.index_cast %add3A_1272 : i32 to index
        %get3A_1374 = arith.constant 112 : index
        %get3A_1375 = tpu.vector_load %arg8[%get3A_1373, %get3A_1374] {strides = array<i32>} : memref<128x128xf32, #tpu.memory_space<vmem>>, vector<16xf32>,
        %jit3A_1376 = arith.constant 0.000000e+00 : f32
        %broadcast_in_dim3A_1377 = vector.broadcast %jit3A_1376 : f32 to vector<16xf32>
        %select_n3A_1378 = arith.select %ne3A_1280, %get3A_1375, %broadcast_in_dim3A_1377 : vector<16xi1>, vector<16xf32>
        %get3A_1379 = arith.index_cast %add3A_1281 : i32 to index
        %get3A_1380 = arith.constant 112 : index
        %get3A_1381 = tpu.vector_load %arg7[%get3A_1379, %get3A_1380] {strides = array<i32>} : memref<400x128xf32, #tpu.memory_space<vmem>>, vector<16xf32>,
        %add3A_1382 = arith.addf %select_n3A_1378, %get3A_1381 : vector<16xf32>
        %swap3A_1383 = arith.index_cast %add3A_1272 : i32 to index
        %swap3A_1384 = arith.constant 112 : index
        %swap3A_1385 = tpu.vector_load %arg8[%swap3A_1383, %swap3A_1384] {strides = array<i32>} : memref<128x128xf32, #tpu.memory_space<vmem>>, vector<16xf32>,
        tpu.vector_store %arg8[%swap3A_1383, %swap3A_1384], %add3A_1382 {strides = array<i32>} : memref<128x128xf32, #tpu.memory_space<vmem>>, vector<16xf32>,
        %add3A_1386 = arith.constant 11 : i32
        %add3A_1387 = arith.addi %mul3A_124, %add3A_1386 : i32
        %mul3A_1388 = arith.constant 128 : i32
        %mul3A_1389 = arith.muli %add3A_32, %mul3A_1388 : i32
        %add3A_1390 = arith.addi %mul3A_1389, %add3A_1387 : i32
        %broadcast_in_dim3A_1391 = vector.broadcast %add3A_1390 : i32 to vector<16xi32>
        %gather3A_1392 = tpu.vector_load_idx %arg6[%broadcast_in_dim3A_1391] : memref<6400xi32, #tpu.memory_space<vmem>>[vector<16xi32>], vector<16xi32>,
        %ne3A_1393 = arith.constant 0 : i32
        %ne3A_1394 = vector.broadcast %ne3A_1393 : i32 to vector<16xi32>
        %ne3A_1395 = arith.cmpi ne, %gather3A_1392, %ne3A_1394 : vector<16xi32>
        %add3A_1396 = arith.addi %select_n3A_57, %add3A_1387 : i32
        %get3A_1397 = arith.index_cast %add3A_1387 : i32 to index
        %get3A_1398 = arith.constant 0 : index
        %get3A_1399 = tpu.vector_load %arg8[%get3A_1397, %get3A_1398] {strides = array<i32>} : memref<128x128xf32, #tpu.memory_space<vmem>>, vector<16xf32>,
        %jit3A_1400 = arith.constant 0.000000e+00 : f32
        %broadcast_in_dim3A_1401 = vector.broadcast %jit3A_1400 : f32 to vector<16xf32>
        %select_n3A_1402 = arith.select %ne3A_1395, %get3A_1399, %broadcast_in_dim3A_1401 : vector<16xi1>, vector<16xf32>
        %get3A_1403 = arith.index_cast %add3A_1396 : i32 to index
        %get3A_1404 = arith.constant 0 : index
        %get3A_1405 = tpu.vector_load %arg7[%get3A_1403, %get3A_1404] {strides = array<i32>} : memref<400x128xf32, #tpu.memory_space<vmem>>, vector<16xf32>,
        %add3A_1406 = arith.addf %select_n3A_1402, %get3A_1405 : vector<16xf32>
        %swap3A_1407 = arith.index_cast %add3A_1387 : i32 to index
        %swap3A_1408 = arith.constant 0 : index
        %swap3A_1409 = tpu.vector_load %arg8[%swap3A_1407, %swap3A_1408] {strides = array<i32>} : memref<128x128xf32, #tpu.memory_space<vmem>>, vector<16xf32>,
        tpu.vector_store %arg8[%swap3A_1407, %swap3A_1408], %add3A_1406 {strides = array<i32>} : memref<128x128xf32, #tpu.memory_space<vmem>>, vector<16xf32>,
        %get3A_1410 = arith.index_cast %add3A_1387 : i32 to index
        %get3A_1411 = arith.constant 16 : index
        %get3A_1412 = tpu.vector_load %arg8[%get3A_1410, %get3A_1411] {strides = array<i32>} : memref<128x128xf32, #tpu.memory_space<vmem>>, vector<16xf32>,
        %jit3A_1413 = arith.constant 0.000000e+00 : f32
        %broadcast_in_dim3A_1414 = vector.broadcast %jit3A_1413 : f32 to vector<16xf32>
        %select_n3A_1415 = arith.select %ne3A_1395, %get3A_1412, %broadcast_in_dim3A_1414 : vector<16xi1>, vector<16xf32>
        %get3A_1416 = arith.index_cast %add3A_1396 : i32 to index
        %get3A_1417 = arith.constant 16 : index
        %get3A_1418 = tpu.vector_load %arg7[%get3A_1416, %get3A_1417] {strides = array<i32>} : memref<400x128xf32, #tpu.memory_space<vmem>>, vector<16xf32>,
        %add3A_1419 = arith.addf %select_n3A_1415, %get3A_1418 : vector<16xf32>
        %swap3A_1420 = arith.index_cast %add3A_1387 : i32 to index
        %swap3A_1421 = arith.constant 16 : index
        %swap3A_1422 = tpu.vector_load %arg8[%swap3A_1420, %swap3A_1421] {strides = array<i32>} : memref<128x128xf32, #tpu.memory_space<vmem>>, vector<16xf32>,
        tpu.vector_store %arg8[%swap3A_1420, %swap3A_1421], %add3A_1419 {strides = array<i32>} : memref<128x128xf32, #tpu.memory_space<vmem>>, vector<16xf32>,
        %get3A_1423 = arith.index_cast %add3A_1387 : i32 to index
        %get3A_1424 = arith.constant 32 : index
        %get3A_1425 = tpu.vector_load %arg8[%get3A_1423, %get3A_1424] {strides = array<i32>} : memref<128x128xf32, #tpu.memory_space<vmem>>, vector<16xf32>,
        %jit3A_1426 = arith.constant 0.000000e+00 : f32
        %broadcast_in_dim3A_1427 = vector.broadcast %jit3A_1426 : f32 to vector<16xf32>
        %select_n3A_1428 = arith.select %ne3A_1395, %get3A_1425, %broadcast_in_dim3A_1427 : vector<16xi1>, vector<16xf32>
        %get3A_1429 = arith.index_cast %add3A_1396 : i32 to index
        %get3A_1430 = arith.constant 32 : index
        %get3A_1431 = tpu.vector_load %arg7[%get3A_1429, %get3A_1430] {strides = array<i32>} : memref<400x128xf32, #tpu.memory_space<vmem>>, vector<16xf32>,
        %add3A_1432 = arith.addf %select_n3A_1428, %get3A_1431 : vector<16xf32>
        %swap3A_1433 = arith.index_cast %add3A_1387 : i32 to index
        %swap3A_1434 = arith.constant 32 : index
        %swap3A_1435 = tpu.vector_load %arg8[%swap3A_1433, %swap3A_1434] {strides = array<i32>} : memref<128x128xf32, #tpu.memory_space<vmem>>, vector<16xf32>,
        tpu.vector_store %arg8[%swap3A_1433, %swap3A_1434], %add3A_1432 {strides = array<i32>} : memref<128x128xf32, #tpu.memory_space<vmem>>, vector<16xf32>,
        %get3A_1436 = arith.index_cast %add3A_1387 : i32 to index
        %get3A_1437 = arith.constant 48 : index
        %get3A_1438 = tpu.vector_load %arg8[%get3A_1436, %get3A_1437] {strides = array<i32>} : memref<128x128xf32, #tpu.memory_space<vmem>>, vector<16xf32>,
        %jit3A_1439 = arith.constant 0.000000e+00 : f32
        %broadcast_in_dim3A_1440 = vector.broadcast %jit3A_1439 : f32 to vector<16xf32>
        %select_n3A_1441 = arith.select %ne3A_1395, %get3A_1438, %broadcast_in_dim3A_1440 : vector<16xi1>, vector<16xf32>
        %get3A_1442 = arith.index_cast %add3A_1396 : i32 to index
        %get3A_1443 = arith.constant 48 : index
        %get3A_1444 = tpu.vector_load %arg7[%get3A_1442, %get3A_1443] {strides = array<i32>} : memref<400x128xf32, #tpu.memory_space<vmem>>, vector<16xf32>,
        %add3A_1445 = arith.addf %select_n3A_1441, %get3A_1444 : vector<16xf32>
        %swap3A_1446 = arith.index_cast %add3A_1387 : i32 to index
        %swap3A_1447 = arith.constant 48 : index
        %swap3A_1448 = tpu.vector_load %arg8[%swap3A_1446, %swap3A_1447] {strides = array<i32>} : memref<128x128xf32, #tpu.memory_space<vmem>>, vector<16xf32>,
        tpu.vector_store %arg8[%swap3A_1446, %swap3A_1447], %add3A_1445 {strides = array<i32>} : memref<128x128xf32, #tpu.memory_space<vmem>>, vector<16xf32>,
        %get3A_1449 = arith.index_cast %add3A_1387 : i32 to index
        %get3A_1450 = arith.constant 64 : index
        %get3A_1451 = tpu.vector_load %arg8[%get3A_1449, %get3A_1450] {strides = array<i32>} : memref<128x128xf32, #tpu.memory_space<vmem>>, vector<16xf32>,
        %jit3A_1452 = arith.constant 0.000000e+00 : f32
        %broadcast_in_dim3A_1453 = vector.broadcast %jit3A_1452 : f32 to vector<16xf32>
        %select_n3A_1454 = arith.select %ne3A_1395, %get3A_1451, %broadcast_in_dim3A_1453 : vector<16xi1>, vector<16xf32>
        %get3A_1455 = arith.index_cast %add3A_1396 : i32 to index
        %get3A_1456 = arith.constant 64 : index
        %get3A_1457 = tpu.vector_load %arg7[%get3A_1455, %get3A_1456] {strides = array<i32>} : memref<400x128xf32, #tpu.memory_space<vmem>>, vector<16xf32>,
        %add3A_1458 = arith.addf %select_n3A_1454, %get3A_1457 : vector<16xf32>
        %swap3A_1459 = arith.index_cast %add3A_1387 : i32 to index
        %swap3A_1460 = arith.constant 64 : index
        %swap3A_1461 = tpu.vector_load %arg8[%swap3A_1459, %swap3A_1460] {strides = array<i32>} : memref<128x128xf32, #tpu.memory_space<vmem>>, vector<16xf32>,
        tpu.vector_store %arg8[%swap3A_1459, %swap3A_1460], %add3A_1458 {strides = array<i32>} : memref<128x128xf32, #tpu.memory_space<vmem>>, vector<16xf32>,
        %get3A_1462 = arith.index_cast %add3A_1387 : i32 to index
        %get3A_1463 = arith.constant 80 : index
        %get3A_1464 = tpu.vector_load %arg8[%get3A_1462, %get3A_1463] {strides = array<i32>} : memref<128x128xf32, #tpu.memory_space<vmem>>, vector<16xf32>,
        %jit3A_1465 = arith.constant 0.000000e+00 : f32
        %broadcast_in_dim3A_1466 = vector.broadcast %jit3A_1465 : f32 to vector<16xf32>
        %select_n3A_1467 = arith.select %ne3A_1395, %get3A_1464, %broadcast_in_dim3A_1466 : vector<16xi1>, vector<16xf32>
        %get3A_1468 = arith.index_cast %add3A_1396 : i32 to index
        %get3A_1469 = arith.constant 80 : index
        %get3A_1470 = tpu.vector_load %arg7[%get3A_1468, %get3A_1469] {strides = array<i32>} : memref<400x128xf32, #tpu.memory_space<vmem>>, vector<16xf32>,
        %add3A_1471 = arith.addf %select_n3A_1467, %get3A_1470 : vector<16xf32>
        %swap3A_1472 = arith.index_cast %add3A_1387 : i32 to index
        %swap3A_1473 = arith.constant 80 : index
        %swap3A_1474 = tpu.vector_load %arg8[%swap3A_1472, %swap3A_1473] {strides = array<i32>} : memref<128x128xf32, #tpu.memory_space<vmem>>, vector<16xf32>,
        tpu.vector_store %arg8[%swap3A_1472, %swap3A_1473], %add3A_1471 {strides = array<i32>} : memref<128x128xf32, #tpu.memory_space<vmem>>, vector<16xf32>,
        %get3A_1475 = arith.index_cast %add3A_1387 : i32 to index
        %get3A_1476 = arith.constant 96 : index
        %get3A_1477 = tpu.vector_load %arg8[%get3A_1475, %get3A_1476] {strides = array<i32>} : memref<128x128xf32, #tpu.memory_space<vmem>>, vector<16xf32>,
        %jit3A_1478 = arith.constant 0.000000e+00 : f32
        %broadcast_in_dim3A_1479 = vector.broadcast %jit3A_1478 : f32 to vector<16xf32>
        %select_n3A_1480 = arith.select %ne3A_1395, %get3A_1477, %broadcast_in_dim3A_1479 : vector<16xi1>, vector<16xf32>
        %get3A_1481 = arith.index_cast %add3A_1396 : i32 to index
        %get3A_1482 = arith.constant 96 : index
        %get3A_1483 = tpu.vector_load %arg7[%get3A_1481, %get3A_1482] {strides = array<i32>} : memref<400x128xf32, #tpu.memory_space<vmem>>, vector<16xf32>,
        %add3A_1484 = arith.addf %select_n3A_1480, %get3A_1483 : vector<16xf32>
        %swap3A_1485 = arith.index_cast %add3A_1387 : i32 to index
        %swap3A_1486 = arith.constant 96 : index
        %swap3A_1487 = tpu.vector_load %arg8[%swap3A_1485, %swap3A_1486] {strides = array<i32>} : memref<128x128xf32, #tpu.memory_space<vmem>>, vector<16xf32>,
        tpu.vector_store %arg8[%swap3A_1485, %swap3A_1486], %add3A_1484 {strides = array<i32>} : memref<128x128xf32, #tpu.memory_space<vmem>>, vector<16xf32>,
        %get3A_1488 = arith.index_cast %add3A_1387 : i32 to index
        %get3A_1489 = arith.constant 112 : index
        %get3A_1490 = tpu.vector_load %arg8[%get3A_1488, %get3A_1489] {strides = array<i32>} : memref<128x128xf32, #tpu.memory_space<vmem>>, vector<16xf32>,
        %jit3A_1491 = arith.constant 0.000000e+00 : f32
        %broadcast_in_dim3A_1492 = vector.broadcast %jit3A_1491 : f32 to vector<16xf32>
        %select_n3A_1493 = arith.select %ne3A_1395, %get3A_1490, %broadcast_in_dim3A_1492 : vector<16xi1>, vector<16xf32>
        %get3A_1494 = arith.index_cast %add3A_1396 : i32 to index
        %get3A_1495 = arith.constant 112 : index
        %get3A_1496 = tpu.vector_load %arg7[%get3A_1494, %get3A_1495] {strides = array<i32>} : memref<400x128xf32, #tpu.memory_space<vmem>>, vector<16xf32>,
        %add3A_1497 = arith.addf %select_n3A_1493, %get3A_1496 : vector<16xf32>
        %swap3A_1498 = arith.index_cast %add3A_1387 : i32 to index
        %swap3A_1499 = arith.constant 112 : index
        %swap3A_1500 = tpu.vector_load %arg8[%swap3A_1498, %swap3A_1499] {strides = array<i32>} : memref<128x128xf32, #tpu.memory_space<vmem>>, vector<16xf32>,
        tpu.vector_store %arg8[%swap3A_1498, %swap3A_1499], %add3A_1497 {strides = array<i32>} : memref<128x128xf32, #tpu.memory_space<vmem>>, vector<16xf32>,
        %add3A_1501 = arith.constant 12 : i32
        %add3A_1502 = arith.addi %mul3A_124, %add3A_1501 : i32
        %mul3A_1503 = arith.constant 128 : i32
        %mul3A_1504 = arith.muli %add3A_32, %mul3A_1503 : i32
        %add3A_1505 = arith.addi %mul3A_1504, %add3A_1502 : i32
        %broadcast_in_dim3A_1506 = vector.broadcast %add3A_1505 : i32 to vector<16xi32>
        %gather3A_1507 = tpu.vector_load_idx %arg6[%broadcast_in_dim3A_1506] : memref<6400xi32, #tpu.memory_space<vmem>>[vector<16xi32>], vector<16xi32>,
        %ne3A_1508 = arith.constant 0 : i32
        %ne3A_1509 = vector.broadcast %ne3A_1508 : i32 to vector<16xi32>
        %ne3A_1510 = arith.cmpi ne, %gather3A_1507, %ne3A_1509 : vector<16xi32>
        %add3A_1511 = arith.addi %select_n3A_57, %add3A_1502 : i32
        %get3A_1512 = arith.index_cast %add3A_1502 : i32 to index
        %get3A_1513 = arith.constant 0 : index
        %get3A_1514 = tpu.vector_load %arg8[%get3A_1512, %get3A_1513] {strides = array<i32>} : memref<128x128xf32, #tpu.memory_space<vmem>>, vector<16xf32>,
        %jit3A_1515 = arith.constant 0.000000e+00 : f32
        %broadcast_in_dim3A_1516 = vector.broadcast %jit3A_1515 : f32 to vector<16xf32>
        %select_n3A_1517 = arith.select %ne3A_1510, %get3A_1514, %broadcast_in_dim3A_1516 : vector<16xi1>, vector<16xf32>
        %get3A_1518 = arith.index_cast %add3A_1511 : i32 to index
        %get3A_1519 = arith.constant 0 : index
        %get3A_1520 = tpu.vector_load %arg7[%get3A_1518, %get3A_1519] {strides = array<i32>} : memref<400x128xf32, #tpu.memory_space<vmem>>, vector<16xf32>,
        %add3A_1521 = arith.addf %select_n3A_1517, %get3A_1520 : vector<16xf32>
        %swap3A_1522 = arith.index_cast %add3A_1502 : i32 to index
        %swap3A_1523 = arith.constant 0 : index
        %swap3A_1524 = tpu.vector_load %arg8[%swap3A_1522, %swap3A_1523] {strides = array<i32>} : memref<128x128xf32, #tpu.memory_space<vmem>>, vector<16xf32>,
        tpu.vector_store %arg8[%swap3A_1522, %swap3A_1523], %add3A_1521 {strides = array<i32>} : memref<128x128xf32, #tpu.memory_space<vmem>>, vector<16xf32>,
        %get3A_1525 = arith.index_cast %add3A_1502 : i32 to index
        %get3A_1526 = arith.constant 16 : index
        %get3A_1527 = tpu.vector_load %arg8[%get3A_1525, %get3A_1526] {strides = array<i32>} : memref<128x128xf32, #tpu.memory_space<vmem>>, vector<16xf32>,
        %jit3A_1528 = arith.constant 0.000000e+00 : f32
        %broadcast_in_dim3A_1529 = vector.broadcast %jit3A_1528 : f32 to vector<16xf32>
        %select_n3A_1530 = arith.select %ne3A_1510, %get3A_1527, %broadcast_in_dim3A_1529 : vector<16xi1>, vector<16xf32>
        %get3A_1531 = arith.index_cast %add3A_1511 : i32 to index
        %get3A_1532 = arith.constant 16 : index
        %get3A_1533 = tpu.vector_load %arg7[%get3A_1531, %get3A_1532] {strides = array<i32>} : memref<400x128xf32, #tpu.memory_space<vmem>>, vector<16xf32>,
        %add3A_1534 = arith.addf %select_n3A_1530, %get3A_1533 : vector<16xf32>
        %swap3A_1535 = arith.index_cast %add3A_1502 : i32 to index
        %swap3A_1536 = arith.constant 16 : index
        %swap3A_1537 = tpu.vector_load %arg8[%swap3A_1535, %swap3A_1536] {strides = array<i32>} : memref<128x128xf32, #tpu.memory_space<vmem>>, vector<16xf32>,
        tpu.vector_store %arg8[%swap3A_1535, %swap3A_1536], %add3A_1534 {strides = array<i32>} : memref<128x128xf32, #tpu.memory_space<vmem>>, vector<16xf32>,
        %get3A_1538 = arith.index_cast %add3A_1502 : i32 to index
        %get3A_1539 = arith.constant 32 : index
        %get3A_1540 = tpu.vector_load %arg8[%get3A_1538, %get3A_1539] {strides = array<i32>} : memref<128x128xf32, #tpu.memory_space<vmem>>, vector<16xf32>,
        %jit3A_1541 = arith.constant 0.000000e+00 : f32
        %broadcast_in_dim3A_1542 = vector.broadcast %jit3A_1541 : f32 to vector<16xf32>
        %select_n3A_1543 = arith.select %ne3A_1510, %get3A_1540, %broadcast_in_dim3A_1542 : vector<16xi1>, vector<16xf32>
        %get3A_1544 = arith.index_cast %add3A_1511 : i32 to index
        %get3A_1545 = arith.constant 32 : index
        %get3A_1546 = tpu.vector_load %arg7[%get3A_1544, %get3A_1545] {strides = array<i32>} : memref<400x128xf32, #tpu.memory_space<vmem>>, vector<16xf32>,
        %add3A_1547 = arith.addf %select_n3A_1543, %get3A_1546 : vector<16xf32>
        %swap3A_1548 = arith.index_cast %add3A_1502 : i32 to index
        %swap3A_1549 = arith.constant 32 : index
        %swap3A_1550 = tpu.vector_load %arg8[%swap3A_1548, %swap3A_1549] {strides = array<i32>} : memref<128x128xf32, #tpu.memory_space<vmem>>, vector<16xf32>,
        tpu.vector_store %arg8[%swap3A_1548, %swap3A_1549], %add3A_1547 {strides = array<i32>} : memref<128x128xf32, #tpu.memory_space<vmem>>, vector<16xf32>,
        %get3A_1551 = arith.index_cast %add3A_1502 : i32 to index
        %get3A_1552 = arith.constant 48 : index
        %get3A_1553 = tpu.vector_load %arg8[%get3A_1551, %get3A_1552] {strides = array<i32>} : memref<128x128xf32, #tpu.memory_space<vmem>>, vector<16xf32>,
        %jit3A_1554 = arith.constant 0.000000e+00 : f32
        %broadcast_in_dim3A_1555 = vector.broadcast %jit3A_1554 : f32 to vector<16xf32>
        %select_n3A_1556 = arith.select %ne3A_1510, %get3A_1553, %broadcast_in_dim3A_1555 : vector<16xi1>, vector<16xf32>
        %get3A_1557 = arith.index_cast %add3A_1511 : i32 to index
        %get3A_1558 = arith.constant 48 : index
        %get3A_1559 = tpu.vector_load %arg7[%get3A_1557, %get3A_1558] {strides = array<i32>} : memref<400x128xf32, #tpu.memory_space<vmem>>, vector<16xf32>,
        %add3A_1560 = arith.addf %select_n3A_1556, %get3A_1559 : vector<16xf32>
        %swap3A_1561 = arith.index_cast %add3A_1502 : i32 to index
        %swap3A_1562 = arith.constant 48 : index
        %swap3A_1563 = tpu.vector_load %arg8[%swap3A_1561, %swap3A_1562] {strides = array<i32>} : memref<128x128xf32, #tpu.memory_space<vmem>>, vector<16xf32>,
        tpu.vector_store %arg8[%swap3A_1561, %swap3A_1562], %add3A_1560 {strides = array<i32>} : memref<128x128xf32, #tpu.memory_space<vmem>>, vector<16xf32>,
        %get3A_1564 = arith.index_cast %add3A_1502 : i32 to index
        %get3A_1565 = arith.constant 64 : index
        %get3A_1566 = tpu.vector_load %arg8[%get3A_1564, %get3A_1565] {strides = array<i32>} : memref<128x128xf32, #tpu.memory_space<vmem>>, vector<16xf32>,
        %jit3A_1567 = arith.constant 0.000000e+00 : f32
        %broadcast_in_dim3A_1568 = vector.broadcast %jit3A_1567 : f32 to vector<16xf32>
        %select_n3A_1569 = arith.select %ne3A_1510, %get3A_1566, %broadcast_in_dim3A_1568 : vector<16xi1>, vector<16xf32>
        %get3A_1570 = arith.index_cast %add3A_1511 : i32 to index
        %get3A_1571 = arith.constant 64 : index
        %get3A_1572 = tpu.vector_load %arg7[%get3A_1570, %get3A_1571] {strides = array<i32>} : memref<400x128xf32, #tpu.memory_space<vmem>>, vector<16xf32>,
        %add3A_1573 = arith.addf %select_n3A_1569, %get3A_1572 : vector<16xf32>
        %swap3A_1574 = arith.index_cast %add3A_1502 : i32 to index
        %swap3A_1575 = arith.constant 64 : index
        %swap3A_1576 = tpu.vector_load %arg8[%swap3A_1574, %swap3A_1575] {strides = array<i32>} : memref<128x128xf32, #tpu.memory_space<vmem>>, vector<16xf32>,
        tpu.vector_store %arg8[%swap3A_1574, %swap3A_1575], %add3A_1573 {strides = array<i32>} : memref<128x128xf32, #tpu.memory_space<vmem>>, vector<16xf32>,
        %get3A_1577 = arith.index_cast %add3A_1502 : i32 to index
        %get3A_1578 = arith.constant 80 : index
        %get3A_1579 = tpu.vector_load %arg8[%get3A_1577, %get3A_1578] {strides = array<i32>} : memref<128x128xf32, #tpu.memory_space<vmem>>, vector<16xf32>,
        %jit3A_1580 = arith.constant 0.000000e+00 : f32
        %broadcast_in_dim3A_1581 = vector.broadcast %jit3A_1580 : f32 to vector<16xf32>
        %select_n3A_1582 = arith.select %ne3A_1510, %get3A_1579, %broadcast_in_dim3A_1581 : vector<16xi1>, vector<16xf32>
        %get3A_1583 = arith.index_cast %add3A_1511 : i32 to index
        %get3A_1584 = arith.constant 80 : index
        %get3A_1585 = tpu.vector_load %arg7[%get3A_1583, %get3A_1584] {strides = array<i32>} : memref<400x128xf32, #tpu.memory_space<vmem>>, vector<16xf32>,
        %add3A_1586 = arith.addf %select_n3A_1582, %get3A_1585 : vector<16xf32>
        %swap3A_1587 = arith.index_cast %add3A_1502 : i32 to index
        %swap3A_1588 = arith.constant 80 : index
        %swap3A_1589 = tpu.vector_load %arg8[%swap3A_1587, %swap3A_1588] {strides = array<i32>} : memref<128x128xf32, #tpu.memory_space<vmem>>, vector<16xf32>,
        tpu.vector_store %arg8[%swap3A_1587, %swap3A_1588], %add3A_1586 {strides = array<i32>} : memref<128x128xf32, #tpu.memory_space<vmem>>, vector<16xf32>,
        %get3A_1590 = arith.index_cast %add3A_1502 : i32 to index
        %get3A_1591 = arith.constant 96 : index
        %get3A_1592 = tpu.vector_load %arg8[%get3A_1590, %get3A_1591] {strides = array<i32>} : memref<128x128xf32, #tpu.memory_space<vmem>>, vector<16xf32>,
        %jit3A_1593 = arith.constant 0.000000e+00 : f32
        %broadcast_in_dim3A_1594 = vector.broadcast %jit3A_1593 : f32 to vector<16xf32>
        %select_n3A_1595 = arith.select %ne3A_1510, %get3A_1592, %broadcast_in_dim3A_1594 : vector<16xi1>, vector<16xf32>
        %get3A_1596 = arith.index_cast %add3A_1511 : i32 to index
        %get3A_1597 = arith.constant 96 : index
        %get3A_1598 = tpu.vector_load %arg7[%get3A_1596, %get3A_1597] {strides = array<i32>} : memref<400x128xf32, #tpu.memory_space<vmem>>, vector<16xf32>,
        %add3A_1599 = arith.addf %select_n3A_1595, %get3A_1598 : vector<16xf32>
        %swap3A_1600 = arith.index_cast %add3A_1502 : i32 to index
        %swap3A_1601 = arith.constant 96 : index
        %swap3A_1602 = tpu.vector_load %arg8[%swap3A_1600, %swap3A_1601] {strides = array<i32>} : memref<128x128xf32, #tpu.memory_space<vmem>>, vector<16xf32>,
        tpu.vector_store %arg8[%swap3A_1600, %swap3A_1601], %add3A_1599 {strides = array<i32>} : memref<128x128xf32, #tpu.memory_space<vmem>>, vector<16xf32>,
        %get3A_1603 = arith.index_cast %add3A_1502 : i32 to index
        %get3A_1604 = arith.constant 112 : index
        %get3A_1605 = tpu.vector_load %arg8[%get3A_1603, %get3A_1604] {strides = array<i32>} : memref<128x128xf32, #tpu.memory_space<vmem>>, vector<16xf32>,
        %jit3A_1606 = arith.constant 0.000000e+00 : f32
        %broadcast_in_dim3A_1607 = vector.broadcast %jit3A_1606 : f32 to vector<16xf32>
        %select_n3A_1608 = arith.select %ne3A_1510, %get3A_1605, %broadcast_in_dim3A_1607 : vector<16xi1>, vector<16xf32>
        %get3A_1609 = arith.index_cast %add3A_1511 : i32 to index
        %get3A_1610 = arith.constant 112 : index
        %get3A_1611 = tpu.vector_load %arg7[%get3A_1609, %get3A_1610] {strides = array<i32>} : memref<400x128xf32, #tpu.memory_space<vmem>>, vector<16xf32>,
        %add3A_1612 = arith.addf %select_n3A_1608, %get3A_1611 : vector<16xf32>
        %swap3A_1613 = arith.index_cast %add3A_1502 : i32 to index
        %swap3A_1614 = arith.constant 112 : index
        %swap3A_1615 = tpu.vector_load %arg8[%swap3A_1613, %swap3A_1614] {strides = array<i32>} : memref<128x128xf32, #tpu.memory_space<vmem>>, vector<16xf32>,
        tpu.vector_store %arg8[%swap3A_1613, %swap3A_1614], %add3A_1612 {strides = array<i32>} : memref<128x128xf32, #tpu.memory_space<vmem>>, vector<16xf32>,
        %add3A_1616 = arith.constant 13 : i32
        %add3A_1617 = arith.addi %mul3A_124, %add3A_1616 : i32
        %mul3A_1618 = arith.constant 128 : i32
        %mul3A_1619 = arith.muli %add3A_32, %mul3A_1618 : i32
        %add3A_1620 = arith.addi %mul3A_1619, %add3A_1617 : i32
        %broadcast_in_dim3A_1621 = vector.broadcast %add3A_1620 : i32 to vector<16xi32>
        %gather3A_1622 = tpu.vector_load_idx %arg6[%broadcast_in_dim3A_1621] : memref<6400xi32, #tpu.memory_space<vmem>>[vector<16xi32>], vector<16xi32>,
        %ne3A_1623 = arith.constant 0 : i32
        %ne3A_1624 = vector.broadcast %ne3A_1623 : i32 to vector<16xi32>
        %ne3A_1625 = arith.cmpi ne, %gather3A_1622, %ne3A_1624 : vector<16xi32>
        %add3A_1626 = arith.addi %select_n3A_57, %add3A_1617 : i32
        %get3A_1627 = arith.index_cast %add3A_1617 : i32 to index
        %get3A_1628 = arith.constant 0 : index
        %get3A_1629 = tpu.vector_load %arg8[%get3A_1627, %get3A_1628] {strides = array<i32>} : memref<128x128xf32, #tpu.memory_space<vmem>>, vector<16xf32>,
        %jit3A_1630 = arith.constant 0.000000e+00 : f32
        %broadcast_in_dim3A_1631 = vector.broadcast %jit3A_1630 : f32 to vector<16xf32>
        %select_n3A_1632 = arith.select %ne3A_1625, %get3A_1629, %broadcast_in_dim3A_1631 : vector<16xi1>, vector<16xf32>
        %get3A_1633 = arith.index_cast %add3A_1626 : i32 to index
        %get3A_1634 = arith.constant 0 : index
        %get3A_1635 = tpu.vector_load %arg7[%get3A_1633, %get3A_1634] {strides = array<i32>} : memref<400x128xf32, #tpu.memory_space<vmem>>, vector<16xf32>,
        %add3A_1636 = arith.addf %select_n3A_1632, %get3A_1635 : vector<16xf32>
        %swap3A_1637 = arith.index_cast %add3A_1617 : i32 to index
        %swap3A_1638 = arith.constant 0 : index
        %swap3A_1639 = tpu.vector_load %arg8[%swap3A_1637, %swap3A_1638] {strides = array<i32>} : memref<128x128xf32, #tpu.memory_space<vmem>>, vector<16xf32>,
        tpu.vector_store %arg8[%swap3A_1637, %swap3A_1638], %add3A_1636 {strides = array<i32>} : memref<128x128xf32, #tpu.memory_space<vmem>>, vector<16xf32>,
        %get3A_1640 = arith.index_cast %add3A_1617 : i32 to index
        %get3A_1641 = arith.constant 16 : index
        %get3A_1642 = tpu.vector_load %arg8[%get3A_1640, %get3A_1641] {strides = array<i32>} : memref<128x128xf32, #tpu.memory_space<vmem>>, vector<16xf32>,
        %jit3A_1643 = arith.constant 0.000000e+00 : f32
        %broadcast_in_dim3A_1644 = vector.broadcast %jit3A_1643 : f32 to vector<16xf32>
        %select_n3A_1645 = arith.select %ne3A_1625, %get3A_1642, %broadcast_in_dim3A_1644 : vector<16xi1>, vector<16xf32>
        %get3A_1646 = arith.index_cast %add3A_1626 : i32 to index
        %get3A_1647 = arith.constant 16 : index
        %get3A_1648 = tpu.vector_load %arg7[%get3A_1646, %get3A_1647] {strides = array<i32>} : memref<400x128xf32, #tpu.memory_space<vmem>>, vector<16xf32>,
        %add3A_1649 = arith.addf %select_n3A_1645, %get3A_1648 : vector<16xf32>
        %swap3A_1650 = arith.index_cast %add3A_1617 : i32 to index
        %swap3A_1651 = arith.constant 16 : index
        %swap3A_1652 = tpu.vector_load %arg8[%swap3A_1650, %swap3A_1651] {strides = array<i32>} : memref<128x128xf32, #tpu.memory_space<vmem>>, vector<16xf32>,
        tpu.vector_store %arg8[%swap3A_1650, %swap3A_1651], %add3A_1649 {strides = array<i32>} : memref<128x128xf32, #tpu.memory_space<vmem>>, vector<16xf32>,
        %get3A_1653 = arith.index_cast %add3A_1617 : i32 to index
        %get3A_1654 = arith.constant 32 : index
        %get3A_1655 = tpu.vector_load %arg8[%get3A_1653, %get3A_1654] {strides = array<i32>} : memref<128x128xf32, #tpu.memory_space<vmem>>, vector<16xf32>,
        %jit3A_1656 = arith.constant 0.000000e+00 : f32
        %broadcast_in_dim3A_1657 = vector.broadcast %jit3A_1656 : f32 to vector<16xf32>
        %select_n3A_1658 = arith.select %ne3A_1625, %get3A_1655, %broadcast_in_dim3A_1657 : vector<16xi1>, vector<16xf32>
        %get3A_1659 = arith.index_cast %add3A_1626 : i32 to index
        %get3A_1660 = arith.constant 32 : index
        %get3A_1661 = tpu.vector_load %arg7[%get3A_1659, %get3A_1660] {strides = array<i32>} : memref<400x128xf32, #tpu.memory_space<vmem>>, vector<16xf32>,
        %add3A_1662 = arith.addf %select_n3A_1658, %get3A_1661 : vector<16xf32>
        %swap3A_1663 = arith.index_cast %add3A_1617 : i32 to index
        %swap3A_1664 = arith.constant 32 : index
        %swap3A_1665 = tpu.vector_load %arg8[%swap3A_1663, %swap3A_1664] {strides = array<i32>} : memref<128x128xf32, #tpu.memory_space<vmem>>, vector<16xf32>,
        tpu.vector_store %arg8[%swap3A_1663, %swap3A_1664], %add3A_1662 {strides = array<i32>} : memref<128x128xf32, #tpu.memory_space<vmem>>, vector<16xf32>,
        %get3A_1666 = arith.index_cast %add3A_1617 : i32 to index
        %get3A_1667 = arith.constant 48 : index
        %get3A_1668 = tpu.vector_load %arg8[%get3A_1666, %get3A_1667] {strides = array<i32>} : memref<128x128xf32, #tpu.memory_space<vmem>>, vector<16xf32>,
        %jit3A_1669 = arith.constant 0.000000e+00 : f32
        %broadcast_in_dim3A_1670 = vector.broadcast %jit3A_1669 : f32 to vector<16xf32>
        %select_n3A_1671 = arith.select %ne3A_1625, %get3A_1668, %broadcast_in_dim3A_1670 : vector<16xi1>, vector<16xf32>
        %get3A_1672 = arith.index_cast %add3A_1626 : i32 to index
        %get3A_1673 = arith.constant 48 : index
        %get3A_1674 = tpu.vector_load %arg7[%get3A_1672, %get3A_1673] {strides = array<i32>} : memref<400x128xf32, #tpu.memory_space<vmem>>, vector<16xf32>,
        %add3A_1675 = arith.addf %select_n3A_1671, %get3A_1674 : vector<16xf32>
        %swap3A_1676 = arith.index_cast %add3A_1617 : i32 to index
        %swap3A_1677 = arith.constant 48 : index
        %swap3A_1678 = tpu.vector_load %arg8[%swap3A_1676, %swap3A_1677] {strides = array<i32>} : memref<128x128xf32, #tpu.memory_space<vmem>>, vector<16xf32>,
        tpu.vector_store %arg8[%swap3A_1676, %swap3A_1677], %add3A_1675 {strides = array<i32>} : memref<128x128xf32, #tpu.memory_space<vmem>>, vector<16xf32>,
        %get3A_1679 = arith.index_cast %add3A_1617 : i32 to index
        %get3A_1680 = arith.constant 64 : index
        %get3A_1681 = tpu.vector_load %arg8[%get3A_1679, %get3A_1680] {strides = array<i32>} : memref<128x128xf32, #tpu.memory_space<vmem>>, vector<16xf32>,
        %jit3A_1682 = arith.constant 0.000000e+00 : f32
        %broadcast_in_dim3A_1683 = vector.broadcast %jit3A_1682 : f32 to vector<16xf32>
        %select_n3A_1684 = arith.select %ne3A_1625, %get3A_1681, %broadcast_in_dim3A_1683 : vector<16xi1>, vector<16xf32>
        %get3A_1685 = arith.index_cast %add3A_1626 : i32 to index
        %get3A_1686 = arith.constant 64 : index
        %get3A_1687 = tpu.vector_load %arg7[%get3A_1685, %get3A_1686] {strides = array<i32>} : memref<400x128xf32, #tpu.memory_space<vmem>>, vector<16xf32>,
        %add3A_1688 = arith.addf %select_n3A_1684, %get3A_1687 : vector<16xf32>
        %swap3A_1689 = arith.index_cast %add3A_1617 : i32 to index
        %swap3A_1690 = arith.constant 64 : index
        %swap3A_1691 = tpu.vector_load %arg8[%swap3A_1689, %swap3A_1690] {strides = array<i32>} : memref<128x128xf32, #tpu.memory_space<vmem>>, vector<16xf32>,
        tpu.vector_store %arg8[%swap3A_1689, %swap3A_1690], %add3A_1688 {strides = array<i32>} : memref<128x128xf32, #tpu.memory_space<vmem>>, vector<16xf32>,
        %get3A_1692 = arith.index_cast %add3A_1617 : i32 to index
        %get3A_1693 = arith.constant 80 : index
        %get3A_1694 = tpu.vector_load %arg8[%get3A_1692, %get3A_1693] {strides = array<i32>} : memref<128x128xf32, #tpu.memory_space<vmem>>, vector<16xf32>,
        %jit3A_1695 = arith.constant 0.000000e+00 : f32
        %broadcast_in_dim3A_1696 = vector.broadcast %jit3A_1695 : f32 to vector<16xf32>
        %select_n3A_1697 = arith.select %ne3A_1625, %get3A_1694, %broadcast_in_dim3A_1696 : vector<16xi1>, vector<16xf32>
        %get3A_1698 = arith.index_cast %add3A_1626 : i32 to index
        %get3A_1699 = arith.constant 80 : index
        %get3A_1700 = tpu.vector_load %arg7[%get3A_1698, %get3A_1699] {strides = array<i32>} : memref<400x128xf32, #tpu.memory_space<vmem>>, vector<16xf32>,
        %add3A_1701 = arith.addf %select_n3A_1697, %get3A_1700 : vector<16xf32>
        %swap3A_1702 = arith.index_cast %add3A_1617 : i32 to index
        %swap3A_1703 = arith.constant 80 : index
        %swap3A_1704 = tpu.vector_load %arg8[%swap3A_1702, %swap3A_1703] {strides = array<i32>} : memref<128x128xf32, #tpu.memory_space<vmem>>, vector<16xf32>,
        tpu.vector_store %arg8[%swap3A_1702, %swap3A_1703], %add3A_1701 {strides = array<i32>} : memref<128x128xf32, #tpu.memory_space<vmem>>, vector<16xf32>,
        %get3A_1705 = arith.index_cast %add3A_1617 : i32 to index
        %get3A_1706 = arith.constant 96 : index
        %get3A_1707 = tpu.vector_load %arg8[%get3A_1705, %get3A_1706] {strides = array<i32>} : memref<128x128xf32, #tpu.memory_space<vmem>>, vector<16xf32>,
        %jit3A_1708 = arith.constant 0.000000e+00 : f32
        %broadcast_in_dim3A_1709 = vector.broadcast %jit3A_1708 : f32 to vector<16xf32>
        %select_n3A_1710 = arith.select %ne3A_1625, %get3A_1707, %broadcast_in_dim3A_1709 : vector<16xi1>, vector<16xf32>
        %get3A_1711 = arith.index_cast %add3A_1626 : i32 to index
        %get3A_1712 = arith.constant 96 : index
        %get3A_1713 = tpu.vector_load %arg7[%get3A_1711, %get3A_1712] {strides = array<i32>} : memref<400x128xf32, #tpu.memory_space<vmem>>, vector<16xf32>,
        %add3A_1714 = arith.addf %select_n3A_1710, %get3A_1713 : vector<16xf32>
        %swap3A_1715 = arith.index_cast %add3A_1617 : i32 to index
        %swap3A_1716 = arith.constant 96 : index
        %swap3A_1717 = tpu.vector_load %arg8[%swap3A_1715, %swap3A_1716] {strides = array<i32>} : memref<128x128xf32, #tpu.memory_space<vmem>>, vector<16xf32>,
        tpu.vector_store %arg8[%swap3A_1715, %swap3A_1716], %add3A_1714 {strides = array<i32>} : memref<128x128xf32, #tpu.memory_space<vmem>>, vector<16xf32>,
        %get3A_1718 = arith.index_cast %add3A_1617 : i32 to index
        %get3A_1719 = arith.constant 112 : index
        %get3A_1720 = tpu.vector_load %arg8[%get3A_1718, %get3A_1719] {strides = array<i32>} : memref<128x128xf32, #tpu.memory_space<vmem>>, vector<16xf32>,
        %jit3A_1721 = arith.constant 0.000000e+00 : f32
        %broadcast_in_dim3A_1722 = vector.broadcast %jit3A_1721 : f32 to vector<16xf32>
        %select_n3A_1723 = arith.select %ne3A_1625, %get3A_1720, %broadcast_in_dim3A_1722 : vector<16xi1>, vector<16xf32>
        %get3A_1724 = arith.index_cast %add3A_1626 : i32 to index
        %get3A_1725 = arith.constant 112 : index
        %get3A_1726 = tpu.vector_load %arg7[%get3A_1724, %get3A_1725] {strides = array<i32>} : memref<400x128xf32, #tpu.memory_space<vmem>>, vector<16xf32>,
        %add3A_1727 = arith.addf %select_n3A_1723, %get3A_1726 : vector<16xf32>
        %swap3A_1728 = arith.index_cast %add3A_1617 : i32 to index
        %swap3A_1729 = arith.constant 112 : index
        %swap3A_1730 = tpu.vector_load %arg8[%swap3A_1728, %swap3A_1729] {strides = array<i32>} : memref<128x128xf32, #tpu.memory_space<vmem>>, vector<16xf32>,
        tpu.vector_store %arg8[%swap3A_1728, %swap3A_1729], %add3A_1727 {strides = array<i32>} : memref<128x128xf32, #tpu.memory_space<vmem>>, vector<16xf32>,
        %add3A_1731 = arith.constant 14 : i32
        %add3A_1732 = arith.addi %mul3A_124, %add3A_1731 : i32
        %mul3A_1733 = arith.constant 128 : i32
        %mul3A_1734 = arith.muli %add3A_32, %mul3A_1733 : i32
        %add3A_1735 = arith.addi %mul3A_1734, %add3A_1732 : i32
        %broadcast_in_dim3A_1736 = vector.broadcast %add3A_1735 : i32 to vector<16xi32>
        %gather3A_1737 = tpu.vector_load_idx %arg6[%broadcast_in_dim3A_1736] : memref<6400xi32, #tpu.memory_space<vmem>>[vector<16xi32>], vector<16xi32>,
        %ne3A_1738 = arith.constant 0 : i32
        %ne3A_1739 = vector.broadcast %ne3A_1738 : i32 to vector<16xi32>
        %ne3A_1740 = arith.cmpi ne, %gather3A_1737, %ne3A_1739 : vector<16xi32>
        %add3A_1741 = arith.addi %select_n3A_57, %add3A_1732 : i32
        %get3A_1742 = arith.index_cast %add3A_1732 : i32 to index
        %get3A_1743 = arith.constant 0 : index
        %get3A_1744 = tpu.vector_load %arg8[%get3A_1742, %get3A_1743] {strides = array<i32>} : memref<128x128xf32, #tpu.memory_space<vmem>>, vector<16xf32>,
        %jit3A_1745 = arith.constant 0.000000e+00 : f32
        %broadcast_in_dim3A_1746 = vector.broadcast %jit3A_1745 : f32 to vector<16xf32>
        %select_n3A_1747 = arith.select %ne3A_1740, %get3A_1744, %broadcast_in_dim3A_1746 : vector<16xi1>, vector<16xf32>
        %get3A_1748 = arith.index_cast %add3A_1741 : i32 to index
        %get3A_1749 = arith.constant 0 : index
        %get3A_1750 = tpu.vector_load %arg7[%get3A_1748, %get3A_1749] {strides = array<i32>} : memref<400x128xf32, #tpu.memory_space<vmem>>, vector<16xf32>,
        %add3A_1751 = arith.addf %select_n3A_1747, %get3A_1750 : vector<16xf32>
        %swap3A_1752 = arith.index_cast %add3A_1732 : i32 to index
        %swap3A_1753 = arith.constant 0 : index
        %swap3A_1754 = tpu.vector_load %arg8[%swap3A_1752, %swap3A_1753] {strides = array<i32>} : memref<128x128xf32, #tpu.memory_space<vmem>>, vector<16xf32>,
        tpu.vector_store %arg8[%swap3A_1752, %swap3A_1753], %add3A_1751 {strides = array<i32>} : memref<128x128xf32, #tpu.memory_space<vmem>>, vector<16xf32>,
        %get3A_1755 = arith.index_cast %add3A_1732 : i32 to index
        %get3A_1756 = arith.constant 16 : index
        %get3A_1757 = tpu.vector_load %arg8[%get3A_1755, %get3A_1756] {strides = array<i32>} : memref<128x128xf32, #tpu.memory_space<vmem>>, vector<16xf32>,
        %jit3A_1758 = arith.constant 0.000000e+00 : f32
        %broadcast_in_dim3A_1759 = vector.broadcast %jit3A_1758 : f32 to vector<16xf32>
        %select_n3A_1760 = arith.select %ne3A_1740, %get3A_1757, %broadcast_in_dim3A_1759 : vector<16xi1>, vector<16xf32>
        %get3A_1761 = arith.index_cast %add3A_1741 : i32 to index
        %get3A_1762 = arith.constant 16 : index
        %get3A_1763 = tpu.vector_load %arg7[%get3A_1761, %get3A_1762] {strides = array<i32>} : memref<400x128xf32, #tpu.memory_space<vmem>>, vector<16xf32>,
        %add3A_1764 = arith.addf %select_n3A_1760, %get3A_1763 : vector<16xf32>
        %swap3A_1765 = arith.index_cast %add3A_1732 : i32 to index
        %swap3A_1766 = arith.constant 16 : index
        %swap3A_1767 = tpu.vector_load %arg8[%swap3A_1765, %swap3A_1766] {strides = array<i32>} : memref<128x128xf32, #tpu.memory_space<vmem>>, vector<16xf32>,
        tpu.vector_store %arg8[%swap3A_1765, %swap3A_1766], %add3A_1764 {strides = array<i32>} : memref<128x128xf32, #tpu.memory_space<vmem>>, vector<16xf32>,
        %get3A_1768 = arith.index_cast %add3A_1732 : i32 to index
        %get3A_1769 = arith.constant 32 : index
        %get3A_1770 = tpu.vector_load %arg8[%get3A_1768, %get3A_1769] {strides = array<i32>} : memref<128x128xf32, #tpu.memory_space<vmem>>, vector<16xf32>,
        %jit3A_1771 = arith.constant 0.000000e+00 : f32
        %broadcast_in_dim3A_1772 = vector.broadcast %jit3A_1771 : f32 to vector<16xf32>
        %select_n3A_1773 = arith.select %ne3A_1740, %get3A_1770, %broadcast_in_dim3A_1772 : vector<16xi1>, vector<16xf32>
        %get3A_1774 = arith.index_cast %add3A_1741 : i32 to index
        %get3A_1775 = arith.constant 32 : index
        %get3A_1776 = tpu.vector_load %arg7[%get3A_1774, %get3A_1775] {strides = array<i32>} : memref<400x128xf32, #tpu.memory_space<vmem>>, vector<16xf32>,
        %add3A_1777 = arith.addf %select_n3A_1773, %get3A_1776 : vector<16xf32>
        %swap3A_1778 = arith.index_cast %add3A_1732 : i32 to index
        %swap3A_1779 = arith.constant 32 : index
        %swap3A_1780 = tpu.vector_load %arg8[%swap3A_1778, %swap3A_1779] {strides = array<i32>} : memref<128x128xf32, #tpu.memory_space<vmem>>, vector<16xf32>,
        tpu.vector_store %arg8[%swap3A_1778, %swap3A_1779], %add3A_1777 {strides = array<i32>} : memref<128x128xf32, #tpu.memory_space<vmem>>, vector<16xf32>,
        %get3A_1781 = arith.index_cast %add3A_1732 : i32 to index
        %get3A_1782 = arith.constant 48 : index
        %get3A_1783 = tpu.vector_load %arg8[%get3A_1781, %get3A_1782] {strides = array<i32>} : memref<128x128xf32, #tpu.memory_space<vmem>>, vector<16xf32>,
        %jit3A_1784 = arith.constant 0.000000e+00 : f32
        %broadcast_in_dim3A_1785 = vector.broadcast %jit3A_1784 : f32 to vector<16xf32>
        %select_n3A_1786 = arith.select %ne3A_1740, %get3A_1783, %broadcast_in_dim3A_1785 : vector<16xi1>, vector<16xf32>
        %get3A_1787 = arith.index_cast %add3A_1741 : i32 to index
        %get3A_1788 = arith.constant 48 : index
        %get3A_1789 = tpu.vector_load %arg7[%get3A_1787, %get3A_1788] {strides = array<i32>} : memref<400x128xf32, #tpu.memory_space<vmem>>, vector<16xf32>,
        %add3A_1790 = arith.addf %select_n3A_1786, %get3A_1789 : vector<16xf32>
        %swap3A_1791 = arith.index_cast %add3A_1732 : i32 to index
        %swap3A_1792 = arith.constant 48 : index
        %swap3A_1793 = tpu.vector_load %arg8[%swap3A_1791, %swap3A_1792] {strides = array<i32>} : memref<128x128xf32, #tpu.memory_space<vmem>>, vector<16xf32>,
        tpu.vector_store %arg8[%swap3A_1791, %swap3A_1792], %add3A_1790 {strides = array<i32>} : memref<128x128xf32, #tpu.memory_space<vmem>>, vector<16xf32>,
        %get3A_1794 = arith.index_cast %add3A_1732 : i32 to index
        %get3A_1795 = arith.constant 64 : index
        %get3A_1796 = tpu.vector_load %arg8[%get3A_1794, %get3A_1795] {strides = array<i32>} : memref<128x128xf32, #tpu.memory_space<vmem>>, vector<16xf32>,
        %jit3A_1797 = arith.constant 0.000000e+00 : f32
        %broadcast_in_dim3A_1798 = vector.broadcast %jit3A_1797 : f32 to vector<16xf32>
        %select_n3A_1799 = arith.select %ne3A_1740, %get3A_1796, %broadcast_in_dim3A_1798 : vector<16xi1>, vector<16xf32>
        %get3A_1800 = arith.index_cast %add3A_1741 : i32 to index
        %get3A_1801 = arith.constant 64 : index
        %get3A_1802 = tpu.vector_load %arg7[%get3A_1800, %get3A_1801] {strides = array<i32>} : memref<400x128xf32, #tpu.memory_space<vmem>>, vector<16xf32>,
        %add3A_1803 = arith.addf %select_n3A_1799, %get3A_1802 : vector<16xf32>
        %swap3A_1804 = arith.index_cast %add3A_1732 : i32 to index
        %swap3A_1805 = arith.constant 64 : index
        %swap3A_1806 = tpu.vector_load %arg8[%swap3A_1804, %swap3A_1805] {strides = array<i32>} : memref<128x128xf32, #tpu.memory_space<vmem>>, vector<16xf32>,
        tpu.vector_store %arg8[%swap3A_1804, %swap3A_1805], %add3A_1803 {strides = array<i32>} : memref<128x128xf32, #tpu.memory_space<vmem>>, vector<16xf32>,
        %get3A_1807 = arith.index_cast %add3A_1732 : i32 to index
        %get3A_1808 = arith.constant 80 : index
        %get3A_1809 = tpu.vector_load %arg8[%get3A_1807, %get3A_1808] {strides = array<i32>} : memref<128x128xf32, #tpu.memory_space<vmem>>, vector<16xf32>,
        %jit3A_1810 = arith.constant 0.000000e+00 : f32
        %broadcast_in_dim3A_1811 = vector.broadcast %jit3A_1810 : f32 to vector<16xf32>
        %select_n3A_1812 = arith.select %ne3A_1740, %get3A_1809, %broadcast_in_dim3A_1811 : vector<16xi1>, vector<16xf32>
        %get3A_1813 = arith.index_cast %add3A_1741 : i32 to index
        %get3A_1814 = arith.constant 80 : index
        %get3A_1815 = tpu.vector_load %arg7[%get3A_1813, %get3A_1814] {strides = array<i32>} : memref<400x128xf32, #tpu.memory_space<vmem>>, vector<16xf32>,
        %add3A_1816 = arith.addf %select_n3A_1812, %get3A_1815 : vector<16xf32>
        %swap3A_1817 = arith.index_cast %add3A_1732 : i32 to index
        %swap3A_1818 = arith.constant 80 : index
        %swap3A_1819 = tpu.vector_load %arg8[%swap3A_1817, %swap3A_1818] {strides = array<i32>} : memref<128x128xf32, #tpu.memory_space<vmem>>, vector<16xf32>,
        tpu.vector_store %arg8[%swap3A_1817, %swap3A_1818], %add3A_1816 {strides = array<i32>} : memref<128x128xf32, #tpu.memory_space<vmem>>, vector<16xf32>,
        %get3A_1820 = arith.index_cast %add3A_1732 : i32 to index
        %get3A_1821 = arith.constant 96 : index
        %get3A_1822 = tpu.vector_load %arg8[%get3A_1820, %get3A_1821] {strides = array<i32>} : memref<128x128xf32, #tpu.memory_space<vmem>>, vector<16xf32>,
        %jit3A_1823 = arith.constant 0.000000e+00 : f32
        %broadcast_in_dim3A_1824 = vector.broadcast %jit3A_1823 : f32 to vector<16xf32>
        %select_n3A_1825 = arith.select %ne3A_1740, %get3A_1822, %broadcast_in_dim3A_1824 : vector<16xi1>, vector<16xf32>
        %get3A_1826 = arith.index_cast %add3A_1741 : i32 to index
        %get3A_1827 = arith.constant 96 : index
        %get3A_1828 = tpu.vector_load %arg7[%get3A_1826, %get3A_1827] {strides = array<i32>} : memref<400x128xf32, #tpu.memory_space<vmem>>, vector<16xf32>,
        %add3A_1829 = arith.addf %select_n3A_1825, %get3A_1828 : vector<16xf32>
        %swap3A_1830 = arith.index_cast %add3A_1732 : i32 to index
        %swap3A_1831 = arith.constant 96 : index
        %swap3A_1832 = tpu.vector_load %arg8[%swap3A_1830, %swap3A_1831] {strides = array<i32>} : memref<128x128xf32, #tpu.memory_space<vmem>>, vector<16xf32>,
        tpu.vector_store %arg8[%swap3A_1830, %swap3A_1831], %add3A_1829 {strides = array<i32>} : memref<128x128xf32, #tpu.memory_space<vmem>>, vector<16xf32>,
        %get3A_1833 = arith.index_cast %add3A_1732 : i32 to index
        %get3A_1834 = arith.constant 112 : index
        %get3A_1835 = tpu.vector_load %arg8[%get3A_1833, %get3A_1834] {strides = array<i32>} : memref<128x128xf32, #tpu.memory_space<vmem>>, vector<16xf32>,
        %jit3A_1836 = arith.constant 0.000000e+00 : f32
        %broadcast_in_dim3A_1837 = vector.broadcast %jit3A_1836 : f32 to vector<16xf32>
        %select_n3A_1838 = arith.select %ne3A_1740, %get3A_1835, %broadcast_in_dim3A_1837 : vector<16xi1>, vector<16xf32>
        %get3A_1839 = arith.index_cast %add3A_1741 : i32 to index
        %get3A_1840 = arith.constant 112 : index
        %get3A_1841 = tpu.vector_load %arg7[%get3A_1839, %get3A_1840] {strides = array<i32>} : memref<400x128xf32, #tpu.memory_space<vmem>>, vector<16xf32>,
        %add3A_1842 = arith.addf %select_n3A_1838, %get3A_1841 : vector<16xf32>
        %swap3A_1843 = arith.index_cast %add3A_1732 : i32 to index
        %swap3A_1844 = arith.constant 112 : index
        %swap3A_1845 = tpu.vector_load %arg8[%swap3A_1843, %swap3A_1844] {strides = array<i32>} : memref<128x128xf32, #tpu.memory_space<vmem>>, vector<16xf32>,
        tpu.vector_store %arg8[%swap3A_1843, %swap3A_1844], %add3A_1842 {strides = array<i32>} : memref<128x128xf32, #tpu.memory_space<vmem>>, vector<16xf32>,
        %add3A_1846 = arith.constant 15 : i32
        %add3A_1847 = arith.addi %mul3A_124, %add3A_1846 : i32
        %mul3A_1848 = arith.constant 128 : i32
        %mul3A_1849 = arith.muli %add3A_32, %mul3A_1848 : i32
        %add3A_1850 = arith.addi %mul3A_1849, %add3A_1847 : i32
        %broadcast_in_dim3A_1851 = vector.broadcast %add3A_1850 : i32 to vector<16xi32>
        %gather3A_1852 = tpu.vector_load_idx %arg6[%broadcast_in_dim3A_1851] : memref<6400xi32, #tpu.memory_space<vmem>>[vector<16xi32>], vector<16xi32>,
        %ne3A_1853 = arith.constant 0 : i32
        %ne3A_1854 = vector.broadcast %ne3A_1853 : i32 to vector<16xi32>
        %ne3A_1855 = arith.cmpi ne, %gather3A_1852, %ne3A_1854 : vector<16xi32>
        %add3A_1856 = arith.addi %select_n3A_57, %add3A_1847 : i32
        %get3A_1857 = arith.index_cast %add3A_1847 : i32 to index
        %get3A_1858 = arith.constant 0 : index
        %get3A_1859 = tpu.vector_load %arg8[%get3A_1857, %get3A_1858] {strides = array<i32>} : memref<128x128xf32, #tpu.memory_space<vmem>>, vector<16xf32>,
        %jit3A_1860 = arith.constant 0.000000e+00 : f32
        %broadcast_in_dim3A_1861 = vector.broadcast %jit3A_1860 : f32 to vector<16xf32>
        %select_n3A_1862 = arith.select %ne3A_1855, %get3A_1859, %broadcast_in_dim3A_1861 : vector<16xi1>, vector<16xf32>
        %get3A_1863 = arith.index_cast %add3A_1856 : i32 to index
        %get3A_1864 = arith.constant 0 : index
        %get3A_1865 = tpu.vector_load %arg7[%get3A_1863, %get3A_1864] {strides = array<i32>} : memref<400x128xf32, #tpu.memory_space<vmem>>, vector<16xf32>,
        %add3A_1866 = arith.addf %select_n3A_1862, %get3A_1865 : vector<16xf32>
        %swap3A_1867 = arith.index_cast %add3A_1847 : i32 to index
        %swap3A_1868 = arith.constant 0 : index
        %swap3A_1869 = tpu.vector_load %arg8[%swap3A_1867, %swap3A_1868] {strides = array<i32>} : memref<128x128xf32, #tpu.memory_space<vmem>>, vector<16xf32>,
        tpu.vector_store %arg8[%swap3A_1867, %swap3A_1868], %add3A_1866 {strides = array<i32>} : memref<128x128xf32, #tpu.memory_space<vmem>>, vector<16xf32>,
        %get3A_1870 = arith.index_cast %add3A_1847 : i32 to index
        %get3A_1871 = arith.constant 16 : index
        %get3A_1872 = tpu.vector_load %arg8[%get3A_1870, %get3A_1871] {strides = array<i32>} : memref<128x128xf32, #tpu.memory_space<vmem>>, vector<16xf32>,
        %jit3A_1873 = arith.constant 0.000000e+00 : f32
        %broadcast_in_dim3A_1874 = vector.broadcast %jit3A_1873 : f32 to vector<16xf32>
        %select_n3A_1875 = arith.select %ne3A_1855, %get3A_1872, %broadcast_in_dim3A_1874 : vector<16xi1>, vector<16xf32>
        %get3A_1876 = arith.index_cast %add3A_1856 : i32 to index
        %get3A_1877 = arith.constant 16 : index
        %get3A_1878 = tpu.vector_load %arg7[%get3A_1876, %get3A_1877] {strides = array<i32>} : memref<400x128xf32, #tpu.memory_space<vmem>>, vector<16xf32>,
        %add3A_1879 = arith.addf %select_n3A_1875, %get3A_1878 : vector<16xf32>
        %swap3A_1880 = arith.index_cast %add3A_1847 : i32 to index
        %swap3A_1881 = arith.constant 16 : index
        %swap3A_1882 = tpu.vector_load %arg8[%swap3A_1880, %swap3A_1881] {strides = array<i32>} : memref<128x128xf32, #tpu.memory_space<vmem>>, vector<16xf32>,
        tpu.vector_store %arg8[%swap3A_1880, %swap3A_1881], %add3A_1879 {strides = array<i32>} : memref<128x128xf32, #tpu.memory_space<vmem>>, vector<16xf32>,
        %get3A_1883 = arith.index_cast %add3A_1847 : i32 to index
        %get3A_1884 = arith.constant 32 : index
        %get3A_1885 = tpu.vector_load %arg8[%get3A_1883, %get3A_1884] {strides = array<i32>} : memref<128x128xf32, #tpu.memory_space<vmem>>, vector<16xf32>,
        %jit3A_1886 = arith.constant 0.000000e+00 : f32
        %broadcast_in_dim3A_1887 = vector.broadcast %jit3A_1886 : f32 to vector<16xf32>
        %select_n3A_1888 = arith.select %ne3A_1855, %get3A_1885, %broadcast_in_dim3A_1887 : vector<16xi1>, vector<16xf32>
        %get3A_1889 = arith.index_cast %add3A_1856 : i32 to index
        %get3A_1890 = arith.constant 32 : index
        %get3A_1891 = tpu.vector_load %arg7[%get3A_1889, %get3A_1890] {strides = array<i32>} : memref<400x128xf32, #tpu.memory_space<vmem>>, vector<16xf32>,
        %add3A_1892 = arith.addf %select_n3A_1888, %get3A_1891 : vector<16xf32>
        %swap3A_1893 = arith.index_cast %add3A_1847 : i32 to index
        %swap3A_1894 = arith.constant 32 : index
        %swap3A_1895 = tpu.vector_load %arg8[%swap3A_1893, %swap3A_1894] {strides = array<i32>} : memref<128x128xf32, #tpu.memory_space<vmem>>, vector<16xf32>,
        tpu.vector_store %arg8[%swap3A_1893, %swap3A_1894], %add3A_1892 {strides = array<i32>} : memref<128x128xf32, #tpu.memory_space<vmem>>, vector<16xf32>,
        %get3A_1896 = arith.index_cast %add3A_1847 : i32 to index
        %get3A_1897 = arith.constant 48 : index
        %get3A_1898 = tpu.vector_load %arg8[%get3A_1896, %get3A_1897] {strides = array<i32>} : memref<128x128xf32, #tpu.memory_space<vmem>>, vector<16xf32>,
        %jit3A_1899 = arith.constant 0.000000e+00 : f32
        %broadcast_in_dim3A_1900 = vector.broadcast %jit3A_1899 : f32 to vector<16xf32>
        %select_n3A_1901 = arith.select %ne3A_1855, %get3A_1898, %broadcast_in_dim3A_1900 : vector<16xi1>, vector<16xf32>
        %get3A_1902 = arith.index_cast %add3A_1856 : i32 to index
        %get3A_1903 = arith.constant 48 : index
        %get3A_1904 = tpu.vector_load %arg7[%get3A_1902, %get3A_1903] {strides = array<i32>} : memref<400x128xf32, #tpu.memory_space<vmem>>, vector<16xf32>,
        %add3A_1905 = arith.addf %select_n3A_1901, %get3A_1904 : vector<16xf32>
        %swap3A_1906 = arith.index_cast %add3A_1847 : i32 to index
        %swap3A_1907 = arith.constant 48 : index
        %swap3A_1908 = tpu.vector_load %arg8[%swap3A_1906, %swap3A_1907] {strides = array<i32>} : memref<128x128xf32, #tpu.memory_space<vmem>>, vector<16xf32>,
        tpu.vector_store %arg8[%swap3A_1906, %swap3A_1907], %add3A_1905 {strides = array<i32>} : memref<128x128xf32, #tpu.memory_space<vmem>>, vector<16xf32>,
        %get3A_1909 = arith.index_cast %add3A_1847 : i32 to index
        %get3A_1910 = arith.constant 64 : index
        %get3A_1911 = tpu.vector_load %arg8[%get3A_1909, %get3A_1910] {strides = array<i32>} : memref<128x128xf32, #tpu.memory_space<vmem>>, vector<16xf32>,
        %jit3A_1912 = arith.constant 0.000000e+00 : f32
        %broadcast_in_dim3A_1913 = vector.broadcast %jit3A_1912 : f32 to vector<16xf32>
        %select_n3A_1914 = arith.select %ne3A_1855, %get3A_1911, %broadcast_in_dim3A_1913 : vector<16xi1>, vector<16xf32>
        %get3A_1915 = arith.index_cast %add3A_1856 : i32 to index
        %get3A_1916 = arith.constant 64 : index
        %get3A_1917 = tpu.vector_load %arg7[%get3A_1915, %get3A_1916] {strides = array<i32>} : memref<400x128xf32, #tpu.memory_space<vmem>>, vector<16xf32>,
        %add3A_1918 = arith.addf %select_n3A_1914, %get3A_1917 : vector<16xf32>
        %swap3A_1919 = arith.index_cast %add3A_1847 : i32 to index
        %swap3A_1920 = arith.constant 64 : index
        %swap3A_1921 = tpu.vector_load %arg8[%swap3A_1919, %swap3A_1920] {strides = array<i32>} : memref<128x128xf32, #tpu.memory_space<vmem>>, vector<16xf32>,
        tpu.vector_store %arg8[%swap3A_1919, %swap3A_1920], %add3A_1918 {strides = array<i32>} : memref<128x128xf32, #tpu.memory_space<vmem>>, vector<16xf32>,
        %get3A_1922 = arith.index_cast %add3A_1847 : i32 to index
        %get3A_1923 = arith.constant 80 : index
        %get3A_1924 = tpu.vector_load %arg8[%get3A_1922, %get3A_1923] {strides = array<i32>} : memref<128x128xf32, #tpu.memory_space<vmem>>, vector<16xf32>,
        %jit3A_1925 = arith.constant 0.000000e+00 : f32
        %broadcast_in_dim3A_1926 = vector.broadcast %jit3A_1925 : f32 to vector<16xf32>
        %select_n3A_1927 = arith.select %ne3A_1855, %get3A_1924, %broadcast_in_dim3A_1926 : vector<16xi1>, vector<16xf32>
        %get3A_1928 = arith.index_cast %add3A_1856 : i32 to index
        %get3A_1929 = arith.constant 80 : index
        %get3A_1930 = tpu.vector_load %arg7[%get3A_1928, %get3A_1929] {strides = array<i32>} : memref<400x128xf32, #tpu.memory_space<vmem>>, vector<16xf32>,
        %add3A_1931 = arith.addf %select_n3A_1927, %get3A_1930 : vector<16xf32>
        %swap3A_1932 = arith.index_cast %add3A_1847 : i32 to index
        %swap3A_1933 = arith.constant 80 : index
        %swap3A_1934 = tpu.vector_load %arg8[%swap3A_1932, %swap3A_1933] {strides = array<i32>} : memref<128x128xf32, #tpu.memory_space<vmem>>, vector<16xf32>,
        tpu.vector_store %arg8[%swap3A_1932, %swap3A_1933], %add3A_1931 {strides = array<i32>} : memref<128x128xf32, #tpu.memory_space<vmem>>, vector<16xf32>,
        %get3A_1935 = arith.index_cast %add3A_1847 : i32 to index
        %get3A_1936 = arith.constant 96 : index
        %get3A_1937 = tpu.vector_load %arg8[%get3A_1935, %get3A_1936] {strides = array<i32>} : memref<128x128xf32, #tpu.memory_space<vmem>>, vector<16xf32>,
        %jit3A_1938 = arith.constant 0.000000e+00 : f32
        %broadcast_in_dim3A_1939 = vector.broadcast %jit3A_1938 : f32 to vector<16xf32>
        %select_n3A_1940 = arith.select %ne3A_1855, %get3A_1937, %broadcast_in_dim3A_1939 : vector<16xi1>, vector<16xf32>
        %get3A_1941 = arith.index_cast %add3A_1856 : i32 to index
        %get3A_1942 = arith.constant 96 : index
        %get3A_1943 = tpu.vector_load %arg7[%get3A_1941, %get3A_1942] {strides = array<i32>} : memref<400x128xf32, #tpu.memory_space<vmem>>, vector<16xf32>,
        %add3A_1944 = arith.addf %select_n3A_1940, %get3A_1943 : vector<16xf32>
        %swap3A_1945 = arith.index_cast %add3A_1847 : i32 to index
        %swap3A_1946 = arith.constant 96 : index
        %swap3A_1947 = tpu.vector_load %arg8[%swap3A_1945, %swap3A_1946] {strides = array<i32>} : memref<128x128xf32, #tpu.memory_space<vmem>>, vector<16xf32>,
        tpu.vector_store %arg8[%swap3A_1945, %swap3A_1946], %add3A_1944 {strides = array<i32>} : memref<128x128xf32, #tpu.memory_space<vmem>>, vector<16xf32>,
        %get3A_1948 = arith.index_cast %add3A_1847 : i32 to index
        %get3A_1949 = arith.constant 112 : index
        %get3A_1950 = tpu.vector_load %arg8[%get3A_1948, %get3A_1949] {strides = array<i32>} : memref<128x128xf32, #tpu.memory_space<vmem>>, vector<16xf32>,
        %jit3A_1951 = arith.constant 0.000000e+00 : f32
        %broadcast_in_dim3A_1952 = vector.broadcast %jit3A_1951 : f32 to vector<16xf32>
        %select_n3A_1953 = arith.select %ne3A_1855, %get3A_1950, %broadcast_in_dim3A_1952 : vector<16xi1>, vector<16xf32>
        %get3A_1954 = arith.index_cast %add3A_1856 : i32 to index
        %get3A_1955 = arith.constant 112 : index
        %get3A_1956 = tpu.vector_load %arg7[%get3A_1954, %get3A_1955] {strides = array<i32>} : memref<400x128xf32, #tpu.memory_space<vmem>>, vector<16xf32>,
        %add3A_1957 = arith.addf %select_n3A_1953, %get3A_1956 : vector<16xf32>
        %swap3A_1958 = arith.index_cast %add3A_1847 : i32 to index
        %swap3A_1959 = arith.constant 112 : index
        %swap3A_1960 = tpu.vector_load %arg8[%swap3A_1958, %swap3A_1959] {strides = array<i32>} : memref<128x128xf32, #tpu.memory_space<vmem>>, vector<16xf32>,
        tpu.vector_store %arg8[%swap3A_1958, %swap3A_1959], %add3A_1957 {strides = array<i32>} : memref<128x128xf32, #tpu.memory_space<vmem>>, vector<16xf32>,
      }
      %scan3A_62 = arith.constant 8 : i32
      %dma_start3A_63 = arith.constant 0 : i32
      %dma_start3A_64 = arith.constant 0 : i32
      %dma_start3A_65 = tpu.memref_slice %arg5[%add3A, %add3A_32, %dma_start3A_63, %dma_start3A_64] : memref<32x50x128x128xf32, #tpu.memory_space<hbm>> -> memref<1x1x128x128xf32, #tpu.memory_space<hbm>>
      %dma_start3A_66 = tpu.memref_squeeze %dma_start3A_65 : memref<1x1x128x128xf32, #tpu.memory_space<hbm>> -> memref<128x128xf32, #tpu.memory_space<hbm>>
      %dma_start3A_67 = arith.constant 0 : i32
      %dma_start3A_68 = arith.constant 0 : i32
      %dma_start3A_69 = tpu.memref_slice %arg5[%add3A, %add3A_32, %dma_start3A_67, %dma_start3A_68] : memref<32x50x128x128xf32, #tpu.memory_space<hbm>> -> memref<1x1x128x128xf32, #tpu.memory_space<hbm>>
      %dma_start3A_70 = tpu.memref_squeeze %dma_start3A_69 : memref<1x1x128x128xf32, #tpu.memory_space<hbm>> -> memref<128x128xf32, #tpu.memory_space<hbm>>
      tpu.enqueue_dma source(%arg8 : memref<128x128xf32, #tpu.memory_space<vmem>>) target(%dma_start3A_70 : memref<128x128xf32, #tpu.memory_space<hbm>>) target_semaphore(%arg12 : memref<!tpu.dma_semaphore, #tpu.memory_space<semaphore_mem>>)
      %mul3A_71 = arith.constant 2 : i32
      %mul3A_72 = arith.muli %mul3A_71, %scan3A_28 : i32
      %add3A_73 = arith.constant 1 : i32
      %add3A_74 = arith.addi %mul3A_72, %add3A_73 : i32
      %add3A_75 = arith.constant 1 : i32
      %add3A_76 = arith.addi %add3A_74, %add3A_75 : i32
      %lt3A_77 = arith.constant 50 : i32
      %lt3A_78 = arith.cmpi slt, %add3A_76, %lt3A_77 : i32
      %convert_element_type3A_79 = arith.extui %lt3A_78 : i1 to i32
      %cond3A_80 = arith.constant 0 : i32
      %cond3A_81 = arith.cmpi ne, %convert_element_type3A_79, %cond3A_80 : i32
      scf.if %cond3A_81 {
        %ge3A = arith.constant 1 : i32
        %ge3A_122 = arith.cmpi sge, %add3A_74, %ge3A : i32
        %convert_element_type3A_123 = arith.extui %ge3A_122 : i1 to i32
        %cond3A_124 = arith.constant 0 : i32
        %cond3A_125 = arith.cmpi ne, %convert_element_type3A_123, %cond3A_124 : i32
        scf.if %cond3A_125 {
          %dma_wait3A_134 = arith.constant 0 : i32
          %dma_wait3A_135 = arith.constant 0 : i32
          %dma_wait3A_136 = arith.constant 0 : i32
          %dma_wait3A_137 = tpu.memref_slice %arg5[%add3A, %dma_wait3A_134, %dma_wait3A_135, %dma_wait3A_136] : memref<32x50x128x128xf32, #tpu.memory_space<hbm>> -> memref<1x1x128x128xf32, #tpu.memory_space<hbm>>
          %dma_wait3A_138 = tpu.memref_squeeze %dma_wait3A_137 : memref<1x1x128x128xf32, #tpu.memory_space<hbm>> -> memref<128x128xf32, #tpu.memory_space<hbm>>
          %dma_wait3A_139 = arith.constant 0 : i32
          %dma_wait3A_140 = arith.constant 0 : i32
          %dma_wait3A_141 = tpu.memref_slice %arg5[%add3A, %dma_wait3A_134, %dma_wait3A_139, %dma_wait3A_140] : memref<32x50x128x128xf32, #tpu.memory_space<hbm>> -> memref<1x1x128x128xf32, #tpu.memory_space<hbm>>
          %dma_wait3A_142 = tpu.memref_squeeze %dma_wait3A_141 : memref<1x1x128x128xf32, #tpu.memory_space<hbm>> -> memref<128x128xf32, #tpu.memory_space<hbm>>
          tpu.wait_dma2 semaphore(%arg12 : memref<!tpu.dma_semaphore, #tpu.memory_space<semaphore_mem>>) src(%dma_wait3A_142 : memref<128x128xf32, #tpu.memory_space<hbm>>) dst(%arg8 : memref<128x128xf32, #tpu.memory_space<vmem>>)
        } else {
        }
        %add3A_126 = arith.constant 1 : i32
        %add3A_127 = arith.addi %add3A_74, %add3A_126 : i32
        %mul3A_128 = arith.constant 128 : i32
        %mul3A_129 = arith.muli %add3A_127, %mul3A_128 : i32
        %dma_start3A_130 = tpu.memref_slice %arg6[%mul3A_129] : memref<6400xi32, #tpu.memory_space<vmem>> -> memref<128xi32, #tpu.memory_space<vmem>>
        %dma_start3A_131 = arith.constant 0 : i32
        %dma_start3A_132 = arith.constant 0 : i32
        %dma_start3A_133 = tpu.memref_slice %arg3[%dma_start3A_131, %dma_start3A_132] : memref<100000x128xf32, #tpu.memory_space<hbm>> -> memref<100000x128xf32, #tpu.memory_space<hbm>>
        tpu.enqueue_indirect_dma source(%dma_start3A_133 : memref<100000x128xf32, #tpu.memory_space<hbm>>) target(%arg8 : memref<128x128xf32, #tpu.memory_space<vmem>>) offsets(%dma_start3A_130 : memref<128xi32, #tpu.memory_space<vmem>>) semaphore(%arg10 : memref<!tpu.dma_semaphore, #tpu.memory_space<semaphore_mem>>)
      } else {
      }
      %dma_wait3A_82 = arith.constant 0 : i32
      %dma_wait3A_83 = arith.constant 0 : i32
      %dma_wait3A_84 = arith.constant 0 : i32
      %dma_wait3A_85 = tpu.memref_slice %arg5[%add3A, %dma_wait3A_82, %dma_wait3A_83, %dma_wait3A_84] : memref<32x50x128x128xf32, #tpu.memory_space<hbm>> -> memref<1x1x128x128xf32, #tpu.memory_space<hbm>>
      %dma_wait3A_86 = tpu.memref_squeeze %dma_wait3A_85 : memref<1x1x128x128xf32, #tpu.memory_space<hbm>> -> memref<128x128xf32, #tpu.memory_space<hbm>>
      %dma_wait3A_87 = arith.constant 0 : i32
      %dma_wait3A_88 = arith.constant 0 : i32
      %dma_wait3A_89 = tpu.memref_slice %arg5[%add3A, %dma_wait3A_82, %dma_wait3A_87, %dma_wait3A_88] : memref<32x50x128x128xf32, #tpu.memory_space<hbm>> -> memref<1x1x128x128xf32, #tpu.memory_space<hbm>>
      %dma_wait3A_90 = tpu.memref_squeeze %dma_wait3A_89 : memref<1x1x128x128xf32, #tpu.memory_space<hbm>> -> memref<128x128xf32, #tpu.memory_space<hbm>>
      tpu.wait_dma2 semaphore(%arg11 : memref<!tpu.dma_semaphore, #tpu.memory_space<semaphore_mem>>) src(%dma_wait3A_90 : memref<128x128xf32, #tpu.memory_space<hbm>>) dst(%arg9 : memref<128x128xf32, #tpu.memory_space<vmem>>)
      %mul3A_91 = arith.constant 128 : i32
      %mul3A_92 = arith.muli %add3A_74, %mul3A_91 : i32
      %jit3A_93 = arith.constant 200 : i32
      %eq3A_94 = arith.constant 0 : i32
      %eq3A_95 = arith.cmpi eq, %jit3A_93, %eq3A_94 : i32
      %jit3A_96 = arith.constant 1 : i32
      %select_n3A_97 = arith.select %eq3A_95, %jit3A_96, %jit3A_93 : i32
      %rem3A_98 = arith.remsi %mul3A_92, %select_n3A_97 : i32
      %ne3A_99 = arith.constant 0 : i32
      %ne3A_100 = arith.cmpi ne, %rem3A_98, %ne3A_99 : i32
      %lt3A_101 = arith.constant 0 : i32
      %lt3A_102 = arith.cmpi slt, %rem3A_98, %lt3A_101 : i32
      %lt3A_103 = arith.constant 0 : i32
      %lt3A_104 = arith.cmpi slt, %select_n3A_97, %lt3A_103 : i32
      %ne3A_105 = arith.xori %lt3A_102, %lt3A_104 : i1
      %and3A_106 = arith.andi %ne3A_105, %ne3A_100 : i1
      %add3A_107 = arith.addi %rem3A_98, %select_n3A_97 : i32
      %select_n3A_108 = arith.select %and3A_106, %add3A_107, %rem3A_98 : i32
      %scan3A_109 = arith.constant 0 : i32
      %scan3A_110 = arith.constant 8 : i32
      %scan3A_111 = arith.addi %scan3A_109, %scan3A_110 : i32
      %scan3A_112 = arith.constant 1 : i32
      scf.for %scan3A_122 = %scan3A_109 to %scan3A_111 step %scan3A_112  : i32 {
        %mul3A_123 = arith.constant 16 : i32
        %mul3A_124 = arith.muli %scan3A_122, %mul3A_123 : i32
        %add3A_125 = arith.constant 0 : i32
        %add3A_126 = arith.addi %mul3A_124, %add3A_125 : i32
        %mul3A_127 = arith.constant 128 : i32
        %mul3A_128 = arith.muli %add3A_74, %mul3A_127 : i32
        %add3A_129 = arith.addi %mul3A_128, %add3A_126 : i32
        %broadcast_in_dim3A = vector.broadcast %add3A_129 : i32 to vector<16xi32>
        %gather3A = tpu.vector_load_idx %arg6[%broadcast_in_dim3A] : memref<6400xi32, #tpu.memory_space<vmem>>[vector<16xi32>], vector<16xi32>,
        %ne3A_130 = arith.constant 0 : i32
        %ne3A_131 = vector.broadcast %ne3A_130 : i32 to vector<16xi32>
        %ne3A_132 = arith.cmpi ne, %gather3A, %ne3A_131 : vector<16xi32>
        %add3A_133 = arith.addi %select_n3A_108, %add3A_126 : i32
        %get3A = arith.index_cast %add3A_126 : i32 to index
        %get3A_134 = arith.constant 0 : index
        %get3A_135 = tpu.vector_load %arg9[%get3A, %get3A_134] {strides = array<i32>} : memref<128x128xf32, #tpu.memory_space<vmem>>, vector<16xf32>,
        %jit3A_136 = arith.constant 0.000000e+00 : f32
        %broadcast_in_dim3A_137 = vector.broadcast %jit3A_136 : f32 to vector<16xf32>
        %select_n3A_138 = arith.select %ne3A_132, %get3A_135, %broadcast_in_dim3A_137 : vector<16xi1>, vector<16xf32>
        %get3A_139 = arith.index_cast %add3A_133 : i32 to index
        %get3A_140 = arith.constant 0 : index
        %get3A_141 = tpu.vector_load %arg7[%get3A_139, %get3A_140] {strides = array<i32>} : memref<400x128xf32, #tpu.memory_space<vmem>>, vector<16xf32>,
        %add3A_142 = arith.addf %select_n3A_138, %get3A_141 : vector<16xf32>
        %swap3A = arith.index_cast %add3A_126 : i32 to index
        %swap3A_143 = arith.constant 0 : index
        %swap3A_144 = tpu.vector_load %arg9[%swap3A, %swap3A_143] {strides = array<i32>} : memref<128x128xf32, #tpu.memory_space<vmem>>, vector<16xf32>,
        tpu.vector_store %arg9[%swap3A, %swap3A_143], %add3A_142 {strides = array<i32>} : memref<128x128xf32, #tpu.memory_space<vmem>>, vector<16xf32>,
        %get3A_145 = arith.index_cast %add3A_126 : i32 to index
        %get3A_146 = arith.constant 16 : index
        %get3A_147 = tpu.vector_load %arg9[%get3A_145, %get3A_146] {strides = array<i32>} : memref<128x128xf32, #tpu.memory_space<vmem>>, vector<16xf32>,
        %jit3A_148 = arith.constant 0.000000e+00 : f32
        %broadcast_in_dim3A_149 = vector.broadcast %jit3A_148 : f32 to vector<16xf32>
        %select_n3A_150 = arith.select %ne3A_132, %get3A_147, %broadcast_in_dim3A_149 : vector<16xi1>, vector<16xf32>
        %get3A_151 = arith.index_cast %add3A_133 : i32 to index
        %get3A_152 = arith.constant 16 : index
        %get3A_153 = tpu.vector_load %arg7[%get3A_151, %get3A_152] {strides = array<i32>} : memref<400x128xf32, #tpu.memory_space<vmem>>, vector<16xf32>,
        %add3A_154 = arith.addf %select_n3A_150, %get3A_153 : vector<16xf32>
        %swap3A_155 = arith.index_cast %add3A_126 : i32 to index
        %swap3A_156 = arith.constant 16 : index
        %swap3A_157 = tpu.vector_load %arg9[%swap3A_155, %swap3A_156] {strides = array<i32>} : memref<128x128xf32, #tpu.memory_space<vmem>>, vector<16xf32>,
        tpu.vector_store %arg9[%swap3A_155, %swap3A_156], %add3A_154 {strides = array<i32>} : memref<128x128xf32, #tpu.memory_space<vmem>>, vector<16xf32>,
        %get3A_158 = arith.index_cast %add3A_126 : i32 to index
        %get3A_159 = arith.constant 32 : index
        %get3A_160 = tpu.vector_load %arg9[%get3A_158, %get3A_159] {strides = array<i32>} : memref<128x128xf32, #tpu.memory_space<vmem>>, vector<16xf32>,
        %jit3A_161 = arith.constant 0.000000e+00 : f32
        %broadcast_in_dim3A_162 = vector.broadcast %jit3A_161 : f32 to vector<16xf32>
        %select_n3A_163 = arith.select %ne3A_132, %get3A_160, %broadcast_in_dim3A_162 : vector<16xi1>, vector<16xf32>
        %get3A_164 = arith.index_cast %add3A_133 : i32 to index
        %get3A_165 = arith.constant 32 : index
        %get3A_166 = tpu.vector_load %arg7[%get3A_164, %get3A_165] {strides = array<i32>} : memref<400x128xf32, #tpu.memory_space<vmem>>, vector<16xf32>,
        %add3A_167 = arith.addf %select_n3A_163, %get3A_166 : vector<16xf32>
        %swap3A_168 = arith.index_cast %add3A_126 : i32 to index
        %swap3A_169 = arith.constant 32 : index
        %swap3A_170 = tpu.vector_load %arg9[%swap3A_168, %swap3A_169] {strides = array<i32>} : memref<128x128xf32, #tpu.memory_space<vmem>>, vector<16xf32>,
        tpu.vector_store %arg9[%swap3A_168, %swap3A_169], %add3A_167 {strides = array<i32>} : memref<128x128xf32, #tpu.memory_space<vmem>>, vector<16xf32>,
        %get3A_171 = arith.index_cast %add3A_126 : i32 to index
        %get3A_172 = arith.constant 48 : index
        %get3A_173 = tpu.vector_load %arg9[%get3A_171, %get3A_172] {strides = array<i32>} : memref<128x128xf32, #tpu.memory_space<vmem>>, vector<16xf32>,
        %jit3A_174 = arith.constant 0.000000e+00 : f32
        %broadcast_in_dim3A_175 = vector.broadcast %jit3A_174 : f32 to vector<16xf32>
        %select_n3A_176 = arith.select %ne3A_132, %get3A_173, %broadcast_in_dim3A_175 : vector<16xi1>, vector<16xf32>
        %get3A_177 = arith.index_cast %add3A_133 : i32 to index
        %get3A_178 = arith.constant 48 : index
        %get3A_179 = tpu.vector_load %arg7[%get3A_177, %get3A_178] {strides = array<i32>} : memref<400x128xf32, #tpu.memory_space<vmem>>, vector<16xf32>,
        %add3A_180 = arith.addf %select_n3A_176, %get3A_179 : vector<16xf32>
        %swap3A_181 = arith.index_cast %add3A_126 : i32 to index
        %swap3A_182 = arith.constant 48 : index
        %swap3A_183 = tpu.vector_load %arg9[%swap3A_181, %swap3A_182] {strides = array<i32>} : memref<128x128xf32, #tpu.memory_space<vmem>>, vector<16xf32>,
        tpu.vector_store %arg9[%swap3A_181, %swap3A_182], %add3A_180 {strides = array<i32>} : memref<128x128xf32, #tpu.memory_space<vmem>>, vector<16xf32>,
        %get3A_184 = arith.index_cast %add3A_126 : i32 to index
        %get3A_185 = arith.constant 64 : index
        %get3A_186 = tpu.vector_load %arg9[%get3A_184, %get3A_185] {strides = array<i32>} : memref<128x128xf32, #tpu.memory_space<vmem>>, vector<16xf32>,
        %jit3A_187 = arith.constant 0.000000e+00 : f32
        %broadcast_in_dim3A_188 = vector.broadcast %jit3A_187 : f32 to vector<16xf32>
        %select_n3A_189 = arith.select %ne3A_132, %get3A_186, %broadcast_in_dim3A_188 : vector<16xi1>, vector<16xf32>
        %get3A_190 = arith.index_cast %add3A_133 : i32 to index
        %get3A_191 = arith.constant 64 : index
        %get3A_192 = tpu.vector_load %arg7[%get3A_190, %get3A_191] {strides = array<i32>} : memref<400x128xf32, #tpu.memory_space<vmem>>, vector<16xf32>,
        %add3A_193 = arith.addf %select_n3A_189, %get3A_192 : vector<16xf32>
        %swap3A_194 = arith.index_cast %add3A_126 : i32 to index
        %swap3A_195 = arith.constant 64 : index
        %swap3A_196 = tpu.vector_load %arg9[%swap3A_194, %swap3A_195] {strides = array<i32>} : memref<128x128xf32, #tpu.memory_space<vmem>>, vector<16xf32>,
        tpu.vector_store %arg9[%swap3A_194, %swap3A_195], %add3A_193 {strides = array<i32>} : memref<128x128xf32, #tpu.memory_space<vmem>>, vector<16xf32>,
        %get3A_197 = arith.index_cast %add3A_126 : i32 to index
        %get3A_198 = arith.constant 80 : index
        %get3A_199 = tpu.vector_load %arg9[%get3A_197, %get3A_198] {strides = array<i32>} : memref<128x128xf32, #tpu.memory_space<vmem>>, vector<16xf32>,
        %jit3A_200 = arith.constant 0.000000e+00 : f32
        %broadcast_in_dim3A_201 = vector.broadcast %jit3A_200 : f32 to vector<16xf32>
        %select_n3A_202 = arith.select %ne3A_132, %get3A_199, %broadcast_in_dim3A_201 : vector<16xi1>, vector<16xf32>
        %get3A_203 = arith.index_cast %add3A_133 : i32 to index
        %get3A_204 = arith.constant 80 : index
        %get3A_205 = tpu.vector_load %arg7[%get3A_203, %get3A_204] {strides = array<i32>} : memref<400x128xf32, #tpu.memory_space<vmem>>, vector<16xf32>,
        %add3A_206 = arith.addf %select_n3A_202, %get3A_205 : vector<16xf32>
        %swap3A_207 = arith.index_cast %add3A_126 : i32 to index
        %swap3A_208 = arith.constant 80 : index
        %swap3A_209 = tpu.vector_load %arg9[%swap3A_207, %swap3A_208] {strides = array<i32>} : memref<128x128xf32, #tpu.memory_space<vmem>>, vector<16xf32>,
        tpu.vector_store %arg9[%swap3A_207, %swap3A_208], %add3A_206 {strides = array<i32>} : memref<128x128xf32, #tpu.memory_space<vmem>>, vector<16xf32>,
        %get3A_210 = arith.index_cast %add3A_126 : i32 to index
        %get3A_211 = arith.constant 96 : index
        %get3A_212 = tpu.vector_load %arg9[%get3A_210, %get3A_211] {strides = array<i32>} : memref<128x128xf32, #tpu.memory_space<vmem>>, vector<16xf32>,
        %jit3A_213 = arith.constant 0.000000e+00 : f32
        %broadcast_in_dim3A_214 = vector.broadcast %jit3A_213 : f32 to vector<16xf32>
        %select_n3A_215 = arith.select %ne3A_132, %get3A_212, %broadcast_in_dim3A_214 : vector<16xi1>, vector<16xf32>
        %get3A_216 = arith.index_cast %add3A_133 : i32 to index
        %get3A_217 = arith.constant 96 : index
        %get3A_218 = tpu.vector_load %arg7[%get3A_216, %get3A_217] {strides = array<i32>} : memref<400x128xf32, #tpu.memory_space<vmem>>, vector<16xf32>,
        %add3A_219 = arith.addf %select_n3A_215, %get3A_218 : vector<16xf32>
        %swap3A_220 = arith.index_cast %add3A_126 : i32 to index
        %swap3A_221 = arith.constant 96 : index
        %swap3A_222 = tpu.vector_load %arg9[%swap3A_220, %swap3A_221] {strides = array<i32>} : memref<128x128xf32, #tpu.memory_space<vmem>>, vector<16xf32>,
        tpu.vector_store %arg9[%swap3A_220, %swap3A_221], %add3A_219 {strides = array<i32>} : memref<128x128xf32, #tpu.memory_space<vmem>>, vector<16xf32>,
        %get3A_223 = arith.index_cast %add3A_126 : i32 to index
        %get3A_224 = arith.constant 112 : index
        %get3A_225 = tpu.vector_load %arg9[%get3A_223, %get3A_224] {strides = array<i32>} : memref<128x128xf32, #tpu.memory_space<vmem>>, vector<16xf32>,
        %jit3A_226 = arith.constant 0.000000e+00 : f32
        %broadcast_in_dim3A_227 = vector.broadcast %jit3A_226 : f32 to vector<16xf32>
        %select_n3A_228 = arith.select %ne3A_132, %get3A_225, %broadcast_in_dim3A_227 : vector<16xi1>, vector<16xf32>
        %get3A_229 = arith.index_cast %add3A_133 : i32 to index
        %get3A_230 = arith.constant 112 : index
        %get3A_231 = tpu.vector_load %arg7[%get3A_229, %get3A_230] {strides = array<i32>} : memref<400x128xf32, #tpu.memory_space<vmem>>, vector<16xf32>,
        %add3A_232 = arith.addf %select_n3A_228, %get3A_231 : vector<16xf32>
        %swap3A_233 = arith.index_cast %add3A_126 : i32 to index
        %swap3A_234 = arith.constant 112 : index
        %swap3A_235 = tpu.vector_load %arg9[%swap3A_233, %swap3A_234] {strides = array<i32>} : memref<128x128xf32, #tpu.memory_space<vmem>>, vector<16xf32>,
        tpu.vector_store %arg9[%swap3A_233, %swap3A_234], %add3A_232 {strides = array<i32>} : memref<128x128xf32, #tpu.memory_space<vmem>>, vector<16xf32>,
        %add3A_236 = arith.constant 1 : i32
        %add3A_237 = arith.addi %mul3A_124, %add3A_236 : i32
        %mul3A_238 = arith.constant 128 : i32
        %mul3A_239 = arith.muli %add3A_74, %mul3A_238 : i32
        %add3A_240 = arith.addi %mul3A_239, %add3A_237 : i32
        %broadcast_in_dim3A_241 = vector.broadcast %add3A_240 : i32 to vector<16xi32>
        %gather3A_242 = tpu.vector_load_idx %arg6[%broadcast_in_dim3A_241] : memref<6400xi32, #tpu.memory_space<vmem>>[vector<16xi32>], vector<16xi32>,
        %ne3A_243 = arith.constant 0 : i32
        %ne3A_244 = vector.broadcast %ne3A_243 : i32 to vector<16xi32>
        %ne3A_245 = arith.cmpi ne, %gather3A_242, %ne3A_244 : vector<16xi32>
        %add3A_246 = arith.addi %select_n3A_108, %add3A_237 : i32
        %get3A_247 = arith.index_cast %add3A_237 : i32 to index
        %get3A_248 = arith.constant 0 : index
        %get3A_249 = tpu.vector_load %arg9[%get3A_247, %get3A_248] {strides = array<i32>} : memref<128x128xf32, #tpu.memory_space<vmem>>, vector<16xf32>,
        %jit3A_250 = arith.constant 0.000000e+00 : f32
        %broadcast_in_dim3A_251 = vector.broadcast %jit3A_250 : f32 to vector<16xf32>
        %select_n3A_252 = arith.select %ne3A_245, %get3A_249, %broadcast_in_dim3A_251 : vector<16xi1>, vector<16xf32>
        %get3A_253 = arith.index_cast %add3A_246 : i32 to index
        %get3A_254 = arith.constant 0 : index
        %get3A_255 = tpu.vector_load %arg7[%get3A_253, %get3A_254] {strides = array<i32>} : memref<400x128xf32, #tpu.memory_space<vmem>>, vector<16xf32>,
        %add3A_256 = arith.addf %select_n3A_252, %get3A_255 : vector<16xf32>
        %swap3A_257 = arith.index_cast %add3A_237 : i32 to index
        %swap3A_258 = arith.constant 0 : index
        %swap3A_259 = tpu.vector_load %arg9[%swap3A_257, %swap3A_258] {strides = array<i32>} : memref<128x128xf32, #tpu.memory_space<vmem>>, vector<16xf32>,
        tpu.vector_store %arg9[%swap3A_257, %swap3A_258], %add3A_256 {strides = array<i32>} : memref<128x128xf32, #tpu.memory_space<vmem>>, vector<16xf32>,
        %get3A_260 = arith.index_cast %add3A_237 : i32 to index
        %get3A_261 = arith.constant 16 : index
        %get3A_262 = tpu.vector_load %arg9[%get3A_260, %get3A_261] {strides = array<i32>} : memref<128x128xf32, #tpu.memory_space<vmem>>, vector<16xf32>,
        %jit3A_263 = arith.constant 0.000000e+00 : f32
        %broadcast_in_dim3A_264 = vector.broadcast %jit3A_263 : f32 to vector<16xf32>
        %select_n3A_265 = arith.select %ne3A_245, %get3A_262, %broadcast_in_dim3A_264 : vector<16xi1>, vector<16xf32>
        %get3A_266 = arith.index_cast %add3A_246 : i32 to index
        %get3A_267 = arith.constant 16 : index
        %get3A_268 = tpu.vector_load %arg7[%get3A_266, %get3A_267] {strides = array<i32>} : memref<400x128xf32, #tpu.memory_space<vmem>>, vector<16xf32>,
        %add3A_269 = arith.addf %select_n3A_265, %get3A_268 : vector<16xf32>
        %swap3A_270 = arith.index_cast %add3A_237 : i32 to index
        %swap3A_271 = arith.constant 16 : index
        %swap3A_272 = tpu.vector_load %arg9[%swap3A_270, %swap3A_271] {strides = array<i32>} : memref<128x128xf32, #tpu.memory_space<vmem>>, vector<16xf32>,
        tpu.vector_store %arg9[%swap3A_270, %swap3A_271], %add3A_269 {strides = array<i32>} : memref<128x128xf32, #tpu.memory_space<vmem>>, vector<16xf32>,
        %get3A_273 = arith.index_cast %add3A_237 : i32 to index
        %get3A_274 = arith.constant 32 : index
        %get3A_275 = tpu.vector_load %arg9[%get3A_273, %get3A_274] {strides = array<i32>} : memref<128x128xf32, #tpu.memory_space<vmem>>, vector<16xf32>,
        %jit3A_276 = arith.constant 0.000000e+00 : f32
        %broadcast_in_dim3A_277 = vector.broadcast %jit3A_276 : f32 to vector<16xf32>
        %select_n3A_278 = arith.select %ne3A_245, %get3A_275, %broadcast_in_dim3A_277 : vector<16xi1>, vector<16xf32>
        %get3A_279 = arith.index_cast %add3A_246 : i32 to index
        %get3A_280 = arith.constant 32 : index
        %get3A_281 = tpu.vector_load %arg7[%get3A_279, %get3A_280] {strides = array<i32>} : memref<400x128xf32, #tpu.memory_space<vmem>>, vector<16xf32>,
        %add3A_282 = arith.addf %select_n3A_278, %get3A_281 : vector<16xf32>
        %swap3A_283 = arith.index_cast %add3A_237 : i32 to index
        %swap3A_284 = arith.constant 32 : index
        %swap3A_285 = tpu.vector_load %arg9[%swap3A_283, %swap3A_284] {strides = array<i32>} : memref<128x128xf32, #tpu.memory_space<vmem>>, vector<16xf32>,
        tpu.vector_store %arg9[%swap3A_283, %swap3A_284], %add3A_282 {strides = array<i32>} : memref<128x128xf32, #tpu.memory_space<vmem>>, vector<16xf32>,
        %get3A_286 = arith.index_cast %add3A_237 : i32 to index
        %get3A_287 = arith.constant 48 : index
        %get3A_288 = tpu.vector_load %arg9[%get3A_286, %get3A_287] {strides = array<i32>} : memref<128x128xf32, #tpu.memory_space<vmem>>, vector<16xf32>,
        %jit3A_289 = arith.constant 0.000000e+00 : f32
        %broadcast_in_dim3A_290 = vector.broadcast %jit3A_289 : f32 to vector<16xf32>
        %select_n3A_291 = arith.select %ne3A_245, %get3A_288, %broadcast_in_dim3A_290 : vector<16xi1>, vector<16xf32>
        %get3A_292 = arith.index_cast %add3A_246 : i32 to index
        %get3A_293 = arith.constant 48 : index
        %get3A_294 = tpu.vector_load %arg7[%get3A_292, %get3A_293] {strides = array<i32>} : memref<400x128xf32, #tpu.memory_space<vmem>>, vector<16xf32>,
        %add3A_295 = arith.addf %select_n3A_291, %get3A_294 : vector<16xf32>
        %swap3A_296 = arith.index_cast %add3A_237 : i32 to index
        %swap3A_297 = arith.constant 48 : index
        %swap3A_298 = tpu.vector_load %arg9[%swap3A_296, %swap3A_297] {strides = array<i32>} : memref<128x128xf32, #tpu.memory_space<vmem>>, vector<16xf32>,
        tpu.vector_store %arg9[%swap3A_296, %swap3A_297], %add3A_295 {strides = array<i32>} : memref<128x128xf32, #tpu.memory_space<vmem>>, vector<16xf32>,
        %get3A_299 = arith.index_cast %add3A_237 : i32 to index
        %get3A_300 = arith.constant 64 : index
        %get3A_301 = tpu.vector_load %arg9[%get3A_299, %get3A_300] {strides = array<i32>} : memref<128x128xf32, #tpu.memory_space<vmem>>, vector<16xf32>,
        %jit3A_302 = arith.constant 0.000000e+00 : f32
        %broadcast_in_dim3A_303 = vector.broadcast %jit3A_302 : f32 to vector<16xf32>
        %select_n3A_304 = arith.select %ne3A_245, %get3A_301, %broadcast_in_dim3A_303 : vector<16xi1>, vector<16xf32>
        %get3A_305 = arith.index_cast %add3A_246 : i32 to index
        %get3A_306 = arith.constant 64 : index
        %get3A_307 = tpu.vector_load %arg7[%get3A_305, %get3A_306] {strides = array<i32>} : memref<400x128xf32, #tpu.memory_space<vmem>>, vector<16xf32>,
        %add3A_308 = arith.addf %select_n3A_304, %get3A_307 : vector<16xf32>
        %swap3A_309 = arith.index_cast %add3A_237 : i32 to index
        %swap3A_310 = arith.constant 64 : index
        %swap3A_311 = tpu.vector_load %arg9[%swap3A_309, %swap3A_310] {strides = array<i32>} : memref<128x128xf32, #tpu.memory_space<vmem>>, vector<16xf32>,
        tpu.vector_store %arg9[%swap3A_309, %swap3A_310], %add3A_308 {strides = array<i32>} : memref<128x128xf32, #tpu.memory_space<vmem>>, vector<16xf32>,
        %get3A_312 = arith.index_cast %add3A_237 : i32 to index
        %get3A_313 = arith.constant 80 : index
        %get3A_314 = tpu.vector_load %arg9[%get3A_312, %get3A_313] {strides = array<i32>} : memref<128x128xf32, #tpu.memory_space<vmem>>, vector<16xf32>,
        %jit3A_315 = arith.constant 0.000000e+00 : f32
        %broadcast_in_dim3A_316 = vector.broadcast %jit3A_315 : f32 to vector<16xf32>
        %select_n3A_317 = arith.select %ne3A_245, %get3A_314, %broadcast_in_dim3A_316 : vector<16xi1>, vector<16xf32>
        %get3A_318 = arith.index_cast %add3A_246 : i32 to index
        %get3A_319 = arith.constant 80 : index
        %get3A_320 = tpu.vector_load %arg7[%get3A_318, %get3A_319] {strides = array<i32>} : memref<400x128xf32, #tpu.memory_space<vmem>>, vector<16xf32>,
        %add3A_321 = arith.addf %select_n3A_317, %get3A_320 : vector<16xf32>
        %swap3A_322 = arith.index_cast %add3A_237 : i32 to index
        %swap3A_323 = arith.constant 80 : index
        %swap3A_324 = tpu.vector_load %arg9[%swap3A_322, %swap3A_323] {strides = array<i32>} : memref<128x128xf32, #tpu.memory_space<vmem>>, vector<16xf32>,
        tpu.vector_store %arg9[%swap3A_322, %swap3A_323], %add3A_321 {strides = array<i32>} : memref<128x128xf32, #tpu.memory_space<vmem>>, vector<16xf32>,
        %get3A_325 = arith.index_cast %add3A_237 : i32 to index
        %get3A_326 = arith.constant 96 : index
        %get3A_327 = tpu.vector_load %arg9[%get3A_325, %get3A_326] {strides = array<i32>} : memref<128x128xf32, #tpu.memory_space<vmem>>, vector<16xf32>,
        %jit3A_328 = arith.constant 0.000000e+00 : f32
        %broadcast_in_dim3A_329 = vector.broadcast %jit3A_328 : f32 to vector<16xf32>
        %select_n3A_330 = arith.select %ne3A_245, %get3A_327, %broadcast_in_dim3A_329 : vector<16xi1>, vector<16xf32>
        %get3A_331 = arith.index_cast %add3A_246 : i32 to index
        %get3A_332 = arith.constant 96 : index
        %get3A_333 = tpu.vector_load %arg7[%get3A_331, %get3A_332] {strides = array<i32>} : memref<400x128xf32, #tpu.memory_space<vmem>>, vector<16xf32>,
        %add3A_334 = arith.addf %select_n3A_330, %get3A_333 : vector<16xf32>
        %swap3A_335 = arith.index_cast %add3A_237 : i32 to index
        %swap3A_336 = arith.constant 96 : index
        %swap3A_337 = tpu.vector_load %arg9[%swap3A_335, %swap3A_336] {strides = array<i32>} : memref<128x128xf32, #tpu.memory_space<vmem>>, vector<16xf32>,
        tpu.vector_store %arg9[%swap3A_335, %swap3A_336], %add3A_334 {strides = array<i32>} : memref<128x128xf32, #tpu.memory_space<vmem>>, vector<16xf32>,
        %get3A_338 = arith.index_cast %add3A_237 : i32 to index
        %get3A_339 = arith.constant 112 : index
        %get3A_340 = tpu.vector_load %arg9[%get3A_338, %get3A_339] {strides = array<i32>} : memref<128x128xf32, #tpu.memory_space<vmem>>, vector<16xf32>,
        %jit3A_341 = arith.constant 0.000000e+00 : f32
        %broadcast_in_dim3A_342 = vector.broadcast %jit3A_341 : f32 to vector<16xf32>
        %select_n3A_343 = arith.select %ne3A_245, %get3A_340, %broadcast_in_dim3A_342 : vector<16xi1>, vector<16xf32>
        %get3A_344 = arith.index_cast %add3A_246 : i32 to index
        %get3A_345 = arith.constant 112 : index
        %get3A_346 = tpu.vector_load %arg7[%get3A_344, %get3A_345] {strides = array<i32>} : memref<400x128xf32, #tpu.memory_space<vmem>>, vector<16xf32>,
        %add3A_347 = arith.addf %select_n3A_343, %get3A_346 : vector<16xf32>
        %swap3A_348 = arith.index_cast %add3A_237 : i32 to index
        %swap3A_349 = arith.constant 112 : index
        %swap3A_350 = tpu.vector_load %arg9[%swap3A_348, %swap3A_349] {strides = array<i32>} : memref<128x128xf32, #tpu.memory_space<vmem>>, vector<16xf32>,
        tpu.vector_store %arg9[%swap3A_348, %swap3A_349], %add3A_347 {strides = array<i32>} : memref<128x128xf32, #tpu.memory_space<vmem>>, vector<16xf32>,
        %add3A_351 = arith.constant 2 : i32
        %add3A_352 = arith.addi %mul3A_124, %add3A_351 : i32
        %mul3A_353 = arith.constant 128 : i32
        %mul3A_354 = arith.muli %add3A_74, %mul3A_353 : i32
        %add3A_355 = arith.addi %mul3A_354, %add3A_352 : i32
        %broadcast_in_dim3A_356 = vector.broadcast %add3A_355 : i32 to vector<16xi32>
        %gather3A_357 = tpu.vector_load_idx %arg6[%broadcast_in_dim3A_356] : memref<6400xi32, #tpu.memory_space<vmem>>[vector<16xi32>], vector<16xi32>,
        %ne3A_358 = arith.constant 0 : i32
        %ne3A_359 = vector.broadcast %ne3A_358 : i32 to vector<16xi32>
        %ne3A_360 = arith.cmpi ne, %gather3A_357, %ne3A_359 : vector<16xi32>
        %add3A_361 = arith.addi %select_n3A_108, %add3A_352 : i32
        %get3A_362 = arith.index_cast %add3A_352 : i32 to index
        %get3A_363 = arith.constant 0 : index
        %get3A_364 = tpu.vector_load %arg9[%get3A_362, %get3A_363] {strides = array<i32>} : memref<128x128xf32, #tpu.memory_space<vmem>>, vector<16xf32>,
        %jit3A_365 = arith.constant 0.000000e+00 : f32
        %broadcast_in_dim3A_366 = vector.broadcast %jit3A_365 : f32 to vector<16xf32>
        %select_n3A_367 = arith.select %ne3A_360, %get3A_364, %broadcast_in_dim3A_366 : vector<16xi1>, vector<16xf32>
        %get3A_368 = arith.index_cast %add3A_361 : i32 to index
        %get3A_369 = arith.constant 0 : index
        %get3A_370 = tpu.vector_load %arg7[%get3A_368, %get3A_369] {strides = array<i32>} : memref<400x128xf32, #tpu.memory_space<vmem>>, vector<16xf32>,
        %add3A_371 = arith.addf %select_n3A_367, %get3A_370 : vector<16xf32>
        %swap3A_372 = arith.index_cast %add3A_352 : i32 to index
        %swap3A_373 = arith.constant 0 : index
        %swap3A_374 = tpu.vector_load %arg9[%swap3A_372, %swap3A_373] {strides = array<i32>} : memref<128x128xf32, #tpu.memory_space<vmem>>, vector<16xf32>,
        tpu.vector_store %arg9[%swap3A_372, %swap3A_373], %add3A_371 {strides = array<i32>} : memref<128x128xf32, #tpu.memory_space<vmem>>, vector<16xf32>,
        %get3A_375 = arith.index_cast %add3A_352 : i32 to index
        %get3A_376 = arith.constant 16 : index
        %get3A_377 = tpu.vector_load %arg9[%get3A_375, %get3A_376] {strides = array<i32>} : memref<128x128xf32, #tpu.memory_space<vmem>>, vector<16xf32>,
        %jit3A_378 = arith.constant 0.000000e+00 : f32
        %broadcast_in_dim3A_379 = vector.broadcast %jit3A_378 : f32 to vector<16xf32>
        %select_n3A_380 = arith.select %ne3A_360, %get3A_377, %broadcast_in_dim3A_379 : vector<16xi1>, vector<16xf32>
        %get3A_381 = arith.index_cast %add3A_361 : i32 to index
        %get3A_382 = arith.constant 16 : index
        %get3A_383 = tpu.vector_load %arg7[%get3A_381, %get3A_382] {strides = array<i32>} : memref<400x128xf32, #tpu.memory_space<vmem>>, vector<16xf32>,
        %add3A_384 = arith.addf %select_n3A_380, %get3A_383 : vector<16xf32>
        %swap3A_385 = arith.index_cast %add3A_352 : i32 to index
        %swap3A_386 = arith.constant 16 : index
        %swap3A_387 = tpu.vector_load %arg9[%swap3A_385, %swap3A_386] {strides = array<i32>} : memref<128x128xf32, #tpu.memory_space<vmem>>, vector<16xf32>,
        tpu.vector_store %arg9[%swap3A_385, %swap3A_386], %add3A_384 {strides = array<i32>} : memref<128x128xf32, #tpu.memory_space<vmem>>, vector<16xf32>,
        %get3A_388 = arith.index_cast %add3A_352 : i32 to index
        %get3A_389 = arith.constant 32 : index
        %get3A_390 = tpu.vector_load %arg9[%get3A_388, %get3A_389] {strides = array<i32>} : memref<128x128xf32, #tpu.memory_space<vmem>>, vector<16xf32>,
        %jit3A_391 = arith.constant 0.000000e+00 : f32
        %broadcast_in_dim3A_392 = vector.broadcast %jit3A_391 : f32 to vector<16xf32>
        %select_n3A_393 = arith.select %ne3A_360, %get3A_390, %broadcast_in_dim3A_392 : vector<16xi1>, vector<16xf32>
        %get3A_394 = arith.index_cast %add3A_361 : i32 to index
        %get3A_395 = arith.constant 32 : index
        %get3A_396 = tpu.vector_load %arg7[%get3A_394, %get3A_395] {strides = array<i32>} : memref<400x128xf32, #tpu.memory_space<vmem>>, vector<16xf32>,
        %add3A_397 = arith.addf %select_n3A_393, %get3A_396 : vector<16xf32>
        %swap3A_398 = arith.index_cast %add3A_352 : i32 to index
        %swap3A_399 = arith.constant 32 : index
        %swap3A_400 = tpu.vector_load %arg9[%swap3A_398, %swap3A_399] {strides = array<i32>} : memref<128x128xf32, #tpu.memory_space<vmem>>, vector<16xf32>,
        tpu.vector_store %arg9[%swap3A_398, %swap3A_399], %add3A_397 {strides = array<i32>} : memref<128x128xf32, #tpu.memory_space<vmem>>, vector<16xf32>,
        %get3A_401 = arith.index_cast %add3A_352 : i32 to index
        %get3A_402 = arith.constant 48 : index
        %get3A_403 = tpu.vector_load %arg9[%get3A_401, %get3A_402] {strides = array<i32>} : memref<128x128xf32, #tpu.memory_space<vmem>>, vector<16xf32>,
        %jit3A_404 = arith.constant 0.000000e+00 : f32
        %broadcast_in_dim3A_405 = vector.broadcast %jit3A_404 : f32 to vector<16xf32>
        %select_n3A_406 = arith.select %ne3A_360, %get3A_403, %broadcast_in_dim3A_405 : vector<16xi1>, vector<16xf32>
        %get3A_407 = arith.index_cast %add3A_361 : i32 to index
        %get3A_408 = arith.constant 48 : index
        %get3A_409 = tpu.vector_load %arg7[%get3A_407, %get3A_408] {strides = array<i32>} : memref<400x128xf32, #tpu.memory_space<vmem>>, vector<16xf32>,
        %add3A_410 = arith.addf %select_n3A_406, %get3A_409 : vector<16xf32>
        %swap3A_411 = arith.index_cast %add3A_352 : i32 to index
        %swap3A_412 = arith.constant 48 : index
        %swap3A_413 = tpu.vector_load %arg9[%swap3A_411, %swap3A_412] {strides = array<i32>} : memref<128x128xf32, #tpu.memory_space<vmem>>, vector<16xf32>,
        tpu.vector_store %arg9[%swap3A_411, %swap3A_412], %add3A_410 {strides = array<i32>} : memref<128x128xf32, #tpu.memory_space<vmem>>, vector<16xf32>,
        %get3A_414 = arith.index_cast %add3A_352 : i32 to index
        %get3A_415 = arith.constant 64 : index
        %get3A_416 = tpu.vector_load %arg9[%get3A_414, %get3A_415] {strides = array<i32>} : memref<128x128xf32, #tpu.memory_space<vmem>>, vector<16xf32>,
        %jit3A_417 = arith.constant 0.000000e+00 : f32
        %broadcast_in_dim3A_418 = vector.broadcast %jit3A_417 : f32 to vector<16xf32>
        %select_n3A_419 = arith.select %ne3A_360, %get3A_416, %broadcast_in_dim3A_418 : vector<16xi1>, vector<16xf32>
        %get3A_420 = arith.index_cast %add3A_361 : i32 to index
        %get3A_421 = arith.constant 64 : index
        %get3A_422 = tpu.vector_load %arg7[%get3A_420, %get3A_421] {strides = array<i32>} : memref<400x128xf32, #tpu.memory_space<vmem>>, vector<16xf32>,
        %add3A_423 = arith.addf %select_n3A_419, %get3A_422 : vector<16xf32>
        %swap3A_424 = arith.index_cast %add3A_352 : i32 to index
        %swap3A_425 = arith.constant 64 : index
        %swap3A_426 = tpu.vector_load %arg9[%swap3A_424, %swap3A_425] {strides = array<i32>} : memref<128x128xf32, #tpu.memory_space<vmem>>, vector<16xf32>,
        tpu.vector_store %arg9[%swap3A_424, %swap3A_425], %add3A_423 {strides = array<i32>} : memref<128x128xf32, #tpu.memory_space<vmem>>, vector<16xf32>,
        %get3A_427 = arith.index_cast %add3A_352 : i32 to index
        %get3A_428 = arith.constant 80 : index
        %get3A_429 = tpu.vector_load %arg9[%get3A_427, %get3A_428] {strides = array<i32>} : memref<128x128xf32, #tpu.memory_space<vmem>>, vector<16xf32>,
        %jit3A_430 = arith.constant 0.000000e+00 : f32
        %broadcast_in_dim3A_431 = vector.broadcast %jit3A_430 : f32 to vector<16xf32>
        %select_n3A_432 = arith.select %ne3A_360, %get3A_429, %broadcast_in_dim3A_431 : vector<16xi1>, vector<16xf32>
        %get3A_433 = arith.index_cast %add3A_361 : i32 to index
        %get3A_434 = arith.constant 80 : index
        %get3A_435 = tpu.vector_load %arg7[%get3A_433, %get3A_434] {strides = array<i32>} : memref<400x128xf32, #tpu.memory_space<vmem>>, vector<16xf32>,
        %add3A_436 = arith.addf %select_n3A_432, %get3A_435 : vector<16xf32>
        %swap3A_437 = arith.index_cast %add3A_352 : i32 to index
        %swap3A_438 = arith.constant 80 : index
        %swap3A_439 = tpu.vector_load %arg9[%swap3A_437, %swap3A_438] {strides = array<i32>} : memref<128x128xf32, #tpu.memory_space<vmem>>, vector<16xf32>,
        tpu.vector_store %arg9[%swap3A_437, %swap3A_438], %add3A_436 {strides = array<i32>} : memref<128x128xf32, #tpu.memory_space<vmem>>, vector<16xf32>,
        %get3A_440 = arith.index_cast %add3A_352 : i32 to index
        %get3A_441 = arith.constant 96 : index
        %get3A_442 = tpu.vector_load %arg9[%get3A_440, %get3A_441] {strides = array<i32>} : memref<128x128xf32, #tpu.memory_space<vmem>>, vector<16xf32>,
        %jit3A_443 = arith.constant 0.000000e+00 : f32
        %broadcast_in_dim3A_444 = vector.broadcast %jit3A_443 : f32 to vector<16xf32>
        %select_n3A_445 = arith.select %ne3A_360, %get3A_442, %broadcast_in_dim3A_444 : vector<16xi1>, vector<16xf32>
        %get3A_446 = arith.index_cast %add3A_361 : i32 to index
        %get3A_447 = arith.constant 96 : index
        %get3A_448 = tpu.vector_load %arg7[%get3A_446, %get3A_447] {strides = array<i32>} : memref<400x128xf32, #tpu.memory_space<vmem>>, vector<16xf32>,
        %add3A_449 = arith.addf %select_n3A_445, %get3A_448 : vector<16xf32>
        %swap3A_450 = arith.index_cast %add3A_352 : i32 to index
        %swap3A_451 = arith.constant 96 : index
        %swap3A_452 = tpu.vector_load %arg9[%swap3A_450, %swap3A_451] {strides = array<i32>} : memref<128x128xf32, #tpu.memory_space<vmem>>, vector<16xf32>,
        tpu.vector_store %arg9[%swap3A_450, %swap3A_451], %add3A_449 {strides = array<i32>} : memref<128x128xf32, #tpu.memory_space<vmem>>, vector<16xf32>,
        %get3A_453 = arith.index_cast %add3A_352 : i32 to index
        %get3A_454 = arith.constant 112 : index
        %get3A_455 = tpu.vector_load %arg9[%get3A_453, %get3A_454] {strides = array<i32>} : memref<128x128xf32, #tpu.memory_space<vmem>>, vector<16xf32>,
        %jit3A_456 = arith.constant 0.000000e+00 : f32
        %broadcast_in_dim3A_457 = vector.broadcast %jit3A_456 : f32 to vector<16xf32>
        %select_n3A_458 = arith.select %ne3A_360, %get3A_455, %broadcast_in_dim3A_457 : vector<16xi1>, vector<16xf32>
        %get3A_459 = arith.index_cast %add3A_361 : i32 to index
        %get3A_460 = arith.constant 112 : index
        %get3A_461 = tpu.vector_load %arg7[%get3A_459, %get3A_460] {strides = array<i32>} : memref<400x128xf32, #tpu.memory_space<vmem>>, vector<16xf32>,
        %add3A_462 = arith.addf %select_n3A_458, %get3A_461 : vector<16xf32>
        %swap3A_463 = arith.index_cast %add3A_352 : i32 to index
        %swap3A_464 = arith.constant 112 : index
        %swap3A_465 = tpu.vector_load %arg9[%swap3A_463, %swap3A_464] {strides = array<i32>} : memref<128x128xf32, #tpu.memory_space<vmem>>, vector<16xf32>,
        tpu.vector_store %arg9[%swap3A_463, %swap3A_464], %add3A_462 {strides = array<i32>} : memref<128x128xf32, #tpu.memory_space<vmem>>, vector<16xf32>,
        %add3A_466 = arith.constant 3 : i32
        %add3A_467 = arith.addi %mul3A_124, %add3A_466 : i32
        %mul3A_468 = arith.constant 128 : i32
        %mul3A_469 = arith.muli %add3A_74, %mul3A_468 : i32
        %add3A_470 = arith.addi %mul3A_469, %add3A_467 : i32
        %broadcast_in_dim3A_471 = vector.broadcast %add3A_470 : i32 to vector<16xi32>
        %gather3A_472 = tpu.vector_load_idx %arg6[%broadcast_in_dim3A_471] : memref<6400xi32, #tpu.memory_space<vmem>>[vector<16xi32>], vector<16xi32>,
        %ne3A_473 = arith.constant 0 : i32
        %ne3A_474 = vector.broadcast %ne3A_473 : i32 to vector<16xi32>
        %ne3A_475 = arith.cmpi ne, %gather3A_472, %ne3A_474 : vector<16xi32>
        %add3A_476 = arith.addi %select_n3A_108, %add3A_467 : i32
        %get3A_477 = arith.index_cast %add3A_467 : i32 to index
        %get3A_478 = arith.constant 0 : index
        %get3A_479 = tpu.vector_load %arg9[%get3A_477, %get3A_478] {strides = array<i32>} : memref<128x128xf32, #tpu.memory_space<vmem>>, vector<16xf32>,
        %jit3A_480 = arith.constant 0.000000e+00 : f32
        %broadcast_in_dim3A_481 = vector.broadcast %jit3A_480 : f32 to vector<16xf32>
        %select_n3A_482 = arith.select %ne3A_475, %get3A_479, %broadcast_in_dim3A_481 : vector<16xi1>, vector<16xf32>
        %get3A_483 = arith.index_cast %add3A_476 : i32 to index
        %get3A_484 = arith.constant 0 : index
        %get3A_485 = tpu.vector_load %arg7[%get3A_483, %get3A_484] {strides = array<i32>} : memref<400x128xf32, #tpu.memory_space<vmem>>, vector<16xf32>,
        %add3A_486 = arith.addf %select_n3A_482, %get3A_485 : vector<16xf32>
        %swap3A_487 = arith.index_cast %add3A_467 : i32 to index
        %swap3A_488 = arith.constant 0 : index
        %swap3A_489 = tpu.vector_load %arg9[%swap3A_487, %swap3A_488] {strides = array<i32>} : memref<128x128xf32, #tpu.memory_space<vmem>>, vector<16xf32>,
        tpu.vector_store %arg9[%swap3A_487, %swap3A_488], %add3A_486 {strides = array<i32>} : memref<128x128xf32, #tpu.memory_space<vmem>>, vector<16xf32>,
        %get3A_490 = arith.index_cast %add3A_467 : i32 to index
        %get3A_491 = arith.constant 16 : index
        %get3A_492 = tpu.vector_load %arg9[%get3A_490, %get3A_491] {strides = array<i32>} : memref<128x128xf32, #tpu.memory_space<vmem>>, vector<16xf32>,
        %jit3A_493 = arith.constant 0.000000e+00 : f32
        %broadcast_in_dim3A_494 = vector.broadcast %jit3A_493 : f32 to vector<16xf32>
        %select_n3A_495 = arith.select %ne3A_475, %get3A_492, %broadcast_in_dim3A_494 : vector<16xi1>, vector<16xf32>
        %get3A_496 = arith.index_cast %add3A_476 : i32 to index
        %get3A_497 = arith.constant 16 : index
        %get3A_498 = tpu.vector_load %arg7[%get3A_496, %get3A_497] {strides = array<i32>} : memref<400x128xf32, #tpu.memory_space<vmem>>, vector<16xf32>,
        %add3A_499 = arith.addf %select_n3A_495, %get3A_498 : vector<16xf32>
        %swap3A_500 = arith.index_cast %add3A_467 : i32 to index
        %swap3A_501 = arith.constant 16 : index
        %swap3A_502 = tpu.vector_load %arg9[%swap3A_500, %swap3A_501] {strides = array<i32>} : memref<128x128xf32, #tpu.memory_space<vmem>>, vector<16xf32>,
        tpu.vector_store %arg9[%swap3A_500, %swap3A_501], %add3A_499 {strides = array<i32>} : memref<128x128xf32, #tpu.memory_space<vmem>>, vector<16xf32>,
        %get3A_503 = arith.index_cast %add3A_467 : i32 to index
        %get3A_504 = arith.constant 32 : index
        %get3A_505 = tpu.vector_load %arg9[%get3A_503, %get3A_504] {strides = array<i32>} : memref<128x128xf32, #tpu.memory_space<vmem>>, vector<16xf32>,
        %jit3A_506 = arith.constant 0.000000e+00 : f32
        %broadcast_in_dim3A_507 = vector.broadcast %jit3A_506 : f32 to vector<16xf32>
        %select_n3A_508 = arith.select %ne3A_475, %get3A_505, %broadcast_in_dim3A_507 : vector<16xi1>, vector<16xf32>
        %get3A_509 = arith.index_cast %add3A_476 : i32 to index
        %get3A_510 = arith.constant 32 : index
        %get3A_511 = tpu.vector_load %arg7[%get3A_509, %get3A_510] {strides = array<i32>} : memref<400x128xf32, #tpu.memory_space<vmem>>, vector<16xf32>,
        %add3A_512 = arith.addf %select_n3A_508, %get3A_511 : vector<16xf32>
        %swap3A_513 = arith.index_cast %add3A_467 : i32 to index
        %swap3A_514 = arith.constant 32 : index
        %swap3A_515 = tpu.vector_load %arg9[%swap3A_513, %swap3A_514] {strides = array<i32>} : memref<128x128xf32, #tpu.memory_space<vmem>>, vector<16xf32>,
        tpu.vector_store %arg9[%swap3A_513, %swap3A_514], %add3A_512 {strides = array<i32>} : memref<128x128xf32, #tpu.memory_space<vmem>>, vector<16xf32>,
        %get3A_516 = arith.index_cast %add3A_467 : i32 to index
        %get3A_517 = arith.constant 48 : index
        %get3A_518 = tpu.vector_load %arg9[%get3A_516, %get3A_517] {strides = array<i32>} : memref<128x128xf32, #tpu.memory_space<vmem>>, vector<16xf32>,
        %jit3A_519 = arith.constant 0.000000e+00 : f32
        %broadcast_in_dim3A_520 = vector.broadcast %jit3A_519 : f32 to vector<16xf32>
        %select_n3A_521 = arith.select %ne3A_475, %get3A_518, %broadcast_in_dim3A_520 : vector<16xi1>, vector<16xf32>
        %get3A_522 = arith.index_cast %add3A_476 : i32 to index
        %get3A_523 = arith.constant 48 : index
        %get3A_524 = tpu.vector_load %arg7[%get3A_522, %get3A_523] {strides = array<i32>} : memref<400x128xf32, #tpu.memory_space<vmem>>, vector<16xf32>,
        %add3A_525 = arith.addf %select_n3A_521, %get3A_524 : vector<16xf32>
        %swap3A_526 = arith.index_cast %add3A_467 : i32 to index
        %swap3A_527 = arith.constant 48 : index
        %swap3A_528 = tpu.vector_load %arg9[%swap3A_526, %swap3A_527] {strides = array<i32>} : memref<128x128xf32, #tpu.memory_space<vmem>>, vector<16xf32>,
        tpu.vector_store %arg9[%swap3A_526, %swap3A_527], %add3A_525 {strides = array<i32>} : memref<128x128xf32, #tpu.memory_space<vmem>>, vector<16xf32>,
        %get3A_529 = arith.index_cast %add3A_467 : i32 to index
        %get3A_530 = arith.constant 64 : index
        %get3A_531 = tpu.vector_load %arg9[%get3A_529, %get3A_530] {strides = array<i32>} : memref<128x128xf32, #tpu.memory_space<vmem>>, vector<16xf32>,
        %jit3A_532 = arith.constant 0.000000e+00 : f32
        %broadcast_in_dim3A_533 = vector.broadcast %jit3A_532 : f32 to vector<16xf32>
        %select_n3A_534 = arith.select %ne3A_475, %get3A_531, %broadcast_in_dim3A_533 : vector<16xi1>, vector<16xf32>
        %get3A_535 = arith.index_cast %add3A_476 : i32 to index
        %get3A_536 = arith.constant 64 : index
        %get3A_537 = tpu.vector_load %arg7[%get3A_535, %get3A_536] {strides = array<i32>} : memref<400x128xf32, #tpu.memory_space<vmem>>, vector<16xf32>,
        %add3A_538 = arith.addf %select_n3A_534, %get3A_537 : vector<16xf32>
        %swap3A_539 = arith.index_cast %add3A_467 : i32 to index
        %swap3A_540 = arith.constant 64 : index
        %swap3A_541 = tpu.vector_load %arg9[%swap3A_539, %swap3A_540] {strides = array<i32>} : memref<128x128xf32, #tpu.memory_space<vmem>>, vector<16xf32>,
        tpu.vector_store %arg9[%swap3A_539, %swap3A_540], %add3A_538 {strides = array<i32>} : memref<128x128xf32, #tpu.memory_space<vmem>>, vector<16xf32>,
        %get3A_542 = arith.index_cast %add3A_467 : i32 to index
        %get3A_543 = arith.constant 80 : index
        %get3A_544 = tpu.vector_load %arg9[%get3A_542, %get3A_543] {strides = array<i32>} : memref<128x128xf32, #tpu.memory_space<vmem>>, vector<16xf32>,
        %jit3A_545 = arith.constant 0.000000e+00 : f32
        %broadcast_in_dim3A_546 = vector.broadcast %jit3A_545 : f32 to vector<16xf32>
        %select_n3A_547 = arith.select %ne3A_475, %get3A_544, %broadcast_in_dim3A_546 : vector<16xi1>, vector<16xf32>
        %get3A_548 = arith.index_cast %add3A_476 : i32 to index
        %get3A_549 = arith.constant 80 : index
        %get3A_550 = tpu.vector_load %arg7[%get3A_548, %get3A_549] {strides = array<i32>} : memref<400x128xf32, #tpu.memory_space<vmem>>, vector<16xf32>,
        %add3A_551 = arith.addf %select_n3A_547, %get3A_550 : vector<16xf32>
        %swap3A_552 = arith.index_cast %add3A_467 : i32 to index
        %swap3A_553 = arith.constant 80 : index
        %swap3A_554 = tpu.vector_load %arg9[%swap3A_552, %swap3A_553] {strides = array<i32>} : memref<128x128xf32, #tpu.memory_space<vmem>>, vector<16xf32>,
        tpu.vector_store %arg9[%swap3A_552, %swap3A_553], %add3A_551 {strides = array<i32>} : memref<128x128xf32, #tpu.memory_space<vmem>>, vector<16xf32>,
        %get3A_555 = arith.index_cast %add3A_467 : i32 to index
        %get3A_556 = arith.constant 96 : index
        %get3A_557 = tpu.vector_load %arg9[%get3A_555, %get3A_556] {strides = array<i32>} : memref<128x128xf32, #tpu.memory_space<vmem>>, vector<16xf32>,
        %jit3A_558 = arith.constant 0.000000e+00 : f32
        %broadcast_in_dim3A_559 = vector.broadcast %jit3A_558 : f32 to vector<16xf32>
        %select_n3A_560 = arith.select %ne3A_475, %get3A_557, %broadcast_in_dim3A_559 : vector<16xi1>, vector<16xf32>
        %get3A_561 = arith.index_cast %add3A_476 : i32 to index
        %get3A_562 = arith.constant 96 : index
        %get3A_563 = tpu.vector_load %arg7[%get3A_561, %get3A_562] {strides = array<i32>} : memref<400x128xf32, #tpu.memory_space<vmem>>, vector<16xf32>,
        %add3A_564 = arith.addf %select_n3A_560, %get3A_563 : vector<16xf32>
        %swap3A_565 = arith.index_cast %add3A_467 : i32 to index
        %swap3A_566 = arith.constant 96 : index
        %swap3A_567 = tpu.vector_load %arg9[%swap3A_565, %swap3A_566] {strides = array<i32>} : memref<128x128xf32, #tpu.memory_space<vmem>>, vector<16xf32>,
        tpu.vector_store %arg9[%swap3A_565, %swap3A_566], %add3A_564 {strides = array<i32>} : memref<128x128xf32, #tpu.memory_space<vmem>>, vector<16xf32>,
        %get3A_568 = arith.index_cast %add3A_467 : i32 to index
        %get3A_569 = arith.constant 112 : index
        %get3A_570 = tpu.vector_load %arg9[%get3A_568, %get3A_569] {strides = array<i32>} : memref<128x128xf32, #tpu.memory_space<vmem>>, vector<16xf32>,
        %jit3A_571 = arith.constant 0.000000e+00 : f32
        %broadcast_in_dim3A_572 = vector.broadcast %jit3A_571 : f32 to vector<16xf32>
        %select_n3A_573 = arith.select %ne3A_475, %get3A_570, %broadcast_in_dim3A_572 : vector<16xi1>, vector<16xf32>
        %get3A_574 = arith.index_cast %add3A_476 : i32 to index
        %get3A_575 = arith.constant 112 : index
        %get3A_576 = tpu.vector_load %arg7[%get3A_574, %get3A_575] {strides = array<i32>} : memref<400x128xf32, #tpu.memory_space<vmem>>, vector<16xf32>,
        %add3A_577 = arith.addf %select_n3A_573, %get3A_576 : vector<16xf32>
        %swap3A_578 = arith.index_cast %add3A_467 : i32 to index
        %swap3A_579 = arith.constant 112 : index
        %swap3A_580 = tpu.vector_load %arg9[%swap3A_578, %swap3A_579] {strides = array<i32>} : memref<128x128xf32, #tpu.memory_space<vmem>>, vector<16xf32>,
        tpu.vector_store %arg9[%swap3A_578, %swap3A_579], %add3A_577 {strides = array<i32>} : memref<128x128xf32, #tpu.memory_space<vmem>>, vector<16xf32>,
        %add3A_581 = arith.constant 4 : i32
        %add3A_582 = arith.addi %mul3A_124, %add3A_581 : i32
        %mul3A_583 = arith.constant 128 : i32
        %mul3A_584 = arith.muli %add3A_74, %mul3A_583 : i32
        %add3A_585 = arith.addi %mul3A_584, %add3A_582 : i32
        %broadcast_in_dim3A_586 = vector.broadcast %add3A_585 : i32 to vector<16xi32>
        %gather3A_587 = tpu.vector_load_idx %arg6[%broadcast_in_dim3A_586] : memref<6400xi32, #tpu.memory_space<vmem>>[vector<16xi32>], vector<16xi32>,
        %ne3A_588 = arith.constant 0 : i32
        %ne3A_589 = vector.broadcast %ne3A_588 : i32 to vector<16xi32>
        %ne3A_590 = arith.cmpi ne, %gather3A_587, %ne3A_589 : vector<16xi32>
        %add3A_591 = arith.addi %select_n3A_108, %add3A_582 : i32
        %get3A_592 = arith.index_cast %add3A_582 : i32 to index
        %get3A_593 = arith.constant 0 : index
        %get3A_594 = tpu.vector_load %arg9[%get3A_592, %get3A_593] {strides = array<i32>} : memref<128x128xf32, #tpu.memory_space<vmem>>, vector<16xf32>,
        %jit3A_595 = arith.constant 0.000000e+00 : f32
        %broadcast_in_dim3A_596 = vector.broadcast %jit3A_595 : f32 to vector<16xf32>
        %select_n3A_597 = arith.select %ne3A_590, %get3A_594, %broadcast_in_dim3A_596 : vector<16xi1>, vector<16xf32>
        %get3A_598 = arith.index_cast %add3A_591 : i32 to index
        %get3A_599 = arith.constant 0 : index
        %get3A_600 = tpu.vector_load %arg7[%get3A_598, %get3A_599] {strides = array<i32>} : memref<400x128xf32, #tpu.memory_space<vmem>>, vector<16xf32>,
        %add3A_601 = arith.addf %select_n3A_597, %get3A_600 : vector<16xf32>
        %swap3A_602 = arith.index_cast %add3A_582 : i32 to index
        %swap3A_603 = arith.constant 0 : index
        %swap3A_604 = tpu.vector_load %arg9[%swap3A_602, %swap3A_603] {strides = array<i32>} : memref<128x128xf32, #tpu.memory_space<vmem>>, vector<16xf32>,
        tpu.vector_store %arg9[%swap3A_602, %swap3A_603], %add3A_601 {strides = array<i32>} : memref<128x128xf32, #tpu.memory_space<vmem>>, vector<16xf32>,
        %get3A_605 = arith.index_cast %add3A_582 : i32 to index
        %get3A_606 = arith.constant 16 : index
        %get3A_607 = tpu.vector_load %arg9[%get3A_605, %get3A_606] {strides = array<i32>} : memref<128x128xf32, #tpu.memory_space<vmem>>, vector<16xf32>,
        %jit3A_608 = arith.constant 0.000000e+00 : f32
        %broadcast_in_dim3A_609 = vector.broadcast %jit3A_608 : f32 to vector<16xf32>
        %select_n3A_610 = arith.select %ne3A_590, %get3A_607, %broadcast_in_dim3A_609 : vector<16xi1>, vector<16xf32>
        %get3A_611 = arith.index_cast %add3A_591 : i32 to index
        %get3A_612 = arith.constant 16 : index
        %get3A_613 = tpu.vector_load %arg7[%get3A_611, %get3A_612] {strides = array<i32>} : memref<400x128xf32, #tpu.memory_space<vmem>>, vector<16xf32>,
        %add3A_614 = arith.addf %select_n3A_610, %get3A_613 : vector<16xf32>
        %swap3A_615 = arith.index_cast %add3A_582 : i32 to index
        %swap3A_616 = arith.constant 16 : index
        %swap3A_617 = tpu.vector_load %arg9[%swap3A_615, %swap3A_616] {strides = array<i32>} : memref<128x128xf32, #tpu.memory_space<vmem>>, vector<16xf32>,
        tpu.vector_store %arg9[%swap3A_615, %swap3A_616], %add3A_614 {strides = array<i32>} : memref<128x128xf32, #tpu.memory_space<vmem>>, vector<16xf32>,
        %get3A_618 = arith.index_cast %add3A_582 : i32 to index
        %get3A_619 = arith.constant 32 : index
        %get3A_620 = tpu.vector_load %arg9[%get3A_618, %get3A_619] {strides = array<i32>} : memref<128x128xf32, #tpu.memory_space<vmem>>, vector<16xf32>,
        %jit3A_621 = arith.constant 0.000000e+00 : f32
        %broadcast_in_dim3A_622 = vector.broadcast %jit3A_621 : f32 to vector<16xf32>
        %select_n3A_623 = arith.select %ne3A_590, %get3A_620, %broadcast_in_dim3A_622 : vector<16xi1>, vector<16xf32>
        %get3A_624 = arith.index_cast %add3A_591 : i32 to index
        %get3A_625 = arith.constant 32 : index
        %get3A_626 = tpu.vector_load %arg7[%get3A_624, %get3A_625] {strides = array<i32>} : memref<400x128xf32, #tpu.memory_space<vmem>>, vector<16xf32>,
        %add3A_627 = arith.addf %select_n3A_623, %get3A_626 : vector<16xf32>
        %swap3A_628 = arith.index_cast %add3A_582 : i32 to index
        %swap3A_629 = arith.constant 32 : index
        %swap3A_630 = tpu.vector_load %arg9[%swap3A_628, %swap3A_629] {strides = array<i32>} : memref<128x128xf32, #tpu.memory_space<vmem>>, vector<16xf32>,
        tpu.vector_store %arg9[%swap3A_628, %swap3A_629], %add3A_627 {strides = array<i32>} : memref<128x128xf32, #tpu.memory_space<vmem>>, vector<16xf32>,
        %get3A_631 = arith.index_cast %add3A_582 : i32 to index
        %get3A_632 = arith.constant 48 : index
        %get3A_633 = tpu.vector_load %arg9[%get3A_631, %get3A_632] {strides = array<i32>} : memref<128x128xf32, #tpu.memory_space<vmem>>, vector<16xf32>,
        %jit3A_634 = arith.constant 0.000000e+00 : f32
        %broadcast_in_dim3A_635 = vector.broadcast %jit3A_634 : f32 to vector<16xf32>
        %select_n3A_636 = arith.select %ne3A_590, %get3A_633, %broadcast_in_dim3A_635 : vector<16xi1>, vector<16xf32>
        %get3A_637 = arith.index_cast %add3A_591 : i32 to index
        %get3A_638 = arith.constant 48 : index
        %get3A_639 = tpu.vector_load %arg7[%get3A_637, %get3A_638] {strides = array<i32>} : memref<400x128xf32, #tpu.memory_space<vmem>>, vector<16xf32>,
        %add3A_640 = arith.addf %select_n3A_636, %get3A_639 : vector<16xf32>
        %swap3A_641 = arith.index_cast %add3A_582 : i32 to index
        %swap3A_642 = arith.constant 48 : index
        %swap3A_643 = tpu.vector_load %arg9[%swap3A_641, %swap3A_642] {strides = array<i32>} : memref<128x128xf32, #tpu.memory_space<vmem>>, vector<16xf32>,
        tpu.vector_store %arg9[%swap3A_641, %swap3A_642], %add3A_640 {strides = array<i32>} : memref<128x128xf32, #tpu.memory_space<vmem>>, vector<16xf32>,
        %get3A_644 = arith.index_cast %add3A_582 : i32 to index
        %get3A_645 = arith.constant 64 : index
        %get3A_646 = tpu.vector_load %arg9[%get3A_644, %get3A_645] {strides = array<i32>} : memref<128x128xf32, #tpu.memory_space<vmem>>, vector<16xf32>,
        %jit3A_647 = arith.constant 0.000000e+00 : f32
        %broadcast_in_dim3A_648 = vector.broadcast %jit3A_647 : f32 to vector<16xf32>
        %select_n3A_649 = arith.select %ne3A_590, %get3A_646, %broadcast_in_dim3A_648 : vector<16xi1>, vector<16xf32>
        %get3A_650 = arith.index_cast %add3A_591 : i32 to index
        %get3A_651 = arith.constant 64 : index
        %get3A_652 = tpu.vector_load %arg7[%get3A_650, %get3A_651] {strides = array<i32>} : memref<400x128xf32, #tpu.memory_space<vmem>>, vector<16xf32>,
        %add3A_653 = arith.addf %select_n3A_649, %get3A_652 : vector<16xf32>
        %swap3A_654 = arith.index_cast %add3A_582 : i32 to index
        %swap3A_655 = arith.constant 64 : index
        %swap3A_656 = tpu.vector_load %arg9[%swap3A_654, %swap3A_655] {strides = array<i32>} : memref<128x128xf32, #tpu.memory_space<vmem>>, vector<16xf32>,
        tpu.vector_store %arg9[%swap3A_654, %swap3A_655], %add3A_653 {strides = array<i32>} : memref<128x128xf32, #tpu.memory_space<vmem>>, vector<16xf32>,
        %get3A_657 = arith.index_cast %add3A_582 : i32 to index
        %get3A_658 = arith.constant 80 : index
        %get3A_659 = tpu.vector_load %arg9[%get3A_657, %get3A_658] {strides = array<i32>} : memref<128x128xf32, #tpu.memory_space<vmem>>, vector<16xf32>,
        %jit3A_660 = arith.constant 0.000000e+00 : f32
        %broadcast_in_dim3A_661 = vector.broadcast %jit3A_660 : f32 to vector<16xf32>
        %select_n3A_662 = arith.select %ne3A_590, %get3A_659, %broadcast_in_dim3A_661 : vector<16xi1>, vector<16xf32>
        %get3A_663 = arith.index_cast %add3A_591 : i32 to index
        %get3A_664 = arith.constant 80 : index
        %get3A_665 = tpu.vector_load %arg7[%get3A_663, %get3A_664] {strides = array<i32>} : memref<400x128xf32, #tpu.memory_space<vmem>>, vector<16xf32>,
        %add3A_666 = arith.addf %select_n3A_662, %get3A_665 : vector<16xf32>
        %swap3A_667 = arith.index_cast %add3A_582 : i32 to index
        %swap3A_668 = arith.constant 80 : index
        %swap3A_669 = tpu.vector_load %arg9[%swap3A_667, %swap3A_668] {strides = array<i32>} : memref<128x128xf32, #tpu.memory_space<vmem>>, vector<16xf32>,
        tpu.vector_store %arg9[%swap3A_667, %swap3A_668], %add3A_666 {strides = array<i32>} : memref<128x128xf32, #tpu.memory_space<vmem>>, vector<16xf32>,
        %get3A_670 = arith.index_cast %add3A_582 : i32 to index
        %get3A_671 = arith.constant 96 : index
        %get3A_672 = tpu.vector_load %arg9[%get3A_670, %get3A_671] {strides = array<i32>} : memref<128x128xf32, #tpu.memory_space<vmem>>, vector<16xf32>,
        %jit3A_673 = arith.constant 0.000000e+00 : f32
        %broadcast_in_dim3A_674 = vector.broadcast %jit3A_673 : f32 to vector<16xf32>
        %select_n3A_675 = arith.select %ne3A_590, %get3A_672, %broadcast_in_dim3A_674 : vector<16xi1>, vector<16xf32>
        %get3A_676 = arith.index_cast %add3A_591 : i32 to index
        %get3A_677 = arith.constant 96 : index
        %get3A_678 = tpu.vector_load %arg7[%get3A_676, %get3A_677] {strides = array<i32>} : memref<400x128xf32, #tpu.memory_space<vmem>>, vector<16xf32>,
        %add3A_679 = arith.addf %select_n3A_675, %get3A_678 : vector<16xf32>
        %swap3A_680 = arith.index_cast %add3A_582 : i32 to index
        %swap3A_681 = arith.constant 96 : index
        %swap3A_682 = tpu.vector_load %arg9[%swap3A_680, %swap3A_681] {strides = array<i32>} : memref<128x128xf32, #tpu.memory_space<vmem>>, vector<16xf32>,
        tpu.vector_store %arg9[%swap3A_680, %swap3A_681], %add3A_679 {strides = array<i32>} : memref<128x128xf32, #tpu.memory_space<vmem>>, vector<16xf32>,
        %get3A_683 = arith.index_cast %add3A_582 : i32 to index
        %get3A_684 = arith.constant 112 : index
        %get3A_685 = tpu.vector_load %arg9[%get3A_683, %get3A_684] {strides = array<i32>} : memref<128x128xf32, #tpu.memory_space<vmem>>, vector<16xf32>,
        %jit3A_686 = arith.constant 0.000000e+00 : f32
        %broadcast_in_dim3A_687 = vector.broadcast %jit3A_686 : f32 to vector<16xf32>
        %select_n3A_688 = arith.select %ne3A_590, %get3A_685, %broadcast_in_dim3A_687 : vector<16xi1>, vector<16xf32>
        %get3A_689 = arith.index_cast %add3A_591 : i32 to index
        %get3A_690 = arith.constant 112 : index
        %get3A_691 = tpu.vector_load %arg7[%get3A_689, %get3A_690] {strides = array<i32>} : memref<400x128xf32, #tpu.memory_space<vmem>>, vector<16xf32>,
        %add3A_692 = arith.addf %select_n3A_688, %get3A_691 : vector<16xf32>
        %swap3A_693 = arith.index_cast %add3A_582 : i32 to index
        %swap3A_694 = arith.constant 112 : index
        %swap3A_695 = tpu.vector_load %arg9[%swap3A_693, %swap3A_694] {strides = array<i32>} : memref<128x128xf32, #tpu.memory_space<vmem>>, vector<16xf32>,
        tpu.vector_store %arg9[%swap3A_693, %swap3A_694], %add3A_692 {strides = array<i32>} : memref<128x128xf32, #tpu.memory_space<vmem>>, vector<16xf32>,
        %add3A_696 = arith.constant 5 : i32
        %add3A_697 = arith.addi %mul3A_124, %add3A_696 : i32
        %mul3A_698 = arith.constant 128 : i32
        %mul3A_699 = arith.muli %add3A_74, %mul3A_698 : i32
        %add3A_700 = arith.addi %mul3A_699, %add3A_697 : i32
        %broadcast_in_dim3A_701 = vector.broadcast %add3A_700 : i32 to vector<16xi32>
        %gather3A_702 = tpu.vector_load_idx %arg6[%broadcast_in_dim3A_701] : memref<6400xi32, #tpu.memory_space<vmem>>[vector<16xi32>], vector<16xi32>,
        %ne3A_703 = arith.constant 0 : i32
        %ne3A_704 = vector.broadcast %ne3A_703 : i32 to vector<16xi32>
        %ne3A_705 = arith.cmpi ne, %gather3A_702, %ne3A_704 : vector<16xi32>
        %add3A_706 = arith.addi %select_n3A_108, %add3A_697 : i32
        %get3A_707 = arith.index_cast %add3A_697 : i32 to index
        %get3A_708 = arith.constant 0 : index
        %get3A_709 = tpu.vector_load %arg9[%get3A_707, %get3A_708] {strides = array<i32>} : memref<128x128xf32, #tpu.memory_space<vmem>>, vector<16xf32>,
        %jit3A_710 = arith.constant 0.000000e+00 : f32
        %broadcast_in_dim3A_711 = vector.broadcast %jit3A_710 : f32 to vector<16xf32>
        %select_n3A_712 = arith.select %ne3A_705, %get3A_709, %broadcast_in_dim3A_711 : vector<16xi1>, vector<16xf32>
        %get3A_713 = arith.index_cast %add3A_706 : i32 to index
        %get3A_714 = arith.constant 0 : index
        %get3A_715 = tpu.vector_load %arg7[%get3A_713, %get3A_714] {strides = array<i32>} : memref<400x128xf32, #tpu.memory_space<vmem>>, vector<16xf32>,
        %add3A_716 = arith.addf %select_n3A_712, %get3A_715 : vector<16xf32>
        %swap3A_717 = arith.index_cast %add3A_697 : i32 to index
        %swap3A_718 = arith.constant 0 : index
        %swap3A_719 = tpu.vector_load %arg9[%swap3A_717, %swap3A_718] {strides = array<i32>} : memref<128x128xf32, #tpu.memory_space<vmem>>, vector<16xf32>,
        tpu.vector_store %arg9[%swap3A_717, %swap3A_718], %add3A_716 {strides = array<i32>} : memref<128x128xf32, #tpu.memory_space<vmem>>, vector<16xf32>,
        %get3A_720 = arith.index_cast %add3A_697 : i32 to index
        %get3A_721 = arith.constant 16 : index
        %get3A_722 = tpu.vector_load %arg9[%get3A_720, %get3A_721] {strides = array<i32>} : memref<128x128xf32, #tpu.memory_space<vmem>>, vector<16xf32>,
        %jit3A_723 = arith.constant 0.000000e+00 : f32
        %broadcast_in_dim3A_724 = vector.broadcast %jit3A_723 : f32 to vector<16xf32>
        %select_n3A_725 = arith.select %ne3A_705, %get3A_722, %broadcast_in_dim3A_724 : vector<16xi1>, vector<16xf32>
        %get3A_726 = arith.index_cast %add3A_706 : i32 to index
        %get3A_727 = arith.constant 16 : index
        %get3A_728 = tpu.vector_load %arg7[%get3A_726, %get3A_727] {strides = array<i32>} : memref<400x128xf32, #tpu.memory_space<vmem>>, vector<16xf32>,
        %add3A_729 = arith.addf %select_n3A_725, %get3A_728 : vector<16xf32>
        %swap3A_730 = arith.index_cast %add3A_697 : i32 to index
        %swap3A_731 = arith.constant 16 : index
        %swap3A_732 = tpu.vector_load %arg9[%swap3A_730, %swap3A_731] {strides = array<i32>} : memref<128x128xf32, #tpu.memory_space<vmem>>, vector<16xf32>,
        tpu.vector_store %arg9[%swap3A_730, %swap3A_731], %add3A_729 {strides = array<i32>} : memref<128x128xf32, #tpu.memory_space<vmem>>, vector<16xf32>,
        %get3A_733 = arith.index_cast %add3A_697 : i32 to index
        %get3A_734 = arith.constant 32 : index
        %get3A_735 = tpu.vector_load %arg9[%get3A_733, %get3A_734] {strides = array<i32>} : memref<128x128xf32, #tpu.memory_space<vmem>>, vector<16xf32>,
        %jit3A_736 = arith.constant 0.000000e+00 : f32
        %broadcast_in_dim3A_737 = vector.broadcast %jit3A_736 : f32 to vector<16xf32>
        %select_n3A_738 = arith.select %ne3A_705, %get3A_735, %broadcast_in_dim3A_737 : vector<16xi1>, vector<16xf32>
        %get3A_739 = arith.index_cast %add3A_706 : i32 to index
        %get3A_740 = arith.constant 32 : index
        %get3A_741 = tpu.vector_load %arg7[%get3A_739, %get3A_740] {strides = array<i32>} : memref<400x128xf32, #tpu.memory_space<vmem>>, vector<16xf32>,
        %add3A_742 = arith.addf %select_n3A_738, %get3A_741 : vector<16xf32>
        %swap3A_743 = arith.index_cast %add3A_697 : i32 to index
        %swap3A_744 = arith.constant 32 : index
        %swap3A_745 = tpu.vector_load %arg9[%swap3A_743, %swap3A_744] {strides = array<i32>} : memref<128x128xf32, #tpu.memory_space<vmem>>, vector<16xf32>,
        tpu.vector_store %arg9[%swap3A_743, %swap3A_744], %add3A_742 {strides = array<i32>} : memref<128x128xf32, #tpu.memory_space<vmem>>, vector<16xf32>,
        %get3A_746 = arith.index_cast %add3A_697 : i32 to index
        %get3A_747 = arith.constant 48 : index
        %get3A_748 = tpu.vector_load %arg9[%get3A_746, %get3A_747] {strides = array<i32>} : memref<128x128xf32, #tpu.memory_space<vmem>>, vector<16xf32>,
        %jit3A_749 = arith.constant 0.000000e+00 : f32
        %broadcast_in_dim3A_750 = vector.broadcast %jit3A_749 : f32 to vector<16xf32>
        %select_n3A_751 = arith.select %ne3A_705, %get3A_748, %broadcast_in_dim3A_750 : vector<16xi1>, vector<16xf32>
        %get3A_752 = arith.index_cast %add3A_706 : i32 to index
        %get3A_753 = arith.constant 48 : index
        %get3A_754 = tpu.vector_load %arg7[%get3A_752, %get3A_753] {strides = array<i32>} : memref<400x128xf32, #tpu.memory_space<vmem>>, vector<16xf32>,
        %add3A_755 = arith.addf %select_n3A_751, %get3A_754 : vector<16xf32>
        %swap3A_756 = arith.index_cast %add3A_697 : i32 to index
        %swap3A_757 = arith.constant 48 : index
        %swap3A_758 = tpu.vector_load %arg9[%swap3A_756, %swap3A_757] {strides = array<i32>} : memref<128x128xf32, #tpu.memory_space<vmem>>, vector<16xf32>,
        tpu.vector_store %arg9[%swap3A_756, %swap3A_757], %add3A_755 {strides = array<i32>} : memref<128x128xf32, #tpu.memory_space<vmem>>, vector<16xf32>,
        %get3A_759 = arith.index_cast %add3A_697 : i32 to index
        %get3A_760 = arith.constant 64 : index
        %get3A_761 = tpu.vector_load %arg9[%get3A_759, %get3A_760] {strides = array<i32>} : memref<128x128xf32, #tpu.memory_space<vmem>>, vector<16xf32>,
        %jit3A_762 = arith.constant 0.000000e+00 : f32
        %broadcast_in_dim3A_763 = vector.broadcast %jit3A_762 : f32 to vector<16xf32>
        %select_n3A_764 = arith.select %ne3A_705, %get3A_761, %broadcast_in_dim3A_763 : vector<16xi1>, vector<16xf32>
        %get3A_765 = arith.index_cast %add3A_706 : i32 to index
        %get3A_766 = arith.constant 64 : index
        %get3A_767 = tpu.vector_load %arg7[%get3A_765, %get3A_766] {strides = array<i32>} : memref<400x128xf32, #tpu.memory_space<vmem>>, vector<16xf32>,
        %add3A_768 = arith.addf %select_n3A_764, %get3A_767 : vector<16xf32>
        %swap3A_769 = arith.index_cast %add3A_697 : i32 to index
        %swap3A_770 = arith.constant 64 : index
        %swap3A_771 = tpu.vector_load %arg9[%swap3A_769, %swap3A_770] {strides = array<i32>} : memref<128x128xf32, #tpu.memory_space<vmem>>, vector<16xf32>,
        tpu.vector_store %arg9[%swap3A_769, %swap3A_770], %add3A_768 {strides = array<i32>} : memref<128x128xf32, #tpu.memory_space<vmem>>, vector<16xf32>,
        %get3A_772 = arith.index_cast %add3A_697 : i32 to index
        %get3A_773 = arith.constant 80 : index
        %get3A_774 = tpu.vector_load %arg9[%get3A_772, %get3A_773] {strides = array<i32>} : memref<128x128xf32, #tpu.memory_space<vmem>>, vector<16xf32>,
        %jit3A_775 = arith.constant 0.000000e+00 : f32
        %broadcast_in_dim3A_776 = vector.broadcast %jit3A_775 : f32 to vector<16xf32>
        %select_n3A_777 = arith.select %ne3A_705, %get3A_774, %broadcast_in_dim3A_776 : vector<16xi1>, vector<16xf32>
        %get3A_778 = arith.index_cast %add3A_706 : i32 to index
        %get3A_779 = arith.constant 80 : index
        %get3A_780 = tpu.vector_load %arg7[%get3A_778, %get3A_779] {strides = array<i32>} : memref<400x128xf32, #tpu.memory_space<vmem>>, vector<16xf32>,
        %add3A_781 = arith.addf %select_n3A_777, %get3A_780 : vector<16xf32>
        %swap3A_782 = arith.index_cast %add3A_697 : i32 to index
        %swap3A_783 = arith.constant 80 : index
        %swap3A_784 = tpu.vector_load %arg9[%swap3A_782, %swap3A_783] {strides = array<i32>} : memref<128x128xf32, #tpu.memory_space<vmem>>, vector<16xf32>,
        tpu.vector_store %arg9[%swap3A_782, %swap3A_783], %add3A_781 {strides = array<i32>} : memref<128x128xf32, #tpu.memory_space<vmem>>, vector<16xf32>,
        %get3A_785 = arith.index_cast %add3A_697 : i32 to index
        %get3A_786 = arith.constant 96 : index
        %get3A_787 = tpu.vector_load %arg9[%get3A_785, %get3A_786] {strides = array<i32>} : memref<128x128xf32, #tpu.memory_space<vmem>>, vector<16xf32>,
        %jit3A_788 = arith.constant 0.000000e+00 : f32
        %broadcast_in_dim3A_789 = vector.broadcast %jit3A_788 : f32 to vector<16xf32>
        %select_n3A_790 = arith.select %ne3A_705, %get3A_787, %broadcast_in_dim3A_789 : vector<16xi1>, vector<16xf32>
        %get3A_791 = arith.index_cast %add3A_706 : i32 to index
        %get3A_792 = arith.constant 96 : index
        %get3A_793 = tpu.vector_load %arg7[%get3A_791, %get3A_792] {strides = array<i32>} : memref<400x128xf32, #tpu.memory_space<vmem>>, vector<16xf32>,
        %add3A_794 = arith.addf %select_n3A_790, %get3A_793 : vector<16xf32>
        %swap3A_795 = arith.index_cast %add3A_697 : i32 to index
        %swap3A_796 = arith.constant 96 : index
        %swap3A_797 = tpu.vector_load %arg9[%swap3A_795, %swap3A_796] {strides = array<i32>} : memref<128x128xf32, #tpu.memory_space<vmem>>, vector<16xf32>,
        tpu.vector_store %arg9[%swap3A_795, %swap3A_796], %add3A_794 {strides = array<i32>} : memref<128x128xf32, #tpu.memory_space<vmem>>, vector<16xf32>,
        %get3A_798 = arith.index_cast %add3A_697 : i32 to index
        %get3A_799 = arith.constant 112 : index
        %get3A_800 = tpu.vector_load %arg9[%get3A_798, %get3A_799] {strides = array<i32>} : memref<128x128xf32, #tpu.memory_space<vmem>>, vector<16xf32>,
        %jit3A_801 = arith.constant 0.000000e+00 : f32
        %broadcast_in_dim3A_802 = vector.broadcast %jit3A_801 : f32 to vector<16xf32>
        %select_n3A_803 = arith.select %ne3A_705, %get3A_800, %broadcast_in_dim3A_802 : vector<16xi1>, vector<16xf32>
        %get3A_804 = arith.index_cast %add3A_706 : i32 to index
        %get3A_805 = arith.constant 112 : index
        %get3A_806 = tpu.vector_load %arg7[%get3A_804, %get3A_805] {strides = array<i32>} : memref<400x128xf32, #tpu.memory_space<vmem>>, vector<16xf32>,
        %add3A_807 = arith.addf %select_n3A_803, %get3A_806 : vector<16xf32>
        %swap3A_808 = arith.index_cast %add3A_697 : i32 to index
        %swap3A_809 = arith.constant 112 : index
        %swap3A_810 = tpu.vector_load %arg9[%swap3A_808, %swap3A_809] {strides = array<i32>} : memref<128x128xf32, #tpu.memory_space<vmem>>, vector<16xf32>,
        tpu.vector_store %arg9[%swap3A_808, %swap3A_809], %add3A_807 {strides = array<i32>} : memref<128x128xf32, #tpu.memory_space<vmem>>, vector<16xf32>,
        %add3A_811 = arith.constant 6 : i32
        %add3A_812 = arith.addi %mul3A_124, %add3A_811 : i32
        %mul3A_813 = arith.constant 128 : i32
        %mul3A_814 = arith.muli %add3A_74, %mul3A_813 : i32
        %add3A_815 = arith.addi %mul3A_814, %add3A_812 : i32
        %broadcast_in_dim3A_816 = vector.broadcast %add3A_815 : i32 to vector<16xi32>
        %gather3A_817 = tpu.vector_load_idx %arg6[%broadcast_in_dim3A_816] : memref<6400xi32, #tpu.memory_space<vmem>>[vector<16xi32>], vector<16xi32>,
        %ne3A_818 = arith.constant 0 : i32
        %ne3A_819 = vector.broadcast %ne3A_818 : i32 to vector<16xi32>
        %ne3A_820 = arith.cmpi ne, %gather3A_817, %ne3A_819 : vector<16xi32>
        %add3A_821 = arith.addi %select_n3A_108, %add3A_812 : i32
        %get3A_822 = arith.index_cast %add3A_812 : i32 to index
        %get3A_823 = arith.constant 0 : index
        %get3A_824 = tpu.vector_load %arg9[%get3A_822, %get3A_823] {strides = array<i32>} : memref<128x128xf32, #tpu.memory_space<vmem>>, vector<16xf32>,
        %jit3A_825 = arith.constant 0.000000e+00 : f32
        %broadcast_in_dim3A_826 = vector.broadcast %jit3A_825 : f32 to vector<16xf32>
        %select_n3A_827 = arith.select %ne3A_820, %get3A_824, %broadcast_in_dim3A_826 : vector<16xi1>, vector<16xf32>
        %get3A_828 = arith.index_cast %add3A_821 : i32 to index
        %get3A_829 = arith.constant 0 : index
        %get3A_830 = tpu.vector_load %arg7[%get3A_828, %get3A_829] {strides = array<i32>} : memref<400x128xf32, #tpu.memory_space<vmem>>, vector<16xf32>,
        %add3A_831 = arith.addf %select_n3A_827, %get3A_830 : vector<16xf32>
        %swap3A_832 = arith.index_cast %add3A_812 : i32 to index
        %swap3A_833 = arith.constant 0 : index
        %swap3A_834 = tpu.vector_load %arg9[%swap3A_832, %swap3A_833] {strides = array<i32>} : memref<128x128xf32, #tpu.memory_space<vmem>>, vector<16xf32>,
        tpu.vector_store %arg9[%swap3A_832, %swap3A_833], %add3A_831 {strides = array<i32>} : memref<128x128xf32, #tpu.memory_space<vmem>>, vector<16xf32>,
        %get3A_835 = arith.index_cast %add3A_812 : i32 to index
        %get3A_836 = arith.constant 16 : index
        %get3A_837 = tpu.vector_load %arg9[%get3A_835, %get3A_836] {strides = array<i32>} : memref<128x128xf32, #tpu.memory_space<vmem>>, vector<16xf32>,
        %jit3A_838 = arith.constant 0.000000e+00 : f32
        %broadcast_in_dim3A_839 = vector.broadcast %jit3A_838 : f32 to vector<16xf32>
        %select_n3A_840 = arith.select %ne3A_820, %get3A_837, %broadcast_in_dim3A_839 : vector<16xi1>, vector<16xf32>
        %get3A_841 = arith.index_cast %add3A_821 : i32 to index
        %get3A_842 = arith.constant 16 : index
        %get3A_843 = tpu.vector_load %arg7[%get3A_841, %get3A_842] {strides = array<i32>} : memref<400x128xf32, #tpu.memory_space<vmem>>, vector<16xf32>,
        %add3A_844 = arith.addf %select_n3A_840, %get3A_843 : vector<16xf32>
        %swap3A_845 = arith.index_cast %add3A_812 : i32 to index
        %swap3A_846 = arith.constant 16 : index
        %swap3A_847 = tpu.vector_load %arg9[%swap3A_845, %swap3A_846] {strides = array<i32>} : memref<128x128xf32, #tpu.memory_space<vmem>>, vector<16xf32>,
        tpu.vector_store %arg9[%swap3A_845, %swap3A_846], %add3A_844 {strides = array<i32>} : memref<128x128xf32, #tpu.memory_space<vmem>>, vector<16xf32>,
        %get3A_848 = arith.index_cast %add3A_812 : i32 to index
        %get3A_849 = arith.constant 32 : index
        %get3A_850 = tpu.vector_load %arg9[%get3A_848, %get3A_849] {strides = array<i32>} : memref<128x128xf32, #tpu.memory_space<vmem>>, vector<16xf32>,
        %jit3A_851 = arith.constant 0.000000e+00 : f32
        %broadcast_in_dim3A_852 = vector.broadcast %jit3A_851 : f32 to vector<16xf32>
        %select_n3A_853 = arith.select %ne3A_820, %get3A_850, %broadcast_in_dim3A_852 : vector<16xi1>, vector<16xf32>
        %get3A_854 = arith.index_cast %add3A_821 : i32 to index
        %get3A_855 = arith.constant 32 : index
        %get3A_856 = tpu.vector_load %arg7[%get3A_854, %get3A_855] {strides = array<i32>} : memref<400x128xf32, #tpu.memory_space<vmem>>, vector<16xf32>,
        %add3A_857 = arith.addf %select_n3A_853, %get3A_856 : vector<16xf32>
        %swap3A_858 = arith.index_cast %add3A_812 : i32 to index
        %swap3A_859 = arith.constant 32 : index
        %swap3A_860 = tpu.vector_load %arg9[%swap3A_858, %swap3A_859] {strides = array<i32>} : memref<128x128xf32, #tpu.memory_space<vmem>>, vector<16xf32>,
        tpu.vector_store %arg9[%swap3A_858, %swap3A_859], %add3A_857 {strides = array<i32>} : memref<128x128xf32, #tpu.memory_space<vmem>>, vector<16xf32>,
        %get3A_861 = arith.index_cast %add3A_812 : i32 to index
        %get3A_862 = arith.constant 48 : index
        %get3A_863 = tpu.vector_load %arg9[%get3A_861, %get3A_862] {strides = array<i32>} : memref<128x128xf32, #tpu.memory_space<vmem>>, vector<16xf32>,
        %jit3A_864 = arith.constant 0.000000e+00 : f32
        %broadcast_in_dim3A_865 = vector.broadcast %jit3A_864 : f32 to vector<16xf32>
        %select_n3A_866 = arith.select %ne3A_820, %get3A_863, %broadcast_in_dim3A_865 : vector<16xi1>, vector<16xf32>
        %get3A_867 = arith.index_cast %add3A_821 : i32 to index
        %get3A_868 = arith.constant 48 : index
        %get3A_869 = tpu.vector_load %arg7[%get3A_867, %get3A_868] {strides = array<i32>} : memref<400x128xf32, #tpu.memory_space<vmem>>, vector<16xf32>,
        %add3A_870 = arith.addf %select_n3A_866, %get3A_869 : vector<16xf32>
        %swap3A_871 = arith.index_cast %add3A_812 : i32 to index
        %swap3A_872 = arith.constant 48 : index
        %swap3A_873 = tpu.vector_load %arg9[%swap3A_871, %swap3A_872] {strides = array<i32>} : memref<128x128xf32, #tpu.memory_space<vmem>>, vector<16xf32>,
        tpu.vector_store %arg9[%swap3A_871, %swap3A_872], %add3A_870 {strides = array<i32>} : memref<128x128xf32, #tpu.memory_space<vmem>>, vector<16xf32>,
        %get3A_874 = arith.index_cast %add3A_812 : i32 to index
        %get3A_875 = arith.constant 64 : index
        %get3A_876 = tpu.vector_load %arg9[%get3A_874, %get3A_875] {strides = array<i32>} : memref<128x128xf32, #tpu.memory_space<vmem>>, vector<16xf32>,
        %jit3A_877 = arith.constant 0.000000e+00 : f32
        %broadcast_in_dim3A_878 = vector.broadcast %jit3A_877 : f32 to vector<16xf32>
        %select_n3A_879 = arith.select %ne3A_820, %get3A_876, %broadcast_in_dim3A_878 : vector<16xi1>, vector<16xf32>
        %get3A_880 = arith.index_cast %add3A_821 : i32 to index
        %get3A_881 = arith.constant 64 : index
        %get3A_882 = tpu.vector_load %arg7[%get3A_880, %get3A_881] {strides = array<i32>} : memref<400x128xf32, #tpu.memory_space<vmem>>, vector<16xf32>,
        %add3A_883 = arith.addf %select_n3A_879, %get3A_882 : vector<16xf32>
        %swap3A_884 = arith.index_cast %add3A_812 : i32 to index
        %swap3A_885 = arith.constant 64 : index
        %swap3A_886 = tpu.vector_load %arg9[%swap3A_884, %swap3A_885] {strides = array<i32>} : memref<128x128xf32, #tpu.memory_space<vmem>>, vector<16xf32>,
        tpu.vector_store %arg9[%swap3A_884, %swap3A_885], %add3A_883 {strides = array<i32>} : memref<128x128xf32, #tpu.memory_space<vmem>>, vector<16xf32>,
        %get3A_887 = arith.index_cast %add3A_812 : i32 to index
        %get3A_888 = arith.constant 80 : index
        %get3A_889 = tpu.vector_load %arg9[%get3A_887, %get3A_888] {strides = array<i32>} : memref<128x128xf32, #tpu.memory_space<vmem>>, vector<16xf32>,
        %jit3A_890 = arith.constant 0.000000e+00 : f32
        %broadcast_in_dim3A_891 = vector.broadcast %jit3A_890 : f32 to vector<16xf32>
        %select_n3A_892 = arith.select %ne3A_820, %get3A_889, %broadcast_in_dim3A_891 : vector<16xi1>, vector<16xf32>
        %get3A_893 = arith.index_cast %add3A_821 : i32 to index
        %get3A_894 = arith.constant 80 : index
        %get3A_895 = tpu.vector_load %arg7[%get3A_893, %get3A_894] {strides = array<i32>} : memref<400x128xf32, #tpu.memory_space<vmem>>, vector<16xf32>,
        %add3A_896 = arith.addf %select_n3A_892, %get3A_895 : vector<16xf32>
        %swap3A_897 = arith.index_cast %add3A_812 : i32 to index
        %swap3A_898 = arith.constant 80 : index
        %swap3A_899 = tpu.vector_load %arg9[%swap3A_897, %swap3A_898] {strides = array<i32>} : memref<128x128xf32, #tpu.memory_space<vmem>>, vector<16xf32>,
        tpu.vector_store %arg9[%swap3A_897, %swap3A_898], %add3A_896 {strides = array<i32>} : memref<128x128xf32, #tpu.memory_space<vmem>>, vector<16xf32>,
        %get3A_900 = arith.index_cast %add3A_812 : i32 to index
        %get3A_901 = arith.constant 96 : index
        %get3A_902 = tpu.vector_load %arg9[%get3A_900, %get3A_901] {strides = array<i32>} : memref<128x128xf32, #tpu.memory_space<vmem>>, vector<16xf32>,
        %jit3A_903 = arith.constant 0.000000e+00 : f32
        %broadcast_in_dim3A_904 = vector.broadcast %jit3A_903 : f32 to vector<16xf32>
        %select_n3A_905 = arith.select %ne3A_820, %get3A_902, %broadcast_in_dim3A_904 : vector<16xi1>, vector<16xf32>
        %get3A_906 = arith.index_cast %add3A_821 : i32 to index
        %get3A_907 = arith.constant 96 : index
        %get3A_908 = tpu.vector_load %arg7[%get3A_906, %get3A_907] {strides = array<i32>} : memref<400x128xf32, #tpu.memory_space<vmem>>, vector<16xf32>,
        %add3A_909 = arith.addf %select_n3A_905, %get3A_908 : vector<16xf32>
        %swap3A_910 = arith.index_cast %add3A_812 : i32 to index
        %swap3A_911 = arith.constant 96 : index
        %swap3A_912 = tpu.vector_load %arg9[%swap3A_910, %swap3A_911] {strides = array<i32>} : memref<128x128xf32, #tpu.memory_space<vmem>>, vector<16xf32>,
        tpu.vector_store %arg9[%swap3A_910, %swap3A_911], %add3A_909 {strides = array<i32>} : memref<128x128xf32, #tpu.memory_space<vmem>>, vector<16xf32>,
        %get3A_913 = arith.index_cast %add3A_812 : i32 to index
        %get3A_914 = arith.constant 112 : index
        %get3A_915 = tpu.vector_load %arg9[%get3A_913, %get3A_914] {strides = array<i32>} : memref<128x128xf32, #tpu.memory_space<vmem>>, vector<16xf32>,
        %jit3A_916 = arith.constant 0.000000e+00 : f32
        %broadcast_in_dim3A_917 = vector.broadcast %jit3A_916 : f32 to vector<16xf32>
        %select_n3A_918 = arith.select %ne3A_820, %get3A_915, %broadcast_in_dim3A_917 : vector<16xi1>, vector<16xf32>
        %get3A_919 = arith.index_cast %add3A_821 : i32 to index
        %get3A_920 = arith.constant 112 : index
        %get3A_921 = tpu.vector_load %arg7[%get3A_919, %get3A_920] {strides = array<i32>} : memref<400x128xf32, #tpu.memory_space<vmem>>, vector<16xf32>,
        %add3A_922 = arith.addf %select_n3A_918, %get3A_921 : vector<16xf32>
        %swap3A_923 = arith.index_cast %add3A_812 : i32 to index
        %swap3A_924 = arith.constant 112 : index
        %swap3A_925 = tpu.vector_load %arg9[%swap3A_923, %swap3A_924] {strides = array<i32>} : memref<128x128xf32, #tpu.memory_space<vmem>>, vector<16xf32>,
        tpu.vector_store %arg9[%swap3A_923, %swap3A_924], %add3A_922 {strides = array<i32>} : memref<128x128xf32, #tpu.memory_space<vmem>>, vector<16xf32>,
        %add3A_926 = arith.constant 7 : i32
        %add3A_927 = arith.addi %mul3A_124, %add3A_926 : i32
        %mul3A_928 = arith.constant 128 : i32
        %mul3A_929 = arith.muli %add3A_74, %mul3A_928 : i32
        %add3A_930 = arith.addi %mul3A_929, %add3A_927 : i32
        %broadcast_in_dim3A_931 = vector.broadcast %add3A_930 : i32 to vector<16xi32>
        %gather3A_932 = tpu.vector_load_idx %arg6[%broadcast_in_dim3A_931] : memref<6400xi32, #tpu.memory_space<vmem>>[vector<16xi32>], vector<16xi32>,
        %ne3A_933 = arith.constant 0 : i32
        %ne3A_934 = vector.broadcast %ne3A_933 : i32 to vector<16xi32>
        %ne3A_935 = arith.cmpi ne, %gather3A_932, %ne3A_934 : vector<16xi32>
        %add3A_936 = arith.addi %select_n3A_108, %add3A_927 : i32
        %get3A_937 = arith.index_cast %add3A_927 : i32 to index
        %get3A_938 = arith.constant 0 : index
        %get3A_939 = tpu.vector_load %arg9[%get3A_937, %get3A_938] {strides = array<i32>} : memref<128x128xf32, #tpu.memory_space<vmem>>, vector<16xf32>,
        %jit3A_940 = arith.constant 0.000000e+00 : f32
        %broadcast_in_dim3A_941 = vector.broadcast %jit3A_940 : f32 to vector<16xf32>
        %select_n3A_942 = arith.select %ne3A_935, %get3A_939, %broadcast_in_dim3A_941 : vector<16xi1>, vector<16xf32>
        %get3A_943 = arith.index_cast %add3A_936 : i32 to index
        %get3A_944 = arith.constant 0 : index
        %get3A_945 = tpu.vector_load %arg7[%get3A_943, %get3A_944] {strides = array<i32>} : memref<400x128xf32, #tpu.memory_space<vmem>>, vector<16xf32>,
        %add3A_946 = arith.addf %select_n3A_942, %get3A_945 : vector<16xf32>
        %swap3A_947 = arith.index_cast %add3A_927 : i32 to index
        %swap3A_948 = arith.constant 0 : index
        %swap3A_949 = tpu.vector_load %arg9[%swap3A_947, %swap3A_948] {strides = array<i32>} : memref<128x128xf32, #tpu.memory_space<vmem>>, vector<16xf32>,
        tpu.vector_store %arg9[%swap3A_947, %swap3A_948], %add3A_946 {strides = array<i32>} : memref<128x128xf32, #tpu.memory_space<vmem>>, vector<16xf32>,
        %get3A_950 = arith.index_cast %add3A_927 : i32 to index
        %get3A_951 = arith.constant 16 : index
        %get3A_952 = tpu.vector_load %arg9[%get3A_950, %get3A_951] {strides = array<i32>} : memref<128x128xf32, #tpu.memory_space<vmem>>, vector<16xf32>,
        %jit3A_953 = arith.constant 0.000000e+00 : f32
        %broadcast_in_dim3A_954 = vector.broadcast %jit3A_953 : f32 to vector<16xf32>
        %select_n3A_955 = arith.select %ne3A_935, %get3A_952, %broadcast_in_dim3A_954 : vector<16xi1>, vector<16xf32>
        %get3A_956 = arith.index_cast %add3A_936 : i32 to index
        %get3A_957 = arith.constant 16 : index
        %get3A_958 = tpu.vector_load %arg7[%get3A_956, %get3A_957] {strides = array<i32>} : memref<400x128xf32, #tpu.memory_space<vmem>>, vector<16xf32>,
        %add3A_959 = arith.addf %select_n3A_955, %get3A_958 : vector<16xf32>
        %swap3A_960 = arith.index_cast %add3A_927 : i32 to index
        %swap3A_961 = arith.constant 16 : index
        %swap3A_962 = tpu.vector_load %arg9[%swap3A_960, %swap3A_961] {strides = array<i32>} : memref<128x128xf32, #tpu.memory_space<vmem>>, vector<16xf32>,
        tpu.vector_store %arg9[%swap3A_960, %swap3A_961], %add3A_959 {strides = array<i32>} : memref<128x128xf32, #tpu.memory_space<vmem>>, vector<16xf32>,
        %get3A_963 = arith.index_cast %add3A_927 : i32 to index
        %get3A_964 = arith.constant 32 : index
        %get3A_965 = tpu.vector_load %arg9[%get3A_963, %get3A_964] {strides = array<i32>} : memref<128x128xf32, #tpu.memory_space<vmem>>, vector<16xf32>,
        %jit3A_966 = arith.constant 0.000000e+00 : f32
        %broadcast_in_dim3A_967 = vector.broadcast %jit3A_966 : f32 to vector<16xf32>
        %select_n3A_968 = arith.select %ne3A_935, %get3A_965, %broadcast_in_dim3A_967 : vector<16xi1>, vector<16xf32>
        %get3A_969 = arith.index_cast %add3A_936 : i32 to index
        %get3A_970 = arith.constant 32 : index
        %get3A_971 = tpu.vector_load %arg7[%get3A_969, %get3A_970] {strides = array<i32>} : memref<400x128xf32, #tpu.memory_space<vmem>>, vector<16xf32>,
        %add3A_972 = arith.addf %select_n3A_968, %get3A_971 : vector<16xf32>
        %swap3A_973 = arith.index_cast %add3A_927 : i32 to index
        %swap3A_974 = arith.constant 32 : index
        %swap3A_975 = tpu.vector_load %arg9[%swap3A_973, %swap3A_974] {strides = array<i32>} : memref<128x128xf32, #tpu.memory_space<vmem>>, vector<16xf32>,
        tpu.vector_store %arg9[%swap3A_973, %swap3A_974], %add3A_972 {strides = array<i32>} : memref<128x128xf32, #tpu.memory_space<vmem>>, vector<16xf32>,
        %get3A_976 = arith.index_cast %add3A_927 : i32 to index
        %get3A_977 = arith.constant 48 : index
        %get3A_978 = tpu.vector_load %arg9[%get3A_976, %get3A_977] {strides = array<i32>} : memref<128x128xf32, #tpu.memory_space<vmem>>, vector<16xf32>,
        %jit3A_979 = arith.constant 0.000000e+00 : f32
        %broadcast_in_dim3A_980 = vector.broadcast %jit3A_979 : f32 to vector<16xf32>
        %select_n3A_981 = arith.select %ne3A_935, %get3A_978, %broadcast_in_dim3A_980 : vector<16xi1>, vector<16xf32>
        %get3A_982 = arith.index_cast %add3A_936 : i32 to index
        %get3A_983 = arith.constant 48 : index
        %get3A_984 = tpu.vector_load %arg7[%get3A_982, %get3A_983] {strides = array<i32>} : memref<400x128xf32, #tpu.memory_space<vmem>>, vector<16xf32>,
        %add3A_985 = arith.addf %select_n3A_981, %get3A_984 : vector<16xf32>
        %swap3A_986 = arith.index_cast %add3A_927 : i32 to index
        %swap3A_987 = arith.constant 48 : index
        %swap3A_988 = tpu.vector_load %arg9[%swap3A_986, %swap3A_987] {strides = array<i32>} : memref<128x128xf32, #tpu.memory_space<vmem>>, vector<16xf32>,
        tpu.vector_store %arg9[%swap3A_986, %swap3A_987], %add3A_985 {strides = array<i32>} : memref<128x128xf32, #tpu.memory_space<vmem>>, vector<16xf32>,
        %get3A_989 = arith.index_cast %add3A_927 : i32 to index
        %get3A_990 = arith.constant 64 : index
        %get3A_991 = tpu.vector_load %arg9[%get3A_989, %get3A_990] {strides = array<i32>} : memref<128x128xf32, #tpu.memory_space<vmem>>, vector<16xf32>,
        %jit3A_992 = arith.constant 0.000000e+00 : f32
        %broadcast_in_dim3A_993 = vector.broadcast %jit3A_992 : f32 to vector<16xf32>
        %select_n3A_994 = arith.select %ne3A_935, %get3A_991, %broadcast_in_dim3A_993 : vector<16xi1>, vector<16xf32>
        %get3A_995 = arith.index_cast %add3A_936 : i32 to index
        %get3A_996 = arith.constant 64 : index
        %get3A_997 = tpu.vector_load %arg7[%get3A_995, %get3A_996] {strides = array<i32>} : memref<400x128xf32, #tpu.memory_space<vmem>>, vector<16xf32>,
        %add3A_998 = arith.addf %select_n3A_994, %get3A_997 : vector<16xf32>
        %swap3A_999 = arith.index_cast %add3A_927 : i32 to index
        %swap3A_1000 = arith.constant 64 : index
        %swap3A_1001 = tpu.vector_load %arg9[%swap3A_999, %swap3A_1000] {strides = array<i32>} : memref<128x128xf32, #tpu.memory_space<vmem>>, vector<16xf32>,
        tpu.vector_store %arg9[%swap3A_999, %swap3A_1000], %add3A_998 {strides = array<i32>} : memref<128x128xf32, #tpu.memory_space<vmem>>, vector<16xf32>,
        %get3A_1002 = arith.index_cast %add3A_927 : i32 to index
        %get3A_1003 = arith.constant 80 : index
        %get3A_1004 = tpu.vector_load %arg9[%get3A_1002, %get3A_1003] {strides = array<i32>} : memref<128x128xf32, #tpu.memory_space<vmem>>, vector<16xf32>,
        %jit3A_1005 = arith.constant 0.000000e+00 : f32
        %broadcast_in_dim3A_1006 = vector.broadcast %jit3A_1005 : f32 to vector<16xf32>
        %select_n3A_1007 = arith.select %ne3A_935, %get3A_1004, %broadcast_in_dim3A_1006 : vector<16xi1>, vector<16xf32>
        %get3A_1008 = arith.index_cast %add3A_936 : i32 to index
        %get3A_1009 = arith.constant 80 : index
        %get3A_1010 = tpu.vector_load %arg7[%get3A_1008, %get3A_1009] {strides = array<i32>} : memref<400x128xf32, #tpu.memory_space<vmem>>, vector<16xf32>,
        %add3A_1011 = arith.addf %select_n3A_1007, %get3A_1010 : vector<16xf32>
        %swap3A_1012 = arith.index_cast %add3A_927 : i32 to index
        %swap3A_1013 = arith.constant 80 : index
        %swap3A_1014 = tpu.vector_load %arg9[%swap3A_1012, %swap3A_1013] {strides = array<i32>} : memref<128x128xf32, #tpu.memory_space<vmem>>, vector<16xf32>,
        tpu.vector_store %arg9[%swap3A_1012, %swap3A_1013], %add3A_1011 {strides = array<i32>} : memref<128x128xf32, #tpu.memory_space<vmem>>, vector<16xf32>,
        %get3A_1015 = arith.index_cast %add3A_927 : i32 to index
        %get3A_1016 = arith.constant 96 : index
        %get3A_1017 = tpu.vector_load %arg9[%get3A_1015, %get3A_1016] {strides = array<i32>} : memref<128x128xf32, #tpu.memory_space<vmem>>, vector<16xf32>,
        %jit3A_1018 = arith.constant 0.000000e+00 : f32
        %broadcast_in_dim3A_1019 = vector.broadcast %jit3A_1018 : f32 to vector<16xf32>
        %select_n3A_1020 = arith.select %ne3A_935, %get3A_1017, %broadcast_in_dim3A_1019 : vector<16xi1>, vector<16xf32>
        %get3A_1021 = arith.index_cast %add3A_936 : i32 to index
        %get3A_1022 = arith.constant 96 : index
        %get3A_1023 = tpu.vector_load %arg7[%get3A_1021, %get3A_1022] {strides = array<i32>} : memref<400x128xf32, #tpu.memory_space<vmem>>, vector<16xf32>,
        %add3A_1024 = arith.addf %select_n3A_1020, %get3A_1023 : vector<16xf32>
        %swap3A_1025 = arith.index_cast %add3A_927 : i32 to index
        %swap3A_1026 = arith.constant 96 : index
        %swap3A_1027 = tpu.vector_load %arg9[%swap3A_1025, %swap3A_1026] {strides = array<i32>} : memref<128x128xf32, #tpu.memory_space<vmem>>, vector<16xf32>,
        tpu.vector_store %arg9[%swap3A_1025, %swap3A_1026], %add3A_1024 {strides = array<i32>} : memref<128x128xf32, #tpu.memory_space<vmem>>, vector<16xf32>,
        %get3A_1028 = arith.index_cast %add3A_927 : i32 to index
        %get3A_1029 = arith.constant 112 : index
        %get3A_1030 = tpu.vector_load %arg9[%get3A_1028, %get3A_1029] {strides = array<i32>} : memref<128x128xf32, #tpu.memory_space<vmem>>, vector<16xf32>,
        %jit3A_1031 = arith.constant 0.000000e+00 : f32
        %broadcast_in_dim3A_1032 = vector.broadcast %jit3A_1031 : f32 to vector<16xf32>
        %select_n3A_1033 = arith.select %ne3A_935, %get3A_1030, %broadcast_in_dim3A_1032 : vector<16xi1>, vector<16xf32>
        %get3A_1034 = arith.index_cast %add3A_936 : i32 to index
        %get3A_1035 = arith.constant 112 : index
        %get3A_1036 = tpu.vector_load %arg7[%get3A_1034, %get3A_1035] {strides = array<i32>} : memref<400x128xf32, #tpu.memory_space<vmem>>, vector<16xf32>,
        %add3A_1037 = arith.addf %select_n3A_1033, %get3A_1036 : vector<16xf32>
        %swap3A_1038 = arith.index_cast %add3A_927 : i32 to index
        %swap3A_1039 = arith.constant 112 : index
        %swap3A_1040 = tpu.vector_load %arg9[%swap3A_1038, %swap3A_1039] {strides = array<i32>} : memref<128x128xf32, #tpu.memory_space<vmem>>, vector<16xf32>,
        tpu.vector_store %arg9[%swap3A_1038, %swap3A_1039], %add3A_1037 {strides = array<i32>} : memref<128x128xf32, #tpu.memory_space<vmem>>, vector<16xf32>,
        %add3A_1041 = arith.constant 8 : i32
        %add3A_1042 = arith.addi %mul3A_124, %add3A_1041 : i32
        %mul3A_1043 = arith.constant 128 : i32
        %mul3A_1044 = arith.muli %add3A_74, %mul3A_1043 : i32
        %add3A_1045 = arith.addi %mul3A_1044, %add3A_1042 : i32
        %broadcast_in_dim3A_1046 = vector.broadcast %add3A_1045 : i32 to vector<16xi32>
        %gather3A_1047 = tpu.vector_load_idx %arg6[%broadcast_in_dim3A_1046] : memref<6400xi32, #tpu.memory_space<vmem>>[vector<16xi32>], vector<16xi32>,
        %ne3A_1048 = arith.constant 0 : i32
        %ne3A_1049 = vector.broadcast %ne3A_1048 : i32 to vector<16xi32>
        %ne3A_1050 = arith.cmpi ne, %gather3A_1047, %ne3A_1049 : vector<16xi32>
        %add3A_1051 = arith.addi %select_n3A_108, %add3A_1042 : i32
        %get3A_1052 = arith.index_cast %add3A_1042 : i32 to index
        %get3A_1053 = arith.constant 0 : index
        %get3A_1054 = tpu.vector_load %arg9[%get3A_1052, %get3A_1053] {strides = array<i32>} : memref<128x128xf32, #tpu.memory_space<vmem>>, vector<16xf32>,
        %jit3A_1055 = arith.constant 0.000000e+00 : f32
        %broadcast_in_dim3A_1056 = vector.broadcast %jit3A_1055 : f32 to vector<16xf32>
        %select_n3A_1057 = arith.select %ne3A_1050, %get3A_1054, %broadcast_in_dim3A_1056 : vector<16xi1>, vector<16xf32>
        %get3A_1058 = arith.index_cast %add3A_1051 : i32 to index
        %get3A_1059 = arith.constant 0 : index
        %get3A_1060 = tpu.vector_load %arg7[%get3A_1058, %get3A_1059] {strides = array<i32>} : memref<400x128xf32, #tpu.memory_space<vmem>>, vector<16xf32>,
        %add3A_1061 = arith.addf %select_n3A_1057, %get3A_1060 : vector<16xf32>
        %swap3A_1062 = arith.index_cast %add3A_1042 : i32 to index
        %swap3A_1063 = arith.constant 0 : index
        %swap3A_1064 = tpu.vector_load %arg9[%swap3A_1062, %swap3A_1063] {strides = array<i32>} : memref<128x128xf32, #tpu.memory_space<vmem>>, vector<16xf32>,
        tpu.vector_store %arg9[%swap3A_1062, %swap3A_1063], %add3A_1061 {strides = array<i32>} : memref<128x128xf32, #tpu.memory_space<vmem>>, vector<16xf32>,
        %get3A_1065 = arith.index_cast %add3A_1042 : i32 to index
        %get3A_1066 = arith.constant 16 : index
        %get3A_1067 = tpu.vector_load %arg9[%get3A_1065, %get3A_1066] {strides = array<i32>} : memref<128x128xf32, #tpu.memory_space<vmem>>, vector<16xf32>,
        %jit3A_1068 = arith.constant 0.000000e+00 : f32
        %broadcast_in_dim3A_1069 = vector.broadcast %jit3A_1068 : f32 to vector<16xf32>
        %select_n3A_1070 = arith.select %ne3A_1050, %get3A_1067, %broadcast_in_dim3A_1069 : vector<16xi1>, vector<16xf32>
        %get3A_1071 = arith.index_cast %add3A_1051 : i32 to index
        %get3A_1072 = arith.constant 16 : index
        %get3A_1073 = tpu.vector_load %arg7[%get3A_1071, %get3A_1072] {strides = array<i32>} : memref<400x128xf32, #tpu.memory_space<vmem>>, vector<16xf32>,
        %add3A_1074 = arith.addf %select_n3A_1070, %get3A_1073 : vector<16xf32>
        %swap3A_1075 = arith.index_cast %add3A_1042 : i32 to index
        %swap3A_1076 = arith.constant 16 : index
        %swap3A_1077 = tpu.vector_load %arg9[%swap3A_1075, %swap3A_1076] {strides = array<i32>} : memref<128x128xf32, #tpu.memory_space<vmem>>, vector<16xf32>,
        tpu.vector_store %arg9[%swap3A_1075, %swap3A_1076], %add3A_1074 {strides = array<i32>} : memref<128x128xf32, #tpu.memory_space<vmem>>, vector<16xf32>,
        %get3A_1078 = arith.index_cast %add3A_1042 : i32 to index
        %get3A_1079 = arith.constant 32 : index
        %get3A_1080 = tpu.vector_load %arg9[%get3A_1078, %get3A_1079] {strides = array<i32>} : memref<128x128xf32, #tpu.memory_space<vmem>>, vector<16xf32>,
        %jit3A_1081 = arith.constant 0.000000e+00 : f32
        %broadcast_in_dim3A_1082 = vector.broadcast %jit3A_1081 : f32 to vector<16xf32>
        %select_n3A_1083 = arith.select %ne3A_1050, %get3A_1080, %broadcast_in_dim3A_1082 : vector<16xi1>, vector<16xf32>
        %get3A_1084 = arith.index_cast %add3A_1051 : i32 to index
        %get3A_1085 = arith.constant 32 : index
        %get3A_1086 = tpu.vector_load %arg7[%get3A_1084, %get3A_1085] {strides = array<i32>} : memref<400x128xf32, #tpu.memory_space<vmem>>, vector<16xf32>,
        %add3A_1087 = arith.addf %select_n3A_1083, %get3A_1086 : vector<16xf32>
        %swap3A_1088 = arith.index_cast %add3A_1042 : i32 to index
        %swap3A_1089 = arith.constant 32 : index
        %swap3A_1090 = tpu.vector_load %arg9[%swap3A_1088, %swap3A_1089] {strides = array<i32>} : memref<128x128xf32, #tpu.memory_space<vmem>>, vector<16xf32>,
        tpu.vector_store %arg9[%swap3A_1088, %swap3A_1089], %add3A_1087 {strides = array<i32>} : memref<128x128xf32, #tpu.memory_space<vmem>>, vector<16xf32>,
        %get3A_1091 = arith.index_cast %add3A_1042 : i32 to index
        %get3A_1092 = arith.constant 48 : index
        %get3A_1093 = tpu.vector_load %arg9[%get3A_1091, %get3A_1092] {strides = array<i32>} : memref<128x128xf32, #tpu.memory_space<vmem>>, vector<16xf32>,
        %jit3A_1094 = arith.constant 0.000000e+00 : f32
        %broadcast_in_dim3A_1095 = vector.broadcast %jit3A_1094 : f32 to vector<16xf32>
        %select_n3A_1096 = arith.select %ne3A_1050, %get3A_1093, %broadcast_in_dim3A_1095 : vector<16xi1>, vector<16xf32>
        %get3A_1097 = arith.index_cast %add3A_1051 : i32 to index
        %get3A_1098 = arith.constant 48 : index
        %get3A_1099 = tpu.vector_load %arg7[%get3A_1097, %get3A_1098] {strides = array<i32>} : memref<400x128xf32, #tpu.memory_space<vmem>>, vector<16xf32>,
        %add3A_1100 = arith.addf %select_n3A_1096, %get3A_1099 : vector<16xf32>
        %swap3A_1101 = arith.index_cast %add3A_1042 : i32 to index
        %swap3A_1102 = arith.constant 48 : index
        %swap3A_1103 = tpu.vector_load %arg9[%swap3A_1101, %swap3A_1102] {strides = array<i32>} : memref<128x128xf32, #tpu.memory_space<vmem>>, vector<16xf32>,
        tpu.vector_store %arg9[%swap3A_1101, %swap3A_1102], %add3A_1100 {strides = array<i32>} : memref<128x128xf32, #tpu.memory_space<vmem>>, vector<16xf32>,
        %get3A_1104 = arith.index_cast %add3A_1042 : i32 to index
        %get3A_1105 = arith.constant 64 : index
        %get3A_1106 = tpu.vector_load %arg9[%get3A_1104, %get3A_1105] {strides = array<i32>} : memref<128x128xf32, #tpu.memory_space<vmem>>, vector<16xf32>,
        %jit3A_1107 = arith.constant 0.000000e+00 : f32
        %broadcast_in_dim3A_1108 = vector.broadcast %jit3A_1107 : f32 to vector<16xf32>
        %select_n3A_1109 = arith.select %ne3A_1050, %get3A_1106, %broadcast_in_dim3A_1108 : vector<16xi1>, vector<16xf32>
        %get3A_1110 = arith.index_cast %add3A_1051 : i32 to index
        %get3A_1111 = arith.constant 64 : index
        %get3A_1112 = tpu.vector_load %arg7[%get3A_1110, %get3A_1111] {strides = array<i32>} : memref<400x128xf32, #tpu.memory_space<vmem>>, vector<16xf32>,
        %add3A_1113 = arith.addf %select_n3A_1109, %get3A_1112 : vector<16xf32>
        %swap3A_1114 = arith.index_cast %add3A_1042 : i32 to index
        %swap3A_1115 = arith.constant 64 : index
        %swap3A_1116 = tpu.vector_load %arg9[%swap3A_1114, %swap3A_1115] {strides = array<i32>} : memref<128x128xf32, #tpu.memory_space<vmem>>, vector<16xf32>,
        tpu.vector_store %arg9[%swap3A_1114, %swap3A_1115], %add3A_1113 {strides = array<i32>} : memref<128x128xf32, #tpu.memory_space<vmem>>, vector<16xf32>,
        %get3A_1117 = arith.index_cast %add3A_1042 : i32 to index
        %get3A_1118 = arith.constant 80 : index
        %get3A_1119 = tpu.vector_load %arg9[%get3A_1117, %get3A_1118] {strides = array<i32>} : memref<128x128xf32, #tpu.memory_space<vmem>>, vector<16xf32>,
        %jit3A_1120 = arith.constant 0.000000e+00 : f32
        %broadcast_in_dim3A_1121 = vector.broadcast %jit3A_1120 : f32 to vector<16xf32>
        %select_n3A_1122 = arith.select %ne3A_1050, %get3A_1119, %broadcast_in_dim3A_1121 : vector<16xi1>, vector<16xf32>
        %get3A_1123 = arith.index_cast %add3A_1051 : i32 to index
        %get3A_1124 = arith.constant 80 : index
        %get3A_1125 = tpu.vector_load %arg7[%get3A_1123, %get3A_1124] {strides = array<i32>} : memref<400x128xf32, #tpu.memory_space<vmem>>, vector<16xf32>,
        %add3A_1126 = arith.addf %select_n3A_1122, %get3A_1125 : vector<16xf32>
        %swap3A_1127 = arith.index_cast %add3A_1042 : i32 to index
        %swap3A_1128 = arith.constant 80 : index
        %swap3A_1129 = tpu.vector_load %arg9[%swap3A_1127, %swap3A_1128] {strides = array<i32>} : memref<128x128xf32, #tpu.memory_space<vmem>>, vector<16xf32>,
        tpu.vector_store %arg9[%swap3A_1127, %swap3A_1128], %add3A_1126 {strides = array<i32>} : memref<128x128xf32, #tpu.memory_space<vmem>>, vector<16xf32>,
        %get3A_1130 = arith.index_cast %add3A_1042 : i32 to index
        %get3A_1131 = arith.constant 96 : index
        %get3A_1132 = tpu.vector_load %arg9[%get3A_1130, %get3A_1131] {strides = array<i32>} : memref<128x128xf32, #tpu.memory_space<vmem>>, vector<16xf32>,
        %jit3A_1133 = arith.constant 0.000000e+00 : f32
        %broadcast_in_dim3A_1134 = vector.broadcast %jit3A_1133 : f32 to vector<16xf32>
        %select_n3A_1135 = arith.select %ne3A_1050, %get3A_1132, %broadcast_in_dim3A_1134 : vector<16xi1>, vector<16xf32>
        %get3A_1136 = arith.index_cast %add3A_1051 : i32 to index
        %get3A_1137 = arith.constant 96 : index
        %get3A_1138 = tpu.vector_load %arg7[%get3A_1136, %get3A_1137] {strides = array<i32>} : memref<400x128xf32, #tpu.memory_space<vmem>>, vector<16xf32>,
        %add3A_1139 = arith.addf %select_n3A_1135, %get3A_1138 : vector<16xf32>
        %swap3A_1140 = arith.index_cast %add3A_1042 : i32 to index
        %swap3A_1141 = arith.constant 96 : index
        %swap3A_1142 = tpu.vector_load %arg9[%swap3A_1140, %swap3A_1141] {strides = array<i32>} : memref<128x128xf32, #tpu.memory_space<vmem>>, vector<16xf32>,
        tpu.vector_store %arg9[%swap3A_1140, %swap3A_1141], %add3A_1139 {strides = array<i32>} : memref<128x128xf32, #tpu.memory_space<vmem>>, vector<16xf32>,
        %get3A_1143 = arith.index_cast %add3A_1042 : i32 to index
        %get3A_1144 = arith.constant 112 : index
        %get3A_1145 = tpu.vector_load %arg9[%get3A_1143, %get3A_1144] {strides = array<i32>} : memref<128x128xf32, #tpu.memory_space<vmem>>, vector<16xf32>,
        %jit3A_1146 = arith.constant 0.000000e+00 : f32
        %broadcast_in_dim3A_1147 = vector.broadcast %jit3A_1146 : f32 to vector<16xf32>
        %select_n3A_1148 = arith.select %ne3A_1050, %get3A_1145, %broadcast_in_dim3A_1147 : vector<16xi1>, vector<16xf32>
        %get3A_1149 = arith.index_cast %add3A_1051 : i32 to index
        %get3A_1150 = arith.constant 112 : index
        %get3A_1151 = tpu.vector_load %arg7[%get3A_1149, %get3A_1150] {strides = array<i32>} : memref<400x128xf32, #tpu.memory_space<vmem>>, vector<16xf32>,
        %add3A_1152 = arith.addf %select_n3A_1148, %get3A_1151 : vector<16xf32>
        %swap3A_1153 = arith.index_cast %add3A_1042 : i32 to index
        %swap3A_1154 = arith.constant 112 : index
        %swap3A_1155 = tpu.vector_load %arg9[%swap3A_1153, %swap3A_1154] {strides = array<i32>} : memref<128x128xf32, #tpu.memory_space<vmem>>, vector<16xf32>,
        tpu.vector_store %arg9[%swap3A_1153, %swap3A_1154], %add3A_1152 {strides = array<i32>} : memref<128x128xf32, #tpu.memory_space<vmem>>, vector<16xf32>,
        %add3A_1156 = arith.constant 9 : i32
        %add3A_1157 = arith.addi %mul3A_124, %add3A_1156 : i32
        %mul3A_1158 = arith.constant 128 : i32
        %mul3A_1159 = arith.muli %add3A_74, %mul3A_1158 : i32
        %add3A_1160 = arith.addi %mul3A_1159, %add3A_1157 : i32
        %broadcast_in_dim3A_1161 = vector.broadcast %add3A_1160 : i32 to vector<16xi32>
        %gather3A_1162 = tpu.vector_load_idx %arg6[%broadcast_in_dim3A_1161] : memref<6400xi32, #tpu.memory_space<vmem>>[vector<16xi32>], vector<16xi32>,
        %ne3A_1163 = arith.constant 0 : i32
        %ne3A_1164 = vector.broadcast %ne3A_1163 : i32 to vector<16xi32>
        %ne3A_1165 = arith.cmpi ne, %gather3A_1162, %ne3A_1164 : vector<16xi32>
        %add3A_1166 = arith.addi %select_n3A_108, %add3A_1157 : i32
        %get3A_1167 = arith.index_cast %add3A_1157 : i32 to index
        %get3A_1168 = arith.constant 0 : index
        %get3A_1169 = tpu.vector_load %arg9[%get3A_1167, %get3A_1168] {strides = array<i32>} : memref<128x128xf32, #tpu.memory_space<vmem>>, vector<16xf32>,
        %jit3A_1170 = arith.constant 0.000000e+00 : f32
        %broadcast_in_dim3A_1171 = vector.broadcast %jit3A_1170 : f32 to vector<16xf32>
        %select_n3A_1172 = arith.select %ne3A_1165, %get3A_1169, %broadcast_in_dim3A_1171 : vector<16xi1>, vector<16xf32>
        %get3A_1173 = arith.index_cast %add3A_1166 : i32 to index
        %get3A_1174 = arith.constant 0 : index
        %get3A_1175 = tpu.vector_load %arg7[%get3A_1173, %get3A_1174] {strides = array<i32>} : memref<400x128xf32, #tpu.memory_space<vmem>>, vector<16xf32>,
        %add3A_1176 = arith.addf %select_n3A_1172, %get3A_1175 : vector<16xf32>
        %swap3A_1177 = arith.index_cast %add3A_1157 : i32 to index
        %swap3A_1178 = arith.constant 0 : index
        %swap3A_1179 = tpu.vector_load %arg9[%swap3A_1177, %swap3A_1178] {strides = array<i32>} : memref<128x128xf32, #tpu.memory_space<vmem>>, vector<16xf32>,
        tpu.vector_store %arg9[%swap3A_1177, %swap3A_1178], %add3A_1176 {strides = array<i32>} : memref<128x128xf32, #tpu.memory_space<vmem>>, vector<16xf32>,
        %get3A_1180 = arith.index_cast %add3A_1157 : i32 to index
        %get3A_1181 = arith.constant 16 : index
        %get3A_1182 = tpu.vector_load %arg9[%get3A_1180, %get3A_1181] {strides = array<i32>} : memref<128x128xf32, #tpu.memory_space<vmem>>, vector<16xf32>,
        %jit3A_1183 = arith.constant 0.000000e+00 : f32
        %broadcast_in_dim3A_1184 = vector.broadcast %jit3A_1183 : f32 to vector<16xf32>
        %select_n3A_1185 = arith.select %ne3A_1165, %get3A_1182, %broadcast_in_dim3A_1184 : vector<16xi1>, vector<16xf32>
        %get3A_1186 = arith.index_cast %add3A_1166 : i32 to index
        %get3A_1187 = arith.constant 16 : index
        %get3A_1188 = tpu.vector_load %arg7[%get3A_1186, %get3A_1187] {strides = array<i32>} : memref<400x128xf32, #tpu.memory_space<vmem>>, vector<16xf32>,
        %add3A_1189 = arith.addf %select_n3A_1185, %get3A_1188 : vector<16xf32>
        %swap3A_1190 = arith.index_cast %add3A_1157 : i32 to index
        %swap3A_1191 = arith.constant 16 : index
        %swap3A_1192 = tpu.vector_load %arg9[%swap3A_1190, %swap3A_1191] {strides = array<i32>} : memref<128x128xf32, #tpu.memory_space<vmem>>, vector<16xf32>,
        tpu.vector_store %arg9[%swap3A_1190, %swap3A_1191], %add3A_1189 {strides = array<i32>} : memref<128x128xf32, #tpu.memory_space<vmem>>, vector<16xf32>,
        %get3A_1193 = arith.index_cast %add3A_1157 : i32 to index
        %get3A_1194 = arith.constant 32 : index
        %get3A_1195 = tpu.vector_load %arg9[%get3A_1193, %get3A_1194] {strides = array<i32>} : memref<128x128xf32, #tpu.memory_space<vmem>>, vector<16xf32>,
        %jit3A_1196 = arith.constant 0.000000e+00 : f32
        %broadcast_in_dim3A_1197 = vector.broadcast %jit3A_1196 : f32 to vector<16xf32>
        %select_n3A_1198 = arith.select %ne3A_1165, %get3A_1195, %broadcast_in_dim3A_1197 : vector<16xi1>, vector<16xf32>
        %get3A_1199 = arith.index_cast %add3A_1166 : i32 to index
        %get3A_1200 = arith.constant 32 : index
        %get3A_1201 = tpu.vector_load %arg7[%get3A_1199, %get3A_1200] {strides = array<i32>} : memref<400x128xf32, #tpu.memory_space<vmem>>, vector<16xf32>,
        %add3A_1202 = arith.addf %select_n3A_1198, %get3A_1201 : vector<16xf32>
        %swap3A_1203 = arith.index_cast %add3A_1157 : i32 to index
        %swap3A_1204 = arith.constant 32 : index
        %swap3A_1205 = tpu.vector_load %arg9[%swap3A_1203, %swap3A_1204] {strides = array<i32>} : memref<128x128xf32, #tpu.memory_space<vmem>>, vector<16xf32>,
        tpu.vector_store %arg9[%swap3A_1203, %swap3A_1204], %add3A_1202 {strides = array<i32>} : memref<128x128xf32, #tpu.memory_space<vmem>>, vector<16xf32>,
        %get3A_1206 = arith.index_cast %add3A_1157 : i32 to index
        %get3A_1207 = arith.constant 48 : index
        %get3A_1208 = tpu.vector_load %arg9[%get3A_1206, %get3A_1207] {strides = array<i32>} : memref<128x128xf32, #tpu.memory_space<vmem>>, vector<16xf32>,
        %jit3A_1209 = arith.constant 0.000000e+00 : f32
        %broadcast_in_dim3A_1210 = vector.broadcast %jit3A_1209 : f32 to vector<16xf32>
        %select_n3A_1211 = arith.select %ne3A_1165, %get3A_1208, %broadcast_in_dim3A_1210 : vector<16xi1>, vector<16xf32>
        %get3A_1212 = arith.index_cast %add3A_1166 : i32 to index
        %get3A_1213 = arith.constant 48 : index
        %get3A_1214 = tpu.vector_load %arg7[%get3A_1212, %get3A_1213] {strides = array<i32>} : memref<400x128xf32, #tpu.memory_space<vmem>>, vector<16xf32>,
        %add3A_1215 = arith.addf %select_n3A_1211, %get3A_1214 : vector<16xf32>
        %swap3A_1216 = arith.index_cast %add3A_1157 : i32 to index
        %swap3A_1217 = arith.constant 48 : index
        %swap3A_1218 = tpu.vector_load %arg9[%swap3A_1216, %swap3A_1217] {strides = array<i32>} : memref<128x128xf32, #tpu.memory_space<vmem>>, vector<16xf32>,
        tpu.vector_store %arg9[%swap3A_1216, %swap3A_1217], %add3A_1215 {strides = array<i32>} : memref<128x128xf32, #tpu.memory_space<vmem>>, vector<16xf32>,
        %get3A_1219 = arith.index_cast %add3A_1157 : i32 to index
        %get3A_1220 = arith.constant 64 : index
        %get3A_1221 = tpu.vector_load %arg9[%get3A_1219, %get3A_1220] {strides = array<i32>} : memref<128x128xf32, #tpu.memory_space<vmem>>, vector<16xf32>,
        %jit3A_1222 = arith.constant 0.000000e+00 : f32
        %broadcast_in_dim3A_1223 = vector.broadcast %jit3A_1222 : f32 to vector<16xf32>
        %select_n3A_1224 = arith.select %ne3A_1165, %get3A_1221, %broadcast_in_dim3A_1223 : vector<16xi1>, vector<16xf32>
        %get3A_1225 = arith.index_cast %add3A_1166 : i32 to index
        %get3A_1226 = arith.constant 64 : index
        %get3A_1227 = tpu.vector_load %arg7[%get3A_1225, %get3A_1226] {strides = array<i32>} : memref<400x128xf32, #tpu.memory_space<vmem>>, vector<16xf32>,
        %add3A_1228 = arith.addf %select_n3A_1224, %get3A_1227 : vector<16xf32>
        %swap3A_1229 = arith.index_cast %add3A_1157 : i32 to index
        %swap3A_1230 = arith.constant 64 : index
        %swap3A_1231 = tpu.vector_load %arg9[%swap3A_1229, %swap3A_1230] {strides = array<i32>} : memref<128x128xf32, #tpu.memory_space<vmem>>, vector<16xf32>,
        tpu.vector_store %arg9[%swap3A_1229, %swap3A_1230], %add3A_1228 {strides = array<i32>} : memref<128x128xf32, #tpu.memory_space<vmem>>, vector<16xf32>,
        %get3A_1232 = arith.index_cast %add3A_1157 : i32 to index
        %get3A_1233 = arith.constant 80 : index
        %get3A_1234 = tpu.vector_load %arg9[%get3A_1232, %get3A_1233] {strides = array<i32>} : memref<128x128xf32, #tpu.memory_space<vmem>>, vector<16xf32>,
        %jit3A_1235 = arith.constant 0.000000e+00 : f32
        %broadcast_in_dim3A_1236 = vector.broadcast %jit3A_1235 : f32 to vector<16xf32>
        %select_n3A_1237 = arith.select %ne3A_1165, %get3A_1234, %broadcast_in_dim3A_1236 : vector<16xi1>, vector<16xf32>
        %get3A_1238 = arith.index_cast %add3A_1166 : i32 to index
        %get3A_1239 = arith.constant 80 : index
        %get3A_1240 = tpu.vector_load %arg7[%get3A_1238, %get3A_1239] {strides = array<i32>} : memref<400x128xf32, #tpu.memory_space<vmem>>, vector<16xf32>,
        %add3A_1241 = arith.addf %select_n3A_1237, %get3A_1240 : vector<16xf32>
        %swap3A_1242 = arith.index_cast %add3A_1157 : i32 to index
        %swap3A_1243 = arith.constant 80 : index
        %swap3A_1244 = tpu.vector_load %arg9[%swap3A_1242, %swap3A_1243] {strides = array<i32>} : memref<128x128xf32, #tpu.memory_space<vmem>>, vector<16xf32>,
        tpu.vector_store %arg9[%swap3A_1242, %swap3A_1243], %add3A_1241 {strides = array<i32>} : memref<128x128xf32, #tpu.memory_space<vmem>>, vector<16xf32>,
        %get3A_1245 = arith.index_cast %add3A_1157 : i32 to index
        %get3A_1246 = arith.constant 96 : index
        %get3A_1247 = tpu.vector_load %arg9[%get3A_1245, %get3A_1246] {strides = array<i32>} : memref<128x128xf32, #tpu.memory_space<vmem>>, vector<16xf32>,
        %jit3A_1248 = arith.constant 0.000000e+00 : f32
        %broadcast_in_dim3A_1249 = vector.broadcast %jit3A_1248 : f32 to vector<16xf32>
        %select_n3A_1250 = arith.select %ne3A_1165, %get3A_1247, %broadcast_in_dim3A_1249 : vector<16xi1>, vector<16xf32>
        %get3A_1251 = arith.index_cast %add3A_1166 : i32 to index
        %get3A_1252 = arith.constant 96 : index
        %get3A_1253 = tpu.vector_load %arg7[%get3A_1251, %get3A_1252] {strides = array<i32>} : memref<400x128xf32, #tpu.memory_space<vmem>>, vector<16xf32>,
        %add3A_1254 = arith.addf %select_n3A_1250, %get3A_1253 : vector<16xf32>
        %swap3A_1255 = arith.index_cast %add3A_1157 : i32 to index
        %swap3A_1256 = arith.constant 96 : index
        %swap3A_1257 = tpu.vector_load %arg9[%swap3A_1255, %swap3A_1256] {strides = array<i32>} : memref<128x128xf32, #tpu.memory_space<vmem>>, vector<16xf32>,
        tpu.vector_store %arg9[%swap3A_1255, %swap3A_1256], %add3A_1254 {strides = array<i32>} : memref<128x128xf32, #tpu.memory_space<vmem>>, vector<16xf32>,
        %get3A_1258 = arith.index_cast %add3A_1157 : i32 to index
        %get3A_1259 = arith.constant 112 : index
        %get3A_1260 = tpu.vector_load %arg9[%get3A_1258, %get3A_1259] {strides = array<i32>} : memref<128x128xf32, #tpu.memory_space<vmem>>, vector<16xf32>,
        %jit3A_1261 = arith.constant 0.000000e+00 : f32
        %broadcast_in_dim3A_1262 = vector.broadcast %jit3A_1261 : f32 to vector<16xf32>
        %select_n3A_1263 = arith.select %ne3A_1165, %get3A_1260, %broadcast_in_dim3A_1262 : vector<16xi1>, vector<16xf32>
        %get3A_1264 = arith.index_cast %add3A_1166 : i32 to index
        %get3A_1265 = arith.constant 112 : index
        %get3A_1266 = tpu.vector_load %arg7[%get3A_1264, %get3A_1265] {strides = array<i32>} : memref<400x128xf32, #tpu.memory_space<vmem>>, vector<16xf32>,
        %add3A_1267 = arith.addf %select_n3A_1263, %get3A_1266 : vector<16xf32>
        %swap3A_1268 = arith.index_cast %add3A_1157 : i32 to index
        %swap3A_1269 = arith.constant 112 : index
        %swap3A_1270 = tpu.vector_load %arg9[%swap3A_1268, %swap3A_1269] {strides = array<i32>} : memref<128x128xf32, #tpu.memory_space<vmem>>, vector<16xf32>,
        tpu.vector_store %arg9[%swap3A_1268, %swap3A_1269], %add3A_1267 {strides = array<i32>} : memref<128x128xf32, #tpu.memory_space<vmem>>, vector<16xf32>,
        %add3A_1271 = arith.constant 10 : i32
        %add3A_1272 = arith.addi %mul3A_124, %add3A_1271 : i32
        %mul3A_1273 = arith.constant 128 : i32
        %mul3A_1274 = arith.muli %add3A_74, %mul3A_1273 : i32
        %add3A_1275 = arith.addi %mul3A_1274, %add3A_1272 : i32
        %broadcast_in_dim3A_1276 = vector.broadcast %add3A_1275 : i32 to vector<16xi32>
        %gather3A_1277 = tpu.vector_load_idx %arg6[%broadcast_in_dim3A_1276] : memref<6400xi32, #tpu.memory_space<vmem>>[vector<16xi32>], vector<16xi32>,
        %ne3A_1278 = arith.constant 0 : i32
        %ne3A_1279 = vector.broadcast %ne3A_1278 : i32 to vector<16xi32>
        %ne3A_1280 = arith.cmpi ne, %gather3A_1277, %ne3A_1279 : vector<16xi32>
        %add3A_1281 = arith.addi %select_n3A_108, %add3A_1272 : i32
        %get3A_1282 = arith.index_cast %add3A_1272 : i32 to index
        %get3A_1283 = arith.constant 0 : index
        %get3A_1284 = tpu.vector_load %arg9[%get3A_1282, %get3A_1283] {strides = array<i32>} : memref<128x128xf32, #tpu.memory_space<vmem>>, vector<16xf32>,
        %jit3A_1285 = arith.constant 0.000000e+00 : f32
        %broadcast_in_dim3A_1286 = vector.broadcast %jit3A_1285 : f32 to vector<16xf32>
        %select_n3A_1287 = arith.select %ne3A_1280, %get3A_1284, %broadcast_in_dim3A_1286 : vector<16xi1>, vector<16xf32>
        %get3A_1288 = arith.index_cast %add3A_1281 : i32 to index
        %get3A_1289 = arith.constant 0 : index
        %get3A_1290 = tpu.vector_load %arg7[%get3A_1288, %get3A_1289] {strides = array<i32>} : memref<400x128xf32, #tpu.memory_space<vmem>>, vector<16xf32>,
        %add3A_1291 = arith.addf %select_n3A_1287, %get3A_1290 : vector<16xf32>
        %swap3A_1292 = arith.index_cast %add3A_1272 : i32 to index
        %swap3A_1293 = arith.constant 0 : index
        %swap3A_1294 = tpu.vector_load %arg9[%swap3A_1292, %swap3A_1293] {strides = array<i32>} : memref<128x128xf32, #tpu.memory_space<vmem>>, vector<16xf32>,
        tpu.vector_store %arg9[%swap3A_1292, %swap3A_1293], %add3A_1291 {strides = array<i32>} : memref<128x128xf32, #tpu.memory_space<vmem>>, vector<16xf32>,
        %get3A_1295 = arith.index_cast %add3A_1272 : i32 to index
        %get3A_1296 = arith.constant 16 : index
        %get3A_1297 = tpu.vector_load %arg9[%get3A_1295, %get3A_1296] {strides = array<i32>} : memref<128x128xf32, #tpu.memory_space<vmem>>, vector<16xf32>,
        %jit3A_1298 = arith.constant 0.000000e+00 : f32
        %broadcast_in_dim3A_1299 = vector.broadcast %jit3A_1298 : f32 to vector<16xf32>
        %select_n3A_1300 = arith.select %ne3A_1280, %get3A_1297, %broadcast_in_dim3A_1299 : vector<16xi1>, vector<16xf32>
        %get3A_1301 = arith.index_cast %add3A_1281 : i32 to index
        %get3A_1302 = arith.constant 16 : index
        %get3A_1303 = tpu.vector_load %arg7[%get3A_1301, %get3A_1302] {strides = array<i32>} : memref<400x128xf32, #tpu.memory_space<vmem>>, vector<16xf32>,
        %add3A_1304 = arith.addf %select_n3A_1300, %get3A_1303 : vector<16xf32>
        %swap3A_1305 = arith.index_cast %add3A_1272 : i32 to index
        %swap3A_1306 = arith.constant 16 : index
        %swap3A_1307 = tpu.vector_load %arg9[%swap3A_1305, %swap3A_1306] {strides = array<i32>} : memref<128x128xf32, #tpu.memory_space<vmem>>, vector<16xf32>,
        tpu.vector_store %arg9[%swap3A_1305, %swap3A_1306], %add3A_1304 {strides = array<i32>} : memref<128x128xf32, #tpu.memory_space<vmem>>, vector<16xf32>,
        %get3A_1308 = arith.index_cast %add3A_1272 : i32 to index
        %get3A_1309 = arith.constant 32 : index
        %get3A_1310 = tpu.vector_load %arg9[%get3A_1308, %get3A_1309] {strides = array<i32>} : memref<128x128xf32, #tpu.memory_space<vmem>>, vector<16xf32>,
        %jit3A_1311 = arith.constant 0.000000e+00 : f32
        %broadcast_in_dim3A_1312 = vector.broadcast %jit3A_1311 : f32 to vector<16xf32>
        %select_n3A_1313 = arith.select %ne3A_1280, %get3A_1310, %broadcast_in_dim3A_1312 : vector<16xi1>, vector<16xf32>
        %get3A_1314 = arith.index_cast %add3A_1281 : i32 to index
        %get3A_1315 = arith.constant 32 : index
        %get3A_1316 = tpu.vector_load %arg7[%get3A_1314, %get3A_1315] {strides = array<i32>} : memref<400x128xf32, #tpu.memory_space<vmem>>, vector<16xf32>,
        %add3A_1317 = arith.addf %select_n3A_1313, %get3A_1316 : vector<16xf32>
        %swap3A_1318 = arith.index_cast %add3A_1272 : i32 to index
        %swap3A_1319 = arith.constant 32 : index
        %swap3A_1320 = tpu.vector_load %arg9[%swap3A_1318, %swap3A_1319] {strides = array<i32>} : memref<128x128xf32, #tpu.memory_space<vmem>>, vector<16xf32>,
        tpu.vector_store %arg9[%swap3A_1318, %swap3A_1319], %add3A_1317 {strides = array<i32>} : memref<128x128xf32, #tpu.memory_space<vmem>>, vector<16xf32>,
        %get3A_1321 = arith.index_cast %add3A_1272 : i32 to index
        %get3A_1322 = arith.constant 48 : index
        %get3A_1323 = tpu.vector_load %arg9[%get3A_1321, %get3A_1322] {strides = array<i32>} : memref<128x128xf32, #tpu.memory_space<vmem>>, vector<16xf32>,
        %jit3A_1324 = arith.constant 0.000000e+00 : f32
        %broadcast_in_dim3A_1325 = vector.broadcast %jit3A_1324 : f32 to vector<16xf32>
        %select_n3A_1326 = arith.select %ne3A_1280, %get3A_1323, %broadcast_in_dim3A_1325 : vector<16xi1>, vector<16xf32>
        %get3A_1327 = arith.index_cast %add3A_1281 : i32 to index
        %get3A_1328 = arith.constant 48 : index
        %get3A_1329 = tpu.vector_load %arg7[%get3A_1327, %get3A_1328] {strides = array<i32>} : memref<400x128xf32, #tpu.memory_space<vmem>>, vector<16xf32>,
        %add3A_1330 = arith.addf %select_n3A_1326, %get3A_1329 : vector<16xf32>
        %swap3A_1331 = arith.index_cast %add3A_1272 : i32 to index
        %swap3A_1332 = arith.constant 48 : index
        %swap3A_1333 = tpu.vector_load %arg9[%swap3A_1331, %swap3A_1332] {strides = array<i32>} : memref<128x128xf32, #tpu.memory_space<vmem>>, vector<16xf32>,
        tpu.vector_store %arg9[%swap3A_1331, %swap3A_1332], %add3A_1330 {strides = array<i32>} : memref<128x128xf32, #tpu.memory_space<vmem>>, vector<16xf32>,
        %get3A_1334 = arith.index_cast %add3A_1272 : i32 to index
        %get3A_1335 = arith.constant 64 : index
        %get3A_1336 = tpu.vector_load %arg9[%get3A_1334, %get3A_1335] {strides = array<i32>} : memref<128x128xf32, #tpu.memory_space<vmem>>, vector<16xf32>,
        %jit3A_1337 = arith.constant 0.000000e+00 : f32
        %broadcast_in_dim3A_1338 = vector.broadcast %jit3A_1337 : f32 to vector<16xf32>
        %select_n3A_1339 = arith.select %ne3A_1280, %get3A_1336, %broadcast_in_dim3A_1338 : vector<16xi1>, vector<16xf32>
        %get3A_1340 = arith.index_cast %add3A_1281 : i32 to index
        %get3A_1341 = arith.constant 64 : index
        %get3A_1342 = tpu.vector_load %arg7[%get3A_1340, %get3A_1341] {strides = array<i32>} : memref<400x128xf32, #tpu.memory_space<vmem>>, vector<16xf32>,
        %add3A_1343 = arith.addf %select_n3A_1339, %get3A_1342 : vector<16xf32>
        %swap3A_1344 = arith.index_cast %add3A_1272 : i32 to index
        %swap3A_1345 = arith.constant 64 : index
        %swap3A_1346 = tpu.vector_load %arg9[%swap3A_1344, %swap3A_1345] {strides = array<i32>} : memref<128x128xf32, #tpu.memory_space<vmem>>, vector<16xf32>,
        tpu.vector_store %arg9[%swap3A_1344, %swap3A_1345], %add3A_1343 {strides = array<i32>} : memref<128x128xf32, #tpu.memory_space<vmem>>, vector<16xf32>,
        %get3A_1347 = arith.index_cast %add3A_1272 : i32 to index
        %get3A_1348 = arith.constant 80 : index
        %get3A_1349 = tpu.vector_load %arg9[%get3A_1347, %get3A_1348] {strides = array<i32>} : memref<128x128xf32, #tpu.memory_space<vmem>>, vector<16xf32>,
        %jit3A_1350 = arith.constant 0.000000e+00 : f32
        %broadcast_in_dim3A_1351 = vector.broadcast %jit3A_1350 : f32 to vector<16xf32>
        %select_n3A_1352 = arith.select %ne3A_1280, %get3A_1349, %broadcast_in_dim3A_1351 : vector<16xi1>, vector<16xf32>
        %get3A_1353 = arith.index_cast %add3A_1281 : i32 to index
        %get3A_1354 = arith.constant 80 : index
        %get3A_1355 = tpu.vector_load %arg7[%get3A_1353, %get3A_1354] {strides = array<i32>} : memref<400x128xf32, #tpu.memory_space<vmem>>, vector<16xf32>,
        %add3A_1356 = arith.addf %select_n3A_1352, %get3A_1355 : vector<16xf32>
        %swap3A_1357 = arith.index_cast %add3A_1272 : i32 to index
        %swap3A_1358 = arith.constant 80 : index
        %swap3A_1359 = tpu.vector_load %arg9[%swap3A_1357, %swap3A_1358] {strides = array<i32>} : memref<128x128xf32, #tpu.memory_space<vmem>>, vector<16xf32>,
        tpu.vector_store %arg9[%swap3A_1357, %swap3A_1358], %add3A_1356 {strides = array<i32>} : memref<128x128xf32, #tpu.memory_space<vmem>>, vector<16xf32>,
        %get3A_1360 = arith.index_cast %add3A_1272 : i32 to index
        %get3A_1361 = arith.constant 96 : index
        %get3A_1362 = tpu.vector_load %arg9[%get3A_1360, %get3A_1361] {strides = array<i32>} : memref<128x128xf32, #tpu.memory_space<vmem>>, vector<16xf32>,
        %jit3A_1363 = arith.constant 0.000000e+00 : f32
        %broadcast_in_dim3A_1364 = vector.broadcast %jit3A_1363 : f32 to vector<16xf32>
        %select_n3A_1365 = arith.select %ne3A_1280, %get3A_1362, %broadcast_in_dim3A_1364 : vector<16xi1>, vector<16xf32>
        %get3A_1366 = arith.index_cast %add3A_1281 : i32 to index
        %get3A_1367 = arith.constant 96 : index
        %get3A_1368 = tpu.vector_load %arg7[%get3A_1366, %get3A_1367] {strides = array<i32>} : memref<400x128xf32, #tpu.memory_space<vmem>>, vector<16xf32>,
        %add3A_1369 = arith.addf %select_n3A_1365, %get3A_1368 : vector<16xf32>
        %swap3A_1370 = arith.index_cast %add3A_1272 : i32 to index
        %swap3A_1371 = arith.constant 96 : index
        %swap3A_1372 = tpu.vector_load %arg9[%swap3A_1370, %swap3A_1371] {strides = array<i32>} : memref<128x128xf32, #tpu.memory_space<vmem>>, vector<16xf32>,
        tpu.vector_store %arg9[%swap3A_1370, %swap3A_1371], %add3A_1369 {strides = array<i32>} : memref<128x128xf32, #tpu.memory_space<vmem>>, vector<16xf32>,
        %get3A_1373 = arith.index_cast %add3A_1272 : i32 to index
        %get3A_1374 = arith.constant 112 : index
        %get3A_1375 = tpu.vector_load %arg9[%get3A_1373, %get3A_1374] {strides = array<i32>} : memref<128x128xf32, #tpu.memory_space<vmem>>, vector<16xf32>,
        %jit3A_1376 = arith.constant 0.000000e+00 : f32
        %broadcast_in_dim3A_1377 = vector.broadcast %jit3A_1376 : f32 to vector<16xf32>
        %select_n3A_1378 = arith.select %ne3A_1280, %get3A_1375, %broadcast_in_dim3A_1377 : vector<16xi1>, vector<16xf32>
        %get3A_1379 = arith.index_cast %add3A_1281 : i32 to index
        %get3A_1380 = arith.constant 112 : index
        %get3A_1381 = tpu.vector_load %arg7[%get3A_1379, %get3A_1380] {strides = array<i32>} : memref<400x128xf32, #tpu.memory_space<vmem>>, vector<16xf32>,
        %add3A_1382 = arith.addf %select_n3A_1378, %get3A_1381 : vector<16xf32>
        %swap3A_1383 = arith.index_cast %add3A_1272 : i32 to index
        %swap3A_1384 = arith.constant 112 : index
        %swap3A_1385 = tpu.vector_load %arg9[%swap3A_1383, %swap3A_1384] {strides = array<i32>} : memref<128x128xf32, #tpu.memory_space<vmem>>, vector<16xf32>,
        tpu.vector_store %arg9[%swap3A_1383, %swap3A_1384], %add3A_1382 {strides = array<i32>} : memref<128x128xf32, #tpu.memory_space<vmem>>, vector<16xf32>,
        %add3A_1386 = arith.constant 11 : i32
        %add3A_1387 = arith.addi %mul3A_124, %add3A_1386 : i32
        %mul3A_1388 = arith.constant 128 : i32
        %mul3A_1389 = arith.muli %add3A_74, %mul3A_1388 : i32
        %add3A_1390 = arith.addi %mul3A_1389, %add3A_1387 : i32
        %broadcast_in_dim3A_1391 = vector.broadcast %add3A_1390 : i32 to vector<16xi32>
        %gather3A_1392 = tpu.vector_load_idx %arg6[%broadcast_in_dim3A_1391] : memref<6400xi32, #tpu.memory_space<vmem>>[vector<16xi32>], vector<16xi32>,
        %ne3A_1393 = arith.constant 0 : i32
        %ne3A_1394 = vector.broadcast %ne3A_1393 : i32 to vector<16xi32>
        %ne3A_1395 = arith.cmpi ne, %gather3A_1392, %ne3A_1394 : vector<16xi32>
        %add3A_1396 = arith.addi %select_n3A_108, %add3A_1387 : i32
        %get3A_1397 = arith.index_cast %add3A_1387 : i32 to index
        %get3A_1398 = arith.constant 0 : index
        %get3A_1399 = tpu.vector_load %arg9[%get3A_1397, %get3A_1398] {strides = array<i32>} : memref<128x128xf32, #tpu.memory_space<vmem>>, vector<16xf32>,
        %jit3A_1400 = arith.constant 0.000000e+00 : f32
        %broadcast_in_dim3A_1401 = vector.broadcast %jit3A_1400 : f32 to vector<16xf32>
        %select_n3A_1402 = arith.select %ne3A_1395, %get3A_1399, %broadcast_in_dim3A_1401 : vector<16xi1>, vector<16xf32>
        %get3A_1403 = arith.index_cast %add3A_1396 : i32 to index
        %get3A_1404 = arith.constant 0 : index
        %get3A_1405 = tpu.vector_load %arg7[%get3A_1403, %get3A_1404] {strides = array<i32>} : memref<400x128xf32, #tpu.memory_space<vmem>>, vector<16xf32>,
        %add3A_1406 = arith.addf %select_n3A_1402, %get3A_1405 : vector<16xf32>
        %swap3A_1407 = arith.index_cast %add3A_1387 : i32 to index
        %swap3A_1408 = arith.constant 0 : index
        %swap3A_1409 = tpu.vector_load %arg9[%swap3A_1407, %swap3A_1408] {strides = array<i32>} : memref<128x128xf32, #tpu.memory_space<vmem>>, vector<16xf32>,
        tpu.vector_store %arg9[%swap3A_1407, %swap3A_1408], %add3A_1406 {strides = array<i32>} : memref<128x128xf32, #tpu.memory_space<vmem>>, vector<16xf32>,
        %get3A_1410 = arith.index_cast %add3A_1387 : i32 to index
        %get3A_1411 = arith.constant 16 : index
        %get3A_1412 = tpu.vector_load %arg9[%get3A_1410, %get3A_1411] {strides = array<i32>} : memref<128x128xf32, #tpu.memory_space<vmem>>, vector<16xf32>,
        %jit3A_1413 = arith.constant 0.000000e+00 : f32
        %broadcast_in_dim3A_1414 = vector.broadcast %jit3A_1413 : f32 to vector<16xf32>
        %select_n3A_1415 = arith.select %ne3A_1395, %get3A_1412, %broadcast_in_dim3A_1414 : vector<16xi1>, vector<16xf32>
        %get3A_1416 = arith.index_cast %add3A_1396 : i32 to index
        %get3A_1417 = arith.constant 16 : index
        %get3A_1418 = tpu.vector_load %arg7[%get3A_1416, %get3A_1417] {strides = array<i32>} : memref<400x128xf32, #tpu.memory_space<vmem>>, vector<16xf32>,
        %add3A_1419 = arith.addf %select_n3A_1415, %get3A_1418 : vector<16xf32>
        %swap3A_1420 = arith.index_cast %add3A_1387 : i32 to index
        %swap3A_1421 = arith.constant 16 : index
        %swap3A_1422 = tpu.vector_load %arg9[%swap3A_1420, %swap3A_1421] {strides = array<i32>} : memref<128x128xf32, #tpu.memory_space<vmem>>, vector<16xf32>,
        tpu.vector_store %arg9[%swap3A_1420, %swap3A_1421], %add3A_1419 {strides = array<i32>} : memref<128x128xf32, #tpu.memory_space<vmem>>, vector<16xf32>,
        %get3A_1423 = arith.index_cast %add3A_1387 : i32 to index
        %get3A_1424 = arith.constant 32 : index
        %get3A_1425 = tpu.vector_load %arg9[%get3A_1423, %get3A_1424] {strides = array<i32>} : memref<128x128xf32, #tpu.memory_space<vmem>>, vector<16xf32>,
        %jit3A_1426 = arith.constant 0.000000e+00 : f32
        %broadcast_in_dim3A_1427 = vector.broadcast %jit3A_1426 : f32 to vector<16xf32>
        %select_n3A_1428 = arith.select %ne3A_1395, %get3A_1425, %broadcast_in_dim3A_1427 : vector<16xi1>, vector<16xf32>
        %get3A_1429 = arith.index_cast %add3A_1396 : i32 to index
        %get3A_1430 = arith.constant 32 : index
        %get3A_1431 = tpu.vector_load %arg7[%get3A_1429, %get3A_1430] {strides = array<i32>} : memref<400x128xf32, #tpu.memory_space<vmem>>, vector<16xf32>,
        %add3A_1432 = arith.addf %select_n3A_1428, %get3A_1431 : vector<16xf32>
        %swap3A_1433 = arith.index_cast %add3A_1387 : i32 to index
        %swap3A_1434 = arith.constant 32 : index
        %swap3A_1435 = tpu.vector_load %arg9[%swap3A_1433, %swap3A_1434] {strides = array<i32>} : memref<128x128xf32, #tpu.memory_space<vmem>>, vector<16xf32>,
        tpu.vector_store %arg9[%swap3A_1433, %swap3A_1434], %add3A_1432 {strides = array<i32>} : memref<128x128xf32, #tpu.memory_space<vmem>>, vector<16xf32>,
        %get3A_1436 = arith.index_cast %add3A_1387 : i32 to index
        %get3A_1437 = arith.constant 48 : index
        %get3A_1438 = tpu.vector_load %arg9[%get3A_1436, %get3A_1437] {strides = array<i32>} : memref<128x128xf32, #tpu.memory_space<vmem>>, vector<16xf32>,
        %jit3A_1439 = arith.constant 0.000000e+00 : f32
        %broadcast_in_dim3A_1440 = vector.broadcast %jit3A_1439 : f32 to vector<16xf32>
        %select_n3A_1441 = arith.select %ne3A_1395, %get3A_1438, %broadcast_in_dim3A_1440 : vector<16xi1>, vector<16xf32>
        %get3A_1442 = arith.index_cast %add3A_1396 : i32 to index
        %get3A_1443 = arith.constant 48 : index
        %get3A_1444 = tpu.vector_load %arg7[%get3A_1442, %get3A_1443] {strides = array<i32>} : memref<400x128xf32, #tpu.memory_space<vmem>>, vector<16xf32>,
        %add3A_1445 = arith.addf %select_n3A_1441, %get3A_1444 : vector<16xf32>
        %swap3A_1446 = arith.index_cast %add3A_1387 : i32 to index
        %swap3A_1447 = arith.constant 48 : index
        %swap3A_1448 = tpu.vector_load %arg9[%swap3A_1446, %swap3A_1447] {strides = array<i32>} : memref<128x128xf32, #tpu.memory_space<vmem>>, vector<16xf32>,
        tpu.vector_store %arg9[%swap3A_1446, %swap3A_1447], %add3A_1445 {strides = array<i32>} : memref<128x128xf32, #tpu.memory_space<vmem>>, vector<16xf32>,
        %get3A_1449 = arith.index_cast %add3A_1387 : i32 to index
        %get3A_1450 = arith.constant 64 : index
        %get3A_1451 = tpu.vector_load %arg9[%get3A_1449, %get3A_1450] {strides = array<i32>} : memref<128x128xf32, #tpu.memory_space<vmem>>, vector<16xf32>,
        %jit3A_1452 = arith.constant 0.000000e+00 : f32
        %broadcast_in_dim3A_1453 = vector.broadcast %jit3A_1452 : f32 to vector<16xf32>
        %select_n3A_1454 = arith.select %ne3A_1395, %get3A_1451, %broadcast_in_dim3A_1453 : vector<16xi1>, vector<16xf32>
        %get3A_1455 = arith.index_cast %add3A_1396 : i32 to index
        %get3A_1456 = arith.constant 64 : index
        %get3A_1457 = tpu.vector_load %arg7[%get3A_1455, %get3A_1456] {strides = array<i32>} : memref<400x128xf32, #tpu.memory_space<vmem>>, vector<16xf32>,
        %add3A_1458 = arith.addf %select_n3A_1454, %get3A_1457 : vector<16xf32>
        %swap3A_1459 = arith.index_cast %add3A_1387 : i32 to index
        %swap3A_1460 = arith.constant 64 : index
        %swap3A_1461 = tpu.vector_load %arg9[%swap3A_1459, %swap3A_1460] {strides = array<i32>} : memref<128x128xf32, #tpu.memory_space<vmem>>, vector<16xf32>,
        tpu.vector_store %arg9[%swap3A_1459, %swap3A_1460], %add3A_1458 {strides = array<i32>} : memref<128x128xf32, #tpu.memory_space<vmem>>, vector<16xf32>,
        %get3A_1462 = arith.index_cast %add3A_1387 : i32 to index
        %get3A_1463 = arith.constant 80 : index
        %get3A_1464 = tpu.vector_load %arg9[%get3A_1462, %get3A_1463] {strides = array<i32>} : memref<128x128xf32, #tpu.memory_space<vmem>>, vector<16xf32>,
        %jit3A_1465 = arith.constant 0.000000e+00 : f32
        %broadcast_in_dim3A_1466 = vector.broadcast %jit3A_1465 : f32 to vector<16xf32>
        %select_n3A_1467 = arith.select %ne3A_1395, %get3A_1464, %broadcast_in_dim3A_1466 : vector<16xi1>, vector<16xf32>
        %get3A_1468 = arith.index_cast %add3A_1396 : i32 to index
        %get3A_1469 = arith.constant 80 : index
        %get3A_1470 = tpu.vector_load %arg7[%get3A_1468, %get3A_1469] {strides = array<i32>} : memref<400x128xf32, #tpu.memory_space<vmem>>, vector<16xf32>,
        %add3A_1471 = arith.addf %select_n3A_1467, %get3A_1470 : vector<16xf32>
        %swap3A_1472 = arith.index_cast %add3A_1387 : i32 to index
        %swap3A_1473 = arith.constant 80 : index
        %swap3A_1474 = tpu.vector_load %arg9[%swap3A_1472, %swap3A_1473] {strides = array<i32>} : memref<128x128xf32, #tpu.memory_space<vmem>>, vector<16xf32>,
        tpu.vector_store %arg9[%swap3A_1472, %swap3A_1473], %add3A_1471 {strides = array<i32>} : memref<128x128xf32, #tpu.memory_space<vmem>>, vector<16xf32>,
        %get3A_1475 = arith.index_cast %add3A_1387 : i32 to index
        %get3A_1476 = arith.constant 96 : index
        %get3A_1477 = tpu.vector_load %arg9[%get3A_1475, %get3A_1476] {strides = array<i32>} : memref<128x128xf32, #tpu.memory_space<vmem>>, vector<16xf32>,
        %jit3A_1478 = arith.constant 0.000000e+00 : f32
        %broadcast_in_dim3A_1479 = vector.broadcast %jit3A_1478 : f32 to vector<16xf32>
        %select_n3A_1480 = arith.select %ne3A_1395, %get3A_1477, %broadcast_in_dim3A_1479 : vector<16xi1>, vector<16xf32>
        %get3A_1481 = arith.index_cast %add3A_1396 : i32 to index
        %get3A_1482 = arith.constant 96 : index
        %get3A_1483 = tpu.vector_load %arg7[%get3A_1481, %get3A_1482] {strides = array<i32>} : memref<400x128xf32, #tpu.memory_space<vmem>>, vector<16xf32>,
        %add3A_1484 = arith.addf %select_n3A_1480, %get3A_1483 : vector<16xf32>
        %swap3A_1485 = arith.index_cast %add3A_1387 : i32 to index
        %swap3A_1486 = arith.constant 96 : index
        %swap3A_1487 = tpu.vector_load %arg9[%swap3A_1485, %swap3A_1486] {strides = array<i32>} : memref<128x128xf32, #tpu.memory_space<vmem>>, vector<16xf32>,
        tpu.vector_store %arg9[%swap3A_1485, %swap3A_1486], %add3A_1484 {strides = array<i32>} : memref<128x128xf32, #tpu.memory_space<vmem>>, vector<16xf32>,
        %get3A_1488 = arith.index_cast %add3A_1387 : i32 to index
        %get3A_1489 = arith.constant 112 : index
        %get3A_1490 = tpu.vector_load %arg9[%get3A_1488, %get3A_1489] {strides = array<i32>} : memref<128x128xf32, #tpu.memory_space<vmem>>, vector<16xf32>,
        %jit3A_1491 = arith.constant 0.000000e+00 : f32
        %broadcast_in_dim3A_1492 = vector.broadcast %jit3A_1491 : f32 to vector<16xf32>
        %select_n3A_1493 = arith.select %ne3A_1395, %get3A_1490, %broadcast_in_dim3A_1492 : vector<16xi1>, vector<16xf32>
        %get3A_1494 = arith.index_cast %add3A_1396 : i32 to index
        %get3A_1495 = arith.constant 112 : index
        %get3A_1496 = tpu.vector_load %arg7[%get3A_1494, %get3A_1495] {strides = array<i32>} : memref<400x128xf32, #tpu.memory_space<vmem>>, vector<16xf32>,
        %add3A_1497 = arith.addf %select_n3A_1493, %get3A_1496 : vector<16xf32>
        %swap3A_1498 = arith.index_cast %add3A_1387 : i32 to index
        %swap3A_1499 = arith.constant 112 : index
        %swap3A_1500 = tpu.vector_load %arg9[%swap3A_1498, %swap3A_1499] {strides = array<i32>} : memref<128x128xf32, #tpu.memory_space<vmem>>, vector<16xf32>,
        tpu.vector_store %arg9[%swap3A_1498, %swap3A_1499], %add3A_1497 {strides = array<i32>} : memref<128x128xf32, #tpu.memory_space<vmem>>, vector<16xf32>,
        %add3A_1501 = arith.constant 12 : i32
        %add3A_1502 = arith.addi %mul3A_124, %add3A_1501 : i32
        %mul3A_1503 = arith.constant 128 : i32
        %mul3A_1504 = arith.muli %add3A_74, %mul3A_1503 : i32
        %add3A_1505 = arith.addi %mul3A_1504, %add3A_1502 : i32
        %broadcast_in_dim3A_1506 = vector.broadcast %add3A_1505 : i32 to vector<16xi32>
        %gather3A_1507 = tpu.vector_load_idx %arg6[%broadcast_in_dim3A_1506] : memref<6400xi32, #tpu.memory_space<vmem>>[vector<16xi32>], vector<16xi32>,
        %ne3A_1508 = arith.constant 0 : i32
        %ne3A_1509 = vector.broadcast %ne3A_1508 : i32 to vector<16xi32>
        %ne3A_1510 = arith.cmpi ne, %gather3A_1507, %ne3A_1509 : vector<16xi32>
        %add3A_1511 = arith.addi %select_n3A_108, %add3A_1502 : i32
        %get3A_1512 = arith.index_cast %add3A_1502 : i32 to index
        %get3A_1513 = arith.constant 0 : index
        %get3A_1514 = tpu.vector_load %arg9[%get3A_1512, %get3A_1513] {strides = array<i32>} : memref<128x128xf32, #tpu.memory_space<vmem>>, vector<16xf32>,
        %jit3A_1515 = arith.constant 0.000000e+00 : f32
        %broadcast_in_dim3A_1516 = vector.broadcast %jit3A_1515 : f32 to vector<16xf32>
        %select_n3A_1517 = arith.select %ne3A_1510, %get3A_1514, %broadcast_in_dim3A_1516 : vector<16xi1>, vector<16xf32>
        %get3A_1518 = arith.index_cast %add3A_1511 : i32 to index
        %get3A_1519 = arith.constant 0 : index
        %get3A_1520 = tpu.vector_load %arg7[%get3A_1518, %get3A_1519] {strides = array<i32>} : memref<400x128xf32, #tpu.memory_space<vmem>>, vector<16xf32>,
        %add3A_1521 = arith.addf %select_n3A_1517, %get3A_1520 : vector<16xf32>
        %swap3A_1522 = arith.index_cast %add3A_1502 : i32 to index
        %swap3A_1523 = arith.constant 0 : index
        %swap3A_1524 = tpu.vector_load %arg9[%swap3A_1522, %swap3A_1523] {strides = array<i32>} : memref<128x128xf32, #tpu.memory_space<vmem>>, vector<16xf32>,
        tpu.vector_store %arg9[%swap3A_1522, %swap3A_1523], %add3A_1521 {strides = array<i32>} : memref<128x128xf32, #tpu.memory_space<vmem>>, vector<16xf32>,
        %get3A_1525 = arith.index_cast %add3A_1502 : i32 to index
        %get3A_1526 = arith.constant 16 : index
        %get3A_1527 = tpu.vector_load %arg9[%get3A_1525, %get3A_1526] {strides = array<i32>} : memref<128x128xf32, #tpu.memory_space<vmem>>, vector<16xf32>,
        %jit3A_1528 = arith.constant 0.000000e+00 : f32
        %broadcast_in_dim3A_1529 = vector.broadcast %jit3A_1528 : f32 to vector<16xf32>
        %select_n3A_1530 = arith.select %ne3A_1510, %get3A_1527, %broadcast_in_dim3A_1529 : vector<16xi1>, vector<16xf32>
        %get3A_1531 = arith.index_cast %add3A_1511 : i32 to index
        %get3A_1532 = arith.constant 16 : index
        %get3A_1533 = tpu.vector_load %arg7[%get3A_1531, %get3A_1532] {strides = array<i32>} : memref<400x128xf32, #tpu.memory_space<vmem>>, vector<16xf32>,
        %add3A_1534 = arith.addf %select_n3A_1530, %get3A_1533 : vector<16xf32>
        %swap3A_1535 = arith.index_cast %add3A_1502 : i32 to index
        %swap3A_1536 = arith.constant 16 : index
        %swap3A_1537 = tpu.vector_load %arg9[%swap3A_1535, %swap3A_1536] {strides = array<i32>} : memref<128x128xf32, #tpu.memory_space<vmem>>, vector<16xf32>,
        tpu.vector_store %arg9[%swap3A_1535, %swap3A_1536], %add3A_1534 {strides = array<i32>} : memref<128x128xf32, #tpu.memory_space<vmem>>, vector<16xf32>,
        %get3A_1538 = arith.index_cast %add3A_1502 : i32 to index
        %get3A_1539 = arith.constant 32 : index
        %get3A_1540 = tpu.vector_load %arg9[%get3A_1538, %get3A_1539] {strides = array<i32>} : memref<128x128xf32, #tpu.memory_space<vmem>>, vector<16xf32>,
        %jit3A_1541 = arith.constant 0.000000e+00 : f32
        %broadcast_in_dim3A_1542 = vector.broadcast %jit3A_1541 : f32 to vector<16xf32>
        %select_n3A_1543 = arith.select %ne3A_1510, %get3A_1540, %broadcast_in_dim3A_1542 : vector<16xi1>, vector<16xf32>
        %get3A_1544 = arith.index_cast %add3A_1511 : i32 to index
        %get3A_1545 = arith.constant 32 : index
        %get3A_1546 = tpu.vector_load %arg7[%get3A_1544, %get3A_1545] {strides = array<i32>} : memref<400x128xf32, #tpu.memory_space<vmem>>, vector<16xf32>,
        %add3A_1547 = arith.addf %select_n3A_1543, %get3A_1546 : vector<16xf32>
        %swap3A_1548 = arith.index_cast %add3A_1502 : i32 to index
        %swap3A_1549 = arith.constant 32 : index
        %swap3A_1550 = tpu.vector_load %arg9[%swap3A_1548, %swap3A_1549] {strides = array<i32>} : memref<128x128xf32, #tpu.memory_space<vmem>>, vector<16xf32>,
        tpu.vector_store %arg9[%swap3A_1548, %swap3A_1549], %add3A_1547 {strides = array<i32>} : memref<128x128xf32, #tpu.memory_space<vmem>>, vector<16xf32>,
        %get3A_1551 = arith.index_cast %add3A_1502 : i32 to index
        %get3A_1552 = arith.constant 48 : index
        %get3A_1553 = tpu.vector_load %arg9[%get3A_1551, %get3A_1552] {strides = array<i32>} : memref<128x128xf32, #tpu.memory_space<vmem>>, vector<16xf32>,
        %jit3A_1554 = arith.constant 0.000000e+00 : f32
        %broadcast_in_dim3A_1555 = vector.broadcast %jit3A_1554 : f32 to vector<16xf32>
        %select_n3A_1556 = arith.select %ne3A_1510, %get3A_1553, %broadcast_in_dim3A_1555 : vector<16xi1>, vector<16xf32>
        %get3A_1557 = arith.index_cast %add3A_1511 : i32 to index
        %get3A_1558 = arith.constant 48 : index
        %get3A_1559 = tpu.vector_load %arg7[%get3A_1557, %get3A_1558] {strides = array<i32>} : memref<400x128xf32, #tpu.memory_space<vmem>>, vector<16xf32>,
        %add3A_1560 = arith.addf %select_n3A_1556, %get3A_1559 : vector<16xf32>
        %swap3A_1561 = arith.index_cast %add3A_1502 : i32 to index
        %swap3A_1562 = arith.constant 48 : index
        %swap3A_1563 = tpu.vector_load %arg9[%swap3A_1561, %swap3A_1562] {strides = array<i32>} : memref<128x128xf32, #tpu.memory_space<vmem>>, vector<16xf32>,
        tpu.vector_store %arg9[%swap3A_1561, %swap3A_1562], %add3A_1560 {strides = array<i32>} : memref<128x128xf32, #tpu.memory_space<vmem>>, vector<16xf32>,
        %get3A_1564 = arith.index_cast %add3A_1502 : i32 to index
        %get3A_1565 = arith.constant 64 : index
        %get3A_1566 = tpu.vector_load %arg9[%get3A_1564, %get3A_1565] {strides = array<i32>} : memref<128x128xf32, #tpu.memory_space<vmem>>, vector<16xf32>,
        %jit3A_1567 = arith.constant 0.000000e+00 : f32
        %broadcast_in_dim3A_1568 = vector.broadcast %jit3A_1567 : f32 to vector<16xf32>
        %select_n3A_1569 = arith.select %ne3A_1510, %get3A_1566, %broadcast_in_dim3A_1568 : vector<16xi1>, vector<16xf32>
        %get3A_1570 = arith.index_cast %add3A_1511 : i32 to index
        %get3A_1571 = arith.constant 64 : index
        %get3A_1572 = tpu.vector_load %arg7[%get3A_1570, %get3A_1571] {strides = array<i32>} : memref<400x128xf32, #tpu.memory_space<vmem>>, vector<16xf32>,
        %add3A_1573 = arith.addf %select_n3A_1569, %get3A_1572 : vector<16xf32>
        %swap3A_1574 = arith.index_cast %add3A_1502 : i32 to index
        %swap3A_1575 = arith.constant 64 : index
        %swap3A_1576 = tpu.vector_load %arg9[%swap3A_1574, %swap3A_1575] {strides = array<i32>} : memref<128x128xf32, #tpu.memory_space<vmem>>, vector<16xf32>,
        tpu.vector_store %arg9[%swap3A_1574, %swap3A_1575], %add3A_1573 {strides = array<i32>} : memref<128x128xf32, #tpu.memory_space<vmem>>, vector<16xf32>,
        %get3A_1577 = arith.index_cast %add3A_1502 : i32 to index
        %get3A_1578 = arith.constant 80 : index
        %get3A_1579 = tpu.vector_load %arg9[%get3A_1577, %get3A_1578] {strides = array<i32>} : memref<128x128xf32, #tpu.memory_space<vmem>>, vector<16xf32>,
        %jit3A_1580 = arith.constant 0.000000e+00 : f32
        %broadcast_in_dim3A_1581 = vector.broadcast %jit3A_1580 : f32 to vector<16xf32>
        %select_n3A_1582 = arith.select %ne3A_1510, %get3A_1579, %broadcast_in_dim3A_1581 : vector<16xi1>, vector<16xf32>
        %get3A_1583 = arith.index_cast %add3A_1511 : i32 to index
        %get3A_1584 = arith.constant 80 : index
        %get3A_1585 = tpu.vector_load %arg7[%get3A_1583, %get3A_1584] {strides = array<i32>} : memref<400x128xf32, #tpu.memory_space<vmem>>, vector<16xf32>,
        %add3A_1586 = arith.addf %select_n3A_1582, %get3A_1585 : vector<16xf32>
        %swap3A_1587 = arith.index_cast %add3A_1502 : i32 to index
        %swap3A_1588 = arith.constant 80 : index
        %swap3A_1589 = tpu.vector_load %arg9[%swap3A_1587, %swap3A_1588] {strides = array<i32>} : memref<128x128xf32, #tpu.memory_space<vmem>>, vector<16xf32>,
        tpu.vector_store %arg9[%swap3A_1587, %swap3A_1588], %add3A_1586 {strides = array<i32>} : memref<128x128xf32, #tpu.memory_space<vmem>>, vector<16xf32>,
        %get3A_1590 = arith.index_cast %add3A_1502 : i32 to index
        %get3A_1591 = arith.constant 96 : index
        %get3A_1592 = tpu.vector_load %arg9[%get3A_1590, %get3A_1591] {strides = array<i32>} : memref<128x128xf32, #tpu.memory_space<vmem>>, vector<16xf32>,
        %jit3A_1593 = arith.constant 0.000000e+00 : f32
        %broadcast_in_dim3A_1594 = vector.broadcast %jit3A_1593 : f32 to vector<16xf32>
        %select_n3A_1595 = arith.select %ne3A_1510, %get3A_1592, %broadcast_in_dim3A_1594 : vector<16xi1>, vector<16xf32>
        %get3A_1596 = arith.index_cast %add3A_1511 : i32 to index
        %get3A_1597 = arith.constant 96 : index
        %get3A_1598 = tpu.vector_load %arg7[%get3A_1596, %get3A_1597] {strides = array<i32>} : memref<400x128xf32, #tpu.memory_space<vmem>>, vector<16xf32>,
        %add3A_1599 = arith.addf %select_n3A_1595, %get3A_1598 : vector<16xf32>
        %swap3A_1600 = arith.index_cast %add3A_1502 : i32 to index
        %swap3A_1601 = arith.constant 96 : index
        %swap3A_1602 = tpu.vector_load %arg9[%swap3A_1600, %swap3A_1601] {strides = array<i32>} : memref<128x128xf32, #tpu.memory_space<vmem>>, vector<16xf32>,
        tpu.vector_store %arg9[%swap3A_1600, %swap3A_1601], %add3A_1599 {strides = array<i32>} : memref<128x128xf32, #tpu.memory_space<vmem>>, vector<16xf32>,
        %get3A_1603 = arith.index_cast %add3A_1502 : i32 to index
        %get3A_1604 = arith.constant 112 : index
        %get3A_1605 = tpu.vector_load %arg9[%get3A_1603, %get3A_1604] {strides = array<i32>} : memref<128x128xf32, #tpu.memory_space<vmem>>, vector<16xf32>,
        %jit3A_1606 = arith.constant 0.000000e+00 : f32
        %broadcast_in_dim3A_1607 = vector.broadcast %jit3A_1606 : f32 to vector<16xf32>
        %select_n3A_1608 = arith.select %ne3A_1510, %get3A_1605, %broadcast_in_dim3A_1607 : vector<16xi1>, vector<16xf32>
        %get3A_1609 = arith.index_cast %add3A_1511 : i32 to index
        %get3A_1610 = arith.constant 112 : index
        %get3A_1611 = tpu.vector_load %arg7[%get3A_1609, %get3A_1610] {strides = array<i32>} : memref<400x128xf32, #tpu.memory_space<vmem>>, vector<16xf32>,
        %add3A_1612 = arith.addf %select_n3A_1608, %get3A_1611 : vector<16xf32>
        %swap3A_1613 = arith.index_cast %add3A_1502 : i32 to index
        %swap3A_1614 = arith.constant 112 : index
        %swap3A_1615 = tpu.vector_load %arg9[%swap3A_1613, %swap3A_1614] {strides = array<i32>} : memref<128x128xf32, #tpu.memory_space<vmem>>, vector<16xf32>,
        tpu.vector_store %arg9[%swap3A_1613, %swap3A_1614], %add3A_1612 {strides = array<i32>} : memref<128x128xf32, #tpu.memory_space<vmem>>, vector<16xf32>,
        %add3A_1616 = arith.constant 13 : i32
        %add3A_1617 = arith.addi %mul3A_124, %add3A_1616 : i32
        %mul3A_1618 = arith.constant 128 : i32
        %mul3A_1619 = arith.muli %add3A_74, %mul3A_1618 : i32
        %add3A_1620 = arith.addi %mul3A_1619, %add3A_1617 : i32
        %broadcast_in_dim3A_1621 = vector.broadcast %add3A_1620 : i32 to vector<16xi32>
        %gather3A_1622 = tpu.vector_load_idx %arg6[%broadcast_in_dim3A_1621] : memref<6400xi32, #tpu.memory_space<vmem>>[vector<16xi32>], vector<16xi32>,
        %ne3A_1623 = arith.constant 0 : i32
        %ne3A_1624 = vector.broadcast %ne3A_1623 : i32 to vector<16xi32>
        %ne3A_1625 = arith.cmpi ne, %gather3A_1622, %ne3A_1624 : vector<16xi32>
        %add3A_1626 = arith.addi %select_n3A_108, %add3A_1617 : i32
        %get3A_1627 = arith.index_cast %add3A_1617 : i32 to index
        %get3A_1628 = arith.constant 0 : index
        %get3A_1629 = tpu.vector_load %arg9[%get3A_1627, %get3A_1628] {strides = array<i32>} : memref<128x128xf32, #tpu.memory_space<vmem>>, vector<16xf32>,
        %jit3A_1630 = arith.constant 0.000000e+00 : f32
        %broadcast_in_dim3A_1631 = vector.broadcast %jit3A_1630 : f32 to vector<16xf32>
        %select_n3A_1632 = arith.select %ne3A_1625, %get3A_1629, %broadcast_in_dim3A_1631 : vector<16xi1>, vector<16xf32>
        %get3A_1633 = arith.index_cast %add3A_1626 : i32 to index
        %get3A_1634 = arith.constant 0 : index
        %get3A_1635 = tpu.vector_load %arg7[%get3A_1633, %get3A_1634] {strides = array<i32>} : memref<400x128xf32, #tpu.memory_space<vmem>>, vector<16xf32>,
        %add3A_1636 = arith.addf %select_n3A_1632, %get3A_1635 : vector<16xf32>
        %swap3A_1637 = arith.index_cast %add3A_1617 : i32 to index
        %swap3A_1638 = arith.constant 0 : index
        %swap3A_1639 = tpu.vector_load %arg9[%swap3A_1637, %swap3A_1638] {strides = array<i32>} : memref<128x128xf32, #tpu.memory_space<vmem>>, vector<16xf32>,
        tpu.vector_store %arg9[%swap3A_1637, %swap3A_1638], %add3A_1636 {strides = array<i32>} : memref<128x128xf32, #tpu.memory_space<vmem>>, vector<16xf32>,
        %get3A_1640 = arith.index_cast %add3A_1617 : i32 to index
        %get3A_1641 = arith.constant 16 : index
        %get3A_1642 = tpu.vector_load %arg9[%get3A_1640, %get3A_1641] {strides = array<i32>} : memref<128x128xf32, #tpu.memory_space<vmem>>, vector<16xf32>,
        %jit3A_1643 = arith.constant 0.000000e+00 : f32
        %broadcast_in_dim3A_1644 = vector.broadcast %jit3A_1643 : f32 to vector<16xf32>
        %select_n3A_1645 = arith.select %ne3A_1625, %get3A_1642, %broadcast_in_dim3A_1644 : vector<16xi1>, vector<16xf32>
        %get3A_1646 = arith.index_cast %add3A_1626 : i32 to index
        %get3A_1647 = arith.constant 16 : index
        %get3A_1648 = tpu.vector_load %arg7[%get3A_1646, %get3A_1647] {strides = array<i32>} : memref<400x128xf32, #tpu.memory_space<vmem>>, vector<16xf32>,
        %add3A_1649 = arith.addf %select_n3A_1645, %get3A_1648 : vector<16xf32>
        %swap3A_1650 = arith.index_cast %add3A_1617 : i32 to index
        %swap3A_1651 = arith.constant 16 : index
        %swap3A_1652 = tpu.vector_load %arg9[%swap3A_1650, %swap3A_1651] {strides = array<i32>} : memref<128x128xf32, #tpu.memory_space<vmem>>, vector<16xf32>,
        tpu.vector_store %arg9[%swap3A_1650, %swap3A_1651], %add3A_1649 {strides = array<i32>} : memref<128x128xf32, #tpu.memory_space<vmem>>, vector<16xf32>,
        %get3A_1653 = arith.index_cast %add3A_1617 : i32 to index
        %get3A_1654 = arith.constant 32 : index
        %get3A_1655 = tpu.vector_load %arg9[%get3A_1653, %get3A_1654] {strides = array<i32>} : memref<128x128xf32, #tpu.memory_space<vmem>>, vector<16xf32>,
        %jit3A_1656 = arith.constant 0.000000e+00 : f32
        %broadcast_in_dim3A_1657 = vector.broadcast %jit3A_1656 : f32 to vector<16xf32>
        %select_n3A_1658 = arith.select %ne3A_1625, %get3A_1655, %broadcast_in_dim3A_1657 : vector<16xi1>, vector<16xf32>
        %get3A_1659 = arith.index_cast %add3A_1626 : i32 to index
        %get3A_1660 = arith.constant 32 : index
        %get3A_1661 = tpu.vector_load %arg7[%get3A_1659, %get3A_1660] {strides = array<i32>} : memref<400x128xf32, #tpu.memory_space<vmem>>, vector<16xf32>,
        %add3A_1662 = arith.addf %select_n3A_1658, %get3A_1661 : vector<16xf32>
        %swap3A_1663 = arith.index_cast %add3A_1617 : i32 to index
        %swap3A_1664 = arith.constant 32 : index
        %swap3A_1665 = tpu.vector_load %arg9[%swap3A_1663, %swap3A_1664] {strides = array<i32>} : memref<128x128xf32, #tpu.memory_space<vmem>>, vector<16xf32>,
        tpu.vector_store %arg9[%swap3A_1663, %swap3A_1664], %add3A_1662 {strides = array<i32>} : memref<128x128xf32, #tpu.memory_space<vmem>>, vector<16xf32>,
        %get3A_1666 = arith.index_cast %add3A_1617 : i32 to index
        %get3A_1667 = arith.constant 48 : index
        %get3A_1668 = tpu.vector_load %arg9[%get3A_1666, %get3A_1667] {strides = array<i32>} : memref<128x128xf32, #tpu.memory_space<vmem>>, vector<16xf32>,
        %jit3A_1669 = arith.constant 0.000000e+00 : f32
        %broadcast_in_dim3A_1670 = vector.broadcast %jit3A_1669 : f32 to vector<16xf32>
        %select_n3A_1671 = arith.select %ne3A_1625, %get3A_1668, %broadcast_in_dim3A_1670 : vector<16xi1>, vector<16xf32>
        %get3A_1672 = arith.index_cast %add3A_1626 : i32 to index
        %get3A_1673 = arith.constant 48 : index
        %get3A_1674 = tpu.vector_load %arg7[%get3A_1672, %get3A_1673] {strides = array<i32>} : memref<400x128xf32, #tpu.memory_space<vmem>>, vector<16xf32>,
        %add3A_1675 = arith.addf %select_n3A_1671, %get3A_1674 : vector<16xf32>
        %swap3A_1676 = arith.index_cast %add3A_1617 : i32 to index
        %swap3A_1677 = arith.constant 48 : index
        %swap3A_1678 = tpu.vector_load %arg9[%swap3A_1676, %swap3A_1677] {strides = array<i32>} : memref<128x128xf32, #tpu.memory_space<vmem>>, vector<16xf32>,
        tpu.vector_store %arg9[%swap3A_1676, %swap3A_1677], %add3A_1675 {strides = array<i32>} : memref<128x128xf32, #tpu.memory_space<vmem>>, vector<16xf32>,
        %get3A_1679 = arith.index_cast %add3A_1617 : i32 to index
        %get3A_1680 = arith.constant 64 : index
        %get3A_1681 = tpu.vector_load %arg9[%get3A_1679, %get3A_1680] {strides = array<i32>} : memref<128x128xf32, #tpu.memory_space<vmem>>, vector<16xf32>,
        %jit3A_1682 = arith.constant 0.000000e+00 : f32
        %broadcast_in_dim3A_1683 = vector.broadcast %jit3A_1682 : f32 to vector<16xf32>
        %select_n3A_1684 = arith.select %ne3A_1625, %get3A_1681, %broadcast_in_dim3A_1683 : vector<16xi1>, vector<16xf32>
        %get3A_1685 = arith.index_cast %add3A_1626 : i32 to index
        %get3A_1686 = arith.constant 64 : index
        %get3A_1687 = tpu.vector_load %arg7[%get3A_1685, %get3A_1686] {strides = array<i32>} : memref<400x128xf32, #tpu.memory_space<vmem>>, vector<16xf32>,
        %add3A_1688 = arith.addf %select_n3A_1684, %get3A_1687 : vector<16xf32>
        %swap3A_1689 = arith.index_cast %add3A_1617 : i32 to index
        %swap3A_1690 = arith.constant 64 : index
        %swap3A_1691 = tpu.vector_load %arg9[%swap3A_1689, %swap3A_1690] {strides = array<i32>} : memref<128x128xf32, #tpu.memory_space<vmem>>, vector<16xf32>,
        tpu.vector_store %arg9[%swap3A_1689, %swap3A_1690], %add3A_1688 {strides = array<i32>} : memref<128x128xf32, #tpu.memory_space<vmem>>, vector<16xf32>,
        %get3A_1692 = arith.index_cast %add3A_1617 : i32 to index
        %get3A_1693 = arith.constant 80 : index
        %get3A_1694 = tpu.vector_load %arg9[%get3A_1692, %get3A_1693] {strides = array<i32>} : memref<128x128xf32, #tpu.memory_space<vmem>>, vector<16xf32>,
        %jit3A_1695 = arith.constant 0.000000e+00 : f32
        %broadcast_in_dim3A_1696 = vector.broadcast %jit3A_1695 : f32 to vector<16xf32>
        %select_n3A_1697 = arith.select %ne3A_1625, %get3A_1694, %broadcast_in_dim3A_1696 : vector<16xi1>, vector<16xf32>
        %get3A_1698 = arith.index_cast %add3A_1626 : i32 to index
        %get3A_1699 = arith.constant 80 : index
        %get3A_1700 = tpu.vector_load %arg7[%get3A_1698, %get3A_1699] {strides = array<i32>} : memref<400x128xf32, #tpu.memory_space<vmem>>, vector<16xf32>,
        %add3A_1701 = arith.addf %select_n3A_1697, %get3A_1700 : vector<16xf32>
        %swap3A_1702 = arith.index_cast %add3A_1617 : i32 to index
        %swap3A_1703 = arith.constant 80 : index
        %swap3A_1704 = tpu.vector_load %arg9[%swap3A_1702, %swap3A_1703] {strides = array<i32>} : memref<128x128xf32, #tpu.memory_space<vmem>>, vector<16xf32>,
        tpu.vector_store %arg9[%swap3A_1702, %swap3A_1703], %add3A_1701 {strides = array<i32>} : memref<128x128xf32, #tpu.memory_space<vmem>>, vector<16xf32>,
        %get3A_1705 = arith.index_cast %add3A_1617 : i32 to index
        %get3A_1706 = arith.constant 96 : index
        %get3A_1707 = tpu.vector_load %arg9[%get3A_1705, %get3A_1706] {strides = array<i32>} : memref<128x128xf32, #tpu.memory_space<vmem>>, vector<16xf32>,
        %jit3A_1708 = arith.constant 0.000000e+00 : f32
        %broadcast_in_dim3A_1709 = vector.broadcast %jit3A_1708 : f32 to vector<16xf32>
        %select_n3A_1710 = arith.select %ne3A_1625, %get3A_1707, %broadcast_in_dim3A_1709 : vector<16xi1>, vector<16xf32>
        %get3A_1711 = arith.index_cast %add3A_1626 : i32 to index
        %get3A_1712 = arith.constant 96 : index
        %get3A_1713 = tpu.vector_load %arg7[%get3A_1711, %get3A_1712] {strides = array<i32>} : memref<400x128xf32, #tpu.memory_space<vmem>>, vector<16xf32>,
        %add3A_1714 = arith.addf %select_n3A_1710, %get3A_1713 : vector<16xf32>
        %swap3A_1715 = arith.index_cast %add3A_1617 : i32 to index
        %swap3A_1716 = arith.constant 96 : index
        %swap3A_1717 = tpu.vector_load %arg9[%swap3A_1715, %swap3A_1716] {strides = array<i32>} : memref<128x128xf32, #tpu.memory_space<vmem>>, vector<16xf32>,
        tpu.vector_store %arg9[%swap3A_1715, %swap3A_1716], %add3A_1714 {strides = array<i32>} : memref<128x128xf32, #tpu.memory_space<vmem>>, vector<16xf32>,
        %get3A_1718 = arith.index_cast %add3A_1617 : i32 to index
        %get3A_1719 = arith.constant 112 : index
        %get3A_1720 = tpu.vector_load %arg9[%get3A_1718, %get3A_1719] {strides = array<i32>} : memref<128x128xf32, #tpu.memory_space<vmem>>, vector<16xf32>,
        %jit3A_1721 = arith.constant 0.000000e+00 : f32
        %broadcast_in_dim3A_1722 = vector.broadcast %jit3A_1721 : f32 to vector<16xf32>
        %select_n3A_1723 = arith.select %ne3A_1625, %get3A_1720, %broadcast_in_dim3A_1722 : vector<16xi1>, vector<16xf32>
        %get3A_1724 = arith.index_cast %add3A_1626 : i32 to index
        %get3A_1725 = arith.constant 112 : index
        %get3A_1726 = tpu.vector_load %arg7[%get3A_1724, %get3A_1725] {strides = array<i32>} : memref<400x128xf32, #tpu.memory_space<vmem>>, vector<16xf32>,
        %add3A_1727 = arith.addf %select_n3A_1723, %get3A_1726 : vector<16xf32>
        %swap3A_1728 = arith.index_cast %add3A_1617 : i32 to index
        %swap3A_1729 = arith.constant 112 : index
        %swap3A_1730 = tpu.vector_load %arg9[%swap3A_1728, %swap3A_1729] {strides = array<i32>} : memref<128x128xf32, #tpu.memory_space<vmem>>, vector<16xf32>,
        tpu.vector_store %arg9[%swap3A_1728, %swap3A_1729], %add3A_1727 {strides = array<i32>} : memref<128x128xf32, #tpu.memory_space<vmem>>, vector<16xf32>,
        %add3A_1731 = arith.constant 14 : i32
        %add3A_1732 = arith.addi %mul3A_124, %add3A_1731 : i32
        %mul3A_1733 = arith.constant 128 : i32
        %mul3A_1734 = arith.muli %add3A_74, %mul3A_1733 : i32
        %add3A_1735 = arith.addi %mul3A_1734, %add3A_1732 : i32
        %broadcast_in_dim3A_1736 = vector.broadcast %add3A_1735 : i32 to vector<16xi32>
        %gather3A_1737 = tpu.vector_load_idx %arg6[%broadcast_in_dim3A_1736] : memref<6400xi32, #tpu.memory_space<vmem>>[vector<16xi32>], vector<16xi32>,
        %ne3A_1738 = arith.constant 0 : i32
        %ne3A_1739 = vector.broadcast %ne3A_1738 : i32 to vector<16xi32>
        %ne3A_1740 = arith.cmpi ne, %gather3A_1737, %ne3A_1739 : vector<16xi32>
        %add3A_1741 = arith.addi %select_n3A_108, %add3A_1732 : i32
        %get3A_1742 = arith.index_cast %add3A_1732 : i32 to index
        %get3A_1743 = arith.constant 0 : index
        %get3A_1744 = tpu.vector_load %arg9[%get3A_1742, %get3A_1743] {strides = array<i32>} : memref<128x128xf32, #tpu.memory_space<vmem>>, vector<16xf32>,
        %jit3A_1745 = arith.constant 0.000000e+00 : f32
        %broadcast_in_dim3A_1746 = vector.broadcast %jit3A_1745 : f32 to vector<16xf32>
        %select_n3A_1747 = arith.select %ne3A_1740, %get3A_1744, %broadcast_in_dim3A_1746 : vector<16xi1>, vector<16xf32>
        %get3A_1748 = arith.index_cast %add3A_1741 : i32 to index
        %get3A_1749 = arith.constant 0 : index
        %get3A_1750 = tpu.vector_load %arg7[%get3A_1748, %get3A_1749] {strides = array<i32>} : memref<400x128xf32, #tpu.memory_space<vmem>>, vector<16xf32>,
        %add3A_1751 = arith.addf %select_n3A_1747, %get3A_1750 : vector<16xf32>
        %swap3A_1752 = arith.index_cast %add3A_1732 : i32 to index
        %swap3A_1753 = arith.constant 0 : index
        %swap3A_1754 = tpu.vector_load %arg9[%swap3A_1752, %swap3A_1753] {strides = array<i32>} : memref<128x128xf32, #tpu.memory_space<vmem>>, vector<16xf32>,
        tpu.vector_store %arg9[%swap3A_1752, %swap3A_1753], %add3A_1751 {strides = array<i32>} : memref<128x128xf32, #tpu.memory_space<vmem>>, vector<16xf32>,
        %get3A_1755 = arith.index_cast %add3A_1732 : i32 to index
        %get3A_1756 = arith.constant 16 : index
        %get3A_1757 = tpu.vector_load %arg9[%get3A_1755, %get3A_1756] {strides = array<i32>} : memref<128x128xf32, #tpu.memory_space<vmem>>, vector<16xf32>,
        %jit3A_1758 = arith.constant 0.000000e+00 : f32
        %broadcast_in_dim3A_1759 = vector.broadcast %jit3A_1758 : f32 to vector<16xf32>
        %select_n3A_1760 = arith.select %ne3A_1740, %get3A_1757, %broadcast_in_dim3A_1759 : vector<16xi1>, vector<16xf32>
        %get3A_1761 = arith.index_cast %add3A_1741 : i32 to index
        %get3A_1762 = arith.constant 16 : index
        %get3A_1763 = tpu.vector_load %arg7[%get3A_1761, %get3A_1762] {strides = array<i32>} : memref<400x128xf32, #tpu.memory_space<vmem>>, vector<16xf32>,
        %add3A_1764 = arith.addf %select_n3A_1760, %get3A_1763 : vector<16xf32>
        %swap3A_1765 = arith.index_cast %add3A_1732 : i32 to index
        %swap3A_1766 = arith.constant 16 : index
        %swap3A_1767 = tpu.vector_load %arg9[%swap3A_1765, %swap3A_1766] {strides = array<i32>} : memref<128x128xf32, #tpu.memory_space<vmem>>, vector<16xf32>,
        tpu.vector_store %arg9[%swap3A_1765, %swap3A_1766], %add3A_1764 {strides = array<i32>} : memref<128x128xf32, #tpu.memory_space<vmem>>, vector<16xf32>,
        %get3A_1768 = arith.index_cast %add3A_1732 : i32 to index
        %get3A_1769 = arith.constant 32 : index
        %get3A_1770 = tpu.vector_load %arg9[%get3A_1768, %get3A_1769] {strides = array<i32>} : memref<128x128xf32, #tpu.memory_space<vmem>>, vector<16xf32>,
        %jit3A_1771 = arith.constant 0.000000e+00 : f32
        %broadcast_in_dim3A_1772 = vector.broadcast %jit3A_1771 : f32 to vector<16xf32>
        %select_n3A_1773 = arith.select %ne3A_1740, %get3A_1770, %broadcast_in_dim3A_1772 : vector<16xi1>, vector<16xf32>
        %get3A_1774 = arith.index_cast %add3A_1741 : i32 to index
        %get3A_1775 = arith.constant 32 : index
        %get3A_1776 = tpu.vector_load %arg7[%get3A_1774, %get3A_1775] {strides = array<i32>} : memref<400x128xf32, #tpu.memory_space<vmem>>, vector<16xf32>,
        %add3A_1777 = arith.addf %select_n3A_1773, %get3A_1776 : vector<16xf32>
        %swap3A_1778 = arith.index_cast %add3A_1732 : i32 to index
        %swap3A_1779 = arith.constant 32 : index
        %swap3A_1780 = tpu.vector_load %arg9[%swap3A_1778, %swap3A_1779] {strides = array<i32>} : memref<128x128xf32, #tpu.memory_space<vmem>>, vector<16xf32>,
        tpu.vector_store %arg9[%swap3A_1778, %swap3A_1779], %add3A_1777 {strides = array<i32>} : memref<128x128xf32, #tpu.memory_space<vmem>>, vector<16xf32>,
        %get3A_1781 = arith.index_cast %add3A_1732 : i32 to index
        %get3A_1782 = arith.constant 48 : index
        %get3A_1783 = tpu.vector_load %arg9[%get3A_1781, %get3A_1782] {strides = array<i32>} : memref<128x128xf32, #tpu.memory_space<vmem>>, vector<16xf32>,
        %jit3A_1784 = arith.constant 0.000000e+00 : f32
        %broadcast_in_dim3A_1785 = vector.broadcast %jit3A_1784 : f32 to vector<16xf32>
        %select_n3A_1786 = arith.select %ne3A_1740, %get3A_1783, %broadcast_in_dim3A_1785 : vector<16xi1>, vector<16xf32>
        %get3A_1787 = arith.index_cast %add3A_1741 : i32 to index
        %get3A_1788 = arith.constant 48 : index
        %get3A_1789 = tpu.vector_load %arg7[%get3A_1787, %get3A_1788] {strides = array<i32>} : memref<400x128xf32, #tpu.memory_space<vmem>>, vector<16xf32>,
        %add3A_1790 = arith.addf %select_n3A_1786, %get3A_1789 : vector<16xf32>
        %swap3A_1791 = arith.index_cast %add3A_1732 : i32 to index
        %swap3A_1792 = arith.constant 48 : index
        %swap3A_1793 = tpu.vector_load %arg9[%swap3A_1791, %swap3A_1792] {strides = array<i32>} : memref<128x128xf32, #tpu.memory_space<vmem>>, vector<16xf32>,
        tpu.vector_store %arg9[%swap3A_1791, %swap3A_1792], %add3A_1790 {strides = array<i32>} : memref<128x128xf32, #tpu.memory_space<vmem>>, vector<16xf32>,
        %get3A_1794 = arith.index_cast %add3A_1732 : i32 to index
        %get3A_1795 = arith.constant 64 : index
        %get3A_1796 = tpu.vector_load %arg9[%get3A_1794, %get3A_1795] {strides = array<i32>} : memref<128x128xf32, #tpu.memory_space<vmem>>, vector<16xf32>,
        %jit3A_1797 = arith.constant 0.000000e+00 : f32
        %broadcast_in_dim3A_1798 = vector.broadcast %jit3A_1797 : f32 to vector<16xf32>
        %select_n3A_1799 = arith.select %ne3A_1740, %get3A_1796, %broadcast_in_dim3A_1798 : vector<16xi1>, vector<16xf32>
        %get3A_1800 = arith.index_cast %add3A_1741 : i32 to index
        %get3A_1801 = arith.constant 64 : index
        %get3A_1802 = tpu.vector_load %arg7[%get3A_1800, %get3A_1801] {strides = array<i32>} : memref<400x128xf32, #tpu.memory_space<vmem>>, vector<16xf32>,
        %add3A_1803 = arith.addf %select_n3A_1799, %get3A_1802 : vector<16xf32>
        %swap3A_1804 = arith.index_cast %add3A_1732 : i32 to index
        %swap3A_1805 = arith.constant 64 : index
        %swap3A_1806 = tpu.vector_load %arg9[%swap3A_1804, %swap3A_1805] {strides = array<i32>} : memref<128x128xf32, #tpu.memory_space<vmem>>, vector<16xf32>,
        tpu.vector_store %arg9[%swap3A_1804, %swap3A_1805], %add3A_1803 {strides = array<i32>} : memref<128x128xf32, #tpu.memory_space<vmem>>, vector<16xf32>,
        %get3A_1807 = arith.index_cast %add3A_1732 : i32 to index
        %get3A_1808 = arith.constant 80 : index
        %get3A_1809 = tpu.vector_load %arg9[%get3A_1807, %get3A_1808] {strides = array<i32>} : memref<128x128xf32, #tpu.memory_space<vmem>>, vector<16xf32>,
        %jit3A_1810 = arith.constant 0.000000e+00 : f32
        %broadcast_in_dim3A_1811 = vector.broadcast %jit3A_1810 : f32 to vector<16xf32>
        %select_n3A_1812 = arith.select %ne3A_1740, %get3A_1809, %broadcast_in_dim3A_1811 : vector<16xi1>, vector<16xf32>
        %get3A_1813 = arith.index_cast %add3A_1741 : i32 to index
        %get3A_1814 = arith.constant 80 : index
        %get3A_1815 = tpu.vector_load %arg7[%get3A_1813, %get3A_1814] {strides = array<i32>} : memref<400x128xf32, #tpu.memory_space<vmem>>, vector<16xf32>,
        %add3A_1816 = arith.addf %select_n3A_1812, %get3A_1815 : vector<16xf32>
        %swap3A_1817 = arith.index_cast %add3A_1732 : i32 to index
        %swap3A_1818 = arith.constant 80 : index
        %swap3A_1819 = tpu.vector_load %arg9[%swap3A_1817, %swap3A_1818] {strides = array<i32>} : memref<128x128xf32, #tpu.memory_space<vmem>>, vector<16xf32>,
        tpu.vector_store %arg9[%swap3A_1817, %swap3A_1818], %add3A_1816 {strides = array<i32>} : memref<128x128xf32, #tpu.memory_space<vmem>>, vector<16xf32>,
        %get3A_1820 = arith.index_cast %add3A_1732 : i32 to index
        %get3A_1821 = arith.constant 96 : index
        %get3A_1822 = tpu.vector_load %arg9[%get3A_1820, %get3A_1821] {strides = array<i32>} : memref<128x128xf32, #tpu.memory_space<vmem>>, vector<16xf32>,
        %jit3A_1823 = arith.constant 0.000000e+00 : f32
        %broadcast_in_dim3A_1824 = vector.broadcast %jit3A_1823 : f32 to vector<16xf32>
        %select_n3A_1825 = arith.select %ne3A_1740, %get3A_1822, %broadcast_in_dim3A_1824 : vector<16xi1>, vector<16xf32>
        %get3A_1826 = arith.index_cast %add3A_1741 : i32 to index
        %get3A_1827 = arith.constant 96 : index
        %get3A_1828 = tpu.vector_load %arg7[%get3A_1826, %get3A_1827] {strides = array<i32>} : memref<400x128xf32, #tpu.memory_space<vmem>>, vector<16xf32>,
        %add3A_1829 = arith.addf %select_n3A_1825, %get3A_1828 : vector<16xf32>
        %swap3A_1830 = arith.index_cast %add3A_1732 : i32 to index
        %swap3A_1831 = arith.constant 96 : index
        %swap3A_1832 = tpu.vector_load %arg9[%swap3A_1830, %swap3A_1831] {strides = array<i32>} : memref<128x128xf32, #tpu.memory_space<vmem>>, vector<16xf32>,
        tpu.vector_store %arg9[%swap3A_1830, %swap3A_1831], %add3A_1829 {strides = array<i32>} : memref<128x128xf32, #tpu.memory_space<vmem>>, vector<16xf32>,
        %get3A_1833 = arith.index_cast %add3A_1732 : i32 to index
        %get3A_1834 = arith.constant 112 : index
        %get3A_1835 = tpu.vector_load %arg9[%get3A_1833, %get3A_1834] {strides = array<i32>} : memref<128x128xf32, #tpu.memory_space<vmem>>, vector<16xf32>,
        %jit3A_1836 = arith.constant 0.000000e+00 : f32
        %broadcast_in_dim3A_1837 = vector.broadcast %jit3A_1836 : f32 to vector<16xf32>
        %select_n3A_1838 = arith.select %ne3A_1740, %get3A_1835, %broadcast_in_dim3A_1837 : vector<16xi1>, vector<16xf32>
        %get3A_1839 = arith.index_cast %add3A_1741 : i32 to index
        %get3A_1840 = arith.constant 112 : index
        %get3A_1841 = tpu.vector_load %arg7[%get3A_1839, %get3A_1840] {strides = array<i32>} : memref<400x128xf32, #tpu.memory_space<vmem>>, vector<16xf32>,
        %add3A_1842 = arith.addf %select_n3A_1838, %get3A_1841 : vector<16xf32>
        %swap3A_1843 = arith.index_cast %add3A_1732 : i32 to index
        %swap3A_1844 = arith.constant 112 : index
        %swap3A_1845 = tpu.vector_load %arg9[%swap3A_1843, %swap3A_1844] {strides = array<i32>} : memref<128x128xf32, #tpu.memory_space<vmem>>, vector<16xf32>,
        tpu.vector_store %arg9[%swap3A_1843, %swap3A_1844], %add3A_1842 {strides = array<i32>} : memref<128x128xf32, #tpu.memory_space<vmem>>, vector<16xf32>,
        %add3A_1846 = arith.constant 15 : i32
        %add3A_1847 = arith.addi %mul3A_124, %add3A_1846 : i32
        %mul3A_1848 = arith.constant 128 : i32
        %mul3A_1849 = arith.muli %add3A_74, %mul3A_1848 : i32
        %add3A_1850 = arith.addi %mul3A_1849, %add3A_1847 : i32
        %broadcast_in_dim3A_1851 = vector.broadcast %add3A_1850 : i32 to vector<16xi32>
        %gather3A_1852 = tpu.vector_load_idx %arg6[%broadcast_in_dim3A_1851] : memref<6400xi32, #tpu.memory_space<vmem>>[vector<16xi32>], vector<16xi32>,
        %ne3A_1853 = arith.constant 0 : i32
        %ne3A_1854 = vector.broadcast %ne3A_1853 : i32 to vector<16xi32>
        %ne3A_1855 = arith.cmpi ne, %gather3A_1852, %ne3A_1854 : vector<16xi32>
        %add3A_1856 = arith.addi %select_n3A_108, %add3A_1847 : i32
        %get3A_1857 = arith.index_cast %add3A_1847 : i32 to index
        %get3A_1858 = arith.constant 0 : index
        %get3A_1859 = tpu.vector_load %arg9[%get3A_1857, %get3A_1858] {strides = array<i32>} : memref<128x128xf32, #tpu.memory_space<vmem>>, vector<16xf32>,
        %jit3A_1860 = arith.constant 0.000000e+00 : f32
        %broadcast_in_dim3A_1861 = vector.broadcast %jit3A_1860 : f32 to vector<16xf32>
        %select_n3A_1862 = arith.select %ne3A_1855, %get3A_1859, %broadcast_in_dim3A_1861 : vector<16xi1>, vector<16xf32>
        %get3A_1863 = arith.index_cast %add3A_1856 : i32 to index
        %get3A_1864 = arith.constant 0 : index
        %get3A_1865 = tpu.vector_load %arg7[%get3A_1863, %get3A_1864] {strides = array<i32>} : memref<400x128xf32, #tpu.memory_space<vmem>>, vector<16xf32>,
        %add3A_1866 = arith.addf %select_n3A_1862, %get3A_1865 : vector<16xf32>
        %swap3A_1867 = arith.index_cast %add3A_1847 : i32 to index
        %swap3A_1868 = arith.constant 0 : index
        %swap3A_1869 = tpu.vector_load %arg9[%swap3A_1867, %swap3A_1868] {strides = array<i32>} : memref<128x128xf32, #tpu.memory_space<vmem>>, vector<16xf32>,
        tpu.vector_store %arg9[%swap3A_1867, %swap3A_1868], %add3A_1866 {strides = array<i32>} : memref<128x128xf32, #tpu.memory_space<vmem>>, vector<16xf32>,
        %get3A_1870 = arith.index_cast %add3A_1847 : i32 to index
        %get3A_1871 = arith.constant 16 : index
        %get3A_1872 = tpu.vector_load %arg9[%get3A_1870, %get3A_1871] {strides = array<i32>} : memref<128x128xf32, #tpu.memory_space<vmem>>, vector<16xf32>,
        %jit3A_1873 = arith.constant 0.000000e+00 : f32
        %broadcast_in_dim3A_1874 = vector.broadcast %jit3A_1873 : f32 to vector<16xf32>
        %select_n3A_1875 = arith.select %ne3A_1855, %get3A_1872, %broadcast_in_dim3A_1874 : vector<16xi1>, vector<16xf32>
        %get3A_1876 = arith.index_cast %add3A_1856 : i32 to index
        %get3A_1877 = arith.constant 16 : index
        %get3A_1878 = tpu.vector_load %arg7[%get3A_1876, %get3A_1877] {strides = array<i32>} : memref<400x128xf32, #tpu.memory_space<vmem>>, vector<16xf32>,
        %add3A_1879 = arith.addf %select_n3A_1875, %get3A_1878 : vector<16xf32>
        %swap3A_1880 = arith.index_cast %add3A_1847 : i32 to index
        %swap3A_1881 = arith.constant 16 : index
        %swap3A_1882 = tpu.vector_load %arg9[%swap3A_1880, %swap3A_1881] {strides = array<i32>} : memref<128x128xf32, #tpu.memory_space<vmem>>, vector<16xf32>,
        tpu.vector_store %arg9[%swap3A_1880, %swap3A_1881], %add3A_1879 {strides = array<i32>} : memref<128x128xf32, #tpu.memory_space<vmem>>, vector<16xf32>,
        %get3A_1883 = arith.index_cast %add3A_1847 : i32 to index
        %get3A_1884 = arith.constant 32 : index
        %get3A_1885 = tpu.vector_load %arg9[%get3A_1883, %get3A_1884] {strides = array<i32>} : memref<128x128xf32, #tpu.memory_space<vmem>>, vector<16xf32>,
        %jit3A_1886 = arith.constant 0.000000e+00 : f32
        %broadcast_in_dim3A_1887 = vector.broadcast %jit3A_1886 : f32 to vector<16xf32>
        %select_n3A_1888 = arith.select %ne3A_1855, %get3A_1885, %broadcast_in_dim3A_1887 : vector<16xi1>, vector<16xf32>
        %get3A_1889 = arith.index_cast %add3A_1856 : i32 to index
        %get3A_1890 = arith.constant 32 : index
        %get3A_1891 = tpu.vector_load %arg7[%get3A_1889, %get3A_1890] {strides = array<i32>} : memref<400x128xf32, #tpu.memory_space<vmem>>, vector<16xf32>,
        %add3A_1892 = arith.addf %select_n3A_1888, %get3A_1891 : vector<16xf32>
        %swap3A_1893 = arith.index_cast %add3A_1847 : i32 to index
        %swap3A_1894 = arith.constant 32 : index
        %swap3A_1895 = tpu.vector_load %arg9[%swap3A_1893, %swap3A_1894] {strides = array<i32>} : memref<128x128xf32, #tpu.memory_space<vmem>>, vector<16xf32>,
        tpu.vector_store %arg9[%swap3A_1893, %swap3A_1894], %add3A_1892 {strides = array<i32>} : memref<128x128xf32, #tpu.memory_space<vmem>>, vector<16xf32>,
        %get3A_1896 = arith.index_cast %add3A_1847 : i32 to index
        %get3A_1897 = arith.constant 48 : index
        %get3A_1898 = tpu.vector_load %arg9[%get3A_1896, %get3A_1897] {strides = array<i32>} : memref<128x128xf32, #tpu.memory_space<vmem>>, vector<16xf32>,
        %jit3A_1899 = arith.constant 0.000000e+00 : f32
        %broadcast_in_dim3A_1900 = vector.broadcast %jit3A_1899 : f32 to vector<16xf32>
        %select_n3A_1901 = arith.select %ne3A_1855, %get3A_1898, %broadcast_in_dim3A_1900 : vector<16xi1>, vector<16xf32>
        %get3A_1902 = arith.index_cast %add3A_1856 : i32 to index
        %get3A_1903 = arith.constant 48 : index
        %get3A_1904 = tpu.vector_load %arg7[%get3A_1902, %get3A_1903] {strides = array<i32>} : memref<400x128xf32, #tpu.memory_space<vmem>>, vector<16xf32>,
        %add3A_1905 = arith.addf %select_n3A_1901, %get3A_1904 : vector<16xf32>
        %swap3A_1906 = arith.index_cast %add3A_1847 : i32 to index
        %swap3A_1907 = arith.constant 48 : index
        %swap3A_1908 = tpu.vector_load %arg9[%swap3A_1906, %swap3A_1907] {strides = array<i32>} : memref<128x128xf32, #tpu.memory_space<vmem>>, vector<16xf32>,
        tpu.vector_store %arg9[%swap3A_1906, %swap3A_1907], %add3A_1905 {strides = array<i32>} : memref<128x128xf32, #tpu.memory_space<vmem>>, vector<16xf32>,
        %get3A_1909 = arith.index_cast %add3A_1847 : i32 to index
        %get3A_1910 = arith.constant 64 : index
        %get3A_1911 = tpu.vector_load %arg9[%get3A_1909, %get3A_1910] {strides = array<i32>} : memref<128x128xf32, #tpu.memory_space<vmem>>, vector<16xf32>,
        %jit3A_1912 = arith.constant 0.000000e+00 : f32
        %broadcast_in_dim3A_1913 = vector.broadcast %jit3A_1912 : f32 to vector<16xf32>
        %select_n3A_1914 = arith.select %ne3A_1855, %get3A_1911, %broadcast_in_dim3A_1913 : vector<16xi1>, vector<16xf32>
        %get3A_1915 = arith.index_cast %add3A_1856 : i32 to index
        %get3A_1916 = arith.constant 64 : index
        %get3A_1917 = tpu.vector_load %arg7[%get3A_1915, %get3A_1916] {strides = array<i32>} : memref<400x128xf32, #tpu.memory_space<vmem>>, vector<16xf32>,
        %add3A_1918 = arith.addf %select_n3A_1914, %get3A_1917 : vector<16xf32>
        %swap3A_1919 = arith.index_cast %add3A_1847 : i32 to index
        %swap3A_1920 = arith.constant 64 : index
        %swap3A_1921 = tpu.vector_load %arg9[%swap3A_1919, %swap3A_1920] {strides = array<i32>} : memref<128x128xf32, #tpu.memory_space<vmem>>, vector<16xf32>,
        tpu.vector_store %arg9[%swap3A_1919, %swap3A_1920], %add3A_1918 {strides = array<i32>} : memref<128x128xf32, #tpu.memory_space<vmem>>, vector<16xf32>,
        %get3A_1922 = arith.index_cast %add3A_1847 : i32 to index
        %get3A_1923 = arith.constant 80 : index
        %get3A_1924 = tpu.vector_load %arg9[%get3A_1922, %get3A_1923] {strides = array<i32>} : memref<128x128xf32, #tpu.memory_space<vmem>>, vector<16xf32>,
        %jit3A_1925 = arith.constant 0.000000e+00 : f32
        %broadcast_in_dim3A_1926 = vector.broadcast %jit3A_1925 : f32 to vector<16xf32>
        %select_n3A_1927 = arith.select %ne3A_1855, %get3A_1924, %broadcast_in_dim3A_1926 : vector<16xi1>, vector<16xf32>
        %get3A_1928 = arith.index_cast %add3A_1856 : i32 to index
        %get3A_1929 = arith.constant 80 : index
        %get3A_1930 = tpu.vector_load %arg7[%get3A_1928, %get3A_1929] {strides = array<i32>} : memref<400x128xf32, #tpu.memory_space<vmem>>, vector<16xf32>,
        %add3A_1931 = arith.addf %select_n3A_1927, %get3A_1930 : vector<16xf32>
        %swap3A_1932 = arith.index_cast %add3A_1847 : i32 to index
        %swap3A_1933 = arith.constant 80 : index
        %swap3A_1934 = tpu.vector_load %arg9[%swap3A_1932, %swap3A_1933] {strides = array<i32>} : memref<128x128xf32, #tpu.memory_space<vmem>>, vector<16xf32>,
        tpu.vector_store %arg9[%swap3A_1932, %swap3A_1933], %add3A_1931 {strides = array<i32>} : memref<128x128xf32, #tpu.memory_space<vmem>>, vector<16xf32>,
        %get3A_1935 = arith.index_cast %add3A_1847 : i32 to index
        %get3A_1936 = arith.constant 96 : index
        %get3A_1937 = tpu.vector_load %arg9[%get3A_1935, %get3A_1936] {strides = array<i32>} : memref<128x128xf32, #tpu.memory_space<vmem>>, vector<16xf32>,
        %jit3A_1938 = arith.constant 0.000000e+00 : f32
        %broadcast_in_dim3A_1939 = vector.broadcast %jit3A_1938 : f32 to vector<16xf32>
        %select_n3A_1940 = arith.select %ne3A_1855, %get3A_1937, %broadcast_in_dim3A_1939 : vector<16xi1>, vector<16xf32>
        %get3A_1941 = arith.index_cast %add3A_1856 : i32 to index
        %get3A_1942 = arith.constant 96 : index
        %get3A_1943 = tpu.vector_load %arg7[%get3A_1941, %get3A_1942] {strides = array<i32>} : memref<400x128xf32, #tpu.memory_space<vmem>>, vector<16xf32>,
        %add3A_1944 = arith.addf %select_n3A_1940, %get3A_1943 : vector<16xf32>
        %swap3A_1945 = arith.index_cast %add3A_1847 : i32 to index
        %swap3A_1946 = arith.constant 96 : index
        %swap3A_1947 = tpu.vector_load %arg9[%swap3A_1945, %swap3A_1946] {strides = array<i32>} : memref<128x128xf32, #tpu.memory_space<vmem>>, vector<16xf32>,
        tpu.vector_store %arg9[%swap3A_1945, %swap3A_1946], %add3A_1944 {strides = array<i32>} : memref<128x128xf32, #tpu.memory_space<vmem>>, vector<16xf32>,
        %get3A_1948 = arith.index_cast %add3A_1847 : i32 to index
        %get3A_1949 = arith.constant 112 : index
        %get3A_1950 = tpu.vector_load %arg9[%get3A_1948, %get3A_1949] {strides = array<i32>} : memref<128x128xf32, #tpu.memory_space<vmem>>, vector<16xf32>,
        %jit3A_1951 = arith.constant 0.000000e+00 : f32
        %broadcast_in_dim3A_1952 = vector.broadcast %jit3A_1951 : f32 to vector<16xf32>
        %select_n3A_1953 = arith.select %ne3A_1855, %get3A_1950, %broadcast_in_dim3A_1952 : vector<16xi1>, vector<16xf32>
        %get3A_1954 = arith.index_cast %add3A_1856 : i32 to index
        %get3A_1955 = arith.constant 112 : index
        %get3A_1956 = tpu.vector_load %arg7[%get3A_1954, %get3A_1955] {strides = array<i32>} : memref<400x128xf32, #tpu.memory_space<vmem>>, vector<16xf32>,
        %add3A_1957 = arith.addf %select_n3A_1953, %get3A_1956 : vector<16xf32>
        %swap3A_1958 = arith.index_cast %add3A_1847 : i32 to index
        %swap3A_1959 = arith.constant 112 : index
        %swap3A_1960 = tpu.vector_load %arg9[%swap3A_1958, %swap3A_1959] {strides = array<i32>} : memref<128x128xf32, #tpu.memory_space<vmem>>, vector<16xf32>,
        tpu.vector_store %arg9[%swap3A_1958, %swap3A_1959], %add3A_1957 {strides = array<i32>} : memref<128x128xf32, #tpu.memory_space<vmem>>, vector<16xf32>,
      }
      %scan3A_113 = arith.constant 8 : i32
      %dma_start3A_114 = arith.constant 0 : i32
      %dma_start3A_115 = arith.constant 0 : i32
      %dma_start3A_116 = tpu.memref_slice %arg5[%add3A, %add3A_74, %dma_start3A_114, %dma_start3A_115] : memref<32x50x128x128xf32, #tpu.memory_space<hbm>> -> memref<1x1x128x128xf32, #tpu.memory_space<hbm>>
      %dma_start3A_117 = tpu.memref_squeeze %dma_start3A_116 : memref<1x1x128x128xf32, #tpu.memory_space<hbm>> -> memref<128x128xf32, #tpu.memory_space<hbm>>
      %dma_start3A_118 = arith.constant 0 : i32
      %dma_start3A_119 = arith.constant 0 : i32
      %dma_start3A_120 = tpu.memref_slice %arg5[%add3A, %add3A_74, %dma_start3A_118, %dma_start3A_119] : memref<32x50x128x128xf32, #tpu.memory_space<hbm>> -> memref<1x1x128x128xf32, #tpu.memory_space<hbm>>
      %dma_start3A_121 = tpu.memref_squeeze %dma_start3A_120 : memref<1x1x128x128xf32, #tpu.memory_space<hbm>> -> memref<128x128xf32, #tpu.memory_space<hbm>>
      tpu.enqueue_dma source(%arg9 : memref<128x128xf32, #tpu.memory_space<vmem>>) target(%dma_start3A_121 : memref<128x128xf32, #tpu.memory_space<hbm>>) target_semaphore(%arg13 : memref<!tpu.dma_semaphore, #tpu.memory_space<semaphore_mem>>)
    }
    %scan3A_10 = arith.constant 25 : i32
    %dma_wait3A = arith.constant 0 : i32
    %dma_wait3A_11 = arith.constant 0 : i32
    %dma_wait3A_12 = arith.constant 0 : i32
    %dma_wait3A_13 = tpu.memref_slice %arg5[%add3A, %dma_wait3A, %dma_wait3A_11, %dma_wait3A_12] : memref<32x50x128x128xf32, #tpu.memory_space<hbm>> -> memref<1x1x128x128xf32, #tpu.memory_space<hbm>>
    %dma_wait3A_14 = tpu.memref_squeeze %dma_wait3A_13 : memref<1x1x128x128xf32, #tpu.memory_space<hbm>> -> memref<128x128xf32, #tpu.memory_space<hbm>>
    %dma_wait3A_15 = arith.constant 0 : i32
    %dma_wait3A_16 = arith.constant 0 : i32
    %dma_wait3A_17 = tpu.memref_slice %arg5[%add3A, %dma_wait3A, %dma_wait3A_15, %dma_wait3A_16] : memref<32x50x128x128xf32, #tpu.memory_space<hbm>> -> memref<1x1x128x128xf32, #tpu.memory_space<hbm>>
    %dma_wait3A_18 = tpu.memref_squeeze %dma_wait3A_17 : memref<1x1x128x128xf32, #tpu.memory_space<hbm>> -> memref<128x128xf32, #tpu.memory_space<hbm>>
    tpu.wait_dma2 semaphore(%arg12 : memref<!tpu.dma_semaphore, #tpu.memory_space<semaphore_mem>>) src(%dma_wait3A_18 : memref<128x128xf32, #tpu.memory_space<hbm>>) dst(%arg8 : memref<128x128xf32, #tpu.memory_space<vmem>>)
    %dma_wait3A_19 = arith.constant 0 : i32
    %dma_wait3A_20 = arith.constant 0 : i32
    %dma_wait3A_21 = arith.constant 0 : i32
    %dma_wait3A_22 = tpu.memref_slice %arg5[%add3A, %dma_wait3A_19, %dma_wait3A_20, %dma_wait3A_21] : memref<32x50x128x128xf32, #tpu.memory_space<hbm>> -> memref<1x1x128x128xf32, #tpu.memory_space<hbm>>
    %dma_wait3A_23 = tpu.memref_squeeze %dma_wait3A_22 : memref<1x1x128x128xf32, #tpu.memory_space<hbm>> -> memref<128x128xf32, #tpu.memory_space<hbm>>
    %dma_wait3A_24 = arith.constant 0 : i32
    %dma_wait3A_25 = arith.constant 0 : i32
    %dma_wait3A_26 = tpu.memref_slice %arg5[%add3A, %dma_wait3A_19, %dma_wait3A_24, %dma_wait3A_25] : memref<32x50x128x128xf32, #tpu.memory_space<hbm>> -> memref<1x1x128x128xf32, #tpu.memory_space<hbm>>
    %dma_wait3A_27 = tpu.memref_squeeze %dma_wait3A_26 : memref<1x1x128x128xf32, #tpu.memory_space<hbm>> -> memref<128x128xf32, #tpu.memory_space<hbm>>
    tpu.wait_dma2 semaphore(%arg13 : memref<!tpu.dma_semaphore, #tpu.memory_space<semaphore_mem>>) src(%dma_wait3A_27 : memref<128x128xf32, #tpu.memory_space<hbm>>) dst(%arg9 : memref<128x128xf32, #tpu.memory_space<vmem>>)
    return
  }
}

</mosaic_0001>

<sc_bundles>
// kernel: _embedding_lookup.3.cloned.1.call-start
scs
__scs_entry_jumppad:
0x0: {  	(pc) =	sbr.rel $0x88, $3  }
0x1: {  	(tag) =	ssettag $0x0;
	lr =	simm.s32 $0x1  }
0x2: {  	[smem:$0x3F9E] =	sst lr;
	_ =	strace $0xD0000000  }
0x3: {  	_ = 	snop  }
0x4: {  	_ = 	snop  }
0x5: {  	_ = 	snop  }
0x6: {  	_ = 	snop  }
0x7: {  	_ = 	snop  }
__scs_overlays_trampoline_lowered:
0x8: {  	[smem:$0x3FAD] =	sst s0  }
0x9: {  	[smem:$0x3FAE] =	sst s1  }
0xa: {  	[smem:$0x3FAF] =	sst s2  }
0xb: {  	[smem:$0x3FB0] =	sst s3  }
0xc: {  	[smem:$0x3FB1] =	sst s4  }
0xd: {  	[smem:$0x3FB2] =	sst s5  }
0xe: {  	[smem:$0x3FB3] =	sst s6  }
0xf: {  	[smem:$0x3FB4] =	sst s7  }
0x10: {  	[smem:$0x3FB5] =	sst s8  }
0x11: {  	[smem:$0x3FB6] =	sst s9;
	s0 =	simm.s32 @!p0 $0x0  }
0x12: {  	s1 =	sld [smem:$0x3F9C];
	s0 =	simm.s32 @p0 $0x1  }
0x13: {  	[smem:$0x3FB7] =	sst s0;
	s0 =	simm.s32 @!p1 $0x0  }
0x14: {  	s2 =	sld [smem:$0x3F9B];
	s0 =	simm.s32 @p1 $0x1  }
0x15: {  	[smem:$0x3FB8] =	sst s0;
	s0 =	simm.s32 @!p2 $0x0  }
0x16: {  	s3 =	sld [smem:$0x3FDB];
	s0 =	simm.s32 @p2 $0x1  }
0x17: {  	s4 =	simm.s32 $0x1BF5;
	[smem:$0x3FBA] =	sst s0  }
0x18: {  	s0 =	sld [smem:$0x3F9D];
	_ =	swait.ge [sflag:s4], $0x0  }
0x19: {  	s7 =	sld [smem:$0x3F9E]  }
0x1a: {  	s8 =	sadd.s32 $0xFFFFE003, lr  }
0x1b: {  	s9 =	sadd.s32 $0xFFFFFEF7, lr;
	s5 =	simm.s32 $0xFFFFFFFF;
	p2 =	slt.u32 s8, $0xFFFFF086  }
0x1c: {  	p1 =	slt.u32 s9, $0xF7A;
	s5 =	simm.s32 @!p2 $0x0  }
0x1d: {  	s5 =	simm.s32 @p1 $0x1;
	p0 =	seq.s32 s7, s2  }
0x1e: {  	s7 =	smul.u32 @!p0 $0xF7A, s2;
	p2 =	seq.s32 @!p0 s5, $0x0  }
0x1f: {  	s9 =	smul.u32 $0xF7A, s1;
	s8 =	simm.s32 @!p0 $0x1BF5;
	p2 =	por !p2, p0  }
0x20: {  	[sflag:s8] =	ssyncset.s32 @!p0 $0xFFFFF086;
	s6 =	sadd.s32 @!p0 s3, s7;
	s7 =	simm.s32 @!p0 $0x108  }
0x21: {  	s3 =	sadd.s32 s3, s9;
	s6 =	sadd.s32 @!p0 $0x88, s6;
	s7 =	simm.s32 @p2 $0x1082  }
0x22: {  	[simem:s7], [sflag:s8] =	dma.local @!p0 [hbm:s6], $0xF7A  }
0x23: {  	s9 =	sor.u32 $0xD0000000, s2;
	s6 =	simm.s32 $0x108;
	_ =	swait.ge @!p0 [sflag:s8], $0x0  }
0x24: {  	s3 =	sadd.s32 $0x88, s3;
	s6 =	simm.s32 @!p1 $0x1082;
	[sflag:s4] =	ssyncset.s32 $0xFFFFF086  }
0x25: {  	[simem:s6], [sflag:s4] =	dma.local [hbm:s3], $0xF7A  }
0x26: {  	[smem:$0x3F9E] =	sst s1;
	(tag) =	ssettag s2;
	_ =	strace s9  }
0x27: {  	s1 =	sld [smem:$0x3FAE]  }
0x28: {  	s2 =	sld [smem:$0x3FAF]  }
0x29: {  	s4 =	sld [smem:$0x3FB1]  }
0x2a: {  	p0 =	seq.s32 s5, $0x0;
	s5 =	sld [smem:$0x3FB2]  }
0x2b: {  	s6 =	sld [smem:$0x3FB3]  }
0x2c: {  	s7 =	sld [smem:$0x3FB4]  }
0x2d: {  	s3 =	simm.s32 $0x108;
	s8 =	sld [smem:$0x3FB5]  }
0x2e: {  	s3 =	simm.s32 @!p0 $0x1082;
	s9 =	sld [smem:$0x3FB6]  }
0x2f: {  	lr =	sadd.s32 s0, s3;
	s0 =	sld [smem:$0x3FAD]  }
0x30: {  	s3 =	sld [smem:$0x3FB0]  }
0x31: {  	[smem:$0x3FB9] =	sst s10  }
0x32: {  	s10 =	sld [smem:$0x3FB7];
	_ =	sdelay $0x3  }
0x33: {  	p0 =	seq.s32 s10, $0x1;
	s10 =	sld [smem:$0x3FB9];
	_ =	sdelay $0x3  }
0x34: {  	[smem:$0x3FB9] =	sst s10  }
0x35: {  	s10 =	sld [smem:$0x3FB8];
	_ =	sdelay $0x3  }
0x36: {  	p1 =	seq.s32 s10, $0x1;
	s10 =	sld [smem:$0x3FB9];
	_ =	sdelay $0x3  }
0x37: {  	[smem:$0x3FB9] =	sst s10  }
0x38: {  	s10 =	sld [smem:$0x3FBA]  }
0x39: {  	_ = 	snop;
	(pc) =	sbr.ind lr, $3  }
0x3a: {  	_ = 	snop  }
0x3b: {  	_ = 	snop  }
0x3c: {  	p2 =	seq.s32 s10, $0x1;
	s10 =	sld [smem:$0x3FB9]  }
0x3d: {  	_ =	shalt  }
0x3e: {  	_ =	shalt  }
0x3f: {  	_ =	shalt  }
0x40: {  	_ =	shalt  }
0x41: {  	_ =	shalt  }
0x42: {  	_ =	shalt  }
0x43: {  	_ =	shalt  }
0x44: {  	_ =	shalt  }
0x45: {  	_ =	shalt  }
0x46: {  	_ =	shalt  }
0x47: {  	_ =	shalt  }
0x48: {  	_ =	shalt  }
0x49: {  	_ =	shalt  }
0x4a: {  	_ =	shalt  }
0x4b: {  	_ =	shalt  }
0x4c: {  	_ =	shalt  }
0x4d: {  	_ =	shalt  }
0x4e: {  	_ =	shalt  }
0x4f: {  	_ =	shalt  }
0x50: {  	_ =	shalt  }
0x51: {  	_ =	shalt  }
0x52: {  	_ =	shalt  }
0x53: {  	_ =	shalt  }
0x54: {  	_ =	shalt  }
0x55: {  	_ =	shalt  }
0x56: {  	_ =	shalt  }
0x57: {  	_ =	shalt  }
0x58: {  	_ =	shalt  }
0x59: {  	_ =	shalt  }
0x5a: {  	_ =	shalt  }
0x5b: {  	_ =	shalt  }
0x5c: {  	_ =	shalt  }
0x5d: {  	_ =	shalt  }
0x5e: {  	_ =	shalt  }
0x5f: {  	_ =	shalt  }
0x60: {  	_ =	shalt  }
0x61: {  	_ =	shalt  }
0x62: {  	_ =	shalt  }
0x63: {  	_ =	shalt  }
0x64: {  	_ =	shalt  }
0x65: {  	_ =	shalt  }
0x66: {  	_ =	shalt  }
0x67: {  	_ =	shalt  }
0x68: {  	_ =	shalt  }
0x69: {  	_ =	shalt  }
0x6a: {  	_ =	shalt  }
0x6b: {  	_ =	shalt  }
0x6c: {  	_ =	shalt  }
0x6d: {  	_ =	shalt  }
0x6e: {  	_ =	shalt  }
0x6f: {  	_ =	shalt  }
0x70: {  	_ =	shalt  }
0x71: {  	_ =	shalt  }
0x72: {  	_ =	shalt  }
0x73: {  	_ =	shalt  }
0x74: {  	_ =	shalt  }
0x75: {  	_ =	shalt  }
0x76: {  	_ =	shalt  }
0x77: {  	_ =	shalt  }
0x78: {  	_ =	shalt  }
0x79: {  	_ =	shalt  }
0x7a: {  	_ =	shalt  }
0x7b: {  	_ =	shalt  }
0x7c: {  	_ =	shalt  }
0x7d: {  	_ =	shalt  }
0x7e: {  	_ =	shalt  }
0x7f: {  	_ =	shalt  }
0x80: {  	_ =	shalt  }
0x81: {  	_ =	shalt  }
0x82: {  	_ =	shalt  }
0x83: {  	_ =	shalt  }
0x84: {  	_ =	shalt  }
0x85: {  	_ =	shalt  }
0x86: {  	_ =	shalt  }
0x87: {  	_ =	shalt  }
.Lfunc_end0:
.L_simem_size_0:
called_computation_lowered:
.L_overlay_start_0:
0x88: {  	s2 =	sld [smem:$0x3FD9]  }
0x89: {  	s3 =	sld [smem:$0x3FFE];
	_ =	sdelay $0x1  }
0x8a: {  	s1 =	srdreg.scid  }
0x8b: {  	s0 =	sand.u32 $0x1, s1  }
0x8c: {  	s18 =	sshll.u32 s0, $0xA;
	s2 =	sadd.s32 s3, s2  }
0x8d: {  	s2 =	sadd.s32 s2, s18  }
0x8e: {  	[smem:$0x3FC5] =	sst s2  }
0x8f: {  	_ = 	snop  }
0x90: {  	s2 =	sld [smem:$0x3FC9]  }
0x91: {  	s19 =	sld [smem:$0x3FC8]  }
0x92: {  	s4 =	sld [smem:$0x3FC7]  }
0x93: {  	s5 =	sld [smem:$0x3FD0];
	(tm) =	ssettm $0x1  }
0x94: {  	s6 =	sld [smem:$0x3FFB];
	_ =	sdelay $0x3  }
0x95: {  	_ =	strace s6  }
0x96: {  	s6 =	sld [smem:$0x3FFC];
	_ =	sdelay $0x3  }
0x97: {  	_ =	strace s6  }
0x98: {  	s6 =	sld [smem:$0x3FFD];
	_ =	sdelay $0x3  }
0x99: {  	_ =	strace s6  }
0x9a: {  	_ =	strace $0x8FFFFFFF  }
0x9b: {  	s20 =	sld [smem:$0x3FDB];
	_ =	sdelay $0x1  }
0x9c: {  	s7 =	simm.s32 $_scs_section_size  }
0x9d: {  	s8 =	simm.s32 $_size__tile_overlayer_lowered;
	s9 =	simm.s32 $_tile_overlayer_lowered  }
0x9e: {  	s23 =	simm.s32 $0x1BFF;
	s22 =	sshll.u32 s9, $0x1;
	s6 =	sadd.s32 s7, s20  }
0x9f: {  	s10 =	simm.s32 $0x0;
	s21 =	sshll.u32 s8, $0x1;
	s8 =	sadd.s32 s22, s6  }
0xa0: {  	[timem:s10], [sflag:s23] =	dma.local [hbm:s8], s21  }
0xa1: {  	_ =	swait.ge [sflag:s23], s21  }
0xa2: {  	s7 =	ssub.s32 $0x0, s21;
	[sflag:s23] =	ssyncset.done $0x0  }
0xa3: {  	[sflag:s23] =	ssyncadd.s32 s7;
	_ =	sdelay $0x1  }
0xa4: {  	s24 =	simm.s32 $0x1B8B  }
0xa5: {  	_ =	swait.ge [sflag:s24], $0x1  }
0xa6: {  	[sflag:s24] =	ssyncset.done $0x0  }
0xa7: {  	s25 =	simm.s32 $0x1B8E;
	[sflag:s24] =	ssyncadd.s32 $0xFFFFFFFF  }
0xa8: {  	s26 =	simm.s32 $execute0_lowered;
	[smem:$0x3FD2] =	sst s25  }
0xa9: {  	s7 =	sshll.u32 s26, $0x1;
	_ =	strace $0x80000046;
	[dreg:$0x1] =	wrdreg $0xFFFFFFFF  }
0xaa: {  	s28 =	simm.s32 $_size_execute0_lowered;
	s6 =	sadd.s32 s6, s7;
	[dreg:$0x0] =	wrdreg $0x0  }
0xab: {  	s7 =	sshll.u32 s28, $0x1;
	[dreg:$0x2] =	wrdreg s6  }
0xac: {  	[dreg:$0x3] =	wrdreg s7  }
0xad: {  	[dreg:$0x4] =	wrdreg $0xC0  }
0xae: {  	_ =	task [dreg:s10], $0x5FFFF  }
0xaf: {  	[dreg:$0x1] =	wrdreg $0xFFFFFFFF  }
0xb0: {  	[dreg:$0x0] =	wrdreg $0x60  }
0xb1: {  	[dreg:$0x2] =	wrdreg s2  }
0xb2: {  	[dreg:$0x3] =	wrdreg s19  }
0xb3: {  	[dreg:$0x4] =	wrdreg s4  }
0xb4: {  	[dreg:$0x5] =	wrdreg s5  }
0xb5: {  	[dreg:$0x6] =	wrdreg $0x9  }
0xb6: {  	_ =	task.clear_ibuf [dreg:s10], $0x7FFFF;
	_ =	strace $0x90000046  }
0xb7: {  	s29 =	simm.s32 $0x9;
	_ =	strace $0x80000048  }
0xb8: {  	_ =	swait.ge [sflag:s29], $0x1  }
0xb9: {  	[sflag:s29] =	ssyncadd.s32 $0xFFFFFFFF  }
0xba: {  	_ =	strace $0x90000048  }
0xbb: {  	_ =	sfence  }
0xbc: {  	s30 =	sld [smem:$0x0];
	_ =	sdelay $0x2  }
0xbd: {  	s31 =	sshll.u32 s1, $0xD;
	s1 =	sshrl.u32 s1, $0x2  }
0xbe: {  	s3 =	sand.u32 $0x4000, s31;
	s1 =	sadd.s32 s1, s30  }
0xbf: {  	s0 =	sor.u32 s3, s0;
	s1 =	sshll.u32 s1, $0x11  }
0xc0: {  	s0 =	sor.u32 s1, s0  }
0xc1: {  	s0 =	sadd.s32 $0x8F2B, s0  }
0xc2: {  	[sflag:s0] =	ssyncadd.remote.s32 $0x1  }
0xc3: {  	_ =	sfence.sel $0xFFFF  }
0xc4: {  	[dreg:$0x0] =	wrdreg $0xFFFFFFFF;
	(pc) =	sbr.abs _section_cstart, $3  }
0xc5: {  	[dreg:$0x1] =	wrdreg $0xFFFFFFFF  }
0xc6: {  	_ =	task.clear_ibuf [dreg:s10], $0x2FFFF;
	_ =	strace $0x9FFFFFFF  }
0xc7: {  	(tm) =	ssettm $0x7FFFFFFF  }
tec
execute0_lowered:
.L_overlay_start_1:
0x0: {  	(tag) =	ssettag $0x1  }
0x1: {  	s6 =	rddreg [dreg:$0x0]  }
0x2: {  	s1 =	rddreg [dreg:$0x1]  }
0x3: {  	s3 =	rddreg [dreg:$0x2];
	s2 =	srdreg.scid  }
0x4: {  	s0 =	stileid.u32;
	s4 =	rddreg [dreg:$0x3]  }
0x5: {  	s11 =	simm.s32 $0x80;
	s12 =	simm.s32 $0xE100;
	s13 =	simm.s32 $0x12100  }
0x6: {  	s14 =	simm.s32 $0x1;
	s15 =	simm.s32 $0x2;
	s16 =	simm.s32 $0x3  }
0x7: {  	s17 =	simm.s32 $0x4;
	s7 =	sand.u32 $0x1, s2;
	s5 =	sshll.u32 s0, $0x1  }
0x8: {  	s18 =	simm.s32 $0x0;
	s8 =	sor.u32 s7, s5;
	s5 =	simm.s32 $0x0  }
0x9: {  	s7 =	ssub.s32 $0x2, s7;
	s9 =	smul.u32 $0x320, s8;
	[smem:$0x7FF] =	sst s5  }
0xa: {  	s2 =	rddreg [dreg:$0x4];
	s10 =	sshrl.u32 s7, $0x1;
	_ =	strace $0x80000047  }
0xb: {  	s10 =	ssub.s32 s7, s10;
	s7 =	smul.u32 $0xC8000, s8;
	s6 =	sadd.s32 s6, s9  }
0xc: {  	s8 =	smax.u32 s10, $0x1;
	s9 =	simm.s32 $0x5;
	s10 =	simm.s32 $0x1900  }
.LBB2_1:
0xd: {  	[tilespmem:s5], [sflag:$0x5] =	stream.linear.gather [hbm4b:s6+s5], $0x1900, $0x38;
	[tilespmem:$0x16100] =	vst v63  }
0xe: {  	_ =	swait.ge [sflag:s9], $0x1900  }
0xf: {  	[sflag:s9] =	ssyncset.done $0x0  }
0x10: {  	[sflag:s9] =	ssyncadd.s32 $0xFFFFE700  }
0x11: {  	[tilespmem:s10], [sflag:$0x5] =	stream.linear.gather [hbm4b:s3+s5], $0xC800, $0x38;
	[tilespmem:$0x16100] =	vst v63  }
0x12: {  	_ =	swait.ge [sflag:s9], $0xC800  }
0x13: {  	[sflag:s9] =	ssyncset.done $0x0  }
0x14: {  	s19 =	simm.s32 $0x0;
	[sflag:s9] =	ssyncadd.s32 $0xFFFF3800  }
0x15: {  	[tilespmem:s12], [sflag:$0x1] =	stream.indirect.gather [hbm4b:s1+s11], $0x80, s5, s11, $0xb8;
	[tilespmem:$0x16100] =	vst v63  }
.LBB2_2:
0x16: {  	p0 =	seq.s32 s19, $0x0;
	s23 =	sshll.u32 s19, $0x5  }
0x17: {  	s22 =	simm.s32 @!p0 $0x4;
	s23 =	sand.u32 $0x1FE0, s23  }
0x18: {  	s20 =	sshllo.u32 s19, $0x1;
	_ =	swait.ge @!p0 [sflag:s22], $0x4000;
	s23 =	smul.u32 $0x147B, s23  }
0x19: {  	s21 =	sshll.u32 s20, $0x7;
	[sflag:s22] =	ssyncset.done @!p0 $0x0  }
0x1a: {  	s30 =	sand.u32 $0x3FFFFF80, s21;
	[sflag:s22] =	ssyncadd.s32 @!p0 $0xFFFFC000;
	s31 =	sshrl.u32 s23, $0x11  }
0x1b: {  	[tilespmem:s13], [sflag:$0x2] =	stream.indirect.gather [hbm4b:s1+s11], $0x80, s30, s11, $0xb8;
	[tilespmem:$0x16100] =	vst v63  }
0x1c: {  	s23 =	smul.u32 $0xC8, s31  }
0x1d: {  	s22 =	sshll.u32 s19, $0x8;
	_ =	swait.ge [sflag:s14], $0x4000  }
0x1e: {  	[sflag:s14] =	ssyncset.done $0x0;
	s23 =	ssub.s32 s22, s23  }
0x1f: {  	s24 =	simm.s32 $0x0;
	[sflag:s14] =	ssyncadd.s32 $0xFFFFC000;
	s23 =	sand.u32 $0xFFF8, s23  }
.LBB2_3:
0x20: {  	s25 =	sshll.u32 s24, $0x4  }
0x21: {  	s26 =	sor.u32 s22, s25  }
0x22: {  	v0 =	vmov s26  }
0x23: {  	v0 =	vand.u32 $0xFFFFFFF0, v0  }
0x24: {  	v0 =	vbroadcast v0, $0x0;
	_ =	sdelay $0x4  }
0x25: {  	s28 =	sshll.u32 s24, $0xB;
	s30 =	sadd.s32 s23, s25  }
0x26: {  	s28 =	sand.u32 $0x3FFFF800, s28;
	s26 =	sshll.u32 s30, $0x7;
	v0 =	vld.idx.msk [tilespmem:v0+s5+$0x0], $0xffff  }
0x27: {  	v1 =	vld [tilespmem:s28+$0xE100];
	s26 =	sand.u32 $0x3FFFFF80, s26  }
0x28: {  	v2 =	vld [tilespmem:s26+$0x1900];
	_ =	sdelay $0x2  }
0x29: {  	vm0 =	veq.s32 v0, $0x0  }
0x2a: {  	v0 =	vsel vm0, $0x0, v1  }
0x2b: {  	v0 =	vadd.f32 v2, v0;
	_ =	sdelay $0x1  }
0x2c: {  	v35 =	vld [tilespmem:s28+$0xE110];
	[tilespmem:s28+$0xE100] =	vst v0  }
0x2d: {  	v36 =	vld [tilespmem:s26+$0x1910];
	_ =	sdelay $0x3  }
0x2e: {  	v0 =	vsel vm0, $0x0, v35  }
0x2f: {  	v0 =	vadd.f32 v36, v0;
	_ =	sdelay $0x1  }
0x30: {  	v37 =	vld [tilespmem:s28+$0xE120];
	[tilespmem:s28+$0xE110] =	vst v0  }
0x31: {  	v38 =	vld [tilespmem:s26+$0x1920];
	_ =	sdelay $0x3  }
0x32: {  	v0 =	vsel vm0, $0x0, v37  }
0x33: {  	v0 =	vadd.f32 v38, v0;
	_ =	sdelay $0x1  }
0x34: {  	v39 =	vld [tilespmem:s28+$0xE130];
	[tilespmem:s28+$0xE120] =	vst v0  }
0x35: {  	v40 =	vld [tilespmem:s26+$0x1930];
	_ =	sdelay $0x3  }
0x36: {  	v0 =	vsel vm0, $0x0, v39  }
0x37: {  	v0 =	vadd.f32 v40, v0;
	_ =	sdelay $0x1  }
0x38: {  	v41 =	vld [tilespmem:s28+$0xE140];
	[tilespmem:s28+$0xE130] =	vst v0  }
0x39: {  	v42 =	vld [tilespmem:s26+$0x1940];
	_ =	sdelay $0x3  }
0x3a: {  	v0 =	vsel vm0, $0x0, v41  }
0x3b: {  	v0 =	vadd.f32 v42, v0;
	_ =	sdelay $0x1  }
0x3c: {  	v43 =	vld [tilespmem:s28+$0xE150];
	[tilespmem:s28+$0xE140] =	vst v0  }
0x3d: {  	v44 =	vld [tilespmem:s26+$0x1950];
	_ =	sdelay $0x3  }
0x3e: {  	v0 =	vsel vm0, $0x0, v43  }
0x3f: {  	v0 =	vadd.f32 v44, v0;
	_ =	sdelay $0x1  }
0x40: {  	v45 =	vld [tilespmem:s28+$0xE160];
	[tilespmem:s28+$0xE150] =	vst v0  }
0x41: {  	v46 =	vld [tilespmem:s26+$0x1960];
	_ =	sdelay $0x3  }
0x42: {  	v0 =	vsel vm0, $0x0, v45  }
0x43: {  	v0 =	vadd.f32 v46, v0  }
0x44: {  	s29 =	sor.u32 $0x1, s25  }
0x45: {  	v47 =	vld [tilespmem:s28+$0xE170];
	s30 =	sor.u32 s22, s29;
	[tilespmem:s28+$0xE160] =	vst v0  }
0x46: {  	v49 =	vmov s30;
	v48 =	vld [tilespmem:s26+$0x1970]  }
0x47: {  	v2 =	vand.u32 $0xFFFFFFF1, v49  }
0x48: {  	v2 =	vbroadcast v2, $0x0;
	_ =	sdelay $0x1  }
0x49: {  	v0 =	vsel vm0, $0x0, v47  }
0x4a: {  	v0 =	vadd.f32 v48, v0;
	_ =	sdelay $0x1  }
0x4b: {  	s31 =	sadd.s32 s23, s29;
	s30 =	sshll.u32 s29, $0x7;
	[tilespmem:s28+$0xE170] =	vst v0  }
0x4c: {  	s26 =	sshll.u32 s31, $0x7;
	s28 =	sand.u32 $0x3FFFF880, s30;
	v0 =	vld.idx.msk [tilespmem:v2+s5+$0x0], $0xffff  }
0x4d: {  	s26 =	sand.u32 $0x3FFFFF80, s26;
	v50 =	vld [tilespmem:s28+$0xE100]  }
0x4e: {  	v51 =	vld [tilespmem:s26+$0x1900];
	_ =	sdelay $0x2  }
0x4f: {  	vm13 =	veq.s32 v0, $0x0  }
0x50: {  	v0 =	vsel vm13, $0x0, v50  }
0x51: {  	v0 =	vadd.f32 v51, v0;
	_ =	sdelay $0x1  }
0x52: {  	v52 =	vld [tilespmem:s28+$0xE110];
	[tilespmem:s28+$0xE100] =	vst v0  }
0x53: {  	v53 =	vld [tilespmem:s26+$0x1910];
	_ =	sdelay $0x3  }
0x54: {  	v0 =	vsel vm13, $0x0, v52  }
0x55: {  	v0 =	vadd.f32 v53, v0;
	_ =	sdelay $0x1  }
0x56: {  	v54 =	vld [tilespmem:s28+$0xE120];
	[tilespmem:s28+$0xE110] =	vst v0  }
0x57: {  	v55 =	vld [tilespmem:s26+$0x1920];
	_ =	sdelay $0x3  }
0x58: {  	v0 =	vsel vm13, $0x0, v54  }
0x59: {  	v0 =	vadd.f32 v55, v0;
	_ =	sdelay $0x1  }
0x5a: {  	v56 =	vld [tilespmem:s28+$0xE130];
	[tilespmem:s28+$0xE120] =	vst v0  }
0x5b: {  	v57 =	vld [tilespmem:s26+$0x1930];
	_ =	sdelay $0x3  }
0x5c: {  	v0 =	vsel vm13, $0x0, v56  }
0x5d: {  	v0 =	vadd.f32 v57, v0;
	_ =	sdelay $0x1  }
0x5e: {  	v58 =	vld [tilespmem:s28+$0xE140];
	[tilespmem:s28+$0xE130] =	vst v0  }
0x5f: {  	v59 =	vld [tilespmem:s26+$0x1940];
	_ =	sdelay $0x3  }
0x60: {  	v0 =	vsel vm13, $0x0, v58  }
0x61: {  	v0 =	vadd.f32 v59, v0;
	_ =	sdelay $0x1  }
0x62: {  	v60 =	vld [tilespmem:s28+$0xE150];
	[tilespmem:s28+$0xE140] =	vst v0  }
0x63: {  	v61 =	vld [tilespmem:s26+$0x1950];
	_ =	sdelay $0x3  }
0x64: {  	v0 =	vsel vm13, $0x0, v60  }
0x65: {  	v0 =	vadd.f32 v61, v0;
	_ =	sdelay $0x1  }
0x66: {  	v62 =	vld [tilespmem:s28+$0xE160];
	[tilespmem:s28+$0xE150] =	vst v0  }
0x67: {  	v63 =	vld [tilespmem:s26+$0x1960];
	_ =	sdelay $0x3  }
0x68: {  	v0 =	vsel vm13, $0x0, v62  }
0x69: {  	v0 =	vadd.f32 v63, v0  }
0x6a: {  	s29 =	sor.u32 $0x2, s25  }
0x6b: {  	s31 =	sor.u32 s22, s29;
	v4 =	vld [tilespmem:s28+$0xE170];
	[tilespmem:s28+$0xE160] =	vst v0  }
0x6c: {  	v6 =	vmov s31;
	v5 =	vld [tilespmem:s26+$0x1970]  }
0x6d: {  	v2 =	vand.u32 $0xFFFFFFF2, v6  }
0x6e: {  	v2 =	vbroadcast v2, $0x0;
	_ =	sdelay $0x1  }
0x6f: {  	v0 =	vsel vm13, $0x0, v4  }
0x70: {  	v0 =	vadd.f32 v5, v0;
	_ =	sdelay $0x1  }
0x71: {  	s31 =	sadd.s32 s23, s29;
	s30 =	sshll.u32 s29, $0x7;
	[tilespmem:s28+$0xE170] =	vst v0  }
0x72: {  	s26 =	sshll.u32 s31, $0x7;
	s28 =	sand.u32 $0x3FFFF900, s30;
	v0 =	vld.idx.msk [tilespmem:v2+s5+$0x0], $0xffff  }
0x73: {  	s26 =	sand.u32 $0x3FFFFF80, s26;
	v7 =	vld [tilespmem:s28+$0xE100]  }
0x74: {  	v8 =	vld [tilespmem:s26+$0x1900];
	_ =	sdelay $0x2  }
0x75: {  	vm14 =	veq.s32 v0, $0x0  }
0x76: {  	v0 =	vsel vm14, $0x0, v7  }
0x77: {  	v0 =	vadd.f32 v8, v0;
	_ =	sdelay $0x1  }
0x78: {  	v9 =	vld [tilespmem:s28+$0xE110];
	[tilespmem:s28+$0xE100] =	vst v0  }
0x79: {  	v10 =	vld [tilespmem:s26+$0x1910];
	_ =	sdelay $0x3  }
0x7a: {  	v0 =	vsel vm14, $0x0, v9  }
0x7b: {  	v0 =	vadd.f32 v10, v0;
	_ =	sdelay $0x1  }
0x7c: {  	v11 =	vld [tilespmem:s28+$0xE120];
	[tilespmem:s28+$0xE110] =	vst v0  }
0x7d: {  	v12 =	vld [tilespmem:s26+$0x1920];
	_ =	sdelay $0x3  }
0x7e: {  	v0 =	vsel vm14, $0x0, v11  }
0x7f: {  	v0 =	vadd.f32 v12, v0;
	_ =	sdelay $0x1  }
0x80: {  	v13 =	vld [tilespmem:s28+$0xE130];
	[tilespmem:s28+$0xE120] =	vst v0  }
0x81: {  	v14 =	vld [tilespmem:s26+$0x1930];
	_ =	sdelay $0x3  }
0x82: {  	v0 =	vsel vm14, $0x0, v13  }
0x83: {  	v0 =	vadd.f32 v14, v0;
	_ =	sdelay $0x1  }
0x84: {  	v15 =	vld [tilespmem:s28+$0xE140];
	[tilespmem:s28+$0xE130] =	vst v0  }
0x85: {  	v16 =	vld [tilespmem:s26+$0x1940];
	_ =	sdelay $0x3  }
0x86: {  	v0 =	vsel vm14, $0x0, v15  }
0x87: {  	v0 =	vadd.f32 v16, v0;
	_ =	sdelay $0x1  }
0x88: {  	v17 =	vld [tilespmem:s28+$0xE150];
	[tilespmem:s28+$0xE140] =	vst v0  }
0x89: {  	v18 =	vld [tilespmem:s26+$0x1950];
	_ =	sdelay $0x3  }
0x8a: {  	v0 =	vsel vm14, $0x0, v17  }
0x8b: {  	v0 =	vadd.f32 v18, v0;
	_ =	sdelay $0x1  }
0x8c: {  	v19 =	vld [tilespmem:s28+$0xE160];
	[tilespmem:s28+$0xE150] =	vst v0  }
0x8d: {  	v20 =	vld [tilespmem:s26+$0x1960];
	_ =	sdelay $0x3  }
0x8e: {  	v0 =	vsel vm14, $0x0, v19  }
0x8f: {  	v0 =	vadd.f32 v20, v0  }
0x90: {  	s29 =	sor.u32 $0x3, s25  }
0x91: {  	s31 =	sor.u32 s22, s29;
	v21 =	vld [tilespmem:s28+$0xE170];
	[tilespmem:s28+$0xE160] =	vst v0  }
0x92: {  	v23 =	vmov s31;
	v22 =	vld [tilespmem:s26+$0x1970]  }
0x93: {  	v2 =	vand.u32 $0xFFFFFFF3, v23  }
0x94: {  	v2 =	vbroadcast v2, $0x0;
	_ =	sdelay $0x1  }
0x95: {  	v0 =	vsel vm14, $0x0, v21  }
0x96: {  	v0 =	vadd.f32 v22, v0;
	_ =	sdelay $0x1  }
0x97: {  	s31 =	sadd.s32 s23, s29;
	s30 =	sshll.u32 s29, $0x7;
	[tilespmem:s28+$0xE170] =	vst v0  }
0x98: {  	s26 =	sshll.u32 s31, $0x7;
	s28 =	sand.u32 $0x3FFFF980, s30;
	v0 =	vld.idx.msk [tilespmem:v2+s5+$0x0], $0xffff  }
0x99: {  	s26 =	sand.u32 $0x3FFFFF80, s26;
	v24 =	vld [tilespmem:s28+$0xE100]  }
0x9a: {  	v25 =	vld [tilespmem:s26+$0x1900];
	_ =	sdelay $0x2  }
0x9b: {  	vm15 =	veq.s32 v0, $0x0  }
0x9c: {  	v0 =	vsel vm15, $0x0, v24  }
0x9d: {  	v0 =	vadd.f32 v25, v0;
	_ =	sdelay $0x1  }
0x9e: {  	v26 =	vld [tilespmem:s28+$0xE110];
	[tilespmem:s28+$0xE100] =	vst v0  }
0x9f: {  	v27 =	vld [tilespmem:s26+$0x1910];
	_ =	sdelay $0x3  }
0xa0: {  	v0 =	vsel vm15, $0x0, v26  }
0xa1: {  	v0 =	vadd.f32 v27, v0;
	_ =	sdelay $0x1  }
0xa2: {  	v28 =	vld [tilespmem:s28+$0xE120];
	[tilespmem:s28+$0xE110] =	vst v0  }
0xa3: {  	v29 =	vld [tilespmem:s26+$0x1920];
	_ =	sdelay $0x3  }
0xa4: {  	v0 =	vsel vm15, $0x0, v28  }
0xa5: {  	v0 =	vadd.f32 v29, v0;
	_ =	sdelay $0x1  }
0xa6: {  	v30 =	vld [tilespmem:s28+$0xE130];
	[tilespmem:s28+$0xE120] =	vst v0  }
0xa7: {  	v31 =	vld [tilespmem:s26+$0x1930];
	_ =	sdelay $0x3  }
0xa8: {  	v0 =	vsel vm15, $0x0, v30  }
0xa9: {  	v0 =	vadd.f32 v31, v0;
	_ =	sdelay $0x1  }
0xaa: {  	v32 =	vld [tilespmem:s28+$0xE140];
	[tilespmem:s28+$0xE130] =	vst v0  }
0xab: {  	v33 =	vld [tilespmem:s26+$0x1940];
	_ =	sdelay $0x3  }
0xac: {  	v0 =	vsel vm15, $0x0, v32  }
0xad: {  	v0 =	vadd.f32 v33, v0;
	_ =	sdelay $0x1  }
0xae: {  	v34 =	vld [tilespmem:s28+$0xE150];
	[tilespmem:s28+$0xE140] =	vst v0  }
0xaf: {  	v35 =	vld [tilespmem:s26+$0x1950];
	_ =	sdelay $0x3  }
0xb0: {  	v0 =	vsel vm15, $0x0, v34  }
0xb1: {  	v0 =	vadd.f32 v35, v0;
	_ =	sdelay $0x1  }
0xb2: {  	v36 =	vld [tilespmem:s28+$0xE160];
	[tilespmem:s28+$0xE150] =	vst v0  }
0xb3: {  	v37 =	vld [tilespmem:s26+$0x1960];
	_ =	sdelay $0x3  }
0xb4: {  	v0 =	vsel vm15, $0x0, v36  }
0xb5: {  	v0 =	vadd.f32 v37, v0  }
0xb6: {  	s29 =	sor.u32 $0x4, s25  }
0xb7: {  	s31 =	sor.u32 s22, s29;
	v38 =	vld [tilespmem:s28+$0xE170];
	[tilespmem:s28+$0xE160] =	vst v0  }
0xb8: {  	v40 =	vmov s31;
	v39 =	vld [tilespmem:s26+$0x1970]  }
0xb9: {  	v2 =	vand.u32 $0xFFFFFFF4, v40  }
0xba: {  	v2 =	vbroadcast v2, $0x0;
	_ =	sdelay $0x1  }
0xbb: {  	v0 =	vsel vm15, $0x0, v38  }
0xbc: {  	v0 =	vadd.f32 v39, v0;
	_ =	sdelay $0x1  }
0xbd: {  	s31 =	sadd.s32 s23, s29;
	s30 =	sshll.u32 s29, $0x7;
	[tilespmem:s28+$0xE170] =	vst v0  }
0xbe: {  	s26 =	sshll.u32 s31, $0x7;
	s28 =	sand.u32 $0x3FFFFA00, s30;
	v0 =	vld.idx.msk [tilespmem:v2+s5+$0x0], $0xffff  }
0xbf: {  	s26 =	sand.u32 $0x3FFFFF80, s26;
	v41 =	vld [tilespmem:s28+$0xE100]  }
0xc0: {  	v42 =	vld [tilespmem:s26+$0x1900];
	_ =	sdelay $0x2  }
0xc1: {  	vm4 =	veq.s32 v0, $0x0  }
0xc2: {  	v0 =	vsel vm4, $0x0, v41  }
0xc3: {  	v0 =	vadd.f32 v42, v0;
	_ =	sdelay $0x1  }
0xc4: {  	v43 =	vld [tilespmem:s28+$0xE110];
	[tilespmem:s28+$0xE100] =	vst v0  }
0xc5: {  	v44 =	vld [tilespmem:s26+$0x1910];
	_ =	sdelay $0x3  }
0xc6: {  	v0 =	vsel vm4, $0x0, v43  }
0xc7: {  	v0 =	vadd.f32 v44, v0;
	_ =	sdelay $0x1  }
0xc8: {  	v45 =	vld [tilespmem:s28+$0xE120];
	[tilespmem:s28+$0xE110] =	vst v0  }
0xc9: {  	v46 =	vld [tilespmem:s26+$0x1920];
	_ =	sdelay $0x3  }
0xca: {  	v0 =	vsel vm4, $0x0, v45  }
0xcb: {  	v0 =	vadd.f32 v46, v0;
	_ =	sdelay $0x1  }
0xcc: {  	v47 =	vld [tilespmem:s28+$0xE130];
	[tilespmem:s28+$0xE120] =	vst v0  }
0xcd: {  	v48 =	vld [tilespmem:s26+$0x1930];
	_ =	sdelay $0x3  }
0xce: {  	v0 =	vsel vm4, $0x0, v47  }
0xcf: {  	v0 =	vadd.f32 v48, v0;
	_ =	sdelay $0x1  }
0xd0: {  	v49 =	vld [tilespmem:s28+$0xE140];
	[tilespmem:s28+$0xE130] =	vst v0  }
0xd1: {  	v50 =	vld [tilespmem:s26+$0x1940];
	_ =	sdelay $0x3  }
0xd2: {  	v0 =	vsel vm4, $0x0, v49  }
0xd3: {  	v0 =	vadd.f32 v50, v0;
	_ =	sdelay $0x1  }
0xd4: {  	v51 =	vld [tilespmem:s28+$0xE150];
	[tilespmem:s28+$0xE140] =	vst v0  }
0xd5: {  	v52 =	vld [tilespmem:s26+$0x1950];
	_ =	sdelay $0x3  }
0xd6: {  	v0 =	vsel vm4, $0x0, v51  }
0xd7: {  	v0 =	vadd.f32 v52, v0;
	_ =	sdelay $0x1  }
0xd8: {  	v53 =	vld [tilespmem:s28+$0xE160];
	[tilespmem:s28+$0xE150] =	vst v0  }
0xd9: {  	v54 =	vld [tilespmem:s26+$0x1960];
	_ =	sdelay $0x3  }
0xda: {  	v0 =	vsel vm4, $0x0, v53  }
0xdb: {  	v0 =	vadd.f32 v54, v0  }
0xdc: {  	s29 =	sor.u32 $0x5, s25  }
0xdd: {  	s31 =	sor.u32 s22, s29;
	v55 =	vld [tilespmem:s28+$0xE170];
	[tilespmem:s28+$0xE160] =	vst v0  }
0xde: {  	v57 =	vmov s31;
	v56 =	vld [tilespmem:s26+$0x1970]  }
0xdf: {  	v2 =	vand.u32 $0xFFFFFFF5, v57  }
0xe0: {  	v2 =	vbroadcast v2, $0x0;
	_ =	sdelay $0x1  }
0xe1: {  	v0 =	vsel vm4, $0x0, v55  }
0xe2: {  	v0 =	vadd.f32 v56, v0;
	_ =	sdelay $0x1  }
0xe3: {  	s31 =	sadd.s32 s23, s29;
	s30 =	sshll.u32 s29, $0x7;
	[tilespmem:s28+$0xE170] =	vst v0  }
0xe4: {  	s26 =	sshll.u32 s31, $0x7;
	s28 =	sand.u32 $0x3FFFFA80, s30;
	v0 =	vld.idx.msk [tilespmem:v2+s5+$0x0], $0xffff  }
0xe5: {  	s26 =	sand.u32 $0x3FFFFF80, s26;
	v58 =	vld [tilespmem:s28+$0xE100]  }
0xe6: {  	v59 =	vld [tilespmem:s26+$0x1900];
	_ =	sdelay $0x2  }
0xe7: {  	vm5 =	veq.s32 v0, $0x0  }
0xe8: {  	v0 =	vsel vm5, $0x0, v58  }
0xe9: {  	v0 =	vadd.f32 v59, v0;
	_ =	sdelay $0x1  }
0xea: {  	v60 =	vld [tilespmem:s28+$0xE110];
	[tilespmem:s28+$0xE100] =	vst v0  }
0xeb: {  	v61 =	vld [tilespmem:s26+$0x1910];
	_ =	sdelay $0x3  }
0xec: {  	v0 =	vsel vm5, $0x0, v60  }
0xed: {  	v0 =	vadd.f32 v61, v0;
	_ =	sdelay $0x1  }
0xee: {  	v62 =	vld [tilespmem:s28+$0xE120];
	[tilespmem:s28+$0xE110] =	vst v0  }
0xef: {  	v63 =	vld [tilespmem:s26+$0x1920];
	_ =	sdelay $0x3  }
0xf0: {  	v0 =	vsel vm5, $0x0, v62  }
0xf1: {  	v0 =	vadd.f32 v63, v0;
	_ =	sdelay $0x1  }
0xf2: {  	v4 =	vld [tilespmem:s28+$0xE130];
	[tilespmem:s28+$0xE120] =	vst v0  }
0xf3: {  	v5 =	vld [tilespmem:s26+$0x1930];
	_ =	sdelay $0x3  }
0xf4: {  	v0 =	vsel vm5, $0x0, v4  }
0xf5: {  	v0 =	vadd.f32 v5, v0;
	_ =	sdelay $0x1  }
0xf6: {  	v6 =	vld [tilespmem:s28+$0xE140];
	[tilespmem:s28+$0xE130] =	vst v0  }
0xf7: {  	v7 =	vld [tilespmem:s26+$0x1940];
	_ =	sdelay $0x3  }
0xf8: {  	v0 =	vsel vm5, $0x0, v6  }
0xf9: {  	v0 =	vadd.f32 v7, v0;
	_ =	sdelay $0x1  }
0xfa: {  	v8 =	vld [tilespmem:s28+$0xE150];
	[tilespmem:s28+$0xE140] =	vst v0  }
0xfb: {  	v9 =	vld [tilespmem:s26+$0x1950];
	_ =	sdelay $0x3  }
0xfc: {  	v0 =	vsel vm5, $0x0, v8  }
0xfd: {  	v0 =	vadd.f32 v9, v0;
	_ =	sdelay $0x1  }
0xfe: {  	v10 =	vld [tilespmem:s28+$0xE160];
	[tilespmem:s28+$0xE150] =	vst v0  }
0xff: {  	v11 =	vld [tilespmem:s26+$0x1960];
	_ =	sdelay $0x3  }
0x100: {  	v0 =	vsel vm5, $0x0, v10  }
0x101: {  	v0 =	vadd.f32 v11, v0  }
0x102: {  	s29 =	sor.u32 $0x6, s25  }
0x103: {  	s31 =	sor.u32 s22, s29;
	v12 =	vld [tilespmem:s28+$0xE170];
	[tilespmem:s28+$0xE160] =	vst v0  }
0x104: {  	v14 =	vmov s31;
	v13 =	vld [tilespmem:s26+$0x1970]  }
0x105: {  	v2 =	vand.u32 $0xFFFFFFF6, v14  }
0x106: {  	v2 =	vbroadcast v2, $0x0;
	_ =	sdelay $0x1  }
0x107: {  	v0 =	vsel vm5, $0x0, v12  }
0x108: {  	v0 =	vadd.f32 v13, v0;
	_ =	sdelay $0x1  }
0x109: {  	s31 =	sadd.s32 s23, s29;
	s30 =	sshll.u32 s29, $0x7;
	[tilespmem:s28+$0xE170] =	vst v0  }
0x10a: {  	s26 =	sshll.u32 s31, $0x7;
	s28 =	sand.u32 $0x3FFFFB00, s30;
	v0 =	vld.idx.msk [tilespmem:v2+s5+$0x0], $0xffff  }
0x10b: {  	s26 =	sand.u32 $0x3FFFFF80, s26;
	v15 =	vld [tilespmem:s28+$0xE100]  }
0x10c: {  	v16 =	vld [tilespmem:s26+$0x1900];
	_ =	sdelay $0x2  }
0x10d: {  	vm6 =	veq.s32 v0, $0x0  }
0x10e: {  	v0 =	vsel vm6, $0x0, v15  }
0x10f: {  	v0 =	vadd.f32 v16, v0;
	_ =	sdelay $0x1  }
0x110: {  	v17 =	vld [tilespmem:s28+$0xE110];
	[tilespmem:s28+$0xE100] =	vst v0  }
0x111: {  	v18 =	vld [tilespmem:s26+$0x1910];
	_ =	sdelay $0x3  }
0x112: {  	v0 =	vsel vm6, $0x0, v17  }
0x113: {  	v0 =	vadd.f32 v18, v0;
	_ =	sdelay $0x1  }
0x114: {  	v19 =	vld [tilespmem:s28+$0xE120];
	[tilespmem:s28+$0xE110] =	vst v0  }
0x115: {  	v20 =	vld [tilespmem:s26+$0x1920];
	_ =	sdelay $0x3  }
0x116: {  	v0 =	vsel vm6, $0x0, v19  }
0x117: {  	v0 =	vadd.f32 v20, v0;
	_ =	sdelay $0x1  }
0x118: {  	v21 =	vld [tilespmem:s28+$0xE130];
	[tilespmem:s28+$0xE120] =	vst v0  }
0x119: {  	v22 =	vld [tilespmem:s26+$0x1930];
	_ =	sdelay $0x3  }
0x11a: {  	v0 =	vsel vm6, $0x0, v21  }
0x11b: {  	v0 =	vadd.f32 v22, v0;
	_ =	sdelay $0x1  }
0x11c: {  	v23 =	vld [tilespmem:s28+$0xE140];
	[tilespmem:s28+$0xE130] =	vst v0  }
0x11d: {  	v24 =	vld [tilespmem:s26+$0x1940];
	_ =	sdelay $0x3  }
0x11e: {  	v0 =	vsel vm6, $0x0, v23  }
0x11f: {  	v0 =	vadd.f32 v24, v0;
	_ =	sdelay $0x1  }
0x120: {  	v25 =	vld [tilespmem:s28+$0xE150];
	[tilespmem:s28+$0xE140] =	vst v0  }
0x121: {  	v26 =	vld [tilespmem:s26+$0x1950];
	_ =	sdelay $0x3  }
0x122: {  	v0 =	vsel vm6, $0x0, v25  }
0x123: {  	v0 =	vadd.f32 v26, v0;
	_ =	sdelay $0x1  }
0x124: {  	v27 =	vld [tilespmem:s28+$0xE160];
	[tilespmem:s28+$0xE150] =	vst v0  }
0x125: {  	v28 =	vld [tilespmem:s26+$0x1960];
	_ =	sdelay $0x3  }
0x126: {  	v0 =	vsel vm6, $0x0, v27  }
0x127: {  	v0 =	vadd.f32 v28, v0  }
0x128: {  	s29 =	sor.u32 $0x7, s25  }
0x129: {  	s31 =	sor.u32 s22, s29;
	v29 =	vld [tilespmem:s28+$0xE170];
	[tilespmem:s28+$0xE160] =	vst v0  }
0x12a: {  	v31 =	vmov s31;
	v30 =	vld [tilespmem:s26+$0x1970]  }
0x12b: {  	v2 =	vand.u32 $0xFFFFFFF7, v31  }
0x12c: {  	v2 =	vbroadcast v2, $0x0;
	_ =	sdelay $0x1  }
0x12d: {  	v0 =	vsel vm6, $0x0, v29  }
0x12e: {  	v0 =	vadd.f32 v30, v0;
	_ =	sdelay $0x1  }
0x12f: {  	s31 =	sadd.s32 s23, s29;
	s30 =	sshll.u32 s29, $0x7;
	[tilespmem:s28+$0xE170] =	vst v0  }
0x130: {  	s26 =	sshll.u32 s31, $0x7;
	s28 =	sand.u32 $0x3FFFFB80, s30;
	v0 =	vld.idx.msk [tilespmem:v2+s5+$0x0], $0xffff  }
0x131: {  	s26 =	sand.u32 $0x3FFFFF80, s26;
	v32 =	vld [tilespmem:s28+$0xE100]  }
0x132: {  	v33 =	vld [tilespmem:s26+$0x1900];
	_ =	sdelay $0x2  }
0x133: {  	vm7 =	veq.s32 v0, $0x0  }
0x134: {  	v0 =	vsel vm7, $0x0, v32  }
0x135: {  	v0 =	vadd.f32 v33, v0;
	_ =	sdelay $0x1  }
0x136: {  	v34 =	vld [tilespmem:s28+$0xE110];
	[tilespmem:s28+$0xE100] =	vst v0  }
0x137: {  	v35 =	vld [tilespmem:s26+$0x1910];
	_ =	sdelay $0x3  }
0x138: {  	v0 =	vsel vm7, $0x0, v34  }
0x139: {  	v0 =	vadd.f32 v35, v0;
	_ =	sdelay $0x1  }
0x13a: {  	v36 =	vld [tilespmem:s28+$0xE120];
	[tilespmem:s28+$0xE110] =	vst v0  }
0x13b: {  	v37 =	vld [tilespmem:s26+$0x1920];
	_ =	sdelay $0x3  }
0x13c: {  	v0 =	vsel vm7, $0x0, v36  }
0x13d: {  	v0 =	vadd.f32 v37, v0;
	_ =	sdelay $0x1  }
0x13e: {  	v38 =	vld [tilespmem:s28+$0xE130];
	[tilespmem:s28+$0xE120] =	vst v0  }
0x13f: {  	v39 =	vld [tilespmem:s26+$0x1930];
	_ =	sdelay $0x3  }
0x140: {  	v0 =	vsel vm7, $0x0, v38  }
0x141: {  	v0 =	vadd.f32 v39, v0;
	_ =	sdelay $0x1  }
0x142: {  	v40 =	vld [tilespmem:s28+$0xE140];
	[tilespmem:s28+$0xE130] =	vst v0  }
0x143: {  	v41 =	vld [tilespmem:s26+$0x1940];
	_ =	sdelay $0x3  }
0x144: {  	v0 =	vsel vm7, $0x0, v40  }
0x145: {  	v0 =	vadd.f32 v41, v0;
	_ =	sdelay $0x1  }
0x146: {  	v42 =	vld [tilespmem:s28+$0xE150];
	[tilespmem:s28+$0xE140] =	vst v0  }
0x147: {  	v43 =	vld [tilespmem:s26+$0x1950];
	_ =	sdelay $0x3  }
0x148: {  	v0 =	vsel vm7, $0x0, v42  }
0x149: {  	v0 =	vadd.f32 v43, v0;
	_ =	sdelay $0x1  }
0x14a: {  	v44 =	vld [tilespmem:s28+$0xE160];
	[tilespmem:s28+$0xE150] =	vst v0  }
0x14b: {  	v45 =	vld [tilespmem:s26+$0x1960];
	_ =	sdelay $0x3  }
0x14c: {  	v0 =	vsel vm7, $0x0, v44  }
0x14d: {  	v0 =	vadd.f32 v45, v0  }
0x14e: {  	s29 =	sor.u32 $0x8, s25  }
0x14f: {  	s31 =	sor.u32 s22, s29;
	v46 =	vld [tilespmem:s28+$0xE170];
	[tilespmem:s28+$0xE160] =	vst v0  }
0x150: {  	v48 =	vmov s31;
	v47 =	vld [tilespmem:s26+$0x1970]  }
0x151: {  	v2 =	vand.u32 $0xFFFFFFF8, v48  }
0x152: {  	v2 =	vbroadcast v2, $0x0;
	_ =	sdelay $0x1  }
0x153: {  	v0 =	vsel vm7, $0x0, v46  }
0x154: {  	v0 =	vadd.f32 v47, v0;
	_ =	sdelay $0x1  }
0x155: {  	s31 =	sadd.s32 s23, s29;
	s30 =	sshll.u32 s29, $0x7;
	[tilespmem:s28+$0xE170] =	vst v0  }
0x156: {  	s26 =	sshll.u32 s31, $0x7;
	s28 =	sand.u32 $0x3FFFFC00, s30;
	v0 =	vld.idx.msk [tilespmem:v2+s5+$0x0], $0xffff  }
0x157: {  	s26 =	sand.u32 $0x3FFFFF80, s26;
	v49 =	vld [tilespmem:s28+$0xE100]  }
0x158: {  	v50 =	vld [tilespmem:s26+$0x1900];
	_ =	sdelay $0x2  }
0x159: {  	vm8 =	veq.s32 v0, $0x0  }
0x15a: {  	v0 =	vsel vm8, $0x0, v49  }
0x15b: {  	v0 =	vadd.f32 v50, v0;
	_ =	sdelay $0x1  }
0x15c: {  	v51 =	vld [tilespmem:s28+$0xE110];
	[tilespmem:s28+$0xE100] =	vst v0  }
0x15d: {  	v52 =	vld [tilespmem:s26+$0x1910];
	_ =	sdelay $0x3  }
0x15e: {  	v0 =	vsel vm8, $0x0, v51  }
0x15f: {  	v0 =	vadd.f32 v52, v0;
	_ =	sdelay $0x1  }
0x160: {  	v53 =	vld [tilespmem:s28+$0xE120];
	[tilespmem:s28+$0xE110] =	vst v0  }
0x161: {  	v54 =	vld [tilespmem:s26+$0x1920];
	_ =	sdelay $0x3  }
0x162: {  	v0 =	vsel vm8, $0x0, v53  }
0x163: {  	v0 =	vadd.f32 v54, v0;
	_ =	sdelay $0x1  }
0x164: {  	v55 =	vld [tilespmem:s28+$0xE130];
	[tilespmem:s28+$0xE120] =	vst v0  }
0x165: {  	v56 =	vld [tilespmem:s26+$0x1930];
	_ =	sdelay $0x3  }
0x166: {  	v0 =	vsel vm8, $0x0, v55  }
0x167: {  	v0 =	vadd.f32 v56, v0;
	_ =	sdelay $0x1  }
0x168: {  	v57 =	vld [tilespmem:s28+$0xE140];
	[tilespmem:s28+$0xE130] =	vst v0  }
0x169: {  	v58 =	vld [tilespmem:s26+$0x1940];
	_ =	sdelay $0x3  }
0x16a: {  	v0 =	vsel vm8, $0x0, v57  }
0x16b: {  	v0 =	vadd.f32 v58, v0;
	_ =	sdelay $0x1  }
0x16c: {  	v59 =	vld [tilespmem:s28+$0xE150];
	[tilespmem:s28+$0xE140] =	vst v0  }
0x16d: {  	v60 =	vld [tilespmem:s26+$0x1950];
	_ =	sdelay $0x3  }
0x16e: {  	v0 =	vsel vm8, $0x0, v59  }
0x16f: {  	v0 =	vadd.f32 v60, v0;
	_ =	sdelay $0x1  }
0x170: {  	v61 =	vld [tilespmem:s28+$0xE160];
	[tilespmem:s28+$0xE150] =	vst v0  }
0x171: {  	v62 =	vld [tilespmem:s26+$0x1960];
	_ =	sdelay $0x3  }
0x172: {  	v0 =	vsel vm8, $0x0, v61  }
0x173: {  	v0 =	vadd.f32 v62, v0  }
0x174: {  	s29 =	sor.u32 $0x9, s25  }
0x175: {  	s31 =	sor.u32 s22, s29;
	v63 =	vld [tilespmem:s28+$0xE170];
	[tilespmem:s28+$0xE160] =	vst v0  }
0x176: {  	v5 =	vmov s31;
	v4 =	vld [tilespmem:s26+$0x1970]  }
0x177: {  	v2 =	vand.u32 $0xFFFFFFF9, v5  }
0x178: {  	v2 =	vbroadcast v2, $0x0;
	_ =	sdelay $0x1  }
0x179: {  	v0 =	vsel vm8, $0x0, v63  }
0x17a: {  	v0 =	vadd.f32 v4, v0;
	_ =	sdelay $0x1  }
0x17b: {  	s31 =	sadd.s32 s23, s29;
	s30 =	sshll.u32 s29, $0x7;
	[tilespmem:s28+$0xE170] =	vst v0  }
0x17c: {  	s26 =	sshll.u32 s31, $0x7;
	s28 =	sand.u32 $0x3FFFFC80, s30;
	v0 =	vld.idx.msk [tilespmem:v2+s5+$0x0], $0xffff  }
0x17d: {  	s26 =	sand.u32 $0x3FFFFF80, s26;
	v6 =	vld [tilespmem:s28+$0xE100]  }
0x17e: {  	v7 =	vld [tilespmem:s26+$0x1900];
	_ =	sdelay $0x2  }
0x17f: {  	vm9 =	veq.s32 v0, $0x0  }
0x180: {  	v0 =	vsel vm9, $0x0, v6  }
0x181: {  	v0 =	vadd.f32 v7, v0;
	_ =	sdelay $0x1  }
0x182: {  	v8 =	vld [tilespmem:s28+$0xE110];
	[tilespmem:s28+$0xE100] =	vst v0  }
0x183: {  	v9 =	vld [tilespmem:s26+$0x1910];
	_ =	sdelay $0x3  }
0x184: {  	v0 =	vsel vm9, $0x0, v8  }
0x185: {  	v0 =	vadd.f32 v9, v0;
	_ =	sdelay $0x1  }
0x186: {  	v10 =	vld [tilespmem:s28+$0xE120];
	[tilespmem:s28+$0xE110] =	vst v0  }
0x187: {  	v11 =	vld [tilespmem:s26+$0x1920];
	_ =	sdelay $0x3  }
0x188: {  	v0 =	vsel vm9, $0x0, v10  }
0x189: {  	v0 =	vadd.f32 v11, v0;
	_ =	sdelay $0x1  }
0x18a: {  	v12 =	vld [tilespmem:s28+$0xE130];
	[tilespmem:s28+$0xE120] =	vst v0  }
0x18b: {  	v13 =	vld [tilespmem:s26+$0x1930];
	_ =	sdelay $0x3  }
0x18c: {  	v0 =	vsel vm9, $0x0, v12  }
0x18d: {  	v0 =	vadd.f32 v13, v0;
	_ =	sdelay $0x1  }
0x18e: {  	v14 =	vld [tilespmem:s28+$0xE140];
	[tilespmem:s28+$0xE130] =	vst v0  }
0x18f: {  	v15 =	vld [tilespmem:s26+$0x1940];
	_ =	sdelay $0x3  }
0x190: {  	v0 =	vsel vm9, $0x0, v14  }
0x191: {  	v0 =	vadd.f32 v15, v0;
	_ =	sdelay $0x1  }
0x192: {  	v16 =	vld [tilespmem:s28+$0xE150];
	[tilespmem:s28+$0xE140] =	vst v0  }
0x193: {  	v17 =	vld [tilespmem:s26+$0x1950];
	_ =	sdelay $0x3  }
0x194: {  	v0 =	vsel vm9, $0x0, v16  }
0x195: {  	v0 =	vadd.f32 v17, v0;
	_ =	sdelay $0x1  }
0x196: {  	v18 =	vld [tilespmem:s28+$0xE160];
	[tilespmem:s28+$0xE150] =	vst v0  }
0x197: {  	v19 =	vld [tilespmem:s26+$0x1960];
	_ =	sdelay $0x3  }
0x198: {  	v0 =	vsel vm9, $0x0, v18  }
0x199: {  	v0 =	vadd.f32 v19, v0  }
0x19a: {  	s29 =	sor.u32 $0xA, s25  }
0x19b: {  	s31 =	sor.u32 s22, s29;
	v20 =	vld [tilespmem:s28+$0xE170];
	[tilespmem:s28+$0xE160] =	vst v0  }
0x19c: {  	v22 =	vmov s31;
	v21 =	vld [tilespmem:s26+$0x1970]  }
0x19d: {  	v2 =	vand.u32 $0xFFFFFFFA, v22  }
0x19e: {  	v2 =	vbroadcast v2, $0x0;
	_ =	sdelay $0x1  }
0x19f: {  	v0 =	vsel vm9, $0x0, v20  }
0x1a0: {  	v0 =	vadd.f32 v21, v0;
	_ =	sdelay $0x1  }
0x1a1: {  	s31 =	sadd.s32 s23, s29;
	s30 =	sshll.u32 s29, $0x7;
	[tilespmem:s28+$0xE170] =	vst v0  }
0x1a2: {  	s26 =	sshll.u32 s31, $0x7;
	s28 =	sand.u32 $0x3FFFFD00, s30;
	v0 =	vld.idx.msk [tilespmem:v2+s5+$0x0], $0xffff  }
0x1a3: {  	s26 =	sand.u32 $0x3FFFFF80, s26;
	v23 =	vld [tilespmem:s28+$0xE100]  }
0x1a4: {  	v24 =	vld [tilespmem:s26+$0x1900];
	_ =	sdelay $0x2  }
0x1a5: {  	vm10 =	veq.s32 v0, $0x0  }
0x1a6: {  	v0 =	vsel vm10, $0x0, v23  }
0x1a7: {  	v0 =	vadd.f32 v24, v0;
	_ =	sdelay $0x1  }
0x1a8: {  	v25 =	vld [tilespmem:s28+$0xE110];
	[tilespmem:s28+$0xE100] =	vst v0  }
0x1a9: {  	v26 =	vld [tilespmem:s26+$0x1910];
	_ =	sdelay $0x3  }
0x1aa: {  	v0 =	vsel vm10, $0x0, v25  }
0x1ab: {  	v0 =	vadd.f32 v26, v0;
	_ =	sdelay $0x1  }
0x1ac: {  	v27 =	vld [tilespmem:s28+$0xE120];
	[tilespmem:s28+$0xE110] =	vst v0  }
0x1ad: {  	v28 =	vld [tilespmem:s26+$0x1920];
	_ =	sdelay $0x3  }
0x1ae: {  	v0 =	vsel vm10, $0x0, v27  }
0x1af: {  	v0 =	vadd.f32 v28, v0;
	_ =	sdelay $0x1  }
0x1b0: {  	v29 =	vld [tilespmem:s28+$0xE130];
	[tilespmem:s28+$0xE120] =	vst v0  }
0x1b1: {  	v30 =	vld [tilespmem:s26+$0x1930];
	_ =	sdelay $0x3  }
0x1b2: {  	v0 =	vsel vm10, $0x0, v29  }
0x1b3: {  	v0 =	vadd.f32 v30, v0;
	_ =	sdelay $0x1  }
0x1b4: {  	v31 =	vld [tilespmem:s28+$0xE140];
	[tilespmem:s28+$0xE130] =	vst v0  }
0x1b5: {  	v32 =	vld [tilespmem:s26+$0x1940];
	_ =	sdelay $0x3  }
0x1b6: {  	v0 =	vsel vm10, $0x0, v31  }
0x1b7: {  	v0 =	vadd.f32 v32, v0;
	_ =	sdelay $0x1  }
0x1b8: {  	v33 =	vld [tilespmem:s28+$0xE150];
	[tilespmem:s28+$0xE140] =	vst v0  }
0x1b9: {  	v34 =	vld [tilespmem:s26+$0x1950];
	_ =	sdelay $0x3  }
0x1ba: {  	v0 =	vsel vm10, $0x0, v33  }
0x1bb: {  	v0 =	vadd.f32 v34, v0;
	_ =	sdelay $0x1  }
0x1bc: {  	v35 =	vld [tilespmem:s28+$0xE160];
	[tilespmem:s28+$0xE150] =	vst v0  }
0x1bd: {  	v36 =	vld [tilespmem:s26+$0x1960];
	_ =	sdelay $0x3  }
0x1be: {  	v0 =	vsel vm10, $0x0, v35  }
0x1bf: {  	v0 =	vadd.f32 v36, v0  }
0x1c0: {  	s29 =	sor.u32 $0xB, s25  }
0x1c1: {  	s31 =	sor.u32 s22, s29;
	v37 =	vld [tilespmem:s28+$0xE170];
	[tilespmem:s28+$0xE160] =	vst v0  }
0x1c2: {  	v39 =	vmov s31;
	v38 =	vld [tilespmem:s26+$0x1970]  }
0x1c3: {  	v2 =	vand.u32 $0xFFFFFFFB, v39  }
0x1c4: {  	v2 =	vbroadcast v2, $0x0;
	_ =	sdelay $0x1  }
0x1c5: {  	v0 =	vsel vm10, $0x0, v37  }
0x1c6: {  	v0 =	vadd.f32 v38, v0;
	_ =	sdelay $0x1  }
0x1c7: {  	s31 =	sadd.s32 s23, s29;
	s30 =	sshll.u32 s29, $0x7;
	[tilespmem:s28+$0xE170] =	vst v0  }
0x1c8: {  	s26 =	sshll.u32 s31, $0x7;
	s28 =	sand.u32 $0x3FFFFD80, s30;
	v0 =	vld.idx.msk [tilespmem:v2+s5+$0x0], $0xffff  }
0x1c9: {  	s26 =	sand.u32 $0x3FFFFF80, s26;
	v40 =	vld [tilespmem:s28+$0xE100]  }
0x1ca: {  	v41 =	vld [tilespmem:s26+$0x1900];
	_ =	sdelay $0x2  }
0x1cb: {  	vm11 =	veq.s32 v0, $0x0  }
0x1cc: {  	v0 =	vsel vm11, $0x0, v40  }
0x1cd: {  	v0 =	vadd.f32 v41, v0;
	_ =	sdelay $0x1  }
0x1ce: {  	v42 =	vld [tilespmem:s28+$0xE110];
	[tilespmem:s28+$0xE100] =	vst v0  }
0x1cf: {  	v43 =	vld [tilespmem:s26+$0x1910];
	_ =	sdelay $0x3  }
0x1d0: {  	v0 =	vsel vm11, $0x0, v42  }
0x1d1: {  	v0 =	vadd.f32 v43, v0;
	_ =	sdelay $0x1  }
0x1d2: {  	v44 =	vld [tilespmem:s28+$0xE120];
	[tilespmem:s28+$0xE110] =	vst v0  }
0x1d3: {  	v45 =	vld [tilespmem:s26+$0x1920];
	_ =	sdelay $0x3  }
0x1d4: {  	v0 =	vsel vm11, $0x0, v44  }
0x1d5: {  	v0 =	vadd.f32 v45, v0;
	_ =	sdelay $0x1  }
0x1d6: {  	v46 =	vld [tilespmem:s28+$0xE130];
	[tilespmem:s28+$0xE120] =	vst v0  }
0x1d7: {  	v47 =	vld [tilespmem:s26+$0x1930];
	_ =	sdelay $0x3  }
0x1d8: {  	v0 =	vsel vm11, $0x0, v46  }
0x1d9: {  	v0 =	vadd.f32 v47, v0;
	_ =	sdelay $0x1  }
0x1da: {  	v48 =	vld [tilespmem:s28+$0xE140];
	[tilespmem:s28+$0xE130] =	vst v0  }
0x1db: {  	v49 =	vld [tilespmem:s26+$0x1940];
	_ =	sdelay $0x3  }
0x1dc: {  	v0 =	vsel vm11, $0x0, v48  }
0x1dd: {  	v0 =	vadd.f32 v49, v0;
	_ =	sdelay $0x1  }
0x1de: {  	v50 =	vld [tilespmem:s28+$0xE150];
	[tilespmem:s28+$0xE140] =	vst v0  }
0x1df: {  	v51 =	vld [tilespmem:s26+$0x1950];
	_ =	sdelay $0x3  }
0x1e0: {  	v0 =	vsel vm11, $0x0, v50  }
0x1e1: {  	v0 =	vadd.f32 v51, v0;
	_ =	sdelay $0x1  }
0x1e2: {  	v52 =	vld [tilespmem:s28+$0xE160];
	[tilespmem:s28+$0xE150] =	vst v0  }
0x1e3: {  	v53 =	vld [tilespmem:s26+$0x1960];
	_ =	sdelay $0x3  }
0x1e4: {  	v0 =	vsel vm11, $0x0, v52  }
0x1e5: {  	v0 =	vadd.f32 v53, v0  }
0x1e6: {  	s29 =	sor.u32 $0xC, s25  }
0x1e7: {  	s31 =	sor.u32 s22, s29;
	v54 =	vld [tilespmem:s28+$0xE170];
	[tilespmem:s28+$0xE160] =	vst v0  }
0x1e8: {  	v56 =	vmov s31;
	v55 =	vld [tilespmem:s26+$0x1970]  }
0x1e9: {  	v2 =	vand.u32 $0xFFFFFFFC, v56  }
0x1ea: {  	v2 =	vbroadcast v2, $0x0;
	_ =	sdelay $0x1  }
0x1eb: {  	v0 =	vsel vm11, $0x0, v54  }
0x1ec: {  	v0 =	vadd.f32 v55, v0;
	_ =	sdelay $0x1  }
0x1ed: {  	s31 =	sadd.s32 s23, s29;
	s30 =	sshll.u32 s29, $0x7;
	[tilespmem:s28+$0xE170] =	vst v0  }
0x1ee: {  	s26 =	sshll.u32 s31, $0x7;
	s28 =	sand.u32 $0x3FFFFE00, s30;
	v0 =	vld.idx.msk [tilespmem:v2+s5+$0x0], $0xffff  }
0x1ef: {  	s26 =	sand.u32 $0x3FFFFF80, s26;
	v57 =	vld [tilespmem:s28+$0xE100]  }
0x1f0: {  	v58 =	vld [tilespmem:s26+$0x1900];
	_ =	sdelay $0x2  }
0x1f1: {  	vm12 =	veq.s32 v0, $0x0  }
0x1f2: {  	v0 =	vsel vm12, $0x0, v57  }
0x1f3: {  	v0 =	vadd.f32 v58, v0;
	_ =	sdelay $0x1  }
0x1f4: {  	v59 =	vld [tilespmem:s28+$0xE110];
	[tilespmem:s28+$0xE100] =	vst v0  }
0x1f5: {  	v60 =	vld [tilespmem:s26+$0x1910];
	_ =	sdelay $0x3  }
0x1f6: {  	v0 =	vsel vm12, $0x0, v59  }
0x1f7: {  	v0 =	vadd.f32 v60, v0;
	_ =	sdelay $0x1  }
0x1f8: {  	v61 =	vld [tilespmem:s28+$0xE120];
	[tilespmem:s28+$0xE110] =	vst v0  }
0x1f9: {  	v62 =	vld [tilespmem:s26+$0x1920];
	_ =	sdelay $0x3  }
0x1fa: {  	v0 =	vsel vm12, $0x0, v61  }
0x1fb: {  	v0 =	vadd.f32 v62, v0;
	_ =	sdelay $0x1  }
0x1fc: {  	v63 =	vld [tilespmem:s28+$0xE130];
	[tilespmem:s28+$0xE120] =	vst v0  }
0x1fd: {  	v4 =	vld [tilespmem:s26+$0x1930];
	_ =	sdelay $0x3  }
0x1fe: {  	v0 =	vsel vm12, $0x0, v63  }
0x1ff: {  	v0 =	vadd.f32 v4, v0;
	_ =	sdelay $0x1  }
0x200: {  	v5 =	vld [tilespmem:s28+$0xE140];
	[tilespmem:s28+$0xE130] =	vst v0  }
0x201: {  	v6 =	vld [tilespmem:s26+$0x1940];
	_ =	sdelay $0x3  }
0x202: {  	v0 =	vsel vm12, $0x0, v5  }
0x203: {  	v0 =	vadd.f32 v6, v0;
	_ =	sdelay $0x1  }
0x204: {  	v7 =	vld [tilespmem:s28+$0xE150];
	[tilespmem:s28+$0xE140] =	vst v0  }
0x205: {  	v8 =	vld [tilespmem:s26+$0x1950];
	_ =	sdelay $0x3  }
0x206: {  	v0 =	vsel vm12, $0x0, v7  }
0x207: {  	v0 =	vadd.f32 v8, v0;
	_ =	sdelay $0x1  }
0x208: {  	v9 =	vld [tilespmem:s28+$0xE160];
	[tilespmem:s28+$0xE150] =	vst v0  }
0x209: {  	v10 =	vld [tilespmem:s26+$0x1960];
	_ =	sdelay $0x3  }
0x20a: {  	v0 =	vsel vm12, $0x0, v9  }
0x20b: {  	v0 =	vadd.f32 v10, v0  }
0x20c: {  	s29 =	sor.u32 $0xD, s25  }
0x20d: {  	s31 =	sor.u32 s22, s29;
	v11 =	vld [tilespmem:s28+$0xE170];
	[tilespmem:s28+$0xE160] =	vst v0  }
0x20e: {  	v13 =	vmov s31;
	v12 =	vld [tilespmem:s26+$0x1970]  }
0x20f: {  	v2 =	vand.u32 $0xFFFFFFFD, v13  }
0x210: {  	v2 =	vbroadcast v2, $0x0;
	_ =	sdelay $0x1  }
0x211: {  	v0 =	vsel vm12, $0x0, v11  }
0x212: {  	v0 =	vadd.f32 v12, v0;
	_ =	sdelay $0x1  }
0x213: {  	s31 =	sadd.s32 s23, s29;
	s30 =	sshll.u32 s29, $0x7;
	[tilespmem:s28+$0xE170] =	vst v0  }
0x214: {  	s26 =	sshll.u32 s31, $0x7;
	s28 =	sand.u32 $0x3FFFFE80, s30;
	v0 =	vld.idx.msk [tilespmem:v2+s5+$0x0], $0xffff  }
0x215: {  	s26 =	sand.u32 $0x3FFFFF80, s26;
	v14 =	vld [tilespmem:s28+$0xE100]  }
0x216: {  	v15 =	vld [tilespmem:s26+$0x1900];
	_ =	sdelay $0x2  }
0x217: {  	vm13 =	veq.s32 v0, $0x0  }
0x218: {  	v0 =	vsel vm13, $0x0, v14  }
0x219: {  	v0 =	vadd.f32 v15, v0;
	_ =	sdelay $0x1  }
0x21a: {  	v16 =	vld [tilespmem:s28+$0xE110];
	[tilespmem:s28+$0xE100] =	vst v0  }
0x21b: {  	v17 =	vld [tilespmem:s26+$0x1910];
	_ =	sdelay $0x3  }
0x21c: {  	v0 =	vsel vm13, $0x0, v16  }
0x21d: {  	v0 =	vadd.f32 v17, v0;
	_ =	sdelay $0x1  }
0x21e: {  	v18 =	vld [tilespmem:s28+$0xE120];
	[tilespmem:s28+$0xE110] =	vst v0  }
0x21f: {  	v19 =	vld [tilespmem:s26+$0x1920];
	_ =	sdelay $0x3  }
0x220: {  	v0 =	vsel vm13, $0x0, v18  }
0x221: {  	v0 =	vadd.f32 v19, v0;
	_ =	sdelay $0x1  }
0x222: {  	v20 =	vld [tilespmem:s28+$0xE130];
	[tilespmem:s28+$0xE120] =	vst v0  }
0x223: {  	v21 =	vld [tilespmem:s26+$0x1930];
	_ =	sdelay $0x3  }
0x224: {  	v0 =	vsel vm13, $0x0, v20  }
0x225: {  	v0 =	vadd.f32 v21, v0;
	_ =	sdelay $0x1  }
0x226: {  	v22 =	vld [tilespmem:s28+$0xE140];
	[tilespmem:s28+$0xE130] =	vst v0  }
0x227: {  	v23 =	vld [tilespmem:s26+$0x1940];
	_ =	sdelay $0x3  }
0x228: {  	v0 =	vsel vm13, $0x0, v22  }
0x229: {  	v0 =	vadd.f32 v23, v0;
	_ =	sdelay $0x1  }
0x22a: {  	v24 =	vld [tilespmem:s28+$0xE150];
	[tilespmem:s28+$0xE140] =	vst v0  }
0x22b: {  	v25 =	vld [tilespmem:s26+$0x1950];
	_ =	sdelay $0x3  }
0x22c: {  	v0 =	vsel vm13, $0x0, v24  }
0x22d: {  	v0 =	vadd.f32 v25, v0;
	_ =	sdelay $0x1  }
0x22e: {  	v26 =	vld [tilespmem:s28+$0xE160];
	[tilespmem:s28+$0xE150] =	vst v0  }
0x22f: {  	v27 =	vld [tilespmem:s26+$0x1960];
	_ =	sdelay $0x3  }
0x230: {  	v0 =	vsel vm13, $0x0, v26  }
0x231: {  	v0 =	vadd.f32 v27, v0  }
0x232: {  	s25 =	sor.u32 $0xE, s25  }
0x233: {  	s31 =	sor.u32 s22, s25;
	v28 =	vld [tilespmem:s28+$0xE170];
	[tilespmem:s28+$0xE160] =	vst v0  }
0x234: {  	v30 =	vmov s31;
	v29 =	vld [tilespmem:s26+$0x1970]  }
0x235: {  	v2 =	vand.u32 $0xFFFFFFFE, v30  }
0x236: {  	v2 =	vbroadcast v2, $0x0;
	_ =	sdelay $0x1  }
0x237: {  	v0 =	vsel vm13, $0x0, v28  }
0x238: {  	v0 =	vadd.f32 v29, v0;
	_ =	sdelay $0x1  }
0x239: {  	[tilespmem:s28+$0xE170] =	vst v0;
	s28 =	sadd.s32 s23, s25;
	s25 =	sshll.u32 s25, $0x7  }
0x23a: {  	v0 =	vld.idx.msk [tilespmem:v2+s5+$0x0], $0xffff;
	s25 =	sand.u32 $0x3FFFFF00, s25;
	s26 =	sshll.u32 s28, $0x7  }
0x23b: {  	v31 =	vld [tilespmem:s25+$0xE100];
	s26 =	sand.u32 $0x3FFFFF80, s26  }
0x23c: {  	v32 =	vld [tilespmem:s26+$0x1900];
	_ =	sdelay $0x2  }
0x23d: {  	vm14 =	veq.s32 v0, $0x0  }
0x23e: {  	v0 =	vsel vm14, $0x0, v31  }
0x23f: {  	v0 =	vadd.f32 v32, v0;
	_ =	sdelay $0x1  }
0x240: {  	v33 =	vld [tilespmem:s25+$0xE110];
	[tilespmem:s25+$0xE100] =	vst v0  }
0x241: {  	v34 =	vld [tilespmem:s26+$0x1910];
	_ =	sdelay $0x3  }
0x242: {  	v0 =	vsel vm14, $0x0, v33  }
0x243: {  	v0 =	vadd.f32 v34, v0;
	_ =	sdelay $0x1  }
0x244: {  	v35 =	vld [tilespmem:s25+$0xE120];
	[tilespmem:s25+$0xE110] =	vst v0  }
0x245: {  	v36 =	vld [tilespmem:s26+$0x1920];
	_ =	sdelay $0x3  }
0x246: {  	v0 =	vsel vm14, $0x0, v35  }
0x247: {  	v0 =	vadd.f32 v36, v0;
	_ =	sdelay $0x1  }
0x248: {  	v37 =	vld [tilespmem:s25+$0xE130];
	[tilespmem:s25+$0xE120] =	vst v0  }
0x249: {  	v38 =	vld [tilespmem:s26+$0x1930];
	_ =	sdelay $0x3  }
0x24a: {  	v0 =	vsel vm14, $0x0, v37  }
0x24b: {  	v0 =	vadd.f32 v38, v0;
	_ =	sdelay $0x1  }
0x24c: {  	v39 =	vld [tilespmem:s25+$0xE140];
	[tilespmem:s25+$0xE130] =	vst v0  }
0x24d: {  	v40 =	vld [tilespmem:s26+$0x1940];
	_ =	sdelay $0x3  }
0x24e: {  	v0 =	vsel vm14, $0x0, v39  }
0x24f: {  	v0 =	vadd.f32 v40, v0;
	_ =	sdelay $0x1  }
0x250: {  	v41 =	vld [tilespmem:s25+$0xE150];
	[tilespmem:s25+$0xE140] =	vst v0  }
0x251: {  	v42 =	vld [tilespmem:s26+$0x1950];
	_ =	sdelay $0x3  }
0x252: {  	v0 =	vsel vm14, $0x0, v41  }
0x253: {  	v0 =	vadd.f32 v42, v0;
	_ =	sdelay $0x1  }
0x254: {  	v43 =	vld [tilespmem:s25+$0xE160];
	[tilespmem:s25+$0xE150] =	vst v0  }
0x255: {  	v44 =	vld [tilespmem:s26+$0x1960];
	_ =	sdelay $0x3  }
0x256: {  	v0 =	vsel vm14, $0x0, v43  }
0x257: {  	v0 =	vadd.f32 v44, v0;
	_ =	sdelay $0x1  }
0x258: {  	v45 =	vld [tilespmem:s25+$0xE170];
	[tilespmem:s25+$0xE160] =	vst v0  }
0x259: {  	v46 =	vld [tilespmem:s26+$0x1970]  }
0x25a: {  	s29 =	sshllo.u32 s24, $0x4  }
0x25b: {  	s30 =	sor.u32 s22, s29  }
0x25c: {  	v47 =	vmov s30  }
0x25d: {  	v0 =	vsel vm14, $0x0, v45  }
0x25e: {  	v0 =	vadd.f32 v46, v0;
	_ =	sdelay $0x1  }
0x25f: {  	s31 =	sadd.s32 s23, s29;
	s26 =	sshll.u32 s29, $0x7;
	[tilespmem:s25+$0xE170] =	vst v0  }
0x260: {  	s26 =	sand.u32 $0x3FFFFF80, s26;
	s25 =	sshll.u32 s31, $0x7;
	v0 =	vld.idx.msk [tilespmem:v47+s5+$0x0], $0xffff  }
0x261: {  	v48 =	vld [tilespmem:s26+$0xE100];
	s25 =	sand.u32 $0x3FFFFF80, s25  }
0x262: {  	v49 =	vld [tilespmem:s25+$0x1900];
	_ =	sdelay $0x2  }
0x263: {  	vm15 =	veq.s32 v0, $0x0  }
0x264: {  	v0 =	vsel vm15, $0x0, v48  }
0x265: {  	v0 =	vadd.f32 v49, v0;
	_ =	sdelay $0x1  }
0x266: {  	v50 =	vld [tilespmem:s26+$0xE110];
	[tilespmem:s26+$0xE100] =	vst v0  }
0x267: {  	v51 =	vld [tilespmem:s25+$0x1910];
	_ =	sdelay $0x3  }
0x268: {  	v0 =	vsel vm15, $0x0, v50  }
0x269: {  	v0 =	vadd.f32 v51, v0;
	_ =	sdelay $0x1  }
0x26a: {  	v52 =	vld [tilespmem:s26+$0xE120];
	[tilespmem:s26+$0xE110] =	vst v0  }
0x26b: {  	v53 =	vld [tilespmem:s25+$0x1920];
	_ =	sdelay $0x3  }
0x26c: {  	v0 =	vsel vm15, $0x0, v52  }
0x26d: {  	v0 =	vadd.f32 v53, v0;
	_ =	sdelay $0x1  }
0x26e: {  	v54 =	vld [tilespmem:s26+$0xE130];
	[tilespmem:s26+$0xE120] =	vst v0  }
0x26f: {  	v55 =	vld [tilespmem:s25+$0x1930];
	_ =	sdelay $0x3  }
0x270: {  	v0 =	vsel vm15, $0x0, v54  }
0x271: {  	v0 =	vadd.f32 v55, v0;
	_ =	sdelay $0x1  }
0x272: {  	v56 =	vld [tilespmem:s26+$0xE140];
	[tilespmem:s26+$0xE130] =	vst v0  }
0x273: {  	v57 =	vld [tilespmem:s25+$0x1940];
	_ =	sdelay $0x3  }
0x274: {  	v0 =	vsel vm15, $0x0, v56  }
0x275: {  	v0 =	vadd.f32 v57, v0;
	_ =	sdelay $0x1  }
0x276: {  	v58 =	vld [tilespmem:s26+$0xE150];
	[tilespmem:s26+$0xE140] =	vst v0  }
0x277: {  	v59 =	vld [tilespmem:s25+$0x1950];
	_ =	sdelay $0x3  }
0x278: {  	v0 =	vsel vm15, $0x0, v58  }
0x279: {  	v0 =	vadd.f32 v59, v0;
	_ =	sdelay $0x1  }
0x27a: {  	v60 =	vld [tilespmem:s26+$0xE160];
	[tilespmem:s26+$0xE150] =	vst v0  }
0x27b: {  	v61 =	vld [tilespmem:s25+$0x1960];
	_ =	sdelay $0x3  }
0x27c: {  	v0 =	vsel vm15, $0x0, v60  }
0x27d: {  	v0 =	vadd.f32 v61, v0;
	_ =	sdelay $0x1  }
0x27e: {  	v62 =	vld [tilespmem:s26+$0xE170];
	[tilespmem:s26+$0xE160] =	vst v0  }
0x27f: {  	v63 =	vld [tilespmem:s25+$0x1970];
	_ =	sdelay $0x1  }
0x280: {  	p0 =	sne.s32 s24, $0x7  }
.Ltmp0:
0x281: {  	_ = 	snop;
	(pc) =	sbr.rel @p0 .LBB2_3-.Ltmp0, $3  }
0x282: {  	v0 =	vsel vm15, $0x0, v62  }
0x283: {  	v0 =	vadd.f32 v63, v0;
	_ =	sdelay $0x1  }
0x284: {  	s24 =	sadd.s32 $0x1, s24;
	[tilespmem:s26+$0xE170] =	vst v0  }
0x285: {  	s22 =	sshll.u32 s19, $0xF  }
0x286: {  	s22 =	sadd.s32 s7, s22  }
0x287: {  	s22 =	sshrl.u32 s22, $0x3  }
0x288: {  	p0 =	seq.s32 s19, $0x18;
	s22 =	sadd.s32 s4, s22  }
0x289: {  	[hbm4b:s22+s5] =	stream.linear.scatter [tilespmem:s12], [sflag:$0x3], $0x4000, $0x38;
	[tilespmem:$0x16100] =	vst v63  }
0x28a: {  	s25 =	smulhi.u32 $0x51EB851F, s21;
	s22 =	simm.s32 @!p0 $0x3  }
0x28b: {  	s23 =	sshll.u32 @!p0 s19, $0x8;
	s24 =	simm.s32 @!p0 $0xE100;
	_ =	swait.ge @!p0 [sflag:s22], $0x4000  }
0x28c: {  	s23 =	sand.u32 @!p0 $0x3FFFFF00, s23;
	s31 =	sshrl.u32 s25, $0x6;
	[sflag:s22] =	ssyncset.done @!p0 $0x0  }
0x28d: {  	[sflag:s22] =	ssyncadd.s32 @!p0 $0xFFFFC000;
	s22 =	sadd.s32 @!p0 $0x100, s23;
	s23 =	simm.s32 @!p0 $0x80  }
0x28e: {  	[tilespmem:s24], [sflag:$0x1] =	stream.indirect.gather @!p0 [hbm4b:s1+s23], $0x80, s22, s23, $0xb8;
	[tilespmem:$0x16100] =	vst v63  }
0x28f: {  	s22 =	smul.u32 $0xC8, s31;
	_ =	swait.ge [sflag:s15], $0x4000  }
0x290: {  	[sflag:s15] =	ssyncset.done $0x0  }
0x291: {  	s23 =	simm.s32 $0x0;
	s22 =	ssub.s32 s21, s22;
	[sflag:s15] =	ssyncadd.s32 $0xFFFFC000  }
.LBB2_5:
0x292: {  	s24 =	sshll.u32 s23, $0x4  }
0x293: {  	s25 =	sor.u32 s21, s24  }
0x294: {  	v0 =	vmov s25  }
0x295: {  	v0 =	vand.u32 $0xFFFFFFF0, v0  }
0x296: {  	v0 =	vbroadcast v0, $0x0;
	_ =	sdelay $0x4  }
0x297: {  	s26 =	sshll.u32 s23, $0xB;
	s30 =	sadd.s32 s22, s24  }
0x298: {  	s26 =	sand.u32 $0x3FFFF800, s26;
	s25 =	sshll.u32 s30, $0x7;
	v0 =	vld.idx.msk [tilespmem:v0+s5+$0x0], $0xffff  }
0x299: {  	v1 =	vld [tilespmem:s26+$0x12100];
	s25 =	sand.u32 $0x3FFFFF80, s25  }
0x29a: {  	v2 =	vld [tilespmem:s25+$0x1900];
	_ =	sdelay $0x2  }
0x29b: {  	vm0 =	veq.s32 v0, $0x0  }
0x29c: {  	v0 =	vsel vm0, $0x0, v1  }
0x29d: {  	v0 =	vadd.f32 v2, v0;
	_ =	sdelay $0x1  }
0x29e: {  	v35 =	vld [tilespmem:s26+$0x12110];
	[tilespmem:s26+$0x12100] =	vst v0  }
0x29f: {  	v36 =	vld [tilespmem:s25+$0x1910];
	_ =	sdelay $0x3  }
0x2a0: {  	v0 =	vsel vm0, $0x0, v35  }
0x2a1: {  	v0 =	vadd.f32 v36, v0;
	_ =	sdelay $0x1  }
0x2a2: {  	v37 =	vld [tilespmem:s26+$0x12120];
	[tilespmem:s26+$0x12110] =	vst v0  }
0x2a3: {  	v38 =	vld [tilespmem:s25+$0x1920];
	_ =	sdelay $0x3  }
0x2a4: {  	v0 =	vsel vm0, $0x0, v37  }
0x2a5: {  	v0 =	vadd.f32 v38, v0;
	_ =	sdelay $0x1  }
0x2a6: {  	v39 =	vld [tilespmem:s26+$0x12130];
	[tilespmem:s26+$0x12120] =	vst v0  }
0x2a7: {  	v40 =	vld [tilespmem:s25+$0x1930];
	_ =	sdelay $0x3  }
0x2a8: {  	v0 =	vsel vm0, $0x0, v39  }
0x2a9: {  	v0 =	vadd.f32 v40, v0;
	_ =	sdelay $0x1  }
0x2aa: {  	v41 =	vld [tilespmem:s26+$0x12140];
	[tilespmem:s26+$0x12130] =	vst v0  }
0x2ab: {  	v42 =	vld [tilespmem:s25+$0x1940];
	_ =	sdelay $0x3  }
0x2ac: {  	v0 =	vsel vm0, $0x0, v41  }
0x2ad: {  	v0 =	vadd.f32 v42, v0;
	_ =	sdelay $0x1  }
0x2ae: {  	v43 =	vld [tilespmem:s26+$0x12150];
	[tilespmem:s26+$0x12140] =	vst v0  }
0x2af: {  	v44 =	vld [tilespmem:s25+$0x1950];
	_ =	sdelay $0x3  }
0x2b0: {  	v0 =	vsel vm0, $0x0, v43  }
0x2b1: {  	v0 =	vadd.f32 v44, v0;
	_ =	sdelay $0x1  }
0x2b2: {  	v45 =	vld [tilespmem:s26+$0x12160];
	[tilespmem:s26+$0x12150] =	vst v0  }
0x2b3: {  	v46 =	vld [tilespmem:s25+$0x1960];
	_ =	sdelay $0x3  }
0x2b4: {  	v0 =	vsel vm0, $0x0, v45  }
0x2b5: {  	v0 =	vadd.f32 v46, v0  }
0x2b6: {  	s28 =	sor.u32 $0x1, s24  }
0x2b7: {  	v47 =	vld [tilespmem:s26+$0x12170];
	s29 =	sor.u32 s21, s28;
	[tilespmem:s26+$0x12160] =	vst v0  }
0x2b8: {  	v49 =	vmov s29;
	v48 =	vld [tilespmem:s25+$0x1970]  }
0x2b9: {  	v2 =	vand.u32 $0xFFFFFFF1, v49  }
0x2ba: {  	v2 =	vbroadcast v2, $0x0;
	_ =	sdelay $0x1  }
0x2bb: {  	v0 =	vsel vm0, $0x0, v47  }
0x2bc: {  	v0 =	vadd.f32 v48, v0;
	_ =	sdelay $0x1  }
0x2bd: {  	s31 =	sadd.s32 s22, s28;
	s29 =	sshll.u32 s28, $0x7;
	[tilespmem:s26+$0x12170] =	vst v0  }
0x2be: {  	s25 =	sshll.u32 s31, $0x7;
	s26 =	sand.u32 $0x3FFFF880, s29;
	v0 =	vld.idx.msk [tilespmem:v2+s5+$0x0], $0xffff  }
0x2bf: {  	s25 =	sand.u32 $0x3FFFFF80, s25;
	v50 =	vld [tilespmem:s26+$0x12100]  }
0x2c0: {  	v51 =	vld [tilespmem:s25+$0x1900];
	_ =	sdelay $0x2  }
0x2c1: {  	vm13 =	veq.s32 v0, $0x0  }
0x2c2: {  	v0 =	vsel vm13, $0x0, v50  }
0x2c3: {  	v0 =	vadd.f32 v51, v0;
	_ =	sdelay $0x1  }
0x2c4: {  	v52 =	vld [tilespmem:s26+$0x12110];
	[tilespmem:s26+$0x12100] =	vst v0  }
0x2c5: {  	v53 =	vld [tilespmem:s25+$0x1910];
	_ =	sdelay $0x3  }
0x2c6: {  	v0 =	vsel vm13, $0x0, v52  }
0x2c7: {  	v0 =	vadd.f32 v53, v0;
	_ =	sdelay $0x1  }
0x2c8: {  	v54 =	vld [tilespmem:s26+$0x12120];
	[tilespmem:s26+$0x12110] =	vst v0  }
0x2c9: {  	v55 =	vld [tilespmem:s25+$0x1920];
	_ =	sdelay $0x3  }
0x2ca: {  	v0 =	vsel vm13, $0x0, v54  }
0x2cb: {  	v0 =	vadd.f32 v55, v0;
	_ =	sdelay $0x1  }
0x2cc: {  	v56 =	vld [tilespmem:s26+$0x12130];
	[tilespmem:s26+$0x12120] =	vst v0  }
0x2cd: {  	v57 =	vld [tilespmem:s25+$0x1930];
	_ =	sdelay $0x3  }
0x2ce: {  	v0 =	vsel vm13, $0x0, v56  }
0x2cf: {  	v0 =	vadd.f32 v57, v0;
	_ =	sdelay $0x1  }
0x2d0: {  	v58 =	vld [tilespmem:s26+$0x12140];
	[tilespmem:s26+$0x12130] =	vst v0  }
0x2d1: {  	v59 =	vld [tilespmem:s25+$0x1940];
	_ =	sdelay $0x3  }
0x2d2: {  	v0 =	vsel vm13, $0x0, v58  }
0x2d3: {  	v0 =	vadd.f32 v59, v0;
	_ =	sdelay $0x1  }
0x2d4: {  	v60 =	vld [tilespmem:s26+$0x12150];
	[tilespmem:s26+$0x12140] =	vst v0  }
0x2d5: {  	v61 =	vld [tilespmem:s25+$0x1950];
	_ =	sdelay $0x3  }
0x2d6: {  	v0 =	vsel vm13, $0x0, v60  }
0x2d7: {  	v0 =	vadd.f32 v61, v0;
	_ =	sdelay $0x1  }
0x2d8: {  	v62 =	vld [tilespmem:s26+$0x12160];
	[tilespmem:s26+$0x12150] =	vst v0  }
0x2d9: {  	v63 =	vld [tilespmem:s25+$0x1960];
	_ =	sdelay $0x3  }
0x2da: {  	v0 =	vsel vm13, $0x0, v62  }
0x2db: {  	v0 =	vadd.f32 v63, v0  }
0x2dc: {  	s28 =	sor.u32 $0x2, s24  }
0x2dd: {  	s30 =	sor.u32 s21, s28;
	v4 =	vld [tilespmem:s26+$0x12170];
	[tilespmem:s26+$0x12160] =	vst v0  }
0x2de: {  	v6 =	vmov s30;
	v5 =	vld [tilespmem:s25+$0x1970]  }
0x2df: {  	v2 =	vand.u32 $0xFFFFFFF2, v6  }
0x2e0: {  	v2 =	vbroadcast v2, $0x0;
	_ =	sdelay $0x1  }
0x2e1: {  	v0 =	vsel vm13, $0x0, v4  }
0x2e2: {  	v0 =	vadd.f32 v5, v0;
	_ =	sdelay $0x1  }
0x2e3: {  	s31 =	sadd.s32 s22, s28;
	s29 =	sshll.u32 s28, $0x7;
	[tilespmem:s26+$0x12170] =	vst v0  }
0x2e4: {  	s25 =	sshll.u32 s31, $0x7;
	s26 =	sand.u32 $0x3FFFF900, s29;
	v0 =	vld.idx.msk [tilespmem:v2+s5+$0x0], $0xffff  }
0x2e5: {  	s25 =	sand.u32 $0x3FFFFF80, s25;
	v7 =	vld [tilespmem:s26+$0x12100]  }
0x2e6: {  	v8 =	vld [tilespmem:s25+$0x1900];
	_ =	sdelay $0x2  }
0x2e7: {  	vm14 =	veq.s32 v0, $0x0  }
0x2e8: {  	v0 =	vsel vm14, $0x0, v7  }
0x2e9: {  	v0 =	vadd.f32 v8, v0;
	_ =	sdelay $0x1  }
0x2ea: {  	v9 =	vld [tilespmem:s26+$0x12110];
	[tilespmem:s26+$0x12100] =	vst v0  }
0x2eb: {  	v10 =	vld [tilespmem:s25+$0x1910];
	_ =	sdelay $0x3  }
0x2ec: {  	v0 =	vsel vm14, $0x0, v9  }
0x2ed: {  	v0 =	vadd.f32 v10, v0;
	_ =	sdelay $0x1  }
0x2ee: {  	v11 =	vld [tilespmem:s26+$0x12120];
	[tilespmem:s26+$0x12110] =	vst v0  }
0x2ef: {  	v12 =	vld [tilespmem:s25+$0x1920];
	_ =	sdelay $0x3  }
0x2f0: {  	v0 =	vsel vm14, $0x0, v11  }
0x2f1: {  	v0 =	vadd.f32 v12, v0;
	_ =	sdelay $0x1  }
0x2f2: {  	v13 =	vld [tilespmem:s26+$0x12130];
	[tilespmem:s26+$0x12120] =	vst v0  }
0x2f3: {  	v14 =	vld [tilespmem:s25+$0x1930];
	_ =	sdelay $0x3  }
0x2f4: {  	v0 =	vsel vm14, $0x0, v13  }
0x2f5: {  	v0 =	vadd.f32 v14, v0;
	_ =	sdelay $0x1  }
0x2f6: {  	v15 =	vld [tilespmem:s26+$0x12140];
	[tilespmem:s26+$0x12130] =	vst v0  }
0x2f7: {  	v16 =	vld [tilespmem:s25+$0x1940];
	_ =	sdelay $0x3  }
0x2f8: {  	v0 =	vsel vm14, $0x0, v15  }
0x2f9: {  	v0 =	vadd.f32 v16, v0;
	_ =	sdelay $0x1  }
0x2fa: {  	v17 =	vld [tilespmem:s26+$0x12150];
	[tilespmem:s26+$0x12140] =	vst v0  }
0x2fb: {  	v18 =	vld [tilespmem:s25+$0x1950];
	_ =	sdelay $0x3  }
0x2fc: {  	v0 =	vsel vm14, $0x0, v17  }
0x2fd: {  	v0 =	vadd.f32 v18, v0;
	_ =	sdelay $0x1  }
0x2fe: {  	v19 =	vld [tilespmem:s26+$0x12160];
	[tilespmem:s26+$0x12150] =	vst v0  }
0x2ff: {  	v20 =	vld [tilespmem:s25+$0x1960];
	_ =	sdelay $0x3  }
0x300: {  	v0 =	vsel vm14, $0x0, v19  }
0x301: {  	v0 =	vadd.f32 v20, v0  }
0x302: {  	s28 =	sor.u32 $0x3, s24  }
0x303: {  	s30 =	sor.u32 s21, s28;
	v21 =	vld [tilespmem:s26+$0x12170];
	[tilespmem:s26+$0x12160] =	vst v0  }
0x304: {  	v23 =	vmov s30;
	v22 =	vld [tilespmem:s25+$0x1970]  }
0x305: {  	v2 =	vand.u32 $0xFFFFFFF3, v23  }
0x306: {  	v2 =	vbroadcast v2, $0x0;
	_ =	sdelay $0x1  }
0x307: {  	v0 =	vsel vm14, $0x0, v21  }
0x308: {  	v0 =	vadd.f32 v22, v0;
	_ =	sdelay $0x1  }
0x309: {  	s31 =	sadd.s32 s22, s28;
	s29 =	sshll.u32 s28, $0x7;
	[tilespmem:s26+$0x12170] =	vst v0  }
0x30a: {  	s25 =	sshll.u32 s31, $0x7;
	s26 =	sand.u32 $0x3FFFF980, s29;
	v0 =	vld.idx.msk [tilespmem:v2+s5+$0x0], $0xffff  }
0x30b: {  	s25 =	sand.u32 $0x3FFFFF80, s25;
	v24 =	vld [tilespmem:s26+$0x12100]  }
0x30c: {  	v25 =	vld [tilespmem:s25+$0x1900];
	_ =	sdelay $0x2  }
0x30d: {  	vm15 =	veq.s32 v0, $0x0  }
0x30e: {  	v0 =	vsel vm15, $0x0, v24  }
0x30f: {  	v0 =	vadd.f32 v25, v0;
	_ =	sdelay $0x1  }
0x310: {  	v26 =	vld [tilespmem:s26+$0x12110];
	[tilespmem:s26+$0x12100] =	vst v0  }
0x311: {  	v27 =	vld [tilespmem:s25+$0x1910];
	_ =	sdelay $0x3  }
0x312: {  	v0 =	vsel vm15, $0x0, v26  }
0x313: {  	v0 =	vadd.f32 v27, v0;
	_ =	sdelay $0x1  }
0x314: {  	v28 =	vld [tilespmem:s26+$0x12120];
	[tilespmem:s26+$0x12110] =	vst v0  }
0x315: {  	v29 =	vld [tilespmem:s25+$0x1920];
	_ =	sdelay $0x3  }
0x316: {  	v0 =	vsel vm15, $0x0, v28  }
0x317: {  	v0 =	vadd.f32 v29, v0;
	_ =	sdelay $0x1  }
0x318: {  	v30 =	vld [tilespmem:s26+$0x12130];
	[tilespmem:s26+$0x12120] =	vst v0  }
0x319: {  	v31 =	vld [tilespmem:s25+$0x1930];
	_ =	sdelay $0x3  }
0x31a: {  	v0 =	vsel vm15, $0x0, v30  }
0x31b: {  	v0 =	vadd.f32 v31, v0;
	_ =	sdelay $0x1  }
0x31c: {  	v32 =	vld [tilespmem:s26+$0x12140];
	[tilespmem:s26+$0x12130] =	vst v0  }
0x31d: {  	v33 =	vld [tilespmem:s25+$0x1940];
	_ =	sdelay $0x3  }
0x31e: {  	v0 =	vsel vm15, $0x0, v32  }
0x31f: {  	v0 =	vadd.f32 v33, v0;
	_ =	sdelay $0x1  }
0x320: {  	v34 =	vld [tilespmem:s26+$0x12150];
	[tilespmem:s26+$0x12140] =	vst v0  }
0x321: {  	v35 =	vld [tilespmem:s25+$0x1950];
	_ =	sdelay $0x3  }
0x322: {  	v0 =	vsel vm15, $0x0, v34  }
0x323: {  	v0 =	vadd.f32 v35, v0;
	_ =	sdelay $0x1  }
0x324: {  	v36 =	vld [tilespmem:s26+$0x12160];
	[tilespmem:s26+$0x12150] =	vst v0  }
0x325: {  	v37 =	vld [tilespmem:s25+$0x1960];
	_ =	sdelay $0x3  }
0x326: {  	v0 =	vsel vm15, $0x0, v36  }
0x327: {  	v0 =	vadd.f32 v37, v0  }
0x328: {  	s28 =	sor.u32 $0x4, s24  }
0x329: {  	s30 =	sor.u32 s21, s28;
	v38 =	vld [tilespmem:s26+$0x12170];
	[tilespmem:s26+$0x12160] =	vst v0  }
0x32a: {  	v40 =	vmov s30;
	v39 =	vld [tilespmem:s25+$0x1970]  }
0x32b: {  	v2 =	vand.u32 $0xFFFFFFF4, v40  }
0x32c: {  	v2 =	vbroadcast v2, $0x0;
	_ =	sdelay $0x1  }
0x32d: {  	v0 =	vsel vm15, $0x0, v38  }
0x32e: {  	v0 =	vadd.f32 v39, v0;
	_ =	sdelay $0x1  }
0x32f: {  	s31 =	sadd.s32 s22, s28;
	s29 =	sshll.u32 s28, $0x7;
	[tilespmem:s26+$0x12170] =	vst v0  }
0x330: {  	s25 =	sshll.u32 s31, $0x7;
	s26 =	sand.u32 $0x3FFFFA00, s29;
	v0 =	vld.idx.msk [tilespmem:v2+s5+$0x0], $0xffff  }
0x331: {  	s25 =	sand.u32 $0x3FFFFF80, s25;
	v41 =	vld [tilespmem:s26+$0x12100]  }
0x332: {  	v42 =	vld [tilespmem:s25+$0x1900];
	_ =	sdelay $0x2  }
0x333: {  	vm4 =	veq.s32 v0, $0x0  }
0x334: {  	v0 =	vsel vm4, $0x0, v41  }
0x335: {  	v0 =	vadd.f32 v42, v0;
	_ =	sdelay $0x1  }
0x336: {  	v43 =	vld [tilespmem:s26+$0x12110];
	[tilespmem:s26+$0x12100] =	vst v0  }
0x337: {  	v44 =	vld [tilespmem:s25+$0x1910];
	_ =	sdelay $0x3  }
0x338: {  	v0 =	vsel vm4, $0x0, v43  }
0x339: {  	v0 =	vadd.f32 v44, v0;
	_ =	sdelay $0x1  }
0x33a: {  	v45 =	vld [tilespmem:s26+$0x12120];
	[tilespmem:s26+$0x12110] =	vst v0  }
0x33b: {  	v46 =	vld [tilespmem:s25+$0x1920];
	_ =	sdelay $0x3  }
0x33c: {  	v0 =	vsel vm4, $0x0, v45  }
0x33d: {  	v0 =	vadd.f32 v46, v0;
	_ =	sdelay $0x1  }
0x33e: {  	v47 =	vld [tilespmem:s26+$0x12130];
	[tilespmem:s26+$0x12120] =	vst v0  }
0x33f: {  	v48 =	vld [tilespmem:s25+$0x1930];
	_ =	sdelay $0x3  }
0x340: {  	v0 =	vsel vm4, $0x0, v47  }
0x341: {  	v0 =	vadd.f32 v48, v0;
	_ =	sdelay $0x1  }
0x342: {  	v49 =	vld [tilespmem:s26+$0x12140];
	[tilespmem:s26+$0x12130] =	vst v0  }
0x343: {  	v50 =	vld [tilespmem:s25+$0x1940];
	_ =	sdelay $0x3  }
0x344: {  	v0 =	vsel vm4, $0x0, v49  }
0x345: {  	v0 =	vadd.f32 v50, v0;
	_ =	sdelay $0x1  }
0x346: {  	v51 =	vld [tilespmem:s26+$0x12150];
	[tilespmem:s26+$0x12140] =	vst v0  }
0x347: {  	v52 =	vld [tilespmem:s25+$0x1950];
	_ =	sdelay $0x3  }
0x348: {  	v0 =	vsel vm4, $0x0, v51  }
0x349: {  	v0 =	vadd.f32 v52, v0;
	_ =	sdelay $0x1  }
0x34a: {  	v53 =	vld [tilespmem:s26+$0x12160];
	[tilespmem:s26+$0x12150] =	vst v0  }
0x34b: {  	v54 =	vld [tilespmem:s25+$0x1960];
	_ =	sdelay $0x3  }
0x34c: {  	v0 =	vsel vm4, $0x0, v53  }
0x34d: {  	v0 =	vadd.f32 v54, v0  }
0x34e: {  	s28 =	sor.u32 $0x5, s24  }
0x34f: {  	s30 =	sor.u32 s21, s28;
	v55 =	vld [tilespmem:s26+$0x12170];
	[tilespmem:s26+$0x12160] =	vst v0  }
0x350: {  	v57 =	vmov s30;
	v56 =	vld [tilespmem:s25+$0x1970]  }
0x351: {  	v2 =	vand.u32 $0xFFFFFFF5, v57  }
0x352: {  	v2 =	vbroadcast v2, $0x0;
	_ =	sdelay $0x1  }
0x353: {  	v0 =	vsel vm4, $0x0, v55  }
0x354: {  	v0 =	vadd.f32 v56, v0;
	_ =	sdelay $0x1  }
0x355: {  	s31 =	sadd.s32 s22, s28;
	s29 =	sshll.u32 s28, $0x7;
	[tilespmem:s26+$0x12170] =	vst v0  }
0x356: {  	s25 =	sshll.u32 s31, $0x7;
	s26 =	sand.u32 $0x3FFFFA80, s29;
	v0 =	vld.idx.msk [tilespmem:v2+s5+$0x0], $0xffff  }
0x357: {  	s25 =	sand.u32 $0x3FFFFF80, s25;
	v58 =	vld [tilespmem:s26+$0x12100]  }
0x358: {  	v59 =	vld [tilespmem:s25+$0x1900];
	_ =	sdelay $0x2  }
0x359: {  	vm5 =	veq.s32 v0, $0x0  }
0x35a: {  	v0 =	vsel vm5, $0x0, v58  }
0x35b: {  	v0 =	vadd.f32 v59, v0;
	_ =	sdelay $0x1  }
0x35c: {  	v60 =	vld [tilespmem:s26+$0x12110];
	[tilespmem:s26+$0x12100] =	vst v0  }
0x35d: {  	v61 =	vld [tilespmem:s25+$0x1910];
	_ =	sdelay $0x3  }
0x35e: {  	v0 =	vsel vm5, $0x0, v60  }
0x35f: {  	v0 =	vadd.f32 v61, v0;
	_ =	sdelay $0x1  }
0x360: {  	v62 =	vld [tilespmem:s26+$0x12120];
	[tilespmem:s26+$0x12110] =	vst v0  }
0x361: {  	v63 =	vld [tilespmem:s25+$0x1920];
	_ =	sdelay $0x3  }
0x362: {  	v0 =	vsel vm5, $0x0, v62  }
0x363: {  	v0 =	vadd.f32 v63, v0;
	_ =	sdelay $0x1  }
0x364: {  	v4 =	vld [tilespmem:s26+$0x12130];
	[tilespmem:s26+$0x12120] =	vst v0  }
0x365: {  	v5 =	vld [tilespmem:s25+$0x1930];
	_ =	sdelay $0x3  }
0x366: {  	v0 =	vsel vm5, $0x0, v4  }
0x367: {  	v0 =	vadd.f32 v5, v0;
	_ =	sdelay $0x1  }
0x368: {  	v6 =	vld [tilespmem:s26+$0x12140];
	[tilespmem:s26+$0x12130] =	vst v0  }
0x369: {  	v7 =	vld [tilespmem:s25+$0x1940];
	_ =	sdelay $0x3  }
0x36a: {  	v0 =	vsel vm5, $0x0, v6  }
0x36b: {  	v0 =	vadd.f32 v7, v0;
	_ =	sdelay $0x1  }
0x36c: {  	v8 =	vld [tilespmem:s26+$0x12150];
	[tilespmem:s26+$0x12140] =	vst v0  }
0x36d: {  	v9 =	vld [tilespmem:s25+$0x1950];
	_ =	sdelay $0x3  }
0x36e: {  	v0 =	vsel vm5, $0x0, v8  }
0x36f: {  	v0 =	vadd.f32 v9, v0;
	_ =	sdelay $0x1  }
0x370: {  	v10 =	vld [tilespmem:s26+$0x12160];
	[tilespmem:s26+$0x12150] =	vst v0  }
0x371: {  	v11 =	vld [tilespmem:s25+$0x1960];
	_ =	sdelay $0x3  }
0x372: {  	v0 =	vsel vm5, $0x0, v10  }
0x373: {  	v0 =	vadd.f32 v11, v0  }
0x374: {  	s28 =	sor.u32 $0x6, s24  }
0x375: {  	s30 =	sor.u32 s21, s28;
	v12 =	vld [tilespmem:s26+$0x12170];
	[tilespmem:s26+$0x12160] =	vst v0  }
0x376: {  	v14 =	vmov s30;
	v13 =	vld [tilespmem:s25+$0x1970]  }
0x377: {  	v2 =	vand.u32 $0xFFFFFFF6, v14  }
0x378: {  	v2 =	vbroadcast v2, $0x0;
	_ =	sdelay $0x1  }
0x379: {  	v0 =	vsel vm5, $0x0, v12  }
0x37a: {  	v0 =	vadd.f32 v13, v0;
	_ =	sdelay $0x1  }
0x37b: {  	s31 =	sadd.s32 s22, s28;
	s29 =	sshll.u32 s28, $0x7;
	[tilespmem:s26+$0x12170] =	vst v0  }
0x37c: {  	s25 =	sshll.u32 s31, $0x7;
	s26 =	sand.u32 $0x3FFFFB00, s29;
	v0 =	vld.idx.msk [tilespmem:v2+s5+$0x0], $0xffff  }
0x37d: {  	s25 =	sand.u32 $0x3FFFFF80, s25;
	v15 =	vld [tilespmem:s26+$0x12100]  }
0x37e: {  	v16 =	vld [tilespmem:s25+$0x1900];
	_ =	sdelay $0x2  }
0x37f: {  	vm6 =	veq.s32 v0, $0x0  }
0x380: {  	v0 =	vsel vm6, $0x0, v15  }
0x381: {  	v0 =	vadd.f32 v16, v0;
	_ =	sdelay $0x1  }
0x382: {  	v17 =	vld [tilespmem:s26+$0x12110];
	[tilespmem:s26+$0x12100] =	vst v0  }
0x383: {  	v18 =	vld [tilespmem:s25+$0x1910];
	_ =	sdelay $0x3  }
0x384: {  	v0 =	vsel vm6, $0x0, v17  }
0x385: {  	v0 =	vadd.f32 v18, v0;
	_ =	sdelay $0x1  }
0x386: {  	v19 =	vld [tilespmem:s26+$0x12120];
	[tilespmem:s26+$0x12110] =	vst v0  }
0x387: {  	v20 =	vld [tilespmem:s25+$0x1920];
	_ =	sdelay $0x3  }
0x388: {  	v0 =	vsel vm6, $0x0, v19  }
0x389: {  	v0 =	vadd.f32 v20, v0;
	_ =	sdelay $0x1  }
0x38a: {  	v21 =	vld [tilespmem:s26+$0x12130];
	[tilespmem:s26+$0x12120] =	vst v0  }
0x38b: {  	v22 =	vld [tilespmem:s25+$0x1930];
	_ =	sdelay $0x3  }
0x38c: {  	v0 =	vsel vm6, $0x0, v21  }
0x38d: {  	v0 =	vadd.f32 v22, v0;
	_ =	sdelay $0x1  }
0x38e: {  	v23 =	vld [tilespmem:s26+$0x12140];
	[tilespmem:s26+$0x12130] =	vst v0  }
0x38f: {  	v24 =	vld [tilespmem:s25+$0x1940];
	_ =	sdelay $0x3  }
0x390: {  	v0 =	vsel vm6, $0x0, v23  }
0x391: {  	v0 =	vadd.f32 v24, v0;
	_ =	sdelay $0x1  }
0x392: {  	v25 =	vld [tilespmem:s26+$0x12150];
	[tilespmem:s26+$0x12140] =	vst v0  }
0x393: {  	v26 =	vld [tilespmem:s25+$0x1950];
	_ =	sdelay $0x3  }
0x394: {  	v0 =	vsel vm6, $0x0, v25  }
0x395: {  	v0 =	vadd.f32 v26, v0;
	_ =	sdelay $0x1  }
0x396: {  	v27 =	vld [tilespmem:s26+$0x12160];
	[tilespmem:s26+$0x12150] =	vst v0  }
0x397: {  	v28 =	vld [tilespmem:s25+$0x1960];
	_ =	sdelay $0x3  }
0x398: {  	v0 =	vsel vm6, $0x0, v27  }
0x399: {  	v0 =	vadd.f32 v28, v0  }
0x39a: {  	s28 =	sor.u32 $0x7, s24  }
0x39b: {  	s30 =	sor.u32 s21, s28;
	v29 =	vld [tilespmem:s26+$0x12170];
	[tilespmem:s26+$0x12160] =	vst v0  }
0x39c: {  	v31 =	vmov s30;
	v30 =	vld [tilespmem:s25+$0x1970]  }
0x39d: {  	v2 =	vand.u32 $0xFFFFFFF7, v31  }
0x39e: {  	v2 =	vbroadcast v2, $0x0;
	_ =	sdelay $0x1  }
0x39f: {  	v0 =	vsel vm6, $0x0, v29  }
0x3a0: {  	v0 =	vadd.f32 v30, v0;
	_ =	sdelay $0x1  }
0x3a1: {  	s31 =	sadd.s32 s22, s28;
	s29 =	sshll.u32 s28, $0x7;
	[tilespmem:s26+$0x12170] =	vst v0  }
0x3a2: {  	s25 =	sshll.u32 s31, $0x7;
	s26 =	sand.u32 $0x3FFFFB80, s29;
	v0 =	vld.idx.msk [tilespmem:v2+s5+$0x0], $0xffff  }
0x3a3: {  	s25 =	sand.u32 $0x3FFFFF80, s25;
	v32 =	vld [tilespmem:s26+$0x12100]  }
0x3a4: {  	v33 =	vld [tilespmem:s25+$0x1900];
	_ =	sdelay $0x2  }
0x3a5: {  	vm7 =	veq.s32 v0, $0x0  }
0x3a6: {  	v0 =	vsel vm7, $0x0, v32  }
0x3a7: {  	v0 =	vadd.f32 v33, v0;
	_ =	sdelay $0x1  }
0x3a8: {  	v34 =	vld [tilespmem:s26+$0x12110];
	[tilespmem:s26+$0x12100] =	vst v0  }
0x3a9: {  	v35 =	vld [tilespmem:s25+$0x1910];
	_ =	sdelay $0x3  }
0x3aa: {  	v0 =	vsel vm7, $0x0, v34  }
0x3ab: {  	v0 =	vadd.f32 v35, v0;
	_ =	sdelay $0x1  }
0x3ac: {  	v36 =	vld [tilespmem:s26+$0x12120];
	[tilespmem:s26+$0x12110] =	vst v0  }
0x3ad: {  	v37 =	vld [tilespmem:s25+$0x1920];
	_ =	sdelay $0x3  }
0x3ae: {  	v0 =	vsel vm7, $0x0, v36  }
0x3af: {  	v0 =	vadd.f32 v37, v0;
	_ =	sdelay $0x1  }
0x3b0: {  	v38 =	vld [tilespmem:s26+$0x12130];
	[tilespmem:s26+$0x12120] =	vst v0  }
0x3b1: {  	v39 =	vld [tilespmem:s25+$0x1930];
	_ =	sdelay $0x3  }
0x3b2: {  	v0 =	vsel vm7, $0x0, v38  }
0x3b3: {  	v0 =	vadd.f32 v39, v0;
	_ =	sdelay $0x1  }
0x3b4: {  	v40 =	vld [tilespmem:s26+$0x12140];
	[tilespmem:s26+$0x12130] =	vst v0  }
0x3b5: {  	v41 =	vld [tilespmem:s25+$0x1940];
	_ =	sdelay $0x3  }
0x3b6: {  	v0 =	vsel vm7, $0x0, v40  }
0x3b7: {  	v0 =	vadd.f32 v41, v0;
	_ =	sdelay $0x1  }
0x3b8: {  	v42 =	vld [tilespmem:s26+$0x12150];
	[tilespmem:s26+$0x12140] =	vst v0  }
0x3b9: {  	v43 =	vld [tilespmem:s25+$0x1950];
	_ =	sdelay $0x3  }
0x3ba: {  	v0 =	vsel vm7, $0x0, v42  }
0x3bb: {  	v0 =	vadd.f32 v43, v0;
	_ =	sdelay $0x1  }
0x3bc: {  	v44 =	vld [tilespmem:s26+$0x12160];
	[tilespmem:s26+$0x12150] =	vst v0  }
0x3bd: {  	v45 =	vld [tilespmem:s25+$0x1960];
	_ =	sdelay $0x3  }
0x3be: {  	v0 =	vsel vm7, $0x0, v44  }
0x3bf: {  	v0 =	vadd.f32 v45, v0  }
0x3c0: {  	s28 =	sor.u32 $0x8, s24  }
0x3c1: {  	s30 =	sor.u32 s21, s28;
	v46 =	vld [tilespmem:s26+$0x12170];
	[tilespmem:s26+$0x12160] =	vst v0  }
0x3c2: {  	v48 =	vmov s30;
	v47 =	vld [tilespmem:s25+$0x1970]  }
0x3c3: {  	v2 =	vand.u32 $0xFFFFFFF8, v48  }
0x3c4: {  	v2 =	vbroadcast v2, $0x0;
	_ =	sdelay $0x1  }
0x3c5: {  	v0 =	vsel vm7, $0x0, v46  }
0x3c6: {  	v0 =	vadd.f32 v47, v0;
	_ =	sdelay $0x1  }
0x3c7: {  	s31 =	sadd.s32 s22, s28;
	s29 =	sshll.u32 s28, $0x7;
	[tilespmem:s26+$0x12170] =	vst v0  }
0x3c8: {  	s25 =	sshll.u32 s31, $0x7;
	s26 =	sand.u32 $0x3FFFFC00, s29;
	v0 =	vld.idx.msk [tilespmem:v2+s5+$0x0], $0xffff  }
0x3c9: {  	s25 =	sand.u32 $0x3FFFFF80, s25;
	v49 =	vld [tilespmem:s26+$0x12100]  }
0x3ca: {  	v50 =	vld [tilespmem:s25+$0x1900];
	_ =	sdelay $0x2  }
0x3cb: {  	vm8 =	veq.s32 v0, $0x0  }
0x3cc: {  	v0 =	vsel vm8, $0x0, v49  }
0x3cd: {  	v0 =	vadd.f32 v50, v0;
	_ =	sdelay $0x1  }
0x3ce: {  	v51 =	vld [tilespmem:s26+$0x12110];
	[tilespmem:s26+$0x12100] =	vst v0  }
0x3cf: {  	v52 =	vld [tilespmem:s25+$0x1910];
	_ =	sdelay $0x3  }
0x3d0: {  	v0 =	vsel vm8, $0x0, v51  }
0x3d1: {  	v0 =	vadd.f32 v52, v0;
	_ =	sdelay $0x1  }
0x3d2: {  	v53 =	vld [tilespmem:s26+$0x12120];
	[tilespmem:s26+$0x12110] =	vst v0  }
0x3d3: {  	v54 =	vld [tilespmem:s25+$0x1920];
	_ =	sdelay $0x3  }
0x3d4: {  	v0 =	vsel vm8, $0x0, v53  }
0x3d5: {  	v0 =	vadd.f32 v54, v0;
	_ =	sdelay $0x1  }
0x3d6: {  	v55 =	vld [tilespmem:s26+$0x12130];
	[tilespmem:s26+$0x12120] =	vst v0  }
0x3d7: {  	v56 =	vld [tilespmem:s25+$0x1930];
	_ =	sdelay $0x3  }
0x3d8: {  	v0 =	vsel vm8, $0x0, v55  }
0x3d9: {  	v0 =	vadd.f32 v56, v0;
	_ =	sdelay $0x1  }
0x3da: {  	v57 =	vld [tilespmem:s26+$0x12140];
	[tilespmem:s26+$0x12130] =	vst v0  }
0x3db: {  	v58 =	vld [tilespmem:s25+$0x1940];
	_ =	sdelay $0x3  }
0x3dc: {  	v0 =	vsel vm8, $0x0, v57  }
0x3dd: {  	v0 =	vadd.f32 v58, v0;
	_ =	sdelay $0x1  }
0x3de: {  	v59 =	vld [tilespmem:s26+$0x12150];
	[tilespmem:s26+$0x12140] =	vst v0  }
0x3df: {  	v60 =	vld [tilespmem:s25+$0x1950];
	_ =	sdelay $0x3  }
0x3e0: {  	v0 =	vsel vm8, $0x0, v59  }
0x3e1: {  	v0 =	vadd.f32 v60, v0;
	_ =	sdelay $0x1  }
0x3e2: {  	v61 =	vld [tilespmem:s26+$0x12160];
	[tilespmem:s26+$0x12150] =	vst v0  }
0x3e3: {  	v62 =	vld [tilespmem:s25+$0x1960];
	_ =	sdelay $0x3  }
0x3e4: {  	v0 =	vsel vm8, $0x0, v61  }
0x3e5: {  	v0 =	vadd.f32 v62, v0  }
0x3e6: {  	s28 =	sor.u32 $0x9, s24  }
0x3e7: {  	s30 =	sor.u32 s21, s28;
	v63 =	vld [tilespmem:s26+$0x12170];
	[tilespmem:s26+$0x12160] =	vst v0  }
0x3e8: {  	v5 =	vmov s30;
	v4 =	vld [tilespmem:s25+$0x1970]  }
0x3e9: {  	v2 =	vand.u32 $0xFFFFFFF9, v5  }
0x3ea: {  	v2 =	vbroadcast v2, $0x0;
	_ =	sdelay $0x1  }
0x3eb: {  	v0 =	vsel vm8, $0x0, v63  }
0x3ec: {  	v0 =	vadd.f32 v4, v0;
	_ =	sdelay $0x1  }
0x3ed: {  	s31 =	sadd.s32 s22, s28;
	s29 =	sshll.u32 s28, $0x7;
	[tilespmem:s26+$0x12170] =	vst v0  }
0x3ee: {  	s25 =	sshll.u32 s31, $0x7;
	s26 =	sand.u32 $0x3FFFFC80, s29;
	v0 =	vld.idx.msk [tilespmem:v2+s5+$0x0], $0xffff  }
0x3ef: {  	s25 =	sand.u32 $0x3FFFFF80, s25;
	v6 =	vld [tilespmem:s26+$0x12100]  }
0x3f0: {  	v7 =	vld [tilespmem:s25+$0x1900];
	_ =	sdelay $0x2  }
0x3f1: {  	vm9 =	veq.s32 v0, $0x0  }
0x3f2: {  	v0 =	vsel vm9, $0x0, v6  }
0x3f3: {  	v0 =	vadd.f32 v7, v0;
	_ =	sdelay $0x1  }
0x3f4: {  	v8 =	vld [tilespmem:s26+$0x12110];
	[tilespmem:s26+$0x12100] =	vst v0  }
0x3f5: {  	v9 =	vld [tilespmem:s25+$0x1910];
	_ =	sdelay $0x3  }
0x3f6: {  	v0 =	vsel vm9, $0x0, v8  }
0x3f7: {  	v0 =	vadd.f32 v9, v0;
	_ =	sdelay $0x1  }
0x3f8: {  	v10 =	vld [tilespmem:s26+$0x12120];
	[tilespmem:s26+$0x12110] =	vst v0  }
0x3f9: {  	v11 =	vld [tilespmem:s25+$0x1920];
	_ =	sdelay $0x3  }
0x3fa: {  	v0 =	vsel vm9, $0x0, v10  }
0x3fb: {  	v0 =	vadd.f32 v11, v0;
	_ =	sdelay $0x1  }
0x3fc: {  	v12 =	vld [tilespmem:s26+$0x12130];
	[tilespmem:s26+$0x12120] =	vst v0  }
0x3fd: {  	v13 =	vld [tilespmem:s25+$0x1930];
	_ =	sdelay $0x3  }
0x3fe: {  	v0 =	vsel vm9, $0x0, v12  }
0x3ff: {  	v0 =	vadd.f32 v13, v0;
	_ =	sdelay $0x1  }
0x400: {  	v14 =	vld [tilespmem:s26+$0x12140];
	[tilespmem:s26+$0x12130] =	vst v0  }
0x401: {  	v15 =	vld [tilespmem:s25+$0x1940];
	_ =	sdelay $0x3  }
0x402: {  	v0 =	vsel vm9, $0x0, v14  }
0x403: {  	v0 =	vadd.f32 v15, v0;
	_ =	sdelay $0x1  }
0x404: {  	v16 =	vld [tilespmem:s26+$0x12150];
	[tilespmem:s26+$0x12140] =	vst v0  }
0x405: {  	v17 =	vld [tilespmem:s25+$0x1950];
	_ =	sdelay $0x3  }
0x406: {  	v0 =	vsel vm9, $0x0, v16  }
0x407: {  	v0 =	vadd.f32 v17, v0;
	_ =	sdelay $0x1  }
0x408: {  	v18 =	vld [tilespmem:s26+$0x12160];
	[tilespmem:s26+$0x12150] =	vst v0  }
0x409: {  	v19 =	vld [tilespmem:s25+$0x1960];
	_ =	sdelay $0x3  }
0x40a: {  	v0 =	vsel vm9, $0x0, v18  }
0x40b: {  	v0 =	vadd.f32 v19, v0  }
0x40c: {  	s28 =	sor.u32 $0xA, s24  }
0x40d: {  	s30 =	sor.u32 s21, s28;
	v20 =	vld [tilespmem:s26+$0x12170];
	[tilespmem:s26+$0x12160] =	vst v0  }
0x40e: {  	v22 =	vmov s30;
	v21 =	vld [tilespmem:s25+$0x1970]  }
0x40f: {  	v2 =	vand.u32 $0xFFFFFFFA, v22  }
0x410: {  	v2 =	vbroadcast v2, $0x0;
	_ =	sdelay $0x1  }
0x411: {  	v0 =	vsel vm9, $0x0, v20  }
0x412: {  	v0 =	vadd.f32 v21, v0;
	_ =	sdelay $0x1  }
0x413: {  	s31 =	sadd.s32 s22, s28;
	s29 =	sshll.u32 s28, $0x7;
	[tilespmem:s26+$0x12170] =	vst v0  }
0x414: {  	s25 =	sshll.u32 s31, $0x7;
	s26 =	sand.u32 $0x3FFFFD00, s29;
	v0 =	vld.idx.msk [tilespmem:v2+s5+$0x0], $0xffff  }
0x415: {  	s25 =	sand.u32 $0x3FFFFF80, s25;
	v23 =	vld [tilespmem:s26+$0x12100]  }
0x416: {  	v24 =	vld [tilespmem:s25+$0x1900];
	_ =	sdelay $0x2  }
0x417: {  	vm10 =	veq.s32 v0, $0x0  }
0x418: {  	v0 =	vsel vm10, $0x0, v23  }
0x419: {  	v0 =	vadd.f32 v24, v0;
	_ =	sdelay $0x1  }
0x41a: {  	v25 =	vld [tilespmem:s26+$0x12110];
	[tilespmem:s26+$0x12100] =	vst v0  }
0x41b: {  	v26 =	vld [tilespmem:s25+$0x1910];
	_ =	sdelay $0x3  }
0x41c: {  	v0 =	vsel vm10, $0x0, v25  }
0x41d: {  	v0 =	vadd.f32 v26, v0;
	_ =	sdelay $0x1  }
0x41e: {  	v27 =	vld [tilespmem:s26+$0x12120];
	[tilespmem:s26+$0x12110] =	vst v0  }
0x41f: {  	v28 =	vld [tilespmem:s25+$0x1920];
	_ =	sdelay $0x3  }
0x420: {  	v0 =	vsel vm10, $0x0, v27  }
0x421: {  	v0 =	vadd.f32 v28, v0;
	_ =	sdelay $0x1  }
0x422: {  	v29 =	vld [tilespmem:s26+$0x12130];
	[tilespmem:s26+$0x12120] =	vst v0  }
0x423: {  	v30 =	vld [tilespmem:s25+$0x1930];
	_ =	sdelay $0x3  }
0x424: {  	v0 =	vsel vm10, $0x0, v29  }
0x425: {  	v0 =	vadd.f32 v30, v0;
	_ =	sdelay $0x1  }
0x426: {  	v31 =	vld [tilespmem:s26+$0x12140];
	[tilespmem:s26+$0x12130] =	vst v0  }
0x427: {  	v32 =	vld [tilespmem:s25+$0x1940];
	_ =	sdelay $0x3  }
0x428: {  	v0 =	vsel vm10, $0x0, v31  }
0x429: {  	v0 =	vadd.f32 v32, v0;
	_ =	sdelay $0x1  }
0x42a: {  	v33 =	vld [tilespmem:s26+$0x12150];
	[tilespmem:s26+$0x12140] =	vst v0  }
0x42b: {  	v34 =	vld [tilespmem:s25+$0x1950];
	_ =	sdelay $0x3  }
0x42c: {  	v0 =	vsel vm10, $0x0, v33  }
0x42d: {  	v0 =	vadd.f32 v34, v0;
	_ =	sdelay $0x1  }
0x42e: {  	v35 =	vld [tilespmem:s26+$0x12160];
	[tilespmem:s26+$0x12150] =	vst v0  }
0x42f: {  	v36 =	vld [tilespmem:s25+$0x1960];
	_ =	sdelay $0x3  }
0x430: {  	v0 =	vsel vm10, $0x0, v35  }
0x431: {  	v0 =	vadd.f32 v36, v0  }
0x432: {  	s28 =	sor.u32 $0xB, s24  }
0x433: {  	s30 =	sor.u32 s21, s28;
	v37 =	vld [tilespmem:s26+$0x12170];
	[tilespmem:s26+$0x12160] =	vst v0  }
0x434: {  	v39 =	vmov s30;
	v38 =	vld [tilespmem:s25+$0x1970]  }
0x435: {  	v2 =	vand.u32 $0xFFFFFFFB, v39  }
0x436: {  	v2 =	vbroadcast v2, $0x0;
	_ =	sdelay $0x1  }
0x437: {  	v0 =	vsel vm10, $0x0, v37  }
0x438: {  	v0 =	vadd.f32 v38, v0;
	_ =	sdelay $0x1  }
0x439: {  	s31 =	sadd.s32 s22, s28;
	s29 =	sshll.u32 s28, $0x7;
	[tilespmem:s26+$0x12170] =	vst v0  }
0x43a: {  	s25 =	sshll.u32 s31, $0x7;
	s26 =	sand.u32 $0x3FFFFD80, s29;
	v0 =	vld.idx.msk [tilespmem:v2+s5+$0x0], $0xffff  }
0x43b: {  	s25 =	sand.u32 $0x3FFFFF80, s25;
	v40 =	vld [tilespmem:s26+$0x12100]  }
0x43c: {  	v41 =	vld [tilespmem:s25+$0x1900];
	_ =	sdelay $0x2  }
0x43d: {  	vm11 =	veq.s32 v0, $0x0  }
0x43e: {  	v0 =	vsel vm11, $0x0, v40  }
0x43f: {  	v0 =	vadd.f32 v41, v0;
	_ =	sdelay $0x1  }
0x440: {  	v42 =	vld [tilespmem:s26+$0x12110];
	[tilespmem:s26+$0x12100] =	vst v0  }
0x441: {  	v43 =	vld [tilespmem:s25+$0x1910];
	_ =	sdelay $0x3  }
0x442: {  	v0 =	vsel vm11, $0x0, v42  }
0x443: {  	v0 =	vadd.f32 v43, v0;
	_ =	sdelay $0x1  }
0x444: {  	v44 =	vld [tilespmem:s26+$0x12120];
	[tilespmem:s26+$0x12110] =	vst v0  }
0x445: {  	v45 =	vld [tilespmem:s25+$0x1920];
	_ =	sdelay $0x3  }
0x446: {  	v0 =	vsel vm11, $0x0, v44  }
0x447: {  	v0 =	vadd.f32 v45, v0;
	_ =	sdelay $0x1  }
0x448: {  	v46 =	vld [tilespmem:s26+$0x12130];
	[tilespmem:s26+$0x12120] =	vst v0  }
0x449: {  	v47 =	vld [tilespmem:s25+$0x1930];
	_ =	sdelay $0x3  }
0x44a: {  	v0 =	vsel vm11, $0x0, v46  }
0x44b: {  	v0 =	vadd.f32 v47, v0;
	_ =	sdelay $0x1  }
0x44c: {  	v48 =	vld [tilespmem:s26+$0x12140];
	[tilespmem:s26+$0x12130] =	vst v0  }
0x44d: {  	v49 =	vld [tilespmem:s25+$0x1940];
	_ =	sdelay $0x3  }
0x44e: {  	v0 =	vsel vm11, $0x0, v48  }
0x44f: {  	v0 =	vadd.f32 v49, v0;
	_ =	sdelay $0x1  }
0x450: {  	v50 =	vld [tilespmem:s26+$0x12150];
	[tilespmem:s26+$0x12140] =	vst v0  }
0x451: {  	v51 =	vld [tilespmem:s25+$0x1950];
	_ =	sdelay $0x3  }
0x452: {  	v0 =	vsel vm11, $0x0, v50  }
0x453: {  	v0 =	vadd.f32 v51, v0;
	_ =	sdelay $0x1  }
0x454: {  	v52 =	vld [tilespmem:s26+$0x12160];
	[tilespmem:s26+$0x12150] =	vst v0  }
0x455: {  	v53 =	vld [tilespmem:s25+$0x1960];
	_ =	sdelay $0x3  }
0x456: {  	v0 =	vsel vm11, $0x0, v52  }
0x457: {  	v0 =	vadd.f32 v53, v0  }
0x458: {  	s28 =	sor.u32 $0xC, s24  }
0x459: {  	s30 =	sor.u32 s21, s28;
	v54 =	vld [tilespmem:s26+$0x12170];
	[tilespmem:s26+$0x12160] =	vst v0  }
0x45a: {  	v56 =	vmov s30;
	v55 =	vld [tilespmem:s25+$0x1970]  }
0x45b: {  	v2 =	vand.u32 $0xFFFFFFFC, v56  }
0x45c: {  	v2 =	vbroadcast v2, $0x0;
	_ =	sdelay $0x1  }
0x45d: {  	v0 =	vsel vm11, $0x0, v54  }
0x45e: {  	v0 =	vadd.f32 v55, v0;
	_ =	sdelay $0x1  }
0x45f: {  	s31 =	sadd.s32 s22, s28;
	s29 =	sshll.u32 s28, $0x7;
	[tilespmem:s26+$0x12170] =	vst v0  }
0x460: {  	s25 =	sshll.u32 s31, $0x7;
	s26 =	sand.u32 $0x3FFFFE00, s29;
	v0 =	vld.idx.msk [tilespmem:v2+s5+$0x0], $0xffff  }
0x461: {  	s25 =	sand.u32 $0x3FFFFF80, s25;
	v57 =	vld [tilespmem:s26+$0x12100]  }
0x462: {  	v58 =	vld [tilespmem:s25+$0x1900];
	_ =	sdelay $0x2  }
0x463: {  	vm12 =	veq.s32 v0, $0x0  }
0x464: {  	v0 =	vsel vm12, $0x0, v57  }
0x465: {  	v0 =	vadd.f32 v58, v0;
	_ =	sdelay $0x1  }
0x466: {  	v59 =	vld [tilespmem:s26+$0x12110];
	[tilespmem:s26+$0x12100] =	vst v0  }
0x467: {  	v60 =	vld [tilespmem:s25+$0x1910];
	_ =	sdelay $0x3  }
0x468: {  	v0 =	vsel vm12, $0x0, v59  }
0x469: {  	v0 =	vadd.f32 v60, v0;
	_ =	sdelay $0x1  }
0x46a: {  	v61 =	vld [tilespmem:s26+$0x12120];
	[tilespmem:s26+$0x12110] =	vst v0  }
0x46b: {  	v62 =	vld [tilespmem:s25+$0x1920];
	_ =	sdelay $0x3  }
0x46c: {  	v0 =	vsel vm12, $0x0, v61  }
0x46d: {  	v0 =	vadd.f32 v62, v0;
	_ =	sdelay $0x1  }
0x46e: {  	v63 =	vld [tilespmem:s26+$0x12130];
	[tilespmem:s26+$0x12120] =	vst v0  }
0x46f: {  	v4 =	vld [tilespmem:s25+$0x1930];
	_ =	sdelay $0x3  }
0x470: {  	v0 =	vsel vm12, $0x0, v63  }
0x471: {  	v0 =	vadd.f32 v4, v0;
	_ =	sdelay $0x1  }
0x472: {  	v5 =	vld [tilespmem:s26+$0x12140];
	[tilespmem:s26+$0x12130] =	vst v0  }
0x473: {  	v6 =	vld [tilespmem:s25+$0x1940];
	_ =	sdelay $0x3  }
0x474: {  	v0 =	vsel vm12, $0x0, v5  }
0x475: {  	v0 =	vadd.f32 v6, v0;
	_ =	sdelay $0x1  }
0x476: {  	v7 =	vld [tilespmem:s26+$0x12150];
	[tilespmem:s26+$0x12140] =	vst v0  }
0x477: {  	v8 =	vld [tilespmem:s25+$0x1950];
	_ =	sdelay $0x3  }
0x478: {  	v0 =	vsel vm12, $0x0, v7  }
0x479: {  	v0 =	vadd.f32 v8, v0;
	_ =	sdelay $0x1  }
0x47a: {  	v9 =	vld [tilespmem:s26+$0x12160];
	[tilespmem:s26+$0x12150] =	vst v0  }
0x47b: {  	v10 =	vld [tilespmem:s25+$0x1960];
	_ =	sdelay $0x3  }
0x47c: {  	v0 =	vsel vm12, $0x0, v9  }
0x47d: {  	v0 =	vadd.f32 v10, v0  }
0x47e: {  	s30 =	sor.u32 $0xD, s24  }
0x47f: {  	s31 =	sor.u32 s21, s30;
	v11 =	vld [tilespmem:s26+$0x12170];
	[tilespmem:s26+$0x12160] =	vst v0  }
0x480: {  	v13 =	vmov s31;
	v12 =	vld [tilespmem:s25+$0x1970]  }
0x481: {  	v2 =	vand.u32 $0xFFFFFFFD, v13  }
0x482: {  	v2 =	vbroadcast v2, $0x0;
	_ =	sdelay $0x1  }
0x483: {  	v0 =	vsel vm12, $0x0, v11  }
0x484: {  	v0 =	vadd.f32 v12, v0;
	_ =	sdelay $0x1  }
0x485: {  	s29 =	sadd.s32 s22, s30;
	s30 =	sshll.u32 s30, $0x7;
	[tilespmem:s26+$0x12170] =	vst v0  }
0x486: {  	s25 =	sshll.u32 s29, $0x7;
	s26 =	sand.u32 $0x3FFFFE80, s30;
	v0 =	vld.idx.msk [tilespmem:v2+s5+$0x0], $0xffff  }
0x487: {  	s25 =	sand.u32 $0x3FFFFF80, s25;
	v14 =	vld [tilespmem:s26+$0x12100]  }
0x488: {  	v15 =	vld [tilespmem:s25+$0x1900];
	_ =	sdelay $0x2  }
0x489: {  	vm13 =	veq.s32 v0, $0x0  }
0x48a: {  	v0 =	vsel vm13, $0x0, v14  }
0x48b: {  	v0 =	vadd.f32 v15, v0;
	_ =	sdelay $0x1  }
0x48c: {  	v16 =	vld [tilespmem:s26+$0x12110];
	[tilespmem:s26+$0x12100] =	vst v0  }
0x48d: {  	v17 =	vld [tilespmem:s25+$0x1910];
	_ =	sdelay $0x3  }
0x48e: {  	v0 =	vsel vm13, $0x0, v16  }
0x48f: {  	v0 =	vadd.f32 v17, v0;
	_ =	sdelay $0x1  }
0x490: {  	v18 =	vld [tilespmem:s26+$0x12120];
	[tilespmem:s26+$0x12110] =	vst v0  }
0x491: {  	v19 =	vld [tilespmem:s25+$0x1920];
	_ =	sdelay $0x3  }
0x492: {  	v0 =	vsel vm13, $0x0, v18  }
0x493: {  	v0 =	vadd.f32 v19, v0;
	_ =	sdelay $0x1  }
0x494: {  	v20 =	vld [tilespmem:s26+$0x12130];
	[tilespmem:s26+$0x12120] =	vst v0  }
0x495: {  	v21 =	vld [tilespmem:s25+$0x1930];
	_ =	sdelay $0x3  }
0x496: {  	v0 =	vsel vm13, $0x0, v20  }
0x497: {  	v0 =	vadd.f32 v21, v0;
	_ =	sdelay $0x1  }
0x498: {  	v22 =	vld [tilespmem:s26+$0x12140];
	[tilespmem:s26+$0x12130] =	vst v0  }
0x499: {  	v23 =	vld [tilespmem:s25+$0x1940];
	_ =	sdelay $0x3  }
0x49a: {  	v0 =	vsel vm13, $0x0, v22  }
0x49b: {  	v0 =	vadd.f32 v23, v0;
	_ =	sdelay $0x1  }
0x49c: {  	v24 =	vld [tilespmem:s26+$0x12150];
	[tilespmem:s26+$0x12140] =	vst v0  }
0x49d: {  	v25 =	vld [tilespmem:s25+$0x1950];
	_ =	sdelay $0x3  }
0x49e: {  	v0 =	vsel vm13, $0x0, v24  }
0x49f: {  	v0 =	vadd.f32 v25, v0;
	_ =	sdelay $0x1  }
0x4a0: {  	v26 =	vld [tilespmem:s26+$0x12160];
	[tilespmem:s26+$0x12150] =	vst v0  }
0x4a1: {  	v27 =	vld [tilespmem:s25+$0x1960];
	_ =	sdelay $0x3  }
0x4a2: {  	v0 =	vsel vm13, $0x0, v26  }
0x4a3: {  	v0 =	vadd.f32 v27, v0  }
0x4a4: {  	s24 =	sor.u32 $0xE, s24  }
0x4a5: {  	s31 =	sor.u32 s21, s24;
	v28 =	vld [tilespmem:s26+$0x12170];
	[tilespmem:s26+$0x12160] =	vst v0  }
0x4a6: {  	v30 =	vmov s31;
	v29 =	vld [tilespmem:s25+$0x1970]  }
0x4a7: {  	v2 =	vand.u32 $0xFFFFFFFE, v30  }
0x4a8: {  	v2 =	vbroadcast v2, $0x0;
	_ =	sdelay $0x1  }
0x4a9: {  	v0 =	vsel vm13, $0x0, v28  }
0x4aa: {  	v0 =	vadd.f32 v29, v0;
	_ =	sdelay $0x1  }
0x4ab: {  	s28 =	sadd.s32 s22, s24;
	s24 =	sshll.u32 s24, $0x7;
	[tilespmem:s26+$0x12170] =	vst v0  }
0x4ac: {  	s24 =	sand.u32 $0x3FFFFF00, s24;
	s25 =	sshll.u32 s28, $0x7;
	v0 =	vld.idx.msk [tilespmem:v2+s5+$0x0], $0xffff  }
0x4ad: {  	s25 =	sand.u32 $0x3FFFFF80, s25;
	v31 =	vld [tilespmem:s24+$0x12100]  }
0x4ae: {  	v32 =	vld [tilespmem:s25+$0x1900];
	_ =	sdelay $0x2  }
0x4af: {  	vm14 =	veq.s32 v0, $0x0  }
0x4b0: {  	v0 =	vsel vm14, $0x0, v31  }
0x4b1: {  	v0 =	vadd.f32 v32, v0;
	_ =	sdelay $0x1  }
0x4b2: {  	v33 =	vld [tilespmem:s24+$0x12110];
	[tilespmem:s24+$0x12100] =	vst v0  }
0x4b3: {  	v34 =	vld [tilespmem:s25+$0x1910];
	_ =	sdelay $0x3  }
0x4b4: {  	v0 =	vsel vm14, $0x0, v33  }
0x4b5: {  	v0 =	vadd.f32 v34, v0;
	_ =	sdelay $0x1  }
0x4b6: {  	v35 =	vld [tilespmem:s24+$0x12120];
	[tilespmem:s24+$0x12110] =	vst v0  }
0x4b7: {  	v36 =	vld [tilespmem:s25+$0x1920];
	_ =	sdelay $0x3  }
0x4b8: {  	v0 =	vsel vm14, $0x0, v35  }
0x4b9: {  	v0 =	vadd.f32 v36, v0;
	_ =	sdelay $0x1  }
0x4ba: {  	v37 =	vld [tilespmem:s24+$0x12130];
	[tilespmem:s24+$0x12120] =	vst v0  }
0x4bb: {  	v38 =	vld [tilespmem:s25+$0x1930];
	_ =	sdelay $0x3  }
0x4bc: {  	v0 =	vsel vm14, $0x0, v37  }
0x4bd: {  	v0 =	vadd.f32 v38, v0;
	_ =	sdelay $0x1  }
0x4be: {  	v39 =	vld [tilespmem:s24+$0x12140];
	[tilespmem:s24+$0x12130] =	vst v0  }
0x4bf: {  	v40 =	vld [tilespmem:s25+$0x1940];
	_ =	sdelay $0x3  }
0x4c0: {  	v0 =	vsel vm14, $0x0, v39  }
0x4c1: {  	v0 =	vadd.f32 v40, v0;
	_ =	sdelay $0x1  }
0x4c2: {  	v41 =	vld [tilespmem:s24+$0x12150];
	[tilespmem:s24+$0x12140] =	vst v0  }
0x4c3: {  	v42 =	vld [tilespmem:s25+$0x1950];
	_ =	sdelay $0x3  }
0x4c4: {  	v0 =	vsel vm14, $0x0, v41  }
0x4c5: {  	v0 =	vadd.f32 v42, v0;
	_ =	sdelay $0x1  }
0x4c6: {  	v43 =	vld [tilespmem:s24+$0x12160];
	[tilespmem:s24+$0x12150] =	vst v0  }
0x4c7: {  	v44 =	vld [tilespmem:s25+$0x1960];
	_ =	sdelay $0x3  }
0x4c8: {  	v0 =	vsel vm14, $0x0, v43  }
0x4c9: {  	v0 =	vadd.f32 v44, v0;
	_ =	sdelay $0x1  }
0x4ca: {  	v45 =	vld [tilespmem:s24+$0x12170];
	[tilespmem:s24+$0x12160] =	vst v0  }
0x4cb: {  	v46 =	vld [tilespmem:s25+$0x1970]  }
0x4cc: {  	s29 =	sshllo.u32 s23, $0x4  }
0x4cd: {  	s30 =	sor.u32 s21, s29  }
0x4ce: {  	v47 =	vmov s30  }
0x4cf: {  	v0 =	vsel vm14, $0x0, v45  }
0x4d0: {  	v0 =	vadd.f32 v46, v0;
	_ =	sdelay $0x1  }
0x4d1: {  	s31 =	sadd.s32 s22, s29;
	s25 =	sshll.u32 s29, $0x7;
	[tilespmem:s24+$0x12170] =	vst v0  }
0x4d2: {  	s25 =	sand.u32 $0x3FFFFF80, s25;
	s24 =	sshll.u32 s31, $0x7;
	v0 =	vld.idx.msk [tilespmem:v47+s5+$0x0], $0xffff  }
0x4d3: {  	v48 =	vld [tilespmem:s25+$0x12100];
	s24 =	sand.u32 $0x3FFFFF80, s24  }
0x4d4: {  	v49 =	vld [tilespmem:s24+$0x1900];
	_ =	sdelay $0x2  }
0x4d5: {  	vm15 =	veq.s32 v0, $0x0  }
0x4d6: {  	v0 =	vsel vm15, $0x0, v48  }
0x4d7: {  	v0 =	vadd.f32 v49, v0;
	_ =	sdelay $0x1  }
0x4d8: {  	v50 =	vld [tilespmem:s25+$0x12110];
	[tilespmem:s25+$0x12100] =	vst v0  }
0x4d9: {  	v51 =	vld [tilespmem:s24+$0x1910];
	_ =	sdelay $0x3  }
0x4da: {  	v0 =	vsel vm15, $0x0, v50  }
0x4db: {  	v0 =	vadd.f32 v51, v0;
	_ =	sdelay $0x1  }
0x4dc: {  	v52 =	vld [tilespmem:s25+$0x12120];
	[tilespmem:s25+$0x12110] =	vst v0  }
0x4dd: {  	v53 =	vld [tilespmem:s24+$0x1920];
	_ =	sdelay $0x3  }
0x4de: {  	v0 =	vsel vm15, $0x0, v52  }
0x4df: {  	v0 =	vadd.f32 v53, v0;
	_ =	sdelay $0x1  }
0x4e0: {  	v54 =	vld [tilespmem:s25+$0x12130];
	[tilespmem:s25+$0x12120] =	vst v0  }
0x4e1: {  	v55 =	vld [tilespmem:s24+$0x1930];
	_ =	sdelay $0x3  }
0x4e2: {  	v0 =	vsel vm15, $0x0, v54  }
0x4e3: {  	v0 =	vadd.f32 v55, v0;
	_ =	sdelay $0x1  }
0x4e4: {  	v56 =	vld [tilespmem:s25+$0x12140];
	[tilespmem:s25+$0x12130] =	vst v0  }
0x4e5: {  	v57 =	vld [tilespmem:s24+$0x1940];
	_ =	sdelay $0x3  }
0x4e6: {  	v0 =	vsel vm15, $0x0, v56  }
0x4e7: {  	v0 =	vadd.f32 v57, v0;
	_ =	sdelay $0x1  }
0x4e8: {  	v58 =	vld [tilespmem:s25+$0x12150];
	[tilespmem:s25+$0x12140] =	vst v0  }
0x4e9: {  	v59 =	vld [tilespmem:s24+$0x1950];
	_ =	sdelay $0x3  }
0x4ea: {  	v0 =	vsel vm15, $0x0, v58  }
0x4eb: {  	v0 =	vadd.f32 v59, v0;
	_ =	sdelay $0x1  }
0x4ec: {  	v60 =	vld [tilespmem:s25+$0x12160];
	[tilespmem:s25+$0x12150] =	vst v0  }
0x4ed: {  	v61 =	vld [tilespmem:s24+$0x1960];
	_ =	sdelay $0x3  }
0x4ee: {  	v0 =	vsel vm15, $0x0, v60  }
0x4ef: {  	v0 =	vadd.f32 v61, v0;
	_ =	sdelay $0x1  }
0x4f0: {  	v62 =	vld [tilespmem:s25+$0x12170];
	[tilespmem:s25+$0x12160] =	vst v0  }
0x4f1: {  	v63 =	vld [tilespmem:s24+$0x1970];
	_ =	sdelay $0x1  }
0x4f2: {  	p0 =	sne.s32 s23, $0x7  }
.Ltmp1:
0x4f3: {  	_ = 	snop;
	(pc) =	sbr.rel @p0 .LBB2_5-.Ltmp1, $3  }
0x4f4: {  	v0 =	vsel vm15, $0x0, v62  }
0x4f5: {  	v0 =	vadd.f32 v63, v0;
	_ =	sdelay $0x1  }
0x4f6: {  	s23 =	sadd.s32 $0x1, s23;
	[tilespmem:s25+$0x12170] =	vst v0  }
0x4f7: {  	s19 =	sadd.s32 $0x1, s19  }
0x4f8: {  	p0 =	sne.s32 s19, $0x19  }
.Ltmp2:
0x4f9: {  	s20 =	sshll.u32 s20, $0xE;
	(pc) =	sbr.rel @p0 .LBB2_2-.Ltmp2, $4  }
0x4fa: {  	s20 =	sadd.s32 s7, s20  }
0x4fb: {  	s20 =	sshrl.u32 s20, $0x3  }
0x4fc: {  	s20 =	sadd.s32 s4, s20  }
0x4fd: {  	[hbm4b:s20+s5] =	stream.linear.scatter [tilespmem:s13], [sflag:$0x4], $0x4000, $0x38;
	[tilespmem:$0x16100] =	vst v63  }
0x4fe: {  	s18 =	sadd.s32 $0x1, s18  }
0x4ff: {  	_ =	swait.ge [sflag:s16], $0x4000;
	p0 =	sne.s32 s18, s8  }
.Ltmp3:
0x500: {  	[sflag:s16] =	ssyncset.done $0x0;
	(pc) =	sbr.rel @p0 .LBB2_1-.Ltmp3, $4  }
0x501: {  	[sflag:s16] =	ssyncadd.s32 $0xFFFFC000  }
0x502: {  	_ =	swait.ge [sflag:s17], $0x4000  }
0x503: {  	[sflag:s17] =	ssyncset.done $0x0  }
0x504: {  	[sflag:s17] =	ssyncadd.s32 $0xFFFFC000  }
0x505: {  	_ =	sfence.sel $0x180000  }
0x506: {  	[bflag:$0x0] =	sbarrier.arrive $0xFFFF  }
0x507: {  	p0 =	sne.s32 s0, $0x0;
	_ =	strace $0x90000047  }
0x508: {  	s0 =	sadd.s32 @!p0 $0x100000, s2;
	[bflag:$0x2] =	sbarrier.arrive $0xFFFF  }
0x509: {  	[sflag:s0] =	ssyncadd.tile.s32 @!p0 $0x1;
	_ =	shalt  }
.Lfunc_end2:
_tile_overlayer_lowered:
.L_overlay_start_2:
0x50a: {  	(tag) =	ssettag $0x2  }
0x50b: {  	s0 =	rddreg [dreg:$0x0];
	s2 =	stileid.u32  }
0x50c: {  	s1 =	rddreg [dreg:$0x1];
	p0 =	sne.s32 s2, $0x0  }
0x50d: {  	s3 =	rddreg [dreg:$0x2];
	[bflag:$0x3] =	sbarrier.arrive $0xFFFF;
	s2 =	simm.s32 @!p0 $0x1C05  }
0x50e: {  	[timem:s3], [sflag:s2] =	dma.local @!p0 [hbm:s0], s1  }
0x50f: {  	s0 =	simm.s32 @!p0 $0x5  }
0x510: {  	_ =	swait.ge @!p0 [sflag:s0], s1  }
0x511: {  	s1 =	ssub.s32 @!p0 $0x0, s1;
	[sflag:s0] =	ssyncset.done @!p0 $0x0  }
0x512: {  	[sflag:s0] =	ssyncadd.s32 @!p0 s1  }
0x513: {  	[bflag:$0x3] =	sbarrier.arrive $0xFFFF  }
0x514: {  	_ =	shalt  }

</sc_bundles>
